<compile_context>
chip_gen: v7x
topology: tpu7x:2x2x1
jax: 0.10.2.dev20260603
libtpu: 0.0.44.dev20260713+nightly
codegen_flags: <defaults>
</compile_context>

<pallas_src>
import functools

import jax
import jax.numpy as jnp
from jax import lax
from jax.experimental import pallas as pl
from jax.experimental.pallas import tpu as pltpu
from jax.experimental.pallas import tpu_sc as plsc

_N = 10000
_E = 160000
_D = 32
_DE = 16
_N_LAYERS = 2
_EPS = 1e-5
_SLOPE = 0.8

_NC = 2
_NS = 16
_NW = _NC * _NS
_C = 128
_NCH = 40
_EW = _NCH * _C
_EP = _NW * _EW
_NCH_LAST = (_E - (_NW - 1) * _EW) // _C
_NPS = _N // _NS

_TE = 8000
_TEP = 4096
_TN = 2000



def _moments_body(x_ref, gram_ref, colsum_ref):
    @pl.when(pl.program_id(0) == 0)
    def _():
        gram_ref[...] = jnp.zeros_like(gram_ref)
        colsum_ref[...] = jnp.zeros_like(colsum_ref)

    x = x_ref[...]
    gram_ref[...] += lax.dot_general(
        x, x, (((0,), (0,)), ((), ())), preferred_element_type=jnp.float32)
    colsum_ref[...] += jnp.sum(x, axis=0, keepdims=True)


def _moments(x, d):
    grid = (x.shape[0] // _TE,)
    return pl.pallas_call(
        _moments_body,
        grid=grid,
        in_specs=[pl.BlockSpec((_TE, d), lambda i: (i, 0))],
        out_specs=[pl.BlockSpec((d, d), lambda i: (0, 0)),
                   pl.BlockSpec((1, d), lambda i: (0, 0))],
        out_shape=[jax.ShapeDtypeStruct((d, d), jnp.float32),
                   jax.ShapeDtypeStruct((1, d), jnp.float32)],
    )(x)


def _x1_body(he_ref, w_ref, b_ref, x1_ref, gram_ref, colsum_ref):
    @pl.when(pl.program_id(0) == 0)
    def _():
        gram_ref[...] = jnp.zeros_like(gram_ref)
        colsum_ref[...] = jnp.zeros_like(colsum_ref)

    y = jnp.dot(he_ref[...], w_ref[...],
                preferred_element_type=jnp.float32) + b_ref[...]
    x1 = jnp.where(y >= 0, y, _SLOPE * y)
    x1_ref[...] = x1.astype(jnp.bfloat16)
    gram_ref[...] += lax.dot_general(
        x1, x1, (((0,), (0,)), ((), ())), preferred_element_type=jnp.float32)
    colsum_ref[...] += jnp.sum(x1, axis=0, keepdims=True)


def _x1_compute(h_edge, w1f, b1f):
    grid = (_E // _TE,)
    return pl.pallas_call(
        _x1_body,
        grid=grid,
        in_specs=[pl.BlockSpec((_TE, _DE), lambda i: (i, 0)),
                  pl.BlockSpec((_DE, _DE), lambda i: (0, 0)),
                  pl.BlockSpec((1, _DE), lambda i: (0, 0))],
        out_specs=[pl.BlockSpec((_TE, _DE), lambda i: (i, 0)),
                   pl.BlockSpec((_DE, _DE), lambda i: (0, 0)),
                   pl.BlockSpec((1, _DE), lambda i: (0, 0))],
        out_shape=[jax.ShapeDtypeStruct((_EP, _DE), jnp.bfloat16),
                   jax.ShapeDtypeStruct((_DE, _DE), jnp.float32),
                   jax.ShapeDtypeStruct((1, _DE), jnp.float32)],
    )(h_edge, w1f, b1f)


def _edge_body(hs_ref, x1_ref, rx_ref, b_ref, cm_ref, m_ref):
    hs = hs_ref[:, 0:_D]
    x1 = x1_ref[...]
    xr = jnp.dot(x1, rx_ref[...],
                 preferred_element_type=jnp.float32)
    hr = pltpu.repeat(hs, _DE, axis=1)
    p = xr * hr
    m_ref[:, 0:_D] = (
        jnp.dot(p, b_ref[...], preferred_element_type=jnp.float32)
        + jnp.dot(hs, cm_ref[...], preferred_element_type=jnp.float32))


def _edge_messages(hsrc, x1, rx, bmat, cmat, half):
    hb = _EW // 2
    blk = lambda i, h=half: (2 * i + h, 0)
    return pl.pallas_call(
        _edge_body,
        grid=(_NW,),
        in_specs=[pl.BlockSpec((hb, 128), blk),
                  pl.BlockSpec((hb, _DE), blk),
                  pl.BlockSpec((_DE, _DE * _D), lambda i: (0, 0)),
                  pl.BlockSpec((_DE * _D, _D), lambda i: (0, 0)),
                  pl.BlockSpec((_D, _D), lambda i: (0, 0))],
        out_specs=pl.BlockSpec((hb, 128), blk),
        out_shape=jax.ShapeDtypeStruct((_EP, 128), jnp.float32),
    )(hsrc, x1, rx, bmat, cmat)


def _gru_core(mag, h, wih_ref, whh_ref, bih_ref, bhh_ref):
    gi = jnp.dot(mag, wih_ref[...],
                 preferred_element_type=jnp.float32) + bih_ref[...]
    gh = jnp.dot(h, whh_ref[...],
                 preferred_element_type=jnp.float32) + bhh_ref[...]
    r = jax.nn.sigmoid(gi[:, 0:_D] + gh[:, 0:_D])
    zg = jax.nn.sigmoid(gi[:, _D:2 * _D] + gh[:, _D:2 * _D])
    n = jnp.tanh(gi[:, 2 * _D:3 * _D] + r * gh[:, 2 * _D:3 * _D])
    return (1.0 - zg) * n + zg * h


def _gru1_body(sa0_ref, sa1_ref, sb0_ref, sb1_ref, h_ref,
               wih_ref, whh_ref, bih_ref, bhh_ref, out_ref, cnt_ref):
    ssum = ((sa0_ref[:, 0:_D] + sa1_ref[:, 0:_D])
            + (sb0_ref[:, 0:_D] + sb1_ref[:, 0:_D]))
    cnt = jnp.maximum((sa0_ref[:, _D:2 * _D] + sa1_ref[:, _D:2 * _D])
                      + (sb0_ref[:, _D:2 * _D] + sb1_ref[:, _D:2 * _D]),
                      1.0)
    cnt_ref[:, 0:_D] = cnt
    out_ref[...] = _gru_core(ssum / cnt, h_ref[...],
                             wih_ref, whh_ref, bih_ref, bhh_ref)


def _gru2_body(sa0_ref, sa1_ref, sb0_ref, sb1_ref, cnt_ref, h_ref,
               wih_ref, whh_ref, bih_ref, bhh_ref, out_ref):
    ssum = ((sa0_ref[:, 0:_D] + sa1_ref[:, 0:_D])
            + (sb0_ref[:, 0:_D] + sb1_ref[:, 0:_D]))
    out_ref[...] = _gru_core(ssum / cnt_ref[:, 0:_D], h_ref[...],
                             wih_ref, whh_ref, bih_ref, bhh_ref)


def _gru(sa0, sa1, sb0, sb1, cnt, h, wiht, whht, bih2, bhh2):
    grid = (_N // _TN,)
    blk = lambda i: (i, 0)
    full = lambda i: (0, 0)
    wide = [pl.BlockSpec((_TN, 128), blk)] * 4
    tail = [pl.BlockSpec((_TN, _D), blk),
            pl.BlockSpec((_D, 3 * _D), full),
            pl.BlockSpec((_D, 3 * _D), full),
            pl.BlockSpec((1, 3 * _D), full),
            pl.BlockSpec((1, 3 * _D), full)]
    if cnt is None:
        return pl.pallas_call(
            _gru1_body,
            grid=grid,
            in_specs=wide + tail,
            out_specs=[pl.BlockSpec((_TN, _D), blk),
                       pl.BlockSpec((_TN, 128), blk)],
            out_shape=[jax.ShapeDtypeStruct((_N, _D), jnp.float32),
                       jax.ShapeDtypeStruct((_N, 128), jnp.float32)],
        )(sa0, sa1, sb0, sb1, h, wiht, whht, bih2, bhh2)
    return pl.pallas_call(
        _gru2_body,
        grid=grid,
        in_specs=wide + [pl.BlockSpec((_TN, 128), blk)] + tail,
        out_specs=pl.BlockSpec((_TN, _D), blk),
        out_shape=jax.ShapeDtypeStruct((_N, _D), jnp.float32),
    )(sa0, sa1, sb0, sb1, cnt, h, wiht, whht, bih2, bhh2)



def _sc_mesh():
    return plsc.VectorSubcoreMesh(core_axis_name="c", subcore_axis_name="s")


_SC_PARAMS = pltpu.CompilerParams(use_tc_tiling_on_sc=False)


def _num_chunks(wid):
    return jnp.where(wid == _NW - 1, _NCH_LAST, _NCH)


_HC = _NCH // 2


def _half_bounds(wid, half):
    lo = half * _HC
    hi = jnp.minimum(_num_chunks(wid), lo + _HC)
    return lo, jnp.maximum(hi, lo)


def _gather_rows(h, ei, half):

    @functools.partial(
        pl.kernel,
        mesh=_sc_mesh(),
        out_type=jax.ShapeDtypeStruct((_EP, 128), jnp.float32),
        scratch_types=[
            pltpu.VMEM((_NCH, _C), jnp.int32),
            pltpu.VMEM((_C, _D), jnp.float32),
            pltpu.SemaphoreType.DMA,
        ],
        compiler_params=_SC_PARAMS,
    )
    def k(h_hbm, ei_hbm, out_hbm, idx_v, rows_v, sem):
        c = lax.axis_index("c")
        s = lax.axis_index("s")
        wid = s * _NC + c
        base = wid * _EW

        def body(j, carry):
            pltpu.sync_copy(ei_hbm.at[0, pl.ds(base + j * _C, _C)],
                            idx_v.at[j])
            pltpu.async_copy(h_hbm.at[idx_v.at[j]], rows_v, sem).wait()
            pltpu.sync_copy(rows_v,
                            out_hbm.at[pl.ds(base + j * _C, _C),
                                       pl.ds(0, _D)])
            return carry

        lo, hi = _half_bounds(wid, half)
        lax.fori_loop(lo, hi, body, 0)

    return k(h, ei)


def _scatter_rows(rows, ei, zeros_nd, ones_rows, half, with_counts):

    def body(m_hbm, ei_hbm, zero_hbm, ones_hbm, out_hbm,
             idx_v, rows_v, ones_v, acc, acc2):
        c = lax.axis_index("c")
        s = lax.axis_index("s")
        wid = s * _NC + c
        pltpu.sync_copy(zero_hbm.at[pl.ds(s * _NPS, _NPS)],
                        acc.at[pl.ds(s * _NPS, _NPS)])
        if with_counts:
            pltpu.sync_copy(zero_hbm.at[pl.ds(s * _NPS, _NPS)],
                            acc2.at[pl.ds(s * _NPS, _NPS)])
            pltpu.sync_copy(ones_hbm, ones_v)
        plsc.subcore_barrier()
        base = wid * _EW

        def loop(j, carry):
            pltpu.sync_copy(ei_hbm.at[1, pl.ds(base + j * _C, _C)],
                            idx_v.at[j])
            pltpu.sync_copy(m_hbm.at[pl.ds(base + j * _C, _C),
                                     pl.ds(0, _D)], rows_v)
            pltpu.sync_copy(rows_v, acc.at[idx_v.at[j]], add=True)
            if with_counts:
                pltpu.sync_copy(ones_v, acc2.at[idx_v.at[j]], add=True)
            return carry

        lo, hi = _half_bounds(wid, half)
        lax.fori_loop(lo, hi, loop, 0)
        plsc.subcore_barrier()
        pltpu.sync_copy(acc.at[pl.ds(s * _NPS, _NPS)],
                        out_hbm.at[c, pl.ds(s * _NPS, _NPS), pl.ds(0, _D)])
        if with_counts:
            pltpu.sync_copy(acc2.at[pl.ds(s * _NPS, _NPS)],
                            out_hbm.at[c, pl.ds(s * _NPS, _NPS),
                                       pl.ds(_D, _D)])

    k = functools.partial(
        pl.kernel,
        mesh=_sc_mesh(),
        out_type=jax.ShapeDtypeStruct((_NC, _N, 128), jnp.float32),
        scratch_types=[
            pltpu.VMEM((_NCH, _C), jnp.int32),
            pltpu.VMEM((_C, _D), jnp.float32),
            pltpu.VMEM((_C, _D), jnp.float32),
            pltpu.VMEM_SHARED((_N, _D), jnp.float32),
            pltpu.VMEM_SHARED((_N, _D), jnp.float32),
        ],
        compiler_params=_SC_PARAMS,
    )(body)
    return k(rows, ei, zeros_nd, ones_rows)



def kernel(h_node, edge_index, h_edge, W1, b1, g1, be1, W2, b2, g2, be2,
           W_ih, W_hh, b_ih, b_hh):
    f32 = jnp.float32
    h_node = h_node.astype(f32)
    h_edge = h_edge.astype(f32)
    ei = edge_index.astype(jnp.int32)

    ecount = jnp.float32(_E)

    gram_h, colsum_h = _moments(h_edge, _DE)
    mh = (colsum_h[0] / ecount)
    sh = gram_h / ecount
    hp_ = jax.lax.Precision.HIGHEST
    w1mh = jnp.einsum('ck,k->c', W1, mh, precision=hp_)
    mu1 = w1mh + b1
    ey1sq = jnp.einsum('ck,kl,cl->c', W1, sh, W1, precision=hp_) \
        + 2.0 * b1 * w1mh + b1 * b1
    var1 = ey1sq - mu1 * mu1
    s1v = g1 / jnp.sqrt(var1 + _EPS)
    w1f = W1.T * s1v[None, :]
    b1f = ((b1 - mu1) * s1v + be1)[None, :]

    x1, gram_x, colsum_x = _x1_compute(h_edge, w1f, b1f)
    mx = colsum_x[0] / ecount
    sx = gram_x / ecount
    w2mx = jnp.einsum('ck,k->c', W2, mx, precision=hp_)
    mu2 = w2mx + b2
    ey2sq = jnp.einsum('ck,kl,cl->c', W2, sx, W2, precision=hp_) \
        + 2.0 * b2 * w2mx + b2 * b2
    var2 = ey2sq - mu2 * mu2
    alpha = g2 / jnp.sqrt(var2 + _EPS)
    cc = alpha * b2 + be2 - alpha * mu2
    a3 = (alpha[:, None] * W2).reshape(_D, _D, _DE)
    bmat = jnp.transpose(a3, (2, 0, 1)).reshape(_DE * _D, _D)
    cmat = cc.reshape(_D, _D)
    rx = jnp.kron(jnp.eye(_DE), jnp.ones((1, _D))).astype(jnp.bfloat16)

    zeros_nd = jnp.zeros((_N, _D), f32)
    ones_rows = jnp.ones((_C, _D), f32)

    wiht = W_ih.T.astype(f32)
    whht = W_hh.T.astype(f32)
    bih2 = b_ih[None, :].astype(f32)
    bhh2 = b_hh[None, :].astype(f32)

    h = h_node
    cnt = None
    for layer in range(_N_LAYERS):
        hsrc_a = _gather_rows(h, ei, 0)
        hsrc_b = _gather_rows(h, ei, 1)
        m_a = _edge_messages(hsrc_a, x1, rx, bmat, cmat, 0)
        m_b = _edge_messages(hsrc_b, x1, rx, bmat, cmat, 1)
        wc = layer == 0
        sp_a = _scatter_rows(m_a, ei, zeros_nd, ones_rows, 0, wc)
        sp_b = _scatter_rows(m_b, ei, zeros_nd, ones_rows, 1, wc)
        out = _gru(sp_a[0], sp_a[1], sp_b[0], sp_b[1], cnt, h,
                   wiht, whht, bih2, bhh2)
        if wc:
            h, cnt = out
        else:
            h = out
    return h

# --- scband reference (transcript-rebuilt; emitter-appended) ---
"""Pipeline reference for scband-mpnn-29437705846952 (READ-ONLY COPY).

The authoritative reference and input builder live on the scoring server;
editing this copy changes nothing except your own understanding.
"""

import jax, jax.numpy as jnp
import numpy as np

N = 10000
E = 160000
D = 32
DE = 16
N_LAYERS = 2


def setup_inputs(seed: int = 0):
    key = jax.random.key(seed)
    ks = jax.random.split(key, 12)
    inp = {}
    inp["h_node"] = jax.random.normal(ks[0], (N, D), dtype=jnp.float32)
    inp["edge_index"] = jax.random.randint(ks[1], (2, E), 0, N, dtype=jnp.int32)
    inp["h_edge"] = jax.random.normal(ks[2], (E, DE), dtype=jnp.float32)
    s1 = 1.0 / float(np.sqrt(DE))
    inp["W1"] = jax.random.uniform(ks[3], (DE, DE), minval=-s1, maxval=s1, dtype=jnp.float32)
    inp["b1"] = jax.random.uniform(ks[4], (DE,), minval=-s1, maxval=s1, dtype=jnp.float32)
    inp["g1"] = jnp.ones((DE,), jnp.float32)
    inp["be1"] = jnp.zeros((DE,), jnp.float32)
    inp["W2"] = jax.random.uniform(ks[5], (D * D, DE), minval=-s1, maxval=s1, dtype=jnp.float32)
    inp["b2"] = jax.random.uniform(ks[6], (D * D,), minval=-s1, maxval=s1, dtype=jnp.float32)
    inp["g2"] = jnp.ones((D * D,), jnp.float32)
    inp["be2"] = jnp.zeros((D * D,), jnp.float32)
    s2 = 1.0 / float(np.sqrt(D))
    inp["W_ih"] = jax.random.uniform(ks[7], (3 * D, D), minval=-s2, maxval=s2, dtype=jnp.float32)
    inp["W_hh"] = jax.random.uniform(ks[8], (3 * D, D), minval=-s2, maxval=s2, dtype=jnp.float32)
    inp["b_ih"] = jax.random.uniform(ks[9], (3 * D,), minval=-s2, maxval=s2, dtype=jnp.float32)
    inp["b_hh"] = jax.random.uniform(ks[10], (3 * D,), minval=-s2, maxval=s2, dtype=jnp.float32)
    return inp


def _bn_train(x, g, b, eps=1e-5):
    # BatchNorm1d in training mode: batch statistics, biased variance
    mu = jnp.mean(x, axis=0)
    var = jnp.mean((x - mu) ** 2, axis=0)
    return (x - mu) / jnp.sqrt(var + eps) * g + b


def _leaky_relu(x, slope=0.8):
    return jnp.where(x >= 0, x, slope * x)


def _edge_net(h_edge, W1, b1, g1, be1, W2, b2, g2, be2):
    x = h_edge @ W1.T + b1
    x = _bn_train(x, g1, be1)
    x = _leaky_relu(x)
    x = x @ W2.T + b2
    x = _bn_train(x, g2, be2)
    return x.reshape(-1, D, D)


def _nnconv_mean(h_node, src, dst, W_e):
    # DGL NNConv with aggregator_type='mean', bias=False:
    # per-edge message m_e = h_src @ W_e, then mean over incoming edges at dst
    h_src = jnp.take(h_node, src, axis=0)
    m = jnp.einsum('ei,eio->eo', h_src, W_e)
    sums = jax.ops.segment_sum(m, dst, num_segments=N)
    cnt = jax.ops.segment_sum(jnp.ones((m.shape[0],), m.dtype), dst, num_segments=N)
    return sums / jnp.maximum(cnt, 1.0)[:, None]


def _gru_cell(x, h, W_ih, W_hh, b_ih, b_hh):
    # PyTorch nn.GRU single layer, seq_len=1
    gi = x @ W_ih.T + b_ih
    gh = h @ W_hh.T + b_hh
    i_r, i_z, i_n = jnp.split(gi, 3, axis=-1)
    h_r, h_z, h_n = jnp.split(gh, 3, axis=-1)
    r = jax.nn.sigmoid(i_r + h_r)
    z = jax.nn.sigmoid(i_z + h_z)
    n = jnp.tanh(i_n + r * h_n)
    return (1.0 - z) * n + z * h


def reference(h_node, edge_index, h_edge, W1, b1, g1, be1, W2, b2, g2, be2, W_ih, W_hh, b_ih, b_hh):
    src = edge_index[0]
    dst = edge_index[1]
    h = h_node
    h_gru = h_node
    for _ in range(N_LAYERS):
        W_e = _edge_net(h_edge, W1, b1, g1, be1, W2, b2, g2, be2)
        m = _nnconv_mean(h, src, dst, W_e)
        h_gru = _gru_cell(m, h_gru, W_ih, W_hh, b_ih, b_hh)
        h = h_gru
    return h

if __name__ == "__main__":
    import jax
    _d = setup_inputs()
    print(jax.jit(kernel)(*tuple(_d.values())))

</pallas_src>

<mosaic_0001>
#map = affine_map<(d0, d1) -> (0, 0)>
module attributes {stable_mosaic.version = 14 : i64} {
  func.func @k(%arg0: i32, %arg1: i32, %arg2: memref<10000x32xf32, #tpu.memory_space<hbm>>, %arg3: memref<2x160000xi32, #tpu.memory_space<hbm>>, %arg4: memref<163840x128xf32, #tpu.memory_space<hbm>>, %arg5: memref<40x128xi32, #tpu.memory_space<vmem>>, %arg6: memref<128x32xf32, #tpu.memory_space<vmem>>, %arg7: memref<!tpu.dma_semaphore, #tpu.memory_space<semaphore_mem>>) attributes {dimension_semantics = [#tpu.dimension_semantics<core_parallel>, #tpu.dimension_semantics<subcore_parallel>], iteration_bounds = array<i64: 2, 16>, scalar_prefetch = 0 : i64, scratch_operands = 3 : i64, tpu.core_type = #tpu.core_type<sc_vector_subcore>, window_params = [{transform_indices = #map}, {transform_indices = #map}, {transform_indices = #map}]} {
    %mul3A = arith.constant 2 : i32
    %mul3A_0 = arith.muli %arg1, %mul3A : i32
    %add3A = arith.addi %mul3A_0, %arg0 : i32
    %mul3A_1 = arith.constant 5120 : i32
    %mul3A_2 = arith.muli %add3A, %mul3A_1 : i32
    %eq3A = arith.constant 31 : i32
    %eq3A_3 = arith.cmpi eq, %add3A, %eq3A : i32
    %jit3A = arith.constant 10 : i32
    %jit3A_4 = arith.constant 40 : i32
    %select_n3A = arith.select %eq3A_3, %jit3A, %jit3A_4 : i32
    %min3A = arith.constant 40 : i32
    %min3A_5 = arith.minsi %select_n3A, %min3A : i32
    %max3A = arith.constant 20 : i32
    %max3A_6 = arith.maxsi %min3A_5, %max3A : i32
    %while3A = arith.constant 0 : i32
    %while3A_7 = arith.constant 20 : i32
    %while3A_8 = arith.subi %max3A_6, %while3A_7 : i32
    %while3A_9 = arith.addi %while3A_7, %while3A_8 : i32
    %while3A_10 = arith.constant 1 : i32
    %while3A_11 = arith.divsi %while3A_8, %while3A_10 : i32
    %while3A_12 = arith.muli %while3A_11, %while3A_10 : i32
    %while3A_13 = arith.addi %while3A_7, %while3A_12 : i32
    %while3A_14 = arith.constant 1 : i32
    scf.for %while3A_16 = %while3A_7 to %while3A_13 step %while3A_14  : i32 {
      %mul3A_17 = arith.constant 128 : i32
      %mul3A_18 = arith.muli %while3A_16, %mul3A_17 : i32
      %add3A_19 = arith.addi %mul3A_2, %mul3A_18 : i32
      %run_scoped3A = arith.constant 0 : i32
      "tpu.region"() ({
        %run_scoped3A_33 = tpu.sem_alloc : memref<!tpu.dma_semaphore, #tpu.memory_space<semaphore_mem>>
        %dma_start3A_34 = arith.constant 0 : i32
        %dma_start3A_35 = tpu.memref_slice %arg5[%while3A_16, %dma_start3A_34] : memref<40x128xi32, #tpu.memory_space<vmem>> -> memref<1x128xi32, #tpu.memory_space<vmem>>
        %dma_start3A_36 = tpu.memref_squeeze %dma_start3A_35 : memref<1x128xi32, #tpu.memory_space<vmem>> -> memref<128xi32, #tpu.memory_space<vmem>>
        %dma_start3A_37 = tpu.memref_slice %arg3[%run_scoped3A, %add3A_19] : memref<2x160000xi32, #tpu.memory_space<hbm>> -> memref<1x128xi32, #tpu.memory_space<hbm>>
        %dma_start3A_38 = tpu.memref_squeeze %dma_start3A_37 : memref<1x128xi32, #tpu.memory_space<hbm>> -> memref<128xi32, #tpu.memory_space<hbm>>
        %dma_start3A_39 = arith.constant 0 : i32
        %dma_start3A_40 = tpu.memref_slice %arg5[%while3A_16, %dma_start3A_39] : memref<40x128xi32, #tpu.memory_space<vmem>> -> memref<1x128xi32, #tpu.memory_space<vmem>>
        %dma_start3A_41 = tpu.memref_squeeze %dma_start3A_40 : memref<1x128xi32, #tpu.memory_space<vmem>> -> memref<128xi32, #tpu.memory_space<vmem>>
        %dma_start3A_42 = tpu.memref_slice %arg3[%run_scoped3A, %add3A_19] : memref<2x160000xi32, #tpu.memory_space<hbm>> -> memref<1x128xi32, #tpu.memory_space<hbm>>
        %dma_start3A_43 = tpu.memref_squeeze %dma_start3A_42 : memref<1x128xi32, #tpu.memory_space<hbm>> -> memref<128xi32, #tpu.memory_space<hbm>>
        tpu.enqueue_dma source(%dma_start3A_43 : memref<128xi32, #tpu.memory_space<hbm>>) target(%dma_start3A_41 : memref<128xi32, #tpu.memory_space<vmem>>) target_semaphore(%run_scoped3A_33 : memref<!tpu.dma_semaphore, #tpu.memory_space<semaphore_mem>>)
        %dma_wait3A_44 = arith.constant 0 : i32
        %dma_wait3A_45 = tpu.memref_slice %arg5[%while3A_16, %dma_wait3A_44] : memref<40x128xi32, #tpu.memory_space<vmem>> -> memref<1x128xi32, #tpu.memory_space<vmem>>
        %dma_wait3A_46 = tpu.memref_squeeze %dma_wait3A_45 : memref<1x128xi32, #tpu.memory_space<vmem>> -> memref<128xi32, #tpu.memory_space<vmem>>
        %dma_wait3A_47 = tpu.memref_slice %arg3[%run_scoped3A, %add3A_19] : memref<2x160000xi32, #tpu.memory_space<hbm>> -> memref<1x128xi32, #tpu.memory_space<hbm>>
        %dma_wait3A_48 = tpu.memref_squeeze %dma_wait3A_47 : memref<1x128xi32, #tpu.memory_space<hbm>> -> memref<128xi32, #tpu.memory_space<hbm>>
        %dma_wait3A_49 = arith.constant 0 : i32
        %dma_wait3A_50 = tpu.memref_slice %arg5[%while3A_16, %dma_wait3A_49] : memref<40x128xi32, #tpu.memory_space<vmem>> -> memref<1x128xi32, #tpu.memory_space<vmem>>
        %dma_wait3A_51 = tpu.memref_squeeze %dma_wait3A_50 : memref<1x128xi32, #tpu.memory_space<vmem>> -> memref<128xi32, #tpu.memory_space<vmem>>
        %dma_wait3A_52 = tpu.memref_slice %arg3[%run_scoped3A, %add3A_19] : memref<2x160000xi32, #tpu.memory_space<hbm>> -> memref<1x128xi32, #tpu.memory_space<hbm>>
        %dma_wait3A_53 = tpu.memref_squeeze %dma_wait3A_52 : memref<1x128xi32, #tpu.memory_space<hbm>> -> memref<128xi32, #tpu.memory_space<hbm>>
        tpu.wait_dma2 semaphore(%run_scoped3A_33 : memref<!tpu.dma_semaphore, #tpu.memory_space<semaphore_mem>>) src(%dma_wait3A_53 : memref<128xi32, #tpu.memory_space<hbm>>) dst(%dma_wait3A_51 : memref<128xi32, #tpu.memory_space<vmem>>)
        tpu.yield
      }) : () -> ()
      %dma_start3A = arith.constant 0 : i32
      %dma_start3A_20 = tpu.memref_slice %arg5[%while3A_16, %dma_start3A] : memref<40x128xi32, #tpu.memory_space<vmem>> -> memref<1x128xi32, #tpu.memory_space<vmem>>
      %dma_start3A_21 = tpu.memref_squeeze %dma_start3A_20 : memref<1x128xi32, #tpu.memory_space<vmem>> -> memref<128xi32, #tpu.memory_space<vmem>>
      %dma_start3A_22 = arith.constant 0 : i32
      %dma_start3A_23 = arith.constant 0 : i32
      %dma_start3A_24 = tpu.memref_slice %arg2[%dma_start3A_22, %dma_start3A_23] : memref<10000x32xf32, #tpu.memory_space<hbm>> -> memref<10000x32xf32, #tpu.memory_space<hbm>>
      tpu.enqueue_indirect_dma source(%dma_start3A_24 : memref<10000x32xf32, #tpu.memory_space<hbm>>) target(%arg6 : memref<128x32xf32, #tpu.memory_space<vmem>>) offsets(%dma_start3A_21 : memref<128xi32, #tpu.memory_space<vmem>>) semaphore(%arg7 : memref<!tpu.dma_semaphore, #tpu.memory_space<semaphore_mem>>)
      %dma_wait3A = arith.constant 0 : i32
      %dma_wait3A_25 = tpu.memref_slice %arg5[%while3A_16, %dma_wait3A] : memref<40x128xi32, #tpu.memory_space<vmem>> -> memref<1x128xi32, #tpu.memory_space<vmem>>
      %dma_wait3A_26 = tpu.memref_squeeze %dma_wait3A_25 : memref<1x128xi32, #tpu.memory_space<vmem>> -> memref<128xi32, #tpu.memory_space<vmem>>
      %dma_wait3A_27 = arith.constant 0 : i32
      %dma_wait3A_28 = arith.constant 0 : i32
      %dma_wait3A_29 = tpu.memref_slice %arg2[%dma_wait3A_27, %dma_wait3A_28] : memref<10000x32xf32, #tpu.memory_space<hbm>> -> memref<10000x32xf32, #tpu.memory_space<hbm>>
      tpu.wait_indirect_dma semaphore(%arg7 : memref<!tpu.dma_semaphore, #tpu.memory_space<semaphore_mem>>) src(%dma_wait3A_29 : memref<10000x32xf32, #tpu.memory_space<hbm>>) dst(%arg6 : memref<128x32xf32, #tpu.memory_space<vmem>>)
      %mul3A_30 = arith.constant 128 : i32
      %mul3A_31 = arith.muli %while3A_16, %mul3A_30 : i32
      %add3A_32 = arith.addi %mul3A_2, %mul3A_31 : i32
      "tpu.region"() ({
        %run_scoped3A_33 = tpu.sem_alloc : memref<!tpu.dma_semaphore, #tpu.memory_space<semaphore_mem>>
        %dma_start3A_34 = arith.constant 0 : i32
        %dma_start3A_35 = tpu.memref_slice %arg4[%add3A_32, %dma_start3A_34] : memref<163840x128xf32, #tpu.memory_space<hbm>> -> memref<128x32xf32, #tpu.memory_space<hbm>>
        %dma_start3A_36 = arith.constant 0 : i32
        %dma_start3A_37 = tpu.memref_slice %arg4[%add3A_32, %dma_start3A_36] : memref<163840x128xf32, #tpu.memory_space<hbm>> -> memref<128x32xf32, #tpu.memory_space<hbm>>
        tpu.enqueue_dma source(%arg6 : memref<128x32xf32, #tpu.memory_space<vmem>>) target(%dma_start3A_37 : memref<128x32xf32, #tpu.memory_space<hbm>>) target_semaphore(%run_scoped3A_33 : memref<!tpu.dma_semaphore, #tpu.memory_space<semaphore_mem>>)
        %dma_wait3A_38 = arith.constant 0 : i32
        %dma_wait3A_39 = tpu.memref_slice %arg4[%add3A_32, %dma_wait3A_38] : memref<163840x128xf32, #tpu.memory_space<hbm>> -> memref<128x32xf32, #tpu.memory_space<hbm>>
        %dma_wait3A_40 = arith.constant 0 : i32
        %dma_wait3A_41 = tpu.memref_slice %arg4[%add3A_32, %dma_wait3A_40] : memref<163840x128xf32, #tpu.memory_space<hbm>> -> memref<128x32xf32, #tpu.memory_space<hbm>>
        tpu.wait_dma2 semaphore(%run_scoped3A_33 : memref<!tpu.dma_semaphore, #tpu.memory_space<semaphore_mem>>) src(%arg6 : memref<128x32xf32, #tpu.memory_space<vmem>>) dst(%dma_wait3A_41 : memref<128x32xf32, #tpu.memory_space<hbm>>)
        tpu.yield
      }) : () -> ()
    }
    %while3A_15 = arith.constant 1 : i32
    scf.for %while3A_16 = %while3A_13 to %while3A_9 step %while3A_15  : i32 {
      %mul3A_17 = arith.constant 128 : i32
      %mul3A_18 = arith.muli %while3A_16, %mul3A_17 : i32
      %add3A_19 = arith.addi %mul3A_2, %mul3A_18 : i32
      %run_scoped3A = arith.constant 0 : i32
      "tpu.region"() ({
        %run_scoped3A_33 = tpu.sem_alloc : memref<!tpu.dma_semaphore, #tpu.memory_space<semaphore_mem>>
        %dma_start3A_34 = arith.constant 0 : i32
        %dma_start3A_35 = tpu.memref_slice %arg5[%while3A_16, %dma_start3A_34] : memref<40x128xi32, #tpu.memory_space<vmem>> -> memref<1x128xi32, #tpu.memory_space<vmem>>
        %dma_start3A_36 = tpu.memref_squeeze %dma_start3A_35 : memref<1x128xi32, #tpu.memory_space<vmem>> -> memref<128xi32, #tpu.memory_space<vmem>>
        %dma_start3A_37 = tpu.memref_slice %arg3[%run_scoped3A, %add3A_19] : memref<2x160000xi32, #tpu.memory_space<hbm>> -> memref<1x128xi32, #tpu.memory_space<hbm>>
        %dma_start3A_38 = tpu.memref_squeeze %dma_start3A_37 : memref<1x128xi32, #tpu.memory_space<hbm>> -> memref<128xi32, #tpu.memory_space<hbm>>
        %dma_start3A_39 = arith.constant 0 : i32
        %dma_start3A_40 = tpu.memref_slice %arg5[%while3A_16, %dma_start3A_39] : memref<40x128xi32, #tpu.memory_space<vmem>> -> memref<1x128xi32, #tpu.memory_space<vmem>>
        %dma_start3A_41 = tpu.memref_squeeze %dma_start3A_40 : memref<1x128xi32, #tpu.memory_space<vmem>> -> memref<128xi32, #tpu.memory_space<vmem>>
        %dma_start3A_42 = tpu.memref_slice %arg3[%run_scoped3A, %add3A_19] : memref<2x160000xi32, #tpu.memory_space<hbm>> -> memref<1x128xi32, #tpu.memory_space<hbm>>
        %dma_start3A_43 = tpu.memref_squeeze %dma_start3A_42 : memref<1x128xi32, #tpu.memory_space<hbm>> -> memref<128xi32, #tpu.memory_space<hbm>>
        tpu.enqueue_dma source(%dma_start3A_43 : memref<128xi32, #tpu.memory_space<hbm>>) target(%dma_start3A_41 : memref<128xi32, #tpu.memory_space<vmem>>) target_semaphore(%run_scoped3A_33 : memref<!tpu.dma_semaphore, #tpu.memory_space<semaphore_mem>>)
        %dma_wait3A_44 = arith.constant 0 : i32
        %dma_wait3A_45 = tpu.memref_slice %arg5[%while3A_16, %dma_wait3A_44] : memref<40x128xi32, #tpu.memory_space<vmem>> -> memref<1x128xi32, #tpu.memory_space<vmem>>
        %dma_wait3A_46 = tpu.memref_squeeze %dma_wait3A_45 : memref<1x128xi32, #tpu.memory_space<vmem>> -> memref<128xi32, #tpu.memory_space<vmem>>
        %dma_wait3A_47 = tpu.memref_slice %arg3[%run_scoped3A, %add3A_19] : memref<2x160000xi32, #tpu.memory_space<hbm>> -> memref<1x128xi32, #tpu.memory_space<hbm>>
        %dma_wait3A_48 = tpu.memref_squeeze %dma_wait3A_47 : memref<1x128xi32, #tpu.memory_space<hbm>> -> memref<128xi32, #tpu.memory_space<hbm>>
        %dma_wait3A_49 = arith.constant 0 : i32
        %dma_wait3A_50 = tpu.memref_slice %arg5[%while3A_16, %dma_wait3A_49] : memref<40x128xi32, #tpu.memory_space<vmem>> -> memref<1x128xi32, #tpu.memory_space<vmem>>
        %dma_wait3A_51 = tpu.memref_squeeze %dma_wait3A_50 : memref<1x128xi32, #tpu.memory_space<vmem>> -> memref<128xi32, #tpu.memory_space<vmem>>
        %dma_wait3A_52 = tpu.memref_slice %arg3[%run_scoped3A, %add3A_19] : memref<2x160000xi32, #tpu.memory_space<hbm>> -> memref<1x128xi32, #tpu.memory_space<hbm>>
        %dma_wait3A_53 = tpu.memref_squeeze %dma_wait3A_52 : memref<1x128xi32, #tpu.memory_space<hbm>> -> memref<128xi32, #tpu.memory_space<hbm>>
        tpu.wait_dma2 semaphore(%run_scoped3A_33 : memref<!tpu.dma_semaphore, #tpu.memory_space<semaphore_mem>>) src(%dma_wait3A_53 : memref<128xi32, #tpu.memory_space<hbm>>) dst(%dma_wait3A_51 : memref<128xi32, #tpu.memory_space<vmem>>)
        tpu.yield
      }) : () -> ()
      %dma_start3A = arith.constant 0 : i32
      %dma_start3A_20 = tpu.memref_slice %arg5[%while3A_16, %dma_start3A] : memref<40x128xi32, #tpu.memory_space<vmem>> -> memref<1x128xi32, #tpu.memory_space<vmem>>
      %dma_start3A_21 = tpu.memref_squeeze %dma_start3A_20 : memref<1x128xi32, #tpu.memory_space<vmem>> -> memref<128xi32, #tpu.memory_space<vmem>>
      %dma_start3A_22 = arith.constant 0 : i32
      %dma_start3A_23 = arith.constant 0 : i32
      %dma_start3A_24 = tpu.memref_slice %arg2[%dma_start3A_22, %dma_start3A_23] : memref<10000x32xf32, #tpu.memory_space<hbm>> -> memref<10000x32xf32, #tpu.memory_space<hbm>>
      tpu.enqueue_indirect_dma source(%dma_start3A_24 : memref<10000x32xf32, #tpu.memory_space<hbm>>) target(%arg6 : memref<128x32xf32, #tpu.memory_space<vmem>>) offsets(%dma_start3A_21 : memref<128xi32, #tpu.memory_space<vmem>>) semaphore(%arg7 : memref<!tpu.dma_semaphore, #tpu.memory_space<semaphore_mem>>)
      %dma_wait3A = arith.constant 0 : i32
      %dma_wait3A_25 = tpu.memref_slice %arg5[%while3A_16, %dma_wait3A] : memref<40x128xi32, #tpu.memory_space<vmem>> -> memref<1x128xi32, #tpu.memory_space<vmem>>
      %dma_wait3A_26 = tpu.memref_squeeze %dma_wait3A_25 : memref<1x128xi32, #tpu.memory_space<vmem>> -> memref<128xi32, #tpu.memory_space<vmem>>
      %dma_wait3A_27 = arith.constant 0 : i32
      %dma_wait3A_28 = arith.constant 0 : i32
      %dma_wait3A_29 = tpu.memref_slice %arg2[%dma_wait3A_27, %dma_wait3A_28] : memref<10000x32xf32, #tpu.memory_space<hbm>> -> memref<10000x32xf32, #tpu.memory_space<hbm>>
      tpu.wait_indirect_dma semaphore(%arg7 : memref<!tpu.dma_semaphore, #tpu.memory_space<semaphore_mem>>) src(%dma_wait3A_29 : memref<10000x32xf32, #tpu.memory_space<hbm>>) dst(%arg6 : memref<128x32xf32, #tpu.memory_space<vmem>>)
      %mul3A_30 = arith.constant 128 : i32
      %mul3A_31 = arith.muli %while3A_16, %mul3A_30 : i32
      %add3A_32 = arith.addi %mul3A_2, %mul3A_31 : i32
      "tpu.region"() ({
        %run_scoped3A_33 = tpu.sem_alloc : memref<!tpu.dma_semaphore, #tpu.memory_space<semaphore_mem>>
        %dma_start3A_34 = arith.constant 0 : i32
        %dma_start3A_35 = tpu.memref_slice %arg4[%add3A_32, %dma_start3A_34] : memref<163840x128xf32, #tpu.memory_space<hbm>> -> memref<128x32xf32, #tpu.memory_space<hbm>>
        %dma_start3A_36 = arith.constant 0 : i32
        %dma_start3A_37 = tpu.memref_slice %arg4[%add3A_32, %dma_start3A_36] : memref<163840x128xf32, #tpu.memory_space<hbm>> -> memref<128x32xf32, #tpu.memory_space<hbm>>
        tpu.enqueue_dma source(%arg6 : memref<128x32xf32, #tpu.memory_space<vmem>>) target(%dma_start3A_37 : memref<128x32xf32, #tpu.memory_space<hbm>>) target_semaphore(%run_scoped3A_33 : memref<!tpu.dma_semaphore, #tpu.memory_space<semaphore_mem>>)
        %dma_wait3A_38 = arith.constant 0 : i32
        %dma_wait3A_39 = tpu.memref_slice %arg4[%add3A_32, %dma_wait3A_38] : memref<163840x128xf32, #tpu.memory_space<hbm>> -> memref<128x32xf32, #tpu.memory_space<hbm>>
        %dma_wait3A_40 = arith.constant 0 : i32
        %dma_wait3A_41 = tpu.memref_slice %arg4[%add3A_32, %dma_wait3A_40] : memref<163840x128xf32, #tpu.memory_space<hbm>> -> memref<128x32xf32, #tpu.memory_space<hbm>>
        tpu.wait_dma2 semaphore(%run_scoped3A_33 : memref<!tpu.dma_semaphore, #tpu.memory_space<semaphore_mem>>) src(%arg6 : memref<128x32xf32, #tpu.memory_space<vmem>>) dst(%dma_wait3A_41 : memref<128x32xf32, #tpu.memory_space<hbm>>)
        tpu.yield
      }) : () -> ()
    }
    return
  }
}

#map = affine_map<(d0, d1) -> (0, 0)>
module attributes {stable_mosaic.version = 14 : i64} {
  func.func @k(%arg0: i32, %arg1: i32, %arg2: memref<10000x32xf32, #tpu.memory_space<hbm>>, %arg3: memref<2x160000xi32, #tpu.memory_space<hbm>>, %arg4: memref<163840x128xf32, #tpu.memory_space<hbm>>, %arg5: memref<40x128xi32, #tpu.memory_space<vmem>>, %arg6: memref<128x32xf32, #tpu.memory_space<vmem>>, %arg7: memref<!tpu.dma_semaphore, #tpu.memory_space<semaphore_mem>>) attributes {dimension_semantics = [#tpu.dimension_semantics<core_parallel>, #tpu.dimension_semantics<subcore_parallel>], iteration_bounds = array<i64: 2, 16>, scalar_prefetch = 0 : i64, scratch_operands = 3 : i64, tpu.core_type = #tpu.core_type<sc_vector_subcore>, window_params = [{transform_indices = #map}, {transform_indices = #map}, {transform_indices = #map}]} {
    %mul3A = arith.constant 2 : i32
    %mul3A_0 = arith.muli %arg1, %mul3A : i32
    %add3A = arith.addi %mul3A_0, %arg0 : i32
    %mul3A_1 = arith.constant 5120 : i32
    %mul3A_2 = arith.muli %add3A, %mul3A_1 : i32
    %eq3A = arith.constant 31 : i32
    %eq3A_3 = arith.cmpi eq, %add3A, %eq3A : i32
    %jit3A = arith.constant 10 : i32
    %jit3A_4 = arith.constant 40 : i32
    %select_n3A = arith.select %eq3A_3, %jit3A, %jit3A_4 : i32
    %min3A = arith.constant 20 : i32
    %min3A_5 = arith.minsi %select_n3A, %min3A : i32
    %max3A = arith.constant 0 : i32
    %max3A_6 = arith.maxsi %min3A_5, %max3A : i32
    %while3A = arith.constant 0 : i32
    %while3A_7 = arith.constant 0 : i32
    %while3A_8 = arith.subi %max3A_6, %while3A_7 : i32
    %while3A_9 = arith.addi %while3A_7, %while3A_8 : i32
    %while3A_10 = arith.constant 1 : i32
    %while3A_11 = arith.divsi %while3A_8, %while3A_10 : i32
    %while3A_12 = arith.muli %while3A_11, %while3A_10 : i32
    %while3A_13 = arith.addi %while3A_7, %while3A_12 : i32
    %while3A_14 = arith.constant 1 : i32
    scf.for %while3A_16 = %while3A_7 to %while3A_13 step %while3A_14  : i32 {
      %mul3A_17 = arith.constant 128 : i32
      %mul3A_18 = arith.muli %while3A_16, %mul3A_17 : i32
      %add3A_19 = arith.addi %mul3A_2, %mul3A_18 : i32
      %run_scoped3A = arith.constant 0 : i32
      "tpu.region"() ({
        %run_scoped3A_33 = tpu.sem_alloc : memref<!tpu.dma_semaphore, #tpu.memory_space<semaphore_mem>>
        %dma_start3A_34 = arith.constant 0 : i32
        %dma_start3A_35 = tpu.memref_slice %arg5[%while3A_16, %dma_start3A_34] : memref<40x128xi32, #tpu.memory_space<vmem>> -> memref<1x128xi32, #tpu.memory_space<vmem>>
        %dma_start3A_36 = tpu.memref_squeeze %dma_start3A_35 : memref<1x128xi32, #tpu.memory_space<vmem>> -> memref<128xi32, #tpu.memory_space<vmem>>
        %dma_start3A_37 = tpu.memref_slice %arg3[%run_scoped3A, %add3A_19] : memref<2x160000xi32, #tpu.memory_space<hbm>> -> memref<1x128xi32, #tpu.memory_space<hbm>>
        %dma_start3A_38 = tpu.memref_squeeze %dma_start3A_37 : memref<1x128xi32, #tpu.memory_space<hbm>> -> memref<128xi32, #tpu.memory_space<hbm>>
        %dma_start3A_39 = arith.constant 0 : i32
        %dma_start3A_40 = tpu.memref_slice %arg5[%while3A_16, %dma_start3A_39] : memref<40x128xi32, #tpu.memory_space<vmem>> -> memref<1x128xi32, #tpu.memory_space<vmem>>
        %dma_start3A_41 = tpu.memref_squeeze %dma_start3A_40 : memref<1x128xi32, #tpu.memory_space<vmem>> -> memref<128xi32, #tpu.memory_space<vmem>>
        %dma_start3A_42 = tpu.memref_slice %arg3[%run_scoped3A, %add3A_19] : memref<2x160000xi32, #tpu.memory_space<hbm>> -> memref<1x128xi32, #tpu.memory_space<hbm>>
        %dma_start3A_43 = tpu.memref_squeeze %dma_start3A_42 : memref<1x128xi32, #tpu.memory_space<hbm>> -> memref<128xi32, #tpu.memory_space<hbm>>
        tpu.enqueue_dma source(%dma_start3A_43 : memref<128xi32, #tpu.memory_space<hbm>>) target(%dma_start3A_41 : memref<128xi32, #tpu.memory_space<vmem>>) target_semaphore(%run_scoped3A_33 : memref<!tpu.dma_semaphore, #tpu.memory_space<semaphore_mem>>)
        %dma_wait3A_44 = arith.constant 0 : i32
        %dma_wait3A_45 = tpu.memref_slice %arg5[%while3A_16, %dma_wait3A_44] : memref<40x128xi32, #tpu.memory_space<vmem>> -> memref<1x128xi32, #tpu.memory_space<vmem>>
        %dma_wait3A_46 = tpu.memref_squeeze %dma_wait3A_45 : memref<1x128xi32, #tpu.memory_space<vmem>> -> memref<128xi32, #tpu.memory_space<vmem>>
        %dma_wait3A_47 = tpu.memref_slice %arg3[%run_scoped3A, %add3A_19] : memref<2x160000xi32, #tpu.memory_space<hbm>> -> memref<1x128xi32, #tpu.memory_space<hbm>>
        %dma_wait3A_48 = tpu.memref_squeeze %dma_wait3A_47 : memref<1x128xi32, #tpu.memory_space<hbm>> -> memref<128xi32, #tpu.memory_space<hbm>>
        %dma_wait3A_49 = arith.constant 0 : i32
        %dma_wait3A_50 = tpu.memref_slice %arg5[%while3A_16, %dma_wait3A_49] : memref<40x128xi32, #tpu.memory_space<vmem>> -> memref<1x128xi32, #tpu.memory_space<vmem>>
        %dma_wait3A_51 = tpu.memref_squeeze %dma_wait3A_50 : memref<1x128xi32, #tpu.memory_space<vmem>> -> memref<128xi32, #tpu.memory_space<vmem>>
        %dma_wait3A_52 = tpu.memref_slice %arg3[%run_scoped3A, %add3A_19] : memref<2x160000xi32, #tpu.memory_space<hbm>> -> memref<1x128xi32, #tpu.memory_space<hbm>>
        %dma_wait3A_53 = tpu.memref_squeeze %dma_wait3A_52 : memref<1x128xi32, #tpu.memory_space<hbm>> -> memref<128xi32, #tpu.memory_space<hbm>>
        tpu.wait_dma2 semaphore(%run_scoped3A_33 : memref<!tpu.dma_semaphore, #tpu.memory_space<semaphore_mem>>) src(%dma_wait3A_53 : memref<128xi32, #tpu.memory_space<hbm>>) dst(%dma_wait3A_51 : memref<128xi32, #tpu.memory_space<vmem>>)
        tpu.yield
      }) : () -> ()
      %dma_start3A = arith.constant 0 : i32
      %dma_start3A_20 = tpu.memref_slice %arg5[%while3A_16, %dma_start3A] : memref<40x128xi32, #tpu.memory_space<vmem>> -> memref<1x128xi32, #tpu.memory_space<vmem>>
      %dma_start3A_21 = tpu.memref_squeeze %dma_start3A_20 : memref<1x128xi32, #tpu.memory_space<vmem>> -> memref<128xi32, #tpu.memory_space<vmem>>
      %dma_start3A_22 = arith.constant 0 : i32
      %dma_start3A_23 = arith.constant 0 : i32
      %dma_start3A_24 = tpu.memref_slice %arg2[%dma_start3A_22, %dma_start3A_23] : memref<10000x32xf32, #tpu.memory_space<hbm>> -> memref<10000x32xf32, #tpu.memory_space<hbm>>
      tpu.enqueue_indirect_dma source(%dma_start3A_24 : memref<10000x32xf32, #tpu.memory_space<hbm>>) target(%arg6 : memref<128x32xf32, #tpu.memory_space<vmem>>) offsets(%dma_start3A_21 : memref<128xi32, #tpu.memory_space<vmem>>) semaphore(%arg7 : memref<!tpu.dma_semaphore, #tpu.memory_space<semaphore_mem>>)
      %dma_wait3A = arith.constant 0 : i32
      %dma_wait3A_25 = tpu.memref_slice %arg5[%while3A_16, %dma_wait3A] : memref<40x128xi32, #tpu.memory_space<vmem>> -> memref<1x128xi32, #tpu.memory_space<vmem>>
      %dma_wait3A_26 = tpu.memref_squeeze %dma_wait3A_25 : memref<1x128xi32, #tpu.memory_space<vmem>> -> memref<128xi32, #tpu.memory_space<vmem>>
      %dma_wait3A_27 = arith.constant 0 : i32
      %dma_wait3A_28 = arith.constant 0 : i32
      %dma_wait3A_29 = tpu.memref_slice %arg2[%dma_wait3A_27, %dma_wait3A_28] : memref<10000x32xf32, #tpu.memory_space<hbm>> -> memref<10000x32xf32, #tpu.memory_space<hbm>>
      tpu.wait_indirect_dma semaphore(%arg7 : memref<!tpu.dma_semaphore, #tpu.memory_space<semaphore_mem>>) src(%dma_wait3A_29 : memref<10000x32xf32, #tpu.memory_space<hbm>>) dst(%arg6 : memref<128x32xf32, #tpu.memory_space<vmem>>)
      %mul3A_30 = arith.constant 128 : i32
      %mul3A_31 = arith.muli %while3A_16, %mul3A_30 : i32
      %add3A_32 = arith.addi %mul3A_2, %mul3A_31 : i32
      "tpu.region"() ({
        %run_scoped3A_33 = tpu.sem_alloc : memref<!tpu.dma_semaphore, #tpu.memory_space<semaphore_mem>>
        %dma_start3A_34 = arith.constant 0 : i32
        %dma_start3A_35 = tpu.memref_slice %arg4[%add3A_32, %dma_start3A_34] : memref<163840x128xf32, #tpu.memory_space<hbm>> -> memref<128x32xf32, #tpu.memory_space<hbm>>
        %dma_start3A_36 = arith.constant 0 : i32
        %dma_start3A_37 = tpu.memref_slice %arg4[%add3A_32, %dma_start3A_36] : memref<163840x128xf32, #tpu.memory_space<hbm>> -> memref<128x32xf32, #tpu.memory_space<hbm>>
        tpu.enqueue_dma source(%arg6 : memref<128x32xf32, #tpu.memory_space<vmem>>) target(%dma_start3A_37 : memref<128x32xf32, #tpu.memory_space<hbm>>) target_semaphore(%run_scoped3A_33 : memref<!tpu.dma_semaphore, #tpu.memory_space<semaphore_mem>>)
        %dma_wait3A_38 = arith.constant 0 : i32
        %dma_wait3A_39 = tpu.memref_slice %arg4[%add3A_32, %dma_wait3A_38] : memref<163840x128xf32, #tpu.memory_space<hbm>> -> memref<128x32xf32, #tpu.memory_space<hbm>>
        %dma_wait3A_40 = arith.constant 0 : i32
        %dma_wait3A_41 = tpu.memref_slice %arg4[%add3A_32, %dma_wait3A_40] : memref<163840x128xf32, #tpu.memory_space<hbm>> -> memref<128x32xf32, #tpu.memory_space<hbm>>
        tpu.wait_dma2 semaphore(%run_scoped3A_33 : memref<!tpu.dma_semaphore, #tpu.memory_space<semaphore_mem>>) src(%arg6 : memref<128x32xf32, #tpu.memory_space<vmem>>) dst(%dma_wait3A_41 : memref<128x32xf32, #tpu.memory_space<hbm>>)
        tpu.yield
      }) : () -> ()
    }
    %while3A_15 = arith.constant 1 : i32
    scf.for %while3A_16 = %while3A_13 to %while3A_9 step %while3A_15  : i32 {
      %mul3A_17 = arith.constant 128 : i32
      %mul3A_18 = arith.muli %while3A_16, %mul3A_17 : i32
      %add3A_19 = arith.addi %mul3A_2, %mul3A_18 : i32
      %run_scoped3A = arith.constant 0 : i32
      "tpu.region"() ({
        %run_scoped3A_33 = tpu.sem_alloc : memref<!tpu.dma_semaphore, #tpu.memory_space<semaphore_mem>>
        %dma_start3A_34 = arith.constant 0 : i32
        %dma_start3A_35 = tpu.memref_slice %arg5[%while3A_16, %dma_start3A_34] : memref<40x128xi32, #tpu.memory_space<vmem>> -> memref<1x128xi32, #tpu.memory_space<vmem>>
        %dma_start3A_36 = tpu.memref_squeeze %dma_start3A_35 : memref<1x128xi32, #tpu.memory_space<vmem>> -> memref<128xi32, #tpu.memory_space<vmem>>
        %dma_start3A_37 = tpu.memref_slice %arg3[%run_scoped3A, %add3A_19] : memref<2x160000xi32, #tpu.memory_space<hbm>> -> memref<1x128xi32, #tpu.memory_space<hbm>>
        %dma_start3A_38 = tpu.memref_squeeze %dma_start3A_37 : memref<1x128xi32, #tpu.memory_space<hbm>> -> memref<128xi32, #tpu.memory_space<hbm>>
        %dma_start3A_39 = arith.constant 0 : i32
        %dma_start3A_40 = tpu.memref_slice %arg5[%while3A_16, %dma_start3A_39] : memref<40x128xi32, #tpu.memory_space<vmem>> -> memref<1x128xi32, #tpu.memory_space<vmem>>
        %dma_start3A_41 = tpu.memref_squeeze %dma_start3A_40 : memref<1x128xi32, #tpu.memory_space<vmem>> -> memref<128xi32, #tpu.memory_space<vmem>>
        %dma_start3A_42 = tpu.memref_slice %arg3[%run_scoped3A, %add3A_19] : memref<2x160000xi32, #tpu.memory_space<hbm>> -> memref<1x128xi32, #tpu.memory_space<hbm>>
        %dma_start3A_43 = tpu.memref_squeeze %dma_start3A_42 : memref<1x128xi32, #tpu.memory_space<hbm>> -> memref<128xi32, #tpu.memory_space<hbm>>
        tpu.enqueue_dma source(%dma_start3A_43 : memref<128xi32, #tpu.memory_space<hbm>>) target(%dma_start3A_41 : memref<128xi32, #tpu.memory_space<vmem>>) target_semaphore(%run_scoped3A_33 : memref<!tpu.dma_semaphore, #tpu.memory_space<semaphore_mem>>)
        %dma_wait3A_44 = arith.constant 0 : i32
        %dma_wait3A_45 = tpu.memref_slice %arg5[%while3A_16, %dma_wait3A_44] : memref<40x128xi32, #tpu.memory_space<vmem>> -> memref<1x128xi32, #tpu.memory_space<vmem>>
        %dma_wait3A_46 = tpu.memref_squeeze %dma_wait3A_45 : memref<1x128xi32, #tpu.memory_space<vmem>> -> memref<128xi32, #tpu.memory_space<vmem>>
        %dma_wait3A_47 = tpu.memref_slice %arg3[%run_scoped3A, %add3A_19] : memref<2x160000xi32, #tpu.memory_space<hbm>> -> memref<1x128xi32, #tpu.memory_space<hbm>>
        %dma_wait3A_48 = tpu.memref_squeeze %dma_wait3A_47 : memref<1x128xi32, #tpu.memory_space<hbm>> -> memref<128xi32, #tpu.memory_space<hbm>>
        %dma_wait3A_49 = arith.constant 0 : i32
        %dma_wait3A_50 = tpu.memref_slice %arg5[%while3A_16, %dma_wait3A_49] : memref<40x128xi32, #tpu.memory_space<vmem>> -> memref<1x128xi32, #tpu.memory_space<vmem>>
        %dma_wait3A_51 = tpu.memref_squeeze %dma_wait3A_50 : memref<1x128xi32, #tpu.memory_space<vmem>> -> memref<128xi32, #tpu.memory_space<vmem>>
        %dma_wait3A_52 = tpu.memref_slice %arg3[%run_scoped3A, %add3A_19] : memref<2x160000xi32, #tpu.memory_space<hbm>> -> memref<1x128xi32, #tpu.memory_space<hbm>>
        %dma_wait3A_53 = tpu.memref_squeeze %dma_wait3A_52 : memref<1x128xi32, #tpu.memory_space<hbm>> -> memref<128xi32, #tpu.memory_space<hbm>>
        tpu.wait_dma2 semaphore(%run_scoped3A_33 : memref<!tpu.dma_semaphore, #tpu.memory_space<semaphore_mem>>) src(%dma_wait3A_53 : memref<128xi32, #tpu.memory_space<hbm>>) dst(%dma_wait3A_51 : memref<128xi32, #tpu.memory_space<vmem>>)
        tpu.yield
      }) : () -> ()
      %dma_start3A = arith.constant 0 : i32
      %dma_start3A_20 = tpu.memref_slice %arg5[%while3A_16, %dma_start3A] : memref<40x128xi32, #tpu.memory_space<vmem>> -> memref<1x128xi32, #tpu.memory_space<vmem>>
      %dma_start3A_21 = tpu.memref_squeeze %dma_start3A_20 : memref<1x128xi32, #tpu.memory_space<vmem>> -> memref<128xi32, #tpu.memory_space<vmem>>
      %dma_start3A_22 = arith.constant 0 : i32
      %dma_start3A_23 = arith.constant 0 : i32
      %dma_start3A_24 = tpu.memref_slice %arg2[%dma_start3A_22, %dma_start3A_23] : memref<10000x32xf32, #tpu.memory_space<hbm>> -> memref<10000x32xf32, #tpu.memory_space<hbm>>
      tpu.enqueue_indirect_dma source(%dma_start3A_24 : memref<10000x32xf32, #tpu.memory_space<hbm>>) target(%arg6 : memref<128x32xf32, #tpu.memory_space<vmem>>) offsets(%dma_start3A_21 : memref<128xi32, #tpu.memory_space<vmem>>) semaphore(%arg7 : memref<!tpu.dma_semaphore, #tpu.memory_space<semaphore_mem>>)
      %dma_wait3A = arith.constant 0 : i32
      %dma_wait3A_25 = tpu.memref_slice %arg5[%while3A_16, %dma_wait3A] : memref<40x128xi32, #tpu.memory_space<vmem>> -> memref<1x128xi32, #tpu.memory_space<vmem>>
      %dma_wait3A_26 = tpu.memref_squeeze %dma_wait3A_25 : memref<1x128xi32, #tpu.memory_space<vmem>> -> memref<128xi32, #tpu.memory_space<vmem>>
      %dma_wait3A_27 = arith.constant 0 : i32
      %dma_wait3A_28 = arith.constant 0 : i32
      %dma_wait3A_29 = tpu.memref_slice %arg2[%dma_wait3A_27, %dma_wait3A_28] : memref<10000x32xf32, #tpu.memory_space<hbm>> -> memref<10000x32xf32, #tpu.memory_space<hbm>>
      tpu.wait_indirect_dma semaphore(%arg7 : memref<!tpu.dma_semaphore, #tpu.memory_space<semaphore_mem>>) src(%dma_wait3A_29 : memref<10000x32xf32, #tpu.memory_space<hbm>>) dst(%arg6 : memref<128x32xf32, #tpu.memory_space<vmem>>)
      %mul3A_30 = arith.constant 128 : i32
      %mul3A_31 = arith.muli %while3A_16, %mul3A_30 : i32
      %add3A_32 = arith.addi %mul3A_2, %mul3A_31 : i32
      "tpu.region"() ({
        %run_scoped3A_33 = tpu.sem_alloc : memref<!tpu.dma_semaphore, #tpu.memory_space<semaphore_mem>>
        %dma_start3A_34 = arith.constant 0 : i32
        %dma_start3A_35 = tpu.memref_slice %arg4[%add3A_32, %dma_start3A_34] : memref<163840x128xf32, #tpu.memory_space<hbm>> -> memref<128x32xf32, #tpu.memory_space<hbm>>
        %dma_start3A_36 = arith.constant 0 : i32
        %dma_start3A_37 = tpu.memref_slice %arg4[%add3A_32, %dma_start3A_36] : memref<163840x128xf32, #tpu.memory_space<hbm>> -> memref<128x32xf32, #tpu.memory_space<hbm>>
        tpu.enqueue_dma source(%arg6 : memref<128x32xf32, #tpu.memory_space<vmem>>) target(%dma_start3A_37 : memref<128x32xf32, #tpu.memory_space<hbm>>) target_semaphore(%run_scoped3A_33 : memref<!tpu.dma_semaphore, #tpu.memory_space<semaphore_mem>>)
        %dma_wait3A_38 = arith.constant 0 : i32
        %dma_wait3A_39 = tpu.memref_slice %arg4[%add3A_32, %dma_wait3A_38] : memref<163840x128xf32, #tpu.memory_space<hbm>> -> memref<128x32xf32, #tpu.memory_space<hbm>>
        %dma_wait3A_40 = arith.constant 0 : i32
        %dma_wait3A_41 = tpu.memref_slice %arg4[%add3A_32, %dma_wait3A_40] : memref<163840x128xf32, #tpu.memory_space<hbm>> -> memref<128x32xf32, #tpu.memory_space<hbm>>
        tpu.wait_dma2 semaphore(%run_scoped3A_33 : memref<!tpu.dma_semaphore, #tpu.memory_space<semaphore_mem>>) src(%arg6 : memref<128x32xf32, #tpu.memory_space<vmem>>) dst(%dma_wait3A_41 : memref<128x32xf32, #tpu.memory_space<hbm>>)
        tpu.yield
      }) : () -> ()
    }
    return
  }
}

#map = affine_map<(d0, d1) -> (0, 0)>
#map1 = affine_map<(d0, d1) -> (0, 0, 0)>
module attributes {stable_mosaic.version = 14 : i64} {
  func.func @body(%arg0: i32, %arg1: i32, %arg2: memref<163840x128xf32, #tpu.memory_space<hbm>>, %arg3: memref<2x160000xi32, #tpu.memory_space<hbm>>, %arg4: memref<10000x32xf32, #tpu.memory_space<hbm>>, %arg5: memref<128x32xf32, #tpu.memory_space<hbm>>, %arg6: memref<2x10000x128xf32, #tpu.memory_space<hbm>>, %arg7: memref<40x128xi32, #tpu.memory_space<vmem>>, %arg8: memref<128x32xf32, #tpu.memory_space<vmem>>, %arg9: memref<128x32xf32, #tpu.memory_space<vmem>>, %arg10: memref<10000x32xf32, #tpu.memory_space<vmem_shared>>, %arg11: memref<10000x32xf32, #tpu.memory_space<vmem_shared>>) attributes {dimension_semantics = [#tpu.dimension_semantics<core_parallel>, #tpu.dimension_semantics<subcore_parallel>], iteration_bounds = array<i64: 2, 16>, scalar_prefetch = 0 : i64, scratch_operands = 5 : i64, tpu.core_type = #tpu.core_type<sc_vector_subcore>, window_params = [{transform_indices = #map}, {transform_indices = #map}, {transform_indices = #map}, {transform_indices = #map}, {transform_indices = #map1}]} {
    %mul3A = arith.constant 2 : i32
    %mul3A_0 = arith.muli %arg1, %mul3A : i32
    %add3A = arith.addi %mul3A_0, %arg0 : i32
    %mul3A_1 = arith.constant 625 : i32
    %mul3A_2 = arith.muli %arg1, %mul3A_1 : i32
    %mul3A_3 = arith.constant 625 : i32
    %mul3A_4 = arith.muli %arg1, %mul3A_3 : i32
    "tpu.region"() ({
      %run_scoped3A = tpu.sem_alloc : memref<!tpu.dma_semaphore, #tpu.memory_space<semaphore_mem>>
      %dma_start3A = arith.constant 0 : i32
      %dma_start3A_33 = tpu.memref_slice %arg10[%mul3A_4, %dma_start3A] : memref<10000x32xf32, #tpu.memory_space<vmem_shared>> -> memref<625x32xf32, #tpu.memory_space<vmem_shared>>
      %dma_start3A_34 = arith.constant 0 : i32
      %dma_start3A_35 = tpu.memref_slice %arg4[%mul3A_2, %dma_start3A_34] : memref<10000x32xf32, #tpu.memory_space<hbm>> -> memref<625x32xf32, #tpu.memory_space<hbm>>
      tpu.enqueue_dma source(%dma_start3A_35 : memref<625x32xf32, #tpu.memory_space<hbm>>) target(%dma_start3A_33 : memref<625x32xf32, #tpu.memory_space<vmem_shared>>) target_semaphore(%run_scoped3A : memref<!tpu.dma_semaphore, #tpu.memory_space<semaphore_mem>>)
      %dma_wait3A = arith.constant 0 : i32
      %dma_wait3A_36 = tpu.memref_slice %arg10[%mul3A_4, %dma_wait3A] : memref<10000x32xf32, #tpu.memory_space<vmem_shared>> -> memref<625x32xf32, #tpu.memory_space<vmem_shared>>
      %dma_wait3A_37 = arith.constant 0 : i32
      %dma_wait3A_38 = tpu.memref_slice %arg4[%mul3A_2, %dma_wait3A_37] : memref<10000x32xf32, #tpu.memory_space<hbm>> -> memref<625x32xf32, #tpu.memory_space<hbm>>
      tpu.wait_dma2 semaphore(%run_scoped3A : memref<!tpu.dma_semaphore, #tpu.memory_space<semaphore_mem>>) src(%dma_wait3A_38 : memref<625x32xf32, #tpu.memory_space<hbm>>) dst(%dma_wait3A_36 : memref<625x32xf32, #tpu.memory_space<vmem_shared>>)
      tpu.yield
    }) : () -> ()
    %mul3A_5 = arith.constant 625 : i32
    %mul3A_6 = arith.muli %arg1, %mul3A_5 : i32
    %mul3A_7 = arith.constant 625 : i32
    %mul3A_8 = arith.muli %arg1, %mul3A_7 : i32
    "tpu.region"() ({
      %run_scoped3A = tpu.sem_alloc : memref<!tpu.dma_semaphore, #tpu.memory_space<semaphore_mem>>
      %dma_start3A = arith.constant 0 : i32
      %dma_start3A_33 = tpu.memref_slice %arg11[%mul3A_8, %dma_start3A] : memref<10000x32xf32, #tpu.memory_space<vmem_shared>> -> memref<625x32xf32, #tpu.memory_space<vmem_shared>>
      %dma_start3A_34 = arith.constant 0 : i32
      %dma_start3A_35 = tpu.memref_slice %arg4[%mul3A_6, %dma_start3A_34] : memref<10000x32xf32, #tpu.memory_space<hbm>> -> memref<625x32xf32, #tpu.memory_space<hbm>>
      tpu.enqueue_dma source(%dma_start3A_35 : memref<625x32xf32, #tpu.memory_space<hbm>>) target(%dma_start3A_33 : memref<625x32xf32, #tpu.memory_space<vmem_shared>>) target_semaphore(%run_scoped3A : memref<!tpu.dma_semaphore, #tpu.memory_space<semaphore_mem>>)
      %dma_wait3A = arith.constant 0 : i32
      %dma_wait3A_36 = tpu.memref_slice %arg11[%mul3A_8, %dma_wait3A] : memref<10000x32xf32, #tpu.memory_space<vmem_shared>> -> memref<625x32xf32, #tpu.memory_space<vmem_shared>>
      %dma_wait3A_37 = arith.constant 0 : i32
      %dma_wait3A_38 = tpu.memref_slice %arg4[%mul3A_6, %dma_wait3A_37] : memref<10000x32xf32, #tpu.memory_space<hbm>> -> memref<625x32xf32, #tpu.memory_space<hbm>>
      tpu.wait_dma2 semaphore(%run_scoped3A : memref<!tpu.dma_semaphore, #tpu.memory_space<semaphore_mem>>) src(%dma_wait3A_38 : memref<625x32xf32, #tpu.memory_space<hbm>>) dst(%dma_wait3A_36 : memref<625x32xf32, #tpu.memory_space<vmem_shared>>)
      tpu.yield
    }) : () -> ()
    "tpu.region"() ({
      %run_scoped3A = tpu.sem_alloc : memref<!tpu.dma_semaphore, #tpu.memory_space<semaphore_mem>>
      tpu.enqueue_dma source(%arg5 : memref<128x32xf32, #tpu.memory_space<hbm>>) target(%arg9 : memref<128x32xf32, #tpu.memory_space<vmem>>) target_semaphore(%run_scoped3A : memref<!tpu.dma_semaphore, #tpu.memory_space<semaphore_mem>>)
      tpu.wait_dma2 semaphore(%run_scoped3A : memref<!tpu.dma_semaphore, #tpu.memory_space<semaphore_mem>>) src(%arg5 : memref<128x32xf32, #tpu.memory_space<hbm>>) dst(%arg9 : memref<128x32xf32, #tpu.memory_space<vmem>>)
      tpu.yield
    }) : () -> ()
    %barrier3A = arith.constant 0 : index
    tpu.barrier barrier_id(%barrier3A)
    %mul3A_9 = arith.constant 5120 : i32
    %mul3A_10 = arith.muli %add3A, %mul3A_9 : i32
    %eq3A = arith.constant 31 : i32
    %eq3A_11 = arith.cmpi eq, %add3A, %eq3A : i32
    %jit3A = arith.constant 10 : i32
    %jit3A_12 = arith.constant 40 : i32
    %select_n3A = arith.select %eq3A_11, %jit3A, %jit3A_12 : i32
    %min3A = arith.constant 40 : i32
    %min3A_13 = arith.minsi %select_n3A, %min3A : i32
    %max3A = arith.constant 20 : i32
    %max3A_14 = arith.maxsi %min3A_13, %max3A : i32
    %while3A = arith.constant 0 : i32
    %while3A_15 = arith.constant 20 : i32
    %while3A_16 = arith.subi %max3A_14, %while3A_15 : i32
    %while3A_17 = arith.addi %while3A_15, %while3A_16 : i32
    %while3A_18 = arith.constant 1 : i32
    %while3A_19 = arith.divsi %while3A_16, %while3A_18 : i32
    %while3A_20 = arith.muli %while3A_19, %while3A_18 : i32
    %while3A_21 = arith.addi %while3A_15, %while3A_20 : i32
    %while3A_22 = arith.constant 1 : i32
    scf.for %while3A_33 = %while3A_15 to %while3A_21 step %while3A_22  : i32 {
      %mul3A_34 = arith.constant 128 : i32
      %mul3A_35 = arith.muli %while3A_33, %mul3A_34 : i32
      %add3A_36 = arith.addi %mul3A_10, %mul3A_35 : i32
      %run_scoped3A = arith.constant 1 : i32
      "tpu.region"() ({
        %run_scoped3A_40 = tpu.sem_alloc : memref<!tpu.dma_semaphore, #tpu.memory_space<semaphore_mem>>
        %dma_start3A = arith.constant 0 : i32
        %dma_start3A_41 = tpu.memref_slice %arg7[%while3A_33, %dma_start3A] : memref<40x128xi32, #tpu.memory_space<vmem>> -> memref<1x128xi32, #tpu.memory_space<vmem>>
        %dma_start3A_42 = tpu.memref_squeeze %dma_start3A_41 : memref<1x128xi32, #tpu.memory_space<vmem>> -> memref<128xi32, #tpu.memory_space<vmem>>
        %dma_start3A_43 = tpu.memref_slice %arg3[%run_scoped3A, %add3A_36] : memref<2x160000xi32, #tpu.memory_space<hbm>> -> memref<1x128xi32, #tpu.memory_space<hbm>>
        %dma_start3A_44 = tpu.memref_squeeze %dma_start3A_43 : memref<1x128xi32, #tpu.memory_space<hbm>> -> memref<128xi32, #tpu.memory_space<hbm>>
        %dma_start3A_45 = arith.constant 0 : i32
        %dma_start3A_46 = tpu.memref_slice %arg7[%while3A_33, %dma_start3A_45] : memref<40x128xi32, #tpu.memory_space<vmem>> -> memref<1x128xi32, #tpu.memory_space<vmem>>
        %dma_start3A_47 = tpu.memref_squeeze %dma_start3A_46 : memref<1x128xi32, #tpu.memory_space<vmem>> -> memref<128xi32, #tpu.memory_space<vmem>>
        %dma_start3A_48 = tpu.memref_slice %arg3[%run_scoped3A, %add3A_36] : memref<2x160000xi32, #tpu.memory_space<hbm>> -> memref<1x128xi32, #tpu.memory_space<hbm>>
        %dma_start3A_49 = tpu.memref_squeeze %dma_start3A_48 : memref<1x128xi32, #tpu.memory_space<hbm>> -> memref<128xi32, #tpu.memory_space<hbm>>
        tpu.enqueue_dma source(%dma_start3A_49 : memref<128xi32, #tpu.memory_space<hbm>>) target(%dma_start3A_47 : memref<128xi32, #tpu.memory_space<vmem>>) target_semaphore(%run_scoped3A_40 : memref<!tpu.dma_semaphore, #tpu.memory_space<semaphore_mem>>)
        %dma_wait3A = arith.constant 0 : i32
        %dma_wait3A_50 = tpu.memref_slice %arg7[%while3A_33, %dma_wait3A] : memref<40x128xi32, #tpu.memory_space<vmem>> -> memref<1x128xi32, #tpu.memory_space<vmem>>
        %dma_wait3A_51 = tpu.memref_squeeze %dma_wait3A_50 : memref<1x128xi32, #tpu.memory_space<vmem>> -> memref<128xi32, #tpu.memory_space<vmem>>
        %dma_wait3A_52 = tpu.memref_slice %arg3[%run_scoped3A, %add3A_36] : memref<2x160000xi32, #tpu.memory_space<hbm>> -> memref<1x128xi32, #tpu.memory_space<hbm>>
        %dma_wait3A_53 = tpu.memref_squeeze %dma_wait3A_52 : memref<1x128xi32, #tpu.memory_space<hbm>> -> memref<128xi32, #tpu.memory_space<hbm>>
        %dma_wait3A_54 = arith.constant 0 : i32
        %dma_wait3A_55 = tpu.memref_slice %arg7[%while3A_33, %dma_wait3A_54] : memref<40x128xi32, #tpu.memory_space<vmem>> -> memref<1x128xi32, #tpu.memory_space<vmem>>
        %dma_wait3A_56 = tpu.memref_squeeze %dma_wait3A_55 : memref<1x128xi32, #tpu.memory_space<vmem>> -> memref<128xi32, #tpu.memory_space<vmem>>
        %dma_wait3A_57 = tpu.memref_slice %arg3[%run_scoped3A, %add3A_36] : memref<2x160000xi32, #tpu.memory_space<hbm>> -> memref<1x128xi32, #tpu.memory_space<hbm>>
        %dma_wait3A_58 = tpu.memref_squeeze %dma_wait3A_57 : memref<1x128xi32, #tpu.memory_space<hbm>> -> memref<128xi32, #tpu.memory_space<hbm>>
        tpu.wait_dma2 semaphore(%run_scoped3A_40 : memref<!tpu.dma_semaphore, #tpu.memory_space<semaphore_mem>>) src(%dma_wait3A_58 : memref<128xi32, #tpu.memory_space<hbm>>) dst(%dma_wait3A_56 : memref<128xi32, #tpu.memory_space<vmem>>)
        tpu.yield
      }) : () -> ()
      %mul3A_37 = arith.constant 128 : i32
      %mul3A_38 = arith.muli %while3A_33, %mul3A_37 : i32
      %add3A_39 = arith.addi %mul3A_10, %mul3A_38 : i32
      "tpu.region"() ({
        %run_scoped3A_40 = tpu.sem_alloc : memref<!tpu.dma_semaphore, #tpu.memory_space<semaphore_mem>>
        %dma_start3A = arith.constant 0 : i32
        %dma_start3A_41 = tpu.memref_slice %arg2[%add3A_39, %dma_start3A] : memref<163840x128xf32, #tpu.memory_space<hbm>> -> memref<128x32xf32, #tpu.memory_space<hbm>>
        %dma_start3A_42 = arith.constant 0 : i32
        %dma_start3A_43 = tpu.memref_slice %arg2[%add3A_39, %dma_start3A_42] : memref<163840x128xf32, #tpu.memory_space<hbm>> -> memref<128x32xf32, #tpu.memory_space<hbm>>
        tpu.enqueue_dma source(%dma_start3A_43 : memref<128x32xf32, #tpu.memory_space<hbm>>) target(%arg8 : memref<128x32xf32, #tpu.memory_space<vmem>>) target_semaphore(%run_scoped3A_40 : memref<!tpu.dma_semaphore, #tpu.memory_space<semaphore_mem>>)
        %dma_wait3A = arith.constant 0 : i32
        %dma_wait3A_44 = tpu.memref_slice %arg2[%add3A_39, %dma_wait3A] : memref<163840x128xf32, #tpu.memory_space<hbm>> -> memref<128x32xf32, #tpu.memory_space<hbm>>
        %dma_wait3A_45 = arith.constant 0 : i32
        %dma_wait3A_46 = tpu.memref_slice %arg2[%add3A_39, %dma_wait3A_45] : memref<163840x128xf32, #tpu.memory_space<hbm>> -> memref<128x32xf32, #tpu.memory_space<hbm>>
        tpu.wait_dma2 semaphore(%run_scoped3A_40 : memref<!tpu.dma_semaphore, #tpu.memory_space<semaphore_mem>>) src(%dma_wait3A_46 : memref<128x32xf32, #tpu.memory_space<hbm>>) dst(%arg8 : memref<128x32xf32, #tpu.memory_space<vmem>>)
        tpu.yield
      }) : () -> ()
      "tpu.region"() ({
        %run_scoped3A_40 = tpu.sem_alloc : memref<!tpu.dma_semaphore, #tpu.memory_space<semaphore_mem>>
        %dma_start3A = arith.constant 0 : i32
        %dma_start3A_41 = tpu.memref_slice %arg7[%while3A_33, %dma_start3A] : memref<40x128xi32, #tpu.memory_space<vmem>> -> memref<1x128xi32, #tpu.memory_space<vmem>>
        %dma_start3A_42 = tpu.memref_squeeze %dma_start3A_41 : memref<1x128xi32, #tpu.memory_space<vmem>> -> memref<128xi32, #tpu.memory_space<vmem>>
        %dma_start3A_43 = arith.constant 0 : i32
        %dma_start3A_44 = arith.constant 0 : i32
        %dma_start3A_45 = tpu.memref_slice %arg10[%dma_start3A_43, %dma_start3A_44] : memref<10000x32xf32, #tpu.memory_space<vmem_shared>> -> memref<10000x32xf32, #tpu.memory_space<vmem_shared>>
        tpu.enqueue_indirect_dma source(%arg8 : memref<128x32xf32, #tpu.memory_space<vmem>>) target(%dma_start3A_45 : memref<10000x32xf32, #tpu.memory_space<vmem_shared>>) offsets(%dma_start3A_42 : memref<128xi32, #tpu.memory_space<vmem>>) semaphore(%run_scoped3A_40 : memref<!tpu.dma_semaphore, #tpu.memory_space<semaphore_mem>>) {add = true}
        %dma_wait3A = arith.constant 0 : i32
        %dma_wait3A_46 = tpu.memref_slice %arg7[%while3A_33, %dma_wait3A] : memref<40x128xi32, #tpu.memory_space<vmem>> -> memref<1x128xi32, #tpu.memory_space<vmem>>
        %dma_wait3A_47 = tpu.memref_squeeze %dma_wait3A_46 : memref<1x128xi32, #tpu.memory_space<vmem>> -> memref<128xi32, #tpu.memory_space<vmem>>
        %dma_wait3A_48 = arith.constant 0 : i32
        %dma_wait3A_49 = arith.constant 0 : i32
        %dma_wait3A_50 = tpu.memref_slice %arg10[%dma_wait3A_48, %dma_wait3A_49] : memref<10000x32xf32, #tpu.memory_space<vmem_shared>> -> memref<10000x32xf32, #tpu.memory_space<vmem_shared>>
        tpu.wait_indirect_dma semaphore(%run_scoped3A_40 : memref<!tpu.dma_semaphore, #tpu.memory_space<semaphore_mem>>) src(%arg8 : memref<128x32xf32, #tpu.memory_space<vmem>>) dst(%dma_wait3A_50 : memref<10000x32xf32, #tpu.memory_space<vmem_shared>>)
        tpu.yield
      }) : () -> ()
      "tpu.region"() ({
        %run_scoped3A_40 = tpu.sem_alloc : memref<!tpu.dma_semaphore, #tpu.memory_space<semaphore_mem>>
        %dma_start3A = arith.constant 0 : i32
        %dma_start3A_41 = tpu.memref_slice %arg7[%while3A_33, %dma_start3A] : memref<40x128xi32, #tpu.memory_space<vmem>> -> memref<1x128xi32, #tpu.memory_space<vmem>>
        %dma_start3A_42 = tpu.memref_squeeze %dma_start3A_41 : memref<1x128xi32, #tpu.memory_space<vmem>> -> memref<128xi32, #tpu.memory_space<vmem>>
        %dma_start3A_43 = arith.constant 0 : i32
        %dma_start3A_44 = arith.constant 0 : i32
        %dma_start3A_45 = tpu.memref_slice %arg11[%dma_start3A_43, %dma_start3A_44] : memref<10000x32xf32, #tpu.memory_space<vmem_shared>> -> memref<10000x32xf32, #tpu.memory_space<vmem_shared>>
        tpu.enqueue_indirect_dma source(%arg9 : memref<128x32xf32, #tpu.memory_space<vmem>>) target(%dma_start3A_45 : memref<10000x32xf32, #tpu.memory_space<vmem_shared>>) offsets(%dma_start3A_42 : memref<128xi32, #tpu.memory_space<vmem>>) semaphore(%run_scoped3A_40 : memref<!tpu.dma_semaphore, #tpu.memory_space<semaphore_mem>>) {add = true}
        %dma_wait3A = arith.constant 0 : i32
        %dma_wait3A_46 = tpu.memref_slice %arg7[%while3A_33, %dma_wait3A] : memref<40x128xi32, #tpu.memory_space<vmem>> -> memref<1x128xi32, #tpu.memory_space<vmem>>
        %dma_wait3A_47 = tpu.memref_squeeze %dma_wait3A_46 : memref<1x128xi32, #tpu.memory_space<vmem>> -> memref<128xi32, #tpu.memory_space<vmem>>
        %dma_wait3A_48 = arith.constant 0 : i32
        %dma_wait3A_49 = arith.constant 0 : i32
        %dma_wait3A_50 = tpu.memref_slice %arg11[%dma_wait3A_48, %dma_wait3A_49] : memref<10000x32xf32, #tpu.memory_space<vmem_shared>> -> memref<10000x32xf32, #tpu.memory_space<vmem_shared>>
        tpu.wait_indirect_dma semaphore(%run_scoped3A_40 : memref<!tpu.dma_semaphore, #tpu.memory_space<semaphore_mem>>) src(%arg9 : memref<128x32xf32, #tpu.memory_space<vmem>>) dst(%dma_wait3A_50 : memref<10000x32xf32, #tpu.memory_space<vmem_shared>>)
        tpu.yield
      }) : () -> ()
    }
    %while3A_23 = arith.constant 1 : i32
    scf.for %while3A_33 = %while3A_21 to %while3A_17 step %while3A_23  : i32 {
      %mul3A_34 = arith.constant 128 : i32
      %mul3A_35 = arith.muli %while3A_33, %mul3A_34 : i32
      %add3A_36 = arith.addi %mul3A_10, %mul3A_35 : i32
      %run_scoped3A = arith.constant 1 : i32
      "tpu.region"() ({
        %run_scoped3A_40 = tpu.sem_alloc : memref<!tpu.dma_semaphore, #tpu.memory_space<semaphore_mem>>
        %dma_start3A = arith.constant 0 : i32
        %dma_start3A_41 = tpu.memref_slice %arg7[%while3A_33, %dma_start3A] : memref<40x128xi32, #tpu.memory_space<vmem>> -> memref<1x128xi32, #tpu.memory_space<vmem>>
        %dma_start3A_42 = tpu.memref_squeeze %dma_start3A_41 : memref<1x128xi32, #tpu.memory_space<vmem>> -> memref<128xi32, #tpu.memory_space<vmem>>
        %dma_start3A_43 = tpu.memref_slice %arg3[%run_scoped3A, %add3A_36] : memref<2x160000xi32, #tpu.memory_space<hbm>> -> memref<1x128xi32, #tpu.memory_space<hbm>>
        %dma_start3A_44 = tpu.memref_squeeze %dma_start3A_43 : memref<1x128xi32, #tpu.memory_space<hbm>> -> memref<128xi32, #tpu.memory_space<hbm>>
        %dma_start3A_45 = arith.constant 0 : i32
        %dma_start3A_46 = tpu.memref_slice %arg7[%while3A_33, %dma_start3A_45] : memref<40x128xi32, #tpu.memory_space<vmem>> -> memref<1x128xi32, #tpu.memory_space<vmem>>
        %dma_start3A_47 = tpu.memref_squeeze %dma_start3A_46 : memref<1x128xi32, #tpu.memory_space<vmem>> -> memref<128xi32, #tpu.memory_space<vmem>>
        %dma_start3A_48 = tpu.memref_slice %arg3[%run_scoped3A, %add3A_36] : memref<2x160000xi32, #tpu.memory_space<hbm>> -> memref<1x128xi32, #tpu.memory_space<hbm>>
        %dma_start3A_49 = tpu.memref_squeeze %dma_start3A_48 : memref<1x128xi32, #tpu.memory_space<hbm>> -> memref<128xi32, #tpu.memory_space<hbm>>
        tpu.enqueue_dma source(%dma_start3A_49 : memref<128xi32, #tpu.memory_space<hbm>>) target(%dma_start3A_47 : memref<128xi32, #tpu.memory_space<vmem>>) target_semaphore(%run_scoped3A_40 : memref<!tpu.dma_semaphore, #tpu.memory_space<semaphore_mem>>)
        %dma_wait3A = arith.constant 0 : i32
        %dma_wait3A_50 = tpu.memref_slice %arg7[%while3A_33, %dma_wait3A] : memref<40x128xi32, #tpu.memory_space<vmem>> -> memref<1x128xi32, #tpu.memory_space<vmem>>
        %dma_wait3A_51 = tpu.memref_squeeze %dma_wait3A_50 : memref<1x128xi32, #tpu.memory_space<vmem>> -> memref<128xi32, #tpu.memory_space<vmem>>
        %dma_wait3A_52 = tpu.memref_slice %arg3[%run_scoped3A, %add3A_36] : memref<2x160000xi32, #tpu.memory_space<hbm>> -> memref<1x128xi32, #tpu.memory_space<hbm>>
        %dma_wait3A_53 = tpu.memref_squeeze %dma_wait3A_52 : memref<1x128xi32, #tpu.memory_space<hbm>> -> memref<128xi32, #tpu.memory_space<hbm>>
        %dma_wait3A_54 = arith.constant 0 : i32
        %dma_wait3A_55 = tpu.memref_slice %arg7[%while3A_33, %dma_wait3A_54] : memref<40x128xi32, #tpu.memory_space<vmem>> -> memref<1x128xi32, #tpu.memory_space<vmem>>
        %dma_wait3A_56 = tpu.memref_squeeze %dma_wait3A_55 : memref<1x128xi32, #tpu.memory_space<vmem>> -> memref<128xi32, #tpu.memory_space<vmem>>
        %dma_wait3A_57 = tpu.memref_slice %arg3[%run_scoped3A, %add3A_36] : memref<2x160000xi32, #tpu.memory_space<hbm>> -> memref<1x128xi32, #tpu.memory_space<hbm>>
        %dma_wait3A_58 = tpu.memref_squeeze %dma_wait3A_57 : memref<1x128xi32, #tpu.memory_space<hbm>> -> memref<128xi32, #tpu.memory_space<hbm>>
        tpu.wait_dma2 semaphore(%run_scoped3A_40 : memref<!tpu.dma_semaphore, #tpu.memory_space<semaphore_mem>>) src(%dma_wait3A_58 : memref<128xi32, #tpu.memory_space<hbm>>) dst(%dma_wait3A_56 : memref<128xi32, #tpu.memory_space<vmem>>)
        tpu.yield
      }) : () -> ()
      %mul3A_37 = arith.constant 128 : i32
      %mul3A_38 = arith.muli %while3A_33, %mul3A_37 : i32
      %add3A_39 = arith.addi %mul3A_10, %mul3A_38 : i32
      "tpu.region"() ({
        %run_scoped3A_40 = tpu.sem_alloc : memref<!tpu.dma_semaphore, #tpu.memory_space<semaphore_mem>>
        %dma_start3A = arith.constant 0 : i32
        %dma_start3A_41 = tpu.memref_slice %arg2[%add3A_39, %dma_start3A] : memref<163840x128xf32, #tpu.memory_space<hbm>> -> memref<128x32xf32, #tpu.memory_space<hbm>>
        %dma_start3A_42 = arith.constant 0 : i32
        %dma_start3A_43 = tpu.memref_slice %arg2[%add3A_39, %dma_start3A_42] : memref<163840x128xf32, #tpu.memory_space<hbm>> -> memref<128x32xf32, #tpu.memory_space<hbm>>
        tpu.enqueue_dma source(%dma_start3A_43 : memref<128x32xf32, #tpu.memory_space<hbm>>) target(%arg8 : memref<128x32xf32, #tpu.memory_space<vmem>>) target_semaphore(%run_scoped3A_40 : memref<!tpu.dma_semaphore, #tpu.memory_space<semaphore_mem>>)
        %dma_wait3A = arith.constant 0 : i32
        %dma_wait3A_44 = tpu.memref_slice %arg2[%add3A_39, %dma_wait3A] : memref<163840x128xf32, #tpu.memory_space<hbm>> -> memref<128x32xf32, #tpu.memory_space<hbm>>
        %dma_wait3A_45 = arith.constant 0 : i32
        %dma_wait3A_46 = tpu.memref_slice %arg2[%add3A_39, %dma_wait3A_45] : memref<163840x128xf32, #tpu.memory_space<hbm>> -> memref<128x32xf32, #tpu.memory_space<hbm>>
        tpu.wait_dma2 semaphore(%run_scoped3A_40 : memref<!tpu.dma_semaphore, #tpu.memory_space<semaphore_mem>>) src(%dma_wait3A_46 : memref<128x32xf32, #tpu.memory_space<hbm>>) dst(%arg8 : memref<128x32xf32, #tpu.memory_space<vmem>>)
        tpu.yield
      }) : () -> ()
      "tpu.region"() ({
        %run_scoped3A_40 = tpu.sem_alloc : memref<!tpu.dma_semaphore, #tpu.memory_space<semaphore_mem>>
        %dma_start3A = arith.constant 0 : i32
        %dma_start3A_41 = tpu.memref_slice %arg7[%while3A_33, %dma_start3A] : memref<40x128xi32, #tpu.memory_space<vmem>> -> memref<1x128xi32, #tpu.memory_space<vmem>>
        %dma_start3A_42 = tpu.memref_squeeze %dma_start3A_41 : memref<1x128xi32, #tpu.memory_space<vmem>> -> memref<128xi32, #tpu.memory_space<vmem>>
        %dma_start3A_43 = arith.constant 0 : i32
        %dma_start3A_44 = arith.constant 0 : i32
        %dma_start3A_45 = tpu.memref_slice %arg10[%dma_start3A_43, %dma_start3A_44] : memref<10000x32xf32, #tpu.memory_space<vmem_shared>> -> memref<10000x32xf32, #tpu.memory_space<vmem_shared>>
        tpu.enqueue_indirect_dma source(%arg8 : memref<128x32xf32, #tpu.memory_space<vmem>>) target(%dma_start3A_45 : memref<10000x32xf32, #tpu.memory_space<vmem_shared>>) offsets(%dma_start3A_42 : memref<128xi32, #tpu.memory_space<vmem>>) semaphore(%run_scoped3A_40 : memref<!tpu.dma_semaphore, #tpu.memory_space<semaphore_mem>>) {add = true}
        %dma_wait3A = arith.constant 0 : i32
        %dma_wait3A_46 = tpu.memref_slice %arg7[%while3A_33, %dma_wait3A] : memref<40x128xi32, #tpu.memory_space<vmem>> -> memref<1x128xi32, #tpu.memory_space<vmem>>
        %dma_wait3A_47 = tpu.memref_squeeze %dma_wait3A_46 : memref<1x128xi32, #tpu.memory_space<vmem>> -> memref<128xi32, #tpu.memory_space<vmem>>
        %dma_wait3A_48 = arith.constant 0 : i32
        %dma_wait3A_49 = arith.constant 0 : i32
        %dma_wait3A_50 = tpu.memref_slice %arg10[%dma_wait3A_48, %dma_wait3A_49] : memref<10000x32xf32, #tpu.memory_space<vmem_shared>> -> memref<10000x32xf32, #tpu.memory_space<vmem_shared>>
        tpu.wait_indirect_dma semaphore(%run_scoped3A_40 : memref<!tpu.dma_semaphore, #tpu.memory_space<semaphore_mem>>) src(%arg8 : memref<128x32xf32, #tpu.memory_space<vmem>>) dst(%dma_wait3A_50 : memref<10000x32xf32, #tpu.memory_space<vmem_shared>>)
        tpu.yield
      }) : () -> ()
      "tpu.region"() ({
        %run_scoped3A_40 = tpu.sem_alloc : memref<!tpu.dma_semaphore, #tpu.memory_space<semaphore_mem>>
        %dma_start3A = arith.constant 0 : i32
        %dma_start3A_41 = tpu.memref_slice %arg7[%while3A_33, %dma_start3A] : memref<40x128xi32, #tpu.memory_space<vmem>> -> memref<1x128xi32, #tpu.memory_space<vmem>>
        %dma_start3A_42 = tpu.memref_squeeze %dma_start3A_41 : memref<1x128xi32, #tpu.memory_space<vmem>> -> memref<128xi32, #tpu.memory_space<vmem>>
        %dma_start3A_43 = arith.constant 0 : i32
        %dma_start3A_44 = arith.constant 0 : i32
        %dma_start3A_45 = tpu.memref_slice %arg11[%dma_start3A_43, %dma_start3A_44] : memref<10000x32xf32, #tpu.memory_space<vmem_shared>> -> memref<10000x32xf32, #tpu.memory_space<vmem_shared>>
        tpu.enqueue_indirect_dma source(%arg9 : memref<128x32xf32, #tpu.memory_space<vmem>>) target(%dma_start3A_45 : memref<10000x32xf32, #tpu.memory_space<vmem_shared>>) offsets(%dma_start3A_42 : memref<128xi32, #tpu.memory_space<vmem>>) semaphore(%run_scoped3A_40 : memref<!tpu.dma_semaphore, #tpu.memory_space<semaphore_mem>>) {add = true}
        %dma_wait3A = arith.constant 0 : i32
        %dma_wait3A_46 = tpu.memref_slice %arg7[%while3A_33, %dma_wait3A] : memref<40x128xi32, #tpu.memory_space<vmem>> -> memref<1x128xi32, #tpu.memory_space<vmem>>
        %dma_wait3A_47 = tpu.memref_squeeze %dma_wait3A_46 : memref<1x128xi32, #tpu.memory_space<vmem>> -> memref<128xi32, #tpu.memory_space<vmem>>
        %dma_wait3A_48 = arith.constant 0 : i32
        %dma_wait3A_49 = arith.constant 0 : i32
        %dma_wait3A_50 = tpu.memref_slice %arg11[%dma_wait3A_48, %dma_wait3A_49] : memref<10000x32xf32, #tpu.memory_space<vmem_shared>> -> memref<10000x32xf32, #tpu.memory_space<vmem_shared>>
        tpu.wait_indirect_dma semaphore(%run_scoped3A_40 : memref<!tpu.dma_semaphore, #tpu.memory_space<semaphore_mem>>) src(%arg9 : memref<128x32xf32, #tpu.memory_space<vmem>>) dst(%dma_wait3A_50 : memref<10000x32xf32, #tpu.memory_space<vmem_shared>>)
        tpu.yield
      }) : () -> ()
    }
    %barrier3A_24 = arith.constant 0 : index
    tpu.barrier barrier_id(%barrier3A_24)
    %mul3A_25 = arith.constant 625 : i32
    %mul3A_26 = arith.muli %arg1, %mul3A_25 : i32
    %mul3A_27 = arith.constant 625 : i32
    %mul3A_28 = arith.muli %arg1, %mul3A_27 : i32
    "tpu.region"() ({
      %run_scoped3A = tpu.sem_alloc : memref<!tpu.dma_semaphore, #tpu.memory_space<semaphore_mem>>
      %dma_start3A = arith.constant 0 : i32
      %dma_start3A_33 = tpu.memref_slice %arg6[%arg0, %mul3A_28, %dma_start3A] : memref<2x10000x128xf32, #tpu.memory_space<hbm>> -> memref<1x625x32xf32, #tpu.memory_space<hbm>>
      %dma_start3A_34 = tpu.memref_squeeze %dma_start3A_33 : memref<1x625x32xf32, #tpu.memory_space<hbm>> -> memref<625x32xf32, #tpu.memory_space<hbm>>
      %dma_start3A_35 = arith.constant 0 : i32
      %dma_start3A_36 = tpu.memref_slice %arg10[%mul3A_26, %dma_start3A_35] : memref<10000x32xf32, #tpu.memory_space<vmem_shared>> -> memref<625x32xf32, #tpu.memory_space<vmem_shared>>
      tpu.enqueue_dma source(%dma_start3A_36 : memref<625x32xf32, #tpu.memory_space<vmem_shared>>) target(%dma_start3A_34 : memref<625x32xf32, #tpu.memory_space<hbm>>) target_semaphore(%run_scoped3A : memref<!tpu.dma_semaphore, #tpu.memory_space<semaphore_mem>>)
      %dma_wait3A = arith.constant 0 : i32
      %dma_wait3A_37 = tpu.memref_slice %arg6[%arg0, %mul3A_28, %dma_wait3A] : memref<2x10000x128xf32, #tpu.memory_space<hbm>> -> memref<1x625x32xf32, #tpu.memory_space<hbm>>
      %dma_wait3A_38 = tpu.memref_squeeze %dma_wait3A_37 : memref<1x625x32xf32, #tpu.memory_space<hbm>> -> memref<625x32xf32, #tpu.memory_space<hbm>>
      %dma_wait3A_39 = arith.constant 0 : i32
      %dma_wait3A_40 = tpu.memref_slice %arg10[%mul3A_26, %dma_wait3A_39] : memref<10000x32xf32, #tpu.memory_space<vmem_shared>> -> memref<625x32xf32, #tpu.memory_space<vmem_shared>>
      tpu.wait_dma2 semaphore(%run_scoped3A : memref<!tpu.dma_semaphore, #tpu.memory_space<semaphore_mem>>) src(%dma_wait3A_40 : memref<625x32xf32, #tpu.memory_space<vmem_shared>>) dst(%dma_wait3A_38 : memref<625x32xf32, #tpu.memory_space<hbm>>)
      tpu.yield
    }) : () -> ()
    %mul3A_29 = arith.constant 625 : i32
    %mul3A_30 = arith.muli %arg1, %mul3A_29 : i32
    %mul3A_31 = arith.constant 625 : i32
    %mul3A_32 = arith.muli %arg1, %mul3A_31 : i32
    "tpu.region"() ({
      %run_scoped3A = tpu.sem_alloc : memref<!tpu.dma_semaphore, #tpu.memory_space<semaphore_mem>>
      %dma_start3A = arith.constant 32 : i32
      %dma_start3A_33 = tpu.memref_slice %arg6[%arg0, %mul3A_32, %dma_start3A] : memref<2x10000x128xf32, #tpu.memory_space<hbm>> -> memref<1x625x32xf32, #tpu.memory_space<hbm>>
      %dma_start3A_34 = tpu.memref_squeeze %dma_start3A_33 : memref<1x625x32xf32, #tpu.memory_space<hbm>> -> memref<625x32xf32, #tpu.memory_space<hbm>>
      %dma_start3A_35 = arith.constant 0 : i32
      %dma_start3A_36 = tpu.memref_slice %arg11[%mul3A_30, %dma_start3A_35] : memref<10000x32xf32, #tpu.memory_space<vmem_shared>> -> memref<625x32xf32, #tpu.memory_space<vmem_shared>>
      tpu.enqueue_dma source(%dma_start3A_36 : memref<625x32xf32, #tpu.memory_space<vmem_shared>>) target(%dma_start3A_34 : memref<625x32xf32, #tpu.memory_space<hbm>>) target_semaphore(%run_scoped3A : memref<!tpu.dma_semaphore, #tpu.memory_space<semaphore_mem>>)
      %dma_wait3A = arith.constant 32 : i32
      %dma_wait3A_37 = tpu.memref_slice %arg6[%arg0, %mul3A_32, %dma_wait3A] : memref<2x10000x128xf32, #tpu.memory_space<hbm>> -> memref<1x625x32xf32, #tpu.memory_space<hbm>>
      %dma_wait3A_38 = tpu.memref_squeeze %dma_wait3A_37 : memref<1x625x32xf32, #tpu.memory_space<hbm>> -> memref<625x32xf32, #tpu.memory_space<hbm>>
      %dma_wait3A_39 = arith.constant 0 : i32
      %dma_wait3A_40 = tpu.memref_slice %arg11[%mul3A_30, %dma_wait3A_39] : memref<10000x32xf32, #tpu.memory_space<vmem_shared>> -> memref<625x32xf32, #tpu.memory_space<vmem_shared>>
      tpu.wait_dma2 semaphore(%run_scoped3A : memref<!tpu.dma_semaphore, #tpu.memory_space<semaphore_mem>>) src(%dma_wait3A_40 : memref<625x32xf32, #tpu.memory_space<vmem_shared>>) dst(%dma_wait3A_38 : memref<625x32xf32, #tpu.memory_space<hbm>>)
      tpu.yield
    }) : () -> ()
    return
  }
}

#map = affine_map<(d0, d1) -> (0, 0)>
#map1 = affine_map<(d0, d1) -> (0, 0, 0)>
module attributes {stable_mosaic.version = 14 : i64} {
  func.func @body(%arg0: i32, %arg1: i32, %arg2: memref<163840x128xf32, #tpu.memory_space<hbm>>, %arg3: memref<2x160000xi32, #tpu.memory_space<hbm>>, %arg4: memref<10000x32xf32, #tpu.memory_space<hbm>>, %arg5: memref<128x32xf32, #tpu.memory_space<hbm>>, %arg6: memref<2x10000x128xf32, #tpu.memory_space<hbm>>, %arg7: memref<40x128xi32, #tpu.memory_space<vmem>>, %arg8: memref<128x32xf32, #tpu.memory_space<vmem>>, %arg9: memref<128x32xf32, #tpu.memory_space<vmem>>, %arg10: memref<10000x32xf32, #tpu.memory_space<vmem_shared>>, %arg11: memref<10000x32xf32, #tpu.memory_space<vmem_shared>>) attributes {dimension_semantics = [#tpu.dimension_semantics<core_parallel>, #tpu.dimension_semantics<subcore_parallel>], iteration_bounds = array<i64: 2, 16>, scalar_prefetch = 0 : i64, scratch_operands = 5 : i64, tpu.core_type = #tpu.core_type<sc_vector_subcore>, window_params = [{transform_indices = #map}, {transform_indices = #map}, {transform_indices = #map}, {transform_indices = #map}, {transform_indices = #map1}]} {
    %mul3A = arith.constant 2 : i32
    %mul3A_0 = arith.muli %arg1, %mul3A : i32
    %add3A = arith.addi %mul3A_0, %arg0 : i32
    %mul3A_1 = arith.constant 625 : i32
    %mul3A_2 = arith.muli %arg1, %mul3A_1 : i32
    %mul3A_3 = arith.constant 625 : i32
    %mul3A_4 = arith.muli %arg1, %mul3A_3 : i32
    "tpu.region"() ({
      %run_scoped3A = tpu.sem_alloc : memref<!tpu.dma_semaphore, #tpu.memory_space<semaphore_mem>>
      %dma_start3A = arith.constant 0 : i32
      %dma_start3A_33 = tpu.memref_slice %arg10[%mul3A_4, %dma_start3A] : memref<10000x32xf32, #tpu.memory_space<vmem_shared>> -> memref<625x32xf32, #tpu.memory_space<vmem_shared>>
      %dma_start3A_34 = arith.constant 0 : i32
      %dma_start3A_35 = tpu.memref_slice %arg4[%mul3A_2, %dma_start3A_34] : memref<10000x32xf32, #tpu.memory_space<hbm>> -> memref<625x32xf32, #tpu.memory_space<hbm>>
      tpu.enqueue_dma source(%dma_start3A_35 : memref<625x32xf32, #tpu.memory_space<hbm>>) target(%dma_start3A_33 : memref<625x32xf32, #tpu.memory_space<vmem_shared>>) target_semaphore(%run_scoped3A : memref<!tpu.dma_semaphore, #tpu.memory_space<semaphore_mem>>)
      %dma_wait3A = arith.constant 0 : i32
      %dma_wait3A_36 = tpu.memref_slice %arg10[%mul3A_4, %dma_wait3A] : memref<10000x32xf32, #tpu.memory_space<vmem_shared>> -> memref<625x32xf32, #tpu.memory_space<vmem_shared>>
      %dma_wait3A_37 = arith.constant 0 : i32
      %dma_wait3A_38 = tpu.memref_slice %arg4[%mul3A_2, %dma_wait3A_37] : memref<10000x32xf32, #tpu.memory_space<hbm>> -> memref<625x32xf32, #tpu.memory_space<hbm>>
      tpu.wait_dma2 semaphore(%run_scoped3A : memref<!tpu.dma_semaphore, #tpu.memory_space<semaphore_mem>>) src(%dma_wait3A_38 : memref<625x32xf32, #tpu.memory_space<hbm>>) dst(%dma_wait3A_36 : memref<625x32xf32, #tpu.memory_space<vmem_shared>>)
      tpu.yield
    }) : () -> ()
    %mul3A_5 = arith.constant 625 : i32
    %mul3A_6 = arith.muli %arg1, %mul3A_5 : i32
    %mul3A_7 = arith.constant 625 : i32
    %mul3A_8 = arith.muli %arg1, %mul3A_7 : i32
    "tpu.region"() ({
      %run_scoped3A = tpu.sem_alloc : memref<!tpu.dma_semaphore, #tpu.memory_space<semaphore_mem>>
      %dma_start3A = arith.constant 0 : i32
      %dma_start3A_33 = tpu.memref_slice %arg11[%mul3A_8, %dma_start3A] : memref<10000x32xf32, #tpu.memory_space<vmem_shared>> -> memref<625x32xf32, #tpu.memory_space<vmem_shared>>
      %dma_start3A_34 = arith.constant 0 : i32
      %dma_start3A_35 = tpu.memref_slice %arg4[%mul3A_6, %dma_start3A_34] : memref<10000x32xf32, #tpu.memory_space<hbm>> -> memref<625x32xf32, #tpu.memory_space<hbm>>
      tpu.enqueue_dma source(%dma_start3A_35 : memref<625x32xf32, #tpu.memory_space<hbm>>) target(%dma_start3A_33 : memref<625x32xf32, #tpu.memory_space<vmem_shared>>) target_semaphore(%run_scoped3A : memref<!tpu.dma_semaphore, #tpu.memory_space<semaphore_mem>>)
      %dma_wait3A = arith.constant 0 : i32
      %dma_wait3A_36 = tpu.memref_slice %arg11[%mul3A_8, %dma_wait3A] : memref<10000x32xf32, #tpu.memory_space<vmem_shared>> -> memref<625x32xf32, #tpu.memory_space<vmem_shared>>
      %dma_wait3A_37 = arith.constant 0 : i32
      %dma_wait3A_38 = tpu.memref_slice %arg4[%mul3A_6, %dma_wait3A_37] : memref<10000x32xf32, #tpu.memory_space<hbm>> -> memref<625x32xf32, #tpu.memory_space<hbm>>
      tpu.wait_dma2 semaphore(%run_scoped3A : memref<!tpu.dma_semaphore, #tpu.memory_space<semaphore_mem>>) src(%dma_wait3A_38 : memref<625x32xf32, #tpu.memory_space<hbm>>) dst(%dma_wait3A_36 : memref<625x32xf32, #tpu.memory_space<vmem_shared>>)
      tpu.yield
    }) : () -> ()
    "tpu.region"() ({
      %run_scoped3A = tpu.sem_alloc : memref<!tpu.dma_semaphore, #tpu.memory_space<semaphore_mem>>
      tpu.enqueue_dma source(%arg5 : memref<128x32xf32, #tpu.memory_space<hbm>>) target(%arg9 : memref<128x32xf32, #tpu.memory_space<vmem>>) target_semaphore(%run_scoped3A : memref<!tpu.dma_semaphore, #tpu.memory_space<semaphore_mem>>)
      tpu.wait_dma2 semaphore(%run_scoped3A : memref<!tpu.dma_semaphore, #tpu.memory_space<semaphore_mem>>) src(%arg5 : memref<128x32xf32, #tpu.memory_space<hbm>>) dst(%arg9 : memref<128x32xf32, #tpu.memory_space<vmem>>)
      tpu.yield
    }) : () -> ()
    %barrier3A = arith.constant 0 : index
    tpu.barrier barrier_id(%barrier3A)
    %mul3A_9 = arith.constant 5120 : i32
    %mul3A_10 = arith.muli %add3A, %mul3A_9 : i32
    %eq3A = arith.constant 31 : i32
    %eq3A_11 = arith.cmpi eq, %add3A, %eq3A : i32
    %jit3A = arith.constant 10 : i32
    %jit3A_12 = arith.constant 40 : i32
    %select_n3A = arith.select %eq3A_11, %jit3A, %jit3A_12 : i32
    %min3A = arith.constant 20 : i32
    %min3A_13 = arith.minsi %select_n3A, %min3A : i32
    %max3A = arith.constant 0 : i32
    %max3A_14 = arith.maxsi %min3A_13, %max3A : i32
    %while3A = arith.constant 0 : i32
    %while3A_15 = arith.constant 0 : i32
    %while3A_16 = arith.subi %max3A_14, %while3A_15 : i32
    %while3A_17 = arith.addi %while3A_15, %while3A_16 : i32
    %while3A_18 = arith.constant 1 : i32
    %while3A_19 = arith.divsi %while3A_16, %while3A_18 : i32
    %while3A_20 = arith.muli %while3A_19, %while3A_18 : i32
    %while3A_21 = arith.addi %while3A_15, %while3A_20 : i32
    %while3A_22 = arith.constant 1 : i32
    scf.for %while3A_33 = %while3A_15 to %while3A_21 step %while3A_22  : i32 {
      %mul3A_34 = arith.constant 128 : i32
      %mul3A_35 = arith.muli %while3A_33, %mul3A_34 : i32
      %add3A_36 = arith.addi %mul3A_10, %mul3A_35 : i32
      %run_scoped3A = arith.constant 1 : i32
      "tpu.region"() ({
        %run_scoped3A_40 = tpu.sem_alloc : memref<!tpu.dma_semaphore, #tpu.memory_space<semaphore_mem>>
        %dma_start3A = arith.constant 0 : i32
        %dma_start3A_41 = tpu.memref_slice %arg7[%while3A_33, %dma_start3A] : memref<40x128xi32, #tpu.memory_space<vmem>> -> memref<1x128xi32, #tpu.memory_space<vmem>>
        %dma_start3A_42 = tpu.memref_squeeze %dma_start3A_41 : memref<1x128xi32, #tpu.memory_space<vmem>> -> memref<128xi32, #tpu.memory_space<vmem>>
        %dma_start3A_43 = tpu.memref_slice %arg3[%run_scoped3A, %add3A_36] : memref<2x160000xi32, #tpu.memory_space<hbm>> -> memref<1x128xi32, #tpu.memory_space<hbm>>
        %dma_start3A_44 = tpu.memref_squeeze %dma_start3A_43 : memref<1x128xi32, #tpu.memory_space<hbm>> -> memref<128xi32, #tpu.memory_space<hbm>>
        %dma_start3A_45 = arith.constant 0 : i32
        %dma_start3A_46 = tpu.memref_slice %arg7[%while3A_33, %dma_start3A_45] : memref<40x128xi32, #tpu.memory_space<vmem>> -> memref<1x128xi32, #tpu.memory_space<vmem>>
        %dma_start3A_47 = tpu.memref_squeeze %dma_start3A_46 : memref<1x128xi32, #tpu.memory_space<vmem>> -> memref<128xi32, #tpu.memory_space<vmem>>
        %dma_start3A_48 = tpu.memref_slice %arg3[%run_scoped3A, %add3A_36] : memref<2x160000xi32, #tpu.memory_space<hbm>> -> memref<1x128xi32, #tpu.memory_space<hbm>>
        %dma_start3A_49 = tpu.memref_squeeze %dma_start3A_48 : memref<1x128xi32, #tpu.memory_space<hbm>> -> memref<128xi32, #tpu.memory_space<hbm>>
        tpu.enqueue_dma source(%dma_start3A_49 : memref<128xi32, #tpu.memory_space<hbm>>) target(%dma_start3A_47 : memref<128xi32, #tpu.memory_space<vmem>>) target_semaphore(%run_scoped3A_40 : memref<!tpu.dma_semaphore, #tpu.memory_space<semaphore_mem>>)
        %dma_wait3A = arith.constant 0 : i32
        %dma_wait3A_50 = tpu.memref_slice %arg7[%while3A_33, %dma_wait3A] : memref<40x128xi32, #tpu.memory_space<vmem>> -> memref<1x128xi32, #tpu.memory_space<vmem>>
        %dma_wait3A_51 = tpu.memref_squeeze %dma_wait3A_50 : memref<1x128xi32, #tpu.memory_space<vmem>> -> memref<128xi32, #tpu.memory_space<vmem>>
        %dma_wait3A_52 = tpu.memref_slice %arg3[%run_scoped3A, %add3A_36] : memref<2x160000xi32, #tpu.memory_space<hbm>> -> memref<1x128xi32, #tpu.memory_space<hbm>>
        %dma_wait3A_53 = tpu.memref_squeeze %dma_wait3A_52 : memref<1x128xi32, #tpu.memory_space<hbm>> -> memref<128xi32, #tpu.memory_space<hbm>>
        %dma_wait3A_54 = arith.constant 0 : i32
        %dma_wait3A_55 = tpu.memref_slice %arg7[%while3A_33, %dma_wait3A_54] : memref<40x128xi32, #tpu.memory_space<vmem>> -> memref<1x128xi32, #tpu.memory_space<vmem>>
        %dma_wait3A_56 = tpu.memref_squeeze %dma_wait3A_55 : memref<1x128xi32, #tpu.memory_space<vmem>> -> memref<128xi32, #tpu.memory_space<vmem>>
        %dma_wait3A_57 = tpu.memref_slice %arg3[%run_scoped3A, %add3A_36] : memref<2x160000xi32, #tpu.memory_space<hbm>> -> memref<1x128xi32, #tpu.memory_space<hbm>>
        %dma_wait3A_58 = tpu.memref_squeeze %dma_wait3A_57 : memref<1x128xi32, #tpu.memory_space<hbm>> -> memref<128xi32, #tpu.memory_space<hbm>>
        tpu.wait_dma2 semaphore(%run_scoped3A_40 : memref<!tpu.dma_semaphore, #tpu.memory_space<semaphore_mem>>) src(%dma_wait3A_58 : memref<128xi32, #tpu.memory_space<hbm>>) dst(%dma_wait3A_56 : memref<128xi32, #tpu.memory_space<vmem>>)
        tpu.yield
      }) : () -> ()
      %mul3A_37 = arith.constant 128 : i32
      %mul3A_38 = arith.muli %while3A_33, %mul3A_37 : i32
      %add3A_39 = arith.addi %mul3A_10, %mul3A_38 : i32
      "tpu.region"() ({
        %run_scoped3A_40 = tpu.sem_alloc : memref<!tpu.dma_semaphore, #tpu.memory_space<semaphore_mem>>
        %dma_start3A = arith.constant 0 : i32
        %dma_start3A_41 = tpu.memref_slice %arg2[%add3A_39, %dma_start3A] : memref<163840x128xf32, #tpu.memory_space<hbm>> -> memref<128x32xf32, #tpu.memory_space<hbm>>
        %dma_start3A_42 = arith.constant 0 : i32
        %dma_start3A_43 = tpu.memref_slice %arg2[%add3A_39, %dma_start3A_42] : memref<163840x128xf32, #tpu.memory_space<hbm>> -> memref<128x32xf32, #tpu.memory_space<hbm>>
        tpu.enqueue_dma source(%dma_start3A_43 : memref<128x32xf32, #tpu.memory_space<hbm>>) target(%arg8 : memref<128x32xf32, #tpu.memory_space<vmem>>) target_semaphore(%run_scoped3A_40 : memref<!tpu.dma_semaphore, #tpu.memory_space<semaphore_mem>>)
        %dma_wait3A = arith.constant 0 : i32
        %dma_wait3A_44 = tpu.memref_slice %arg2[%add3A_39, %dma_wait3A] : memref<163840x128xf32, #tpu.memory_space<hbm>> -> memref<128x32xf32, #tpu.memory_space<hbm>>
        %dma_wait3A_45 = arith.constant 0 : i32
        %dma_wait3A_46 = tpu.memref_slice %arg2[%add3A_39, %dma_wait3A_45] : memref<163840x128xf32, #tpu.memory_space<hbm>> -> memref<128x32xf32, #tpu.memory_space<hbm>>
        tpu.wait_dma2 semaphore(%run_scoped3A_40 : memref<!tpu.dma_semaphore, #tpu.memory_space<semaphore_mem>>) src(%dma_wait3A_46 : memref<128x32xf32, #tpu.memory_space<hbm>>) dst(%arg8 : memref<128x32xf32, #tpu.memory_space<vmem>>)
        tpu.yield
      }) : () -> ()
      "tpu.region"() ({
        %run_scoped3A_40 = tpu.sem_alloc : memref<!tpu.dma_semaphore, #tpu.memory_space<semaphore_mem>>
        %dma_start3A = arith.constant 0 : i32
        %dma_start3A_41 = tpu.memref_slice %arg7[%while3A_33, %dma_start3A] : memref<40x128xi32, #tpu.memory_space<vmem>> -> memref<1x128xi32, #tpu.memory_space<vmem>>
        %dma_start3A_42 = tpu.memref_squeeze %dma_start3A_41 : memref<1x128xi32, #tpu.memory_space<vmem>> -> memref<128xi32, #tpu.memory_space<vmem>>
        %dma_start3A_43 = arith.constant 0 : i32
        %dma_start3A_44 = arith.constant 0 : i32
        %dma_start3A_45 = tpu.memref_slice %arg10[%dma_start3A_43, %dma_start3A_44] : memref<10000x32xf32, #tpu.memory_space<vmem_shared>> -> memref<10000x32xf32, #tpu.memory_space<vmem_shared>>
        tpu.enqueue_indirect_dma source(%arg8 : memref<128x32xf32, #tpu.memory_space<vmem>>) target(%dma_start3A_45 : memref<10000x32xf32, #tpu.memory_space<vmem_shared>>) offsets(%dma_start3A_42 : memref<128xi32, #tpu.memory_space<vmem>>) semaphore(%run_scoped3A_40 : memref<!tpu.dma_semaphore, #tpu.memory_space<semaphore_mem>>) {add = true}
        %dma_wait3A = arith.constant 0 : i32
        %dma_wait3A_46 = tpu.memref_slice %arg7[%while3A_33, %dma_wait3A] : memref<40x128xi32, #tpu.memory_space<vmem>> -> memref<1x128xi32, #tpu.memory_space<vmem>>
        %dma_wait3A_47 = tpu.memref_squeeze %dma_wait3A_46 : memref<1x128xi32, #tpu.memory_space<vmem>> -> memref<128xi32, #tpu.memory_space<vmem>>
        %dma_wait3A_48 = arith.constant 0 : i32
        %dma_wait3A_49 = arith.constant 0 : i32
        %dma_wait3A_50 = tpu.memref_slice %arg10[%dma_wait3A_48, %dma_wait3A_49] : memref<10000x32xf32, #tpu.memory_space<vmem_shared>> -> memref<10000x32xf32, #tpu.memory_space<vmem_shared>>
        tpu.wait_indirect_dma semaphore(%run_scoped3A_40 : memref<!tpu.dma_semaphore, #tpu.memory_space<semaphore_mem>>) src(%arg8 : memref<128x32xf32, #tpu.memory_space<vmem>>) dst(%dma_wait3A_50 : memref<10000x32xf32, #tpu.memory_space<vmem_shared>>)
        tpu.yield
      }) : () -> ()
      "tpu.region"() ({
        %run_scoped3A_40 = tpu.sem_alloc : memref<!tpu.dma_semaphore, #tpu.memory_space<semaphore_mem>>
        %dma_start3A = arith.constant 0 : i32
        %dma_start3A_41 = tpu.memref_slice %arg7[%while3A_33, %dma_start3A] : memref<40x128xi32, #tpu.memory_space<vmem>> -> memref<1x128xi32, #tpu.memory_space<vmem>>
        %dma_start3A_42 = tpu.memref_squeeze %dma_start3A_41 : memref<1x128xi32, #tpu.memory_space<vmem>> -> memref<128xi32, #tpu.memory_space<vmem>>
        %dma_start3A_43 = arith.constant 0 : i32
        %dma_start3A_44 = arith.constant 0 : i32
        %dma_start3A_45 = tpu.memref_slice %arg11[%dma_start3A_43, %dma_start3A_44] : memref<10000x32xf32, #tpu.memory_space<vmem_shared>> -> memref<10000x32xf32, #tpu.memory_space<vmem_shared>>
        tpu.enqueue_indirect_dma source(%arg9 : memref<128x32xf32, #tpu.memory_space<vmem>>) target(%dma_start3A_45 : memref<10000x32xf32, #tpu.memory_space<vmem_shared>>) offsets(%dma_start3A_42 : memref<128xi32, #tpu.memory_space<vmem>>) semaphore(%run_scoped3A_40 : memref<!tpu.dma_semaphore, #tpu.memory_space<semaphore_mem>>) {add = true}
        %dma_wait3A = arith.constant 0 : i32
        %dma_wait3A_46 = tpu.memref_slice %arg7[%while3A_33, %dma_wait3A] : memref<40x128xi32, #tpu.memory_space<vmem>> -> memref<1x128xi32, #tpu.memory_space<vmem>>
        %dma_wait3A_47 = tpu.memref_squeeze %dma_wait3A_46 : memref<1x128xi32, #tpu.memory_space<vmem>> -> memref<128xi32, #tpu.memory_space<vmem>>
        %dma_wait3A_48 = arith.constant 0 : i32
        %dma_wait3A_49 = arith.constant 0 : i32
        %dma_wait3A_50 = tpu.memref_slice %arg11[%dma_wait3A_48, %dma_wait3A_49] : memref<10000x32xf32, #tpu.memory_space<vmem_shared>> -> memref<10000x32xf32, #tpu.memory_space<vmem_shared>>
        tpu.wait_indirect_dma semaphore(%run_scoped3A_40 : memref<!tpu.dma_semaphore, #tpu.memory_space<semaphore_mem>>) src(%arg9 : memref<128x32xf32, #tpu.memory_space<vmem>>) dst(%dma_wait3A_50 : memref<10000x32xf32, #tpu.memory_space<vmem_shared>>)
        tpu.yield
      }) : () -> ()
    }
    %while3A_23 = arith.constant 1 : i32
    scf.for %while3A_33 = %while3A_21 to %while3A_17 step %while3A_23  : i32 {
      %mul3A_34 = arith.constant 128 : i32
      %mul3A_35 = arith.muli %while3A_33, %mul3A_34 : i32
      %add3A_36 = arith.addi %mul3A_10, %mul3A_35 : i32
      %run_scoped3A = arith.constant 1 : i32
      "tpu.region"() ({
        %run_scoped3A_40 = tpu.sem_alloc : memref<!tpu.dma_semaphore, #tpu.memory_space<semaphore_mem>>
        %dma_start3A = arith.constant 0 : i32
        %dma_start3A_41 = tpu.memref_slice %arg7[%while3A_33, %dma_start3A] : memref<40x128xi32, #tpu.memory_space<vmem>> -> memref<1x128xi32, #tpu.memory_space<vmem>>
        %dma_start3A_42 = tpu.memref_squeeze %dma_start3A_41 : memref<1x128xi32, #tpu.memory_space<vmem>> -> memref<128xi32, #tpu.memory_space<vmem>>
        %dma_start3A_43 = tpu.memref_slice %arg3[%run_scoped3A, %add3A_36] : memref<2x160000xi32, #tpu.memory_space<hbm>> -> memref<1x128xi32, #tpu.memory_space<hbm>>
        %dma_start3A_44 = tpu.memref_squeeze %dma_start3A_43 : memref<1x128xi32, #tpu.memory_space<hbm>> -> memref<128xi32, #tpu.memory_space<hbm>>
        %dma_start3A_45 = arith.constant 0 : i32
        %dma_start3A_46 = tpu.memref_slice %arg7[%while3A_33, %dma_start3A_45] : memref<40x128xi32, #tpu.memory_space<vmem>> -> memref<1x128xi32, #tpu.memory_space<vmem>>
        %dma_start3A_47 = tpu.memref_squeeze %dma_start3A_46 : memref<1x128xi32, #tpu.memory_space<vmem>> -> memref<128xi32, #tpu.memory_space<vmem>>
        %dma_start3A_48 = tpu.memref_slice %arg3[%run_scoped3A, %add3A_36] : memref<2x160000xi32, #tpu.memory_space<hbm>> -> memref<1x128xi32, #tpu.memory_space<hbm>>
        %dma_start3A_49 = tpu.memref_squeeze %dma_start3A_48 : memref<1x128xi32, #tpu.memory_space<hbm>> -> memref<128xi32, #tpu.memory_space<hbm>>
        tpu.enqueue_dma source(%dma_start3A_49 : memref<128xi32, #tpu.memory_space<hbm>>) target(%dma_start3A_47 : memref<128xi32, #tpu.memory_space<vmem>>) target_semaphore(%run_scoped3A_40 : memref<!tpu.dma_semaphore, #tpu.memory_space<semaphore_mem>>)
        %dma_wait3A = arith.constant 0 : i32
        %dma_wait3A_50 = tpu.memref_slice %arg7[%while3A_33, %dma_wait3A] : memref<40x128xi32, #tpu.memory_space<vmem>> -> memref<1x128xi32, #tpu.memory_space<vmem>>
        %dma_wait3A_51 = tpu.memref_squeeze %dma_wait3A_50 : memref<1x128xi32, #tpu.memory_space<vmem>> -> memref<128xi32, #tpu.memory_space<vmem>>
        %dma_wait3A_52 = tpu.memref_slice %arg3[%run_scoped3A, %add3A_36] : memref<2x160000xi32, #tpu.memory_space<hbm>> -> memref<1x128xi32, #tpu.memory_space<hbm>>
        %dma_wait3A_53 = tpu.memref_squeeze %dma_wait3A_52 : memref<1x128xi32, #tpu.memory_space<hbm>> -> memref<128xi32, #tpu.memory_space<hbm>>
        %dma_wait3A_54 = arith.constant 0 : i32
        %dma_wait3A_55 = tpu.memref_slice %arg7[%while3A_33, %dma_wait3A_54] : memref<40x128xi32, #tpu.memory_space<vmem>> -> memref<1x128xi32, #tpu.memory_space<vmem>>
        %dma_wait3A_56 = tpu.memref_squeeze %dma_wait3A_55 : memref<1x128xi32, #tpu.memory_space<vmem>> -> memref<128xi32, #tpu.memory_space<vmem>>
        %dma_wait3A_57 = tpu.memref_slice %arg3[%run_scoped3A, %add3A_36] : memref<2x160000xi32, #tpu.memory_space<hbm>> -> memref<1x128xi32, #tpu.memory_space<hbm>>
        %dma_wait3A_58 = tpu.memref_squeeze %dma_wait3A_57 : memref<1x128xi32, #tpu.memory_space<hbm>> -> memref<128xi32, #tpu.memory_space<hbm>>
        tpu.wait_dma2 semaphore(%run_scoped3A_40 : memref<!tpu.dma_semaphore, #tpu.memory_space<semaphore_mem>>) src(%dma_wait3A_58 : memref<128xi32, #tpu.memory_space<hbm>>) dst(%dma_wait3A_56 : memref<128xi32, #tpu.memory_space<vmem>>)
        tpu.yield
      }) : () -> ()
      %mul3A_37 = arith.constant 128 : i32
      %mul3A_38 = arith.muli %while3A_33, %mul3A_37 : i32
      %add3A_39 = arith.addi %mul3A_10, %mul3A_38 : i32
      "tpu.region"() ({
        %run_scoped3A_40 = tpu.sem_alloc : memref<!tpu.dma_semaphore, #tpu.memory_space<semaphore_mem>>
        %dma_start3A = arith.constant 0 : i32
        %dma_start3A_41 = tpu.memref_slice %arg2[%add3A_39, %dma_start3A] : memref<163840x128xf32, #tpu.memory_space<hbm>> -> memref<128x32xf32, #tpu.memory_space<hbm>>
        %dma_start3A_42 = arith.constant 0 : i32
        %dma_start3A_43 = tpu.memref_slice %arg2[%add3A_39, %dma_start3A_42] : memref<163840x128xf32, #tpu.memory_space<hbm>> -> memref<128x32xf32, #tpu.memory_space<hbm>>
        tpu.enqueue_dma source(%dma_start3A_43 : memref<128x32xf32, #tpu.memory_space<hbm>>) target(%arg8 : memref<128x32xf32, #tpu.memory_space<vmem>>) target_semaphore(%run_scoped3A_40 : memref<!tpu.dma_semaphore, #tpu.memory_space<semaphore_mem>>)
        %dma_wait3A = arith.constant 0 : i32
        %dma_wait3A_44 = tpu.memref_slice %arg2[%add3A_39, %dma_wait3A] : memref<163840x128xf32, #tpu.memory_space<hbm>> -> memref<128x32xf32, #tpu.memory_space<hbm>>
        %dma_wait3A_45 = arith.constant 0 : i32
        %dma_wait3A_46 = tpu.memref_slice %arg2[%add3A_39, %dma_wait3A_45] : memref<163840x128xf32, #tpu.memory_space<hbm>> -> memref<128x32xf32, #tpu.memory_space<hbm>>
        tpu.wait_dma2 semaphore(%run_scoped3A_40 : memref<!tpu.dma_semaphore, #tpu.memory_space<semaphore_mem>>) src(%dma_wait3A_46 : memref<128x32xf32, #tpu.memory_space<hbm>>) dst(%arg8 : memref<128x32xf32, #tpu.memory_space<vmem>>)
        tpu.yield
      }) : () -> ()
      "tpu.region"() ({
        %run_scoped3A_40 = tpu.sem_alloc : memref<!tpu.dma_semaphore, #tpu.memory_space<semaphore_mem>>
        %dma_start3A = arith.constant 0 : i32
        %dma_start3A_41 = tpu.memref_slice %arg7[%while3A_33, %dma_start3A] : memref<40x128xi32, #tpu.memory_space<vmem>> -> memref<1x128xi32, #tpu.memory_space<vmem>>
        %dma_start3A_42 = tpu.memref_squeeze %dma_start3A_41 : memref<1x128xi32, #tpu.memory_space<vmem>> -> memref<128xi32, #tpu.memory_space<vmem>>
        %dma_start3A_43 = arith.constant 0 : i32
        %dma_start3A_44 = arith.constant 0 : i32
        %dma_start3A_45 = tpu.memref_slice %arg10[%dma_start3A_43, %dma_start3A_44] : memref<10000x32xf32, #tpu.memory_space<vmem_shared>> -> memref<10000x32xf32, #tpu.memory_space<vmem_shared>>
        tpu.enqueue_indirect_dma source(%arg8 : memref<128x32xf32, #tpu.memory_space<vmem>>) target(%dma_start3A_45 : memref<10000x32xf32, #tpu.memory_space<vmem_shared>>) offsets(%dma_start3A_42 : memref<128xi32, #tpu.memory_space<vmem>>) semaphore(%run_scoped3A_40 : memref<!tpu.dma_semaphore, #tpu.memory_space<semaphore_mem>>) {add = true}
        %dma_wait3A = arith.constant 0 : i32
        %dma_wait3A_46 = tpu.memref_slice %arg7[%while3A_33, %dma_wait3A] : memref<40x128xi32, #tpu.memory_space<vmem>> -> memref<1x128xi32, #tpu.memory_space<vmem>>
        %dma_wait3A_47 = tpu.memref_squeeze %dma_wait3A_46 : memref<1x128xi32, #tpu.memory_space<vmem>> -> memref<128xi32, #tpu.memory_space<vmem>>
        %dma_wait3A_48 = arith.constant 0 : i32
        %dma_wait3A_49 = arith.constant 0 : i32
        %dma_wait3A_50 = tpu.memref_slice %arg10[%dma_wait3A_48, %dma_wait3A_49] : memref<10000x32xf32, #tpu.memory_space<vmem_shared>> -> memref<10000x32xf32, #tpu.memory_space<vmem_shared>>
        tpu.wait_indirect_dma semaphore(%run_scoped3A_40 : memref<!tpu.dma_semaphore, #tpu.memory_space<semaphore_mem>>) src(%arg8 : memref<128x32xf32, #tpu.memory_space<vmem>>) dst(%dma_wait3A_50 : memref<10000x32xf32, #tpu.memory_space<vmem_shared>>)
        tpu.yield
      }) : () -> ()
      "tpu.region"() ({
        %run_scoped3A_40 = tpu.sem_alloc : memref<!tpu.dma_semaphore, #tpu.memory_space<semaphore_mem>>
        %dma_start3A = arith.constant 0 : i32
        %dma_start3A_41 = tpu.memref_slice %arg7[%while3A_33, %dma_start3A] : memref<40x128xi32, #tpu.memory_space<vmem>> -> memref<1x128xi32, #tpu.memory_space<vmem>>
        %dma_start3A_42 = tpu.memref_squeeze %dma_start3A_41 : memref<1x128xi32, #tpu.memory_space<vmem>> -> memref<128xi32, #tpu.memory_space<vmem>>
        %dma_start3A_43 = arith.constant 0 : i32
        %dma_start3A_44 = arith.constant 0 : i32
        %dma_start3A_45 = tpu.memref_slice %arg11[%dma_start3A_43, %dma_start3A_44] : memref<10000x32xf32, #tpu.memory_space<vmem_shared>> -> memref<10000x32xf32, #tpu.memory_space<vmem_shared>>
        tpu.enqueue_indirect_dma source(%arg9 : memref<128x32xf32, #tpu.memory_space<vmem>>) target(%dma_start3A_45 : memref<10000x32xf32, #tpu.memory_space<vmem_shared>>) offsets(%dma_start3A_42 : memref<128xi32, #tpu.memory_space<vmem>>) semaphore(%run_scoped3A_40 : memref<!tpu.dma_semaphore, #tpu.memory_space<semaphore_mem>>) {add = true}
        %dma_wait3A = arith.constant 0 : i32
        %dma_wait3A_46 = tpu.memref_slice %arg7[%while3A_33, %dma_wait3A] : memref<40x128xi32, #tpu.memory_space<vmem>> -> memref<1x128xi32, #tpu.memory_space<vmem>>
        %dma_wait3A_47 = tpu.memref_squeeze %dma_wait3A_46 : memref<1x128xi32, #tpu.memory_space<vmem>> -> memref<128xi32, #tpu.memory_space<vmem>>
        %dma_wait3A_48 = arith.constant 0 : i32
        %dma_wait3A_49 = arith.constant 0 : i32
        %dma_wait3A_50 = tpu.memref_slice %arg11[%dma_wait3A_48, %dma_wait3A_49] : memref<10000x32xf32, #tpu.memory_space<vmem_shared>> -> memref<10000x32xf32, #tpu.memory_space<vmem_shared>>
        tpu.wait_indirect_dma semaphore(%run_scoped3A_40 : memref<!tpu.dma_semaphore, #tpu.memory_space<semaphore_mem>>) src(%arg9 : memref<128x32xf32, #tpu.memory_space<vmem>>) dst(%dma_wait3A_50 : memref<10000x32xf32, #tpu.memory_space<vmem_shared>>)
        tpu.yield
      }) : () -> ()
    }
    %barrier3A_24 = arith.constant 0 : index
    tpu.barrier barrier_id(%barrier3A_24)
    %mul3A_25 = arith.constant 625 : i32
    %mul3A_26 = arith.muli %arg1, %mul3A_25 : i32
    %mul3A_27 = arith.constant 625 : i32
    %mul3A_28 = arith.muli %arg1, %mul3A_27 : i32
    "tpu.region"() ({
      %run_scoped3A = tpu.sem_alloc : memref<!tpu.dma_semaphore, #tpu.memory_space<semaphore_mem>>
      %dma_start3A = arith.constant 0 : i32
      %dma_start3A_33 = tpu.memref_slice %arg6[%arg0, %mul3A_28, %dma_start3A] : memref<2x10000x128xf32, #tpu.memory_space<hbm>> -> memref<1x625x32xf32, #tpu.memory_space<hbm>>
      %dma_start3A_34 = tpu.memref_squeeze %dma_start3A_33 : memref<1x625x32xf32, #tpu.memory_space<hbm>> -> memref<625x32xf32, #tpu.memory_space<hbm>>
      %dma_start3A_35 = arith.constant 0 : i32
      %dma_start3A_36 = tpu.memref_slice %arg10[%mul3A_26, %dma_start3A_35] : memref<10000x32xf32, #tpu.memory_space<vmem_shared>> -> memref<625x32xf32, #tpu.memory_space<vmem_shared>>
      tpu.enqueue_dma source(%dma_start3A_36 : memref<625x32xf32, #tpu.memory_space<vmem_shared>>) target(%dma_start3A_34 : memref<625x32xf32, #tpu.memory_space<hbm>>) target_semaphore(%run_scoped3A : memref<!tpu.dma_semaphore, #tpu.memory_space<semaphore_mem>>)
      %dma_wait3A = arith.constant 0 : i32
      %dma_wait3A_37 = tpu.memref_slice %arg6[%arg0, %mul3A_28, %dma_wait3A] : memref<2x10000x128xf32, #tpu.memory_space<hbm>> -> memref<1x625x32xf32, #tpu.memory_space<hbm>>
      %dma_wait3A_38 = tpu.memref_squeeze %dma_wait3A_37 : memref<1x625x32xf32, #tpu.memory_space<hbm>> -> memref<625x32xf32, #tpu.memory_space<hbm>>
      %dma_wait3A_39 = arith.constant 0 : i32
      %dma_wait3A_40 = tpu.memref_slice %arg10[%mul3A_26, %dma_wait3A_39] : memref<10000x32xf32, #tpu.memory_space<vmem_shared>> -> memref<625x32xf32, #tpu.memory_space<vmem_shared>>
      tpu.wait_dma2 semaphore(%run_scoped3A : memref<!tpu.dma_semaphore, #tpu.memory_space<semaphore_mem>>) src(%dma_wait3A_40 : memref<625x32xf32, #tpu.memory_space<vmem_shared>>) dst(%dma_wait3A_38 : memref<625x32xf32, #tpu.memory_space<hbm>>)
      tpu.yield
    }) : () -> ()
    %mul3A_29 = arith.constant 625 : i32
    %mul3A_30 = arith.muli %arg1, %mul3A_29 : i32
    %mul3A_31 = arith.constant 625 : i32
    %mul3A_32 = arith.muli %arg1, %mul3A_31 : i32
    "tpu.region"() ({
      %run_scoped3A = tpu.sem_alloc : memref<!tpu.dma_semaphore, #tpu.memory_space<semaphore_mem>>
      %dma_start3A = arith.constant 32 : i32
      %dma_start3A_33 = tpu.memref_slice %arg6[%arg0, %mul3A_32, %dma_start3A] : memref<2x10000x128xf32, #tpu.memory_space<hbm>> -> memref<1x625x32xf32, #tpu.memory_space<hbm>>
      %dma_start3A_34 = tpu.memref_squeeze %dma_start3A_33 : memref<1x625x32xf32, #tpu.memory_space<hbm>> -> memref<625x32xf32, #tpu.memory_space<hbm>>
      %dma_start3A_35 = arith.constant 0 : i32
      %dma_start3A_36 = tpu.memref_slice %arg11[%mul3A_30, %dma_start3A_35] : memref<10000x32xf32, #tpu.memory_space<vmem_shared>> -> memref<625x32xf32, #tpu.memory_space<vmem_shared>>
      tpu.enqueue_dma source(%dma_start3A_36 : memref<625x32xf32, #tpu.memory_space<vmem_shared>>) target(%dma_start3A_34 : memref<625x32xf32, #tpu.memory_space<hbm>>) target_semaphore(%run_scoped3A : memref<!tpu.dma_semaphore, #tpu.memory_space<semaphore_mem>>)
      %dma_wait3A = arith.constant 32 : i32
      %dma_wait3A_37 = tpu.memref_slice %arg6[%arg0, %mul3A_32, %dma_wait3A] : memref<2x10000x128xf32, #tpu.memory_space<hbm>> -> memref<1x625x32xf32, #tpu.memory_space<hbm>>
      %dma_wait3A_38 = tpu.memref_squeeze %dma_wait3A_37 : memref<1x625x32xf32, #tpu.memory_space<hbm>> -> memref<625x32xf32, #tpu.memory_space<hbm>>
      %dma_wait3A_39 = arith.constant 0 : i32
      %dma_wait3A_40 = tpu.memref_slice %arg11[%mul3A_30, %dma_wait3A_39] : memref<10000x32xf32, #tpu.memory_space<vmem_shared>> -> memref<625x32xf32, #tpu.memory_space<vmem_shared>>
      tpu.wait_dma2 semaphore(%run_scoped3A : memref<!tpu.dma_semaphore, #tpu.memory_space<semaphore_mem>>) src(%dma_wait3A_40 : memref<625x32xf32, #tpu.memory_space<vmem_shared>>) dst(%dma_wait3A_38 : memref<625x32xf32, #tpu.memory_space<hbm>>)
      tpu.yield
    }) : () -> ()
    return
  }
}

#map = affine_map<(d0, d1) -> (0, 0)>
module attributes {stable_mosaic.version = 14 : i64} {
  func.func @k(%arg0: i32, %arg1: i32, %arg2: memref<10000x32xf32, #tpu.memory_space<hbm>>, %arg3: memref<2x160000xi32, #tpu.memory_space<hbm>>, %arg4: memref<163840x128xf32, #tpu.memory_space<hbm>>, %arg5: memref<40x128xi32, #tpu.memory_space<vmem>>, %arg6: memref<128x32xf32, #tpu.memory_space<vmem>>, %arg7: memref<!tpu.dma_semaphore, #tpu.memory_space<semaphore_mem>>) attributes {dimension_semantics = [#tpu.dimension_semantics<core_parallel>, #tpu.dimension_semantics<subcore_parallel>], iteration_bounds = array<i64: 2, 16>, scalar_prefetch = 0 : i64, scratch_operands = 3 : i64, tpu.core_type = #tpu.core_type<sc_vector_subcore>, window_params = [{transform_indices = #map}, {transform_indices = #map}, {transform_indices = #map}]} {
    %mul3A = arith.constant 2 : i32
    %mul3A_0 = arith.muli %arg1, %mul3A : i32
    %add3A = arith.addi %mul3A_0, %arg0 : i32
    %mul3A_1 = arith.constant 5120 : i32
    %mul3A_2 = arith.muli %add3A, %mul3A_1 : i32
    %eq3A = arith.constant 31 : i32
    %eq3A_3 = arith.cmpi eq, %add3A, %eq3A : i32
    %jit3A = arith.constant 10 : i32
    %jit3A_4 = arith.constant 40 : i32
    %select_n3A = arith.select %eq3A_3, %jit3A, %jit3A_4 : i32
    %min3A = arith.constant 40 : i32
    %min3A_5 = arith.minsi %select_n3A, %min3A : i32
    %max3A = arith.constant 20 : i32
    %max3A_6 = arith.maxsi %min3A_5, %max3A : i32
    %while3A = arith.constant 0 : i32
    %while3A_7 = arith.constant 20 : i32
    %while3A_8 = arith.subi %max3A_6, %while3A_7 : i32
    %while3A_9 = arith.addi %while3A_7, %while3A_8 : i32
    %while3A_10 = arith.constant 1 : i32
    %while3A_11 = arith.divsi %while3A_8, %while3A_10 : i32
    %while3A_12 = arith.muli %while3A_11, %while3A_10 : i32
    %while3A_13 = arith.addi %while3A_7, %while3A_12 : i32
    %while3A_14 = arith.constant 1 : i32
    scf.for %while3A_16 = %while3A_7 to %while3A_13 step %while3A_14  : i32 {
      %mul3A_17 = arith.constant 128 : i32
      %mul3A_18 = arith.muli %while3A_16, %mul3A_17 : i32
      %add3A_19 = arith.addi %mul3A_2, %mul3A_18 : i32
      %run_scoped3A = arith.constant 0 : i32
      "tpu.region"() ({
        %run_scoped3A_33 = tpu.sem_alloc : memref<!tpu.dma_semaphore, #tpu.memory_space<semaphore_mem>>
        %dma_start3A_34 = arith.constant 0 : i32
        %dma_start3A_35 = tpu.memref_slice %arg5[%while3A_16, %dma_start3A_34] : memref<40x128xi32, #tpu.memory_space<vmem>> -> memref<1x128xi32, #tpu.memory_space<vmem>>
        %dma_start3A_36 = tpu.memref_squeeze %dma_start3A_35 : memref<1x128xi32, #tpu.memory_space<vmem>> -> memref<128xi32, #tpu.memory_space<vmem>>
        %dma_start3A_37 = tpu.memref_slice %arg3[%run_scoped3A, %add3A_19] : memref<2x160000xi32, #tpu.memory_space<hbm>> -> memref<1x128xi32, #tpu.memory_space<hbm>>
        %dma_start3A_38 = tpu.memref_squeeze %dma_start3A_37 : memref<1x128xi32, #tpu.memory_space<hbm>> -> memref<128xi32, #tpu.memory_space<hbm>>
        %dma_start3A_39 = arith.constant 0 : i32
        %dma_start3A_40 = tpu.memref_slice %arg5[%while3A_16, %dma_start3A_39] : memref<40x128xi32, #tpu.memory_space<vmem>> -> memref<1x128xi32, #tpu.memory_space<vmem>>
        %dma_start3A_41 = tpu.memref_squeeze %dma_start3A_40 : memref<1x128xi32, #tpu.memory_space<vmem>> -> memref<128xi32, #tpu.memory_space<vmem>>
        %dma_start3A_42 = tpu.memref_slice %arg3[%run_scoped3A, %add3A_19] : memref<2x160000xi32, #tpu.memory_space<hbm>> -> memref<1x128xi32, #tpu.memory_space<hbm>>
        %dma_start3A_43 = tpu.memref_squeeze %dma_start3A_42 : memref<1x128xi32, #tpu.memory_space<hbm>> -> memref<128xi32, #tpu.memory_space<hbm>>
        tpu.enqueue_dma source(%dma_start3A_43 : memref<128xi32, #tpu.memory_space<hbm>>) target(%dma_start3A_41 : memref<128xi32, #tpu.memory_space<vmem>>) target_semaphore(%run_scoped3A_33 : memref<!tpu.dma_semaphore, #tpu.memory_space<semaphore_mem>>)
        %dma_wait3A_44 = arith.constant 0 : i32
        %dma_wait3A_45 = tpu.memref_slice %arg5[%while3A_16, %dma_wait3A_44] : memref<40x128xi32, #tpu.memory_space<vmem>> -> memref<1x128xi32, #tpu.memory_space<vmem>>
        %dma_wait3A_46 = tpu.memref_squeeze %dma_wait3A_45 : memref<1x128xi32, #tpu.memory_space<vmem>> -> memref<128xi32, #tpu.memory_space<vmem>>
        %dma_wait3A_47 = tpu.memref_slice %arg3[%run_scoped3A, %add3A_19] : memref<2x160000xi32, #tpu.memory_space<hbm>> -> memref<1x128xi32, #tpu.memory_space<hbm>>
        %dma_wait3A_48 = tpu.memref_squeeze %dma_wait3A_47 : memref<1x128xi32, #tpu.memory_space<hbm>> -> memref<128xi32, #tpu.memory_space<hbm>>
        %dma_wait3A_49 = arith.constant 0 : i32
        %dma_wait3A_50 = tpu.memref_slice %arg5[%while3A_16, %dma_wait3A_49] : memref<40x128xi32, #tpu.memory_space<vmem>> -> memref<1x128xi32, #tpu.memory_space<vmem>>
        %dma_wait3A_51 = tpu.memref_squeeze %dma_wait3A_50 : memref<1x128xi32, #tpu.memory_space<vmem>> -> memref<128xi32, #tpu.memory_space<vmem>>
        %dma_wait3A_52 = tpu.memref_slice %arg3[%run_scoped3A, %add3A_19] : memref<2x160000xi32, #tpu.memory_space<hbm>> -> memref<1x128xi32, #tpu.memory_space<hbm>>
        %dma_wait3A_53 = tpu.memref_squeeze %dma_wait3A_52 : memref<1x128xi32, #tpu.memory_space<hbm>> -> memref<128xi32, #tpu.memory_space<hbm>>
        tpu.wait_dma2 semaphore(%run_scoped3A_33 : memref<!tpu.dma_semaphore, #tpu.memory_space<semaphore_mem>>) src(%dma_wait3A_53 : memref<128xi32, #tpu.memory_space<hbm>>) dst(%dma_wait3A_51 : memref<128xi32, #tpu.memory_space<vmem>>)
        tpu.yield
      }) : () -> ()
      %dma_start3A = arith.constant 0 : i32
      %dma_start3A_20 = tpu.memref_slice %arg5[%while3A_16, %dma_start3A] : memref<40x128xi32, #tpu.memory_space<vmem>> -> memref<1x128xi32, #tpu.memory_space<vmem>>
      %dma_start3A_21 = tpu.memref_squeeze %dma_start3A_20 : memref<1x128xi32, #tpu.memory_space<vmem>> -> memref<128xi32, #tpu.memory_space<vmem>>
      %dma_start3A_22 = arith.constant 0 : i32
      %dma_start3A_23 = arith.constant 0 : i32
      %dma_start3A_24 = tpu.memref_slice %arg2[%dma_start3A_22, %dma_start3A_23] : memref<10000x32xf32, #tpu.memory_space<hbm>> -> memref<10000x32xf32, #tpu.memory_space<hbm>>
      tpu.enqueue_indirect_dma source(%dma_start3A_24 : memref<10000x32xf32, #tpu.memory_space<hbm>>) target(%arg6 : memref<128x32xf32, #tpu.memory_space<vmem>>) offsets(%dma_start3A_21 : memref<128xi32, #tpu.memory_space<vmem>>) semaphore(%arg7 : memref<!tpu.dma_semaphore, #tpu.memory_space<semaphore_mem>>)
      %dma_wait3A = arith.constant 0 : i32
      %dma_wait3A_25 = tpu.memref_slice %arg5[%while3A_16, %dma_wait3A] : memref<40x128xi32, #tpu.memory_space<vmem>> -> memref<1x128xi32, #tpu.memory_space<vmem>>
      %dma_wait3A_26 = tpu.memref_squeeze %dma_wait3A_25 : memref<1x128xi32, #tpu.memory_space<vmem>> -> memref<128xi32, #tpu.memory_space<vmem>>
      %dma_wait3A_27 = arith.constant 0 : i32
      %dma_wait3A_28 = arith.constant 0 : i32
      %dma_wait3A_29 = tpu.memref_slice %arg2[%dma_wait3A_27, %dma_wait3A_28] : memref<10000x32xf32, #tpu.memory_space<hbm>> -> memref<10000x32xf32, #tpu.memory_space<hbm>>
      tpu.wait_indirect_dma semaphore(%arg7 : memref<!tpu.dma_semaphore, #tpu.memory_space<semaphore_mem>>) src(%dma_wait3A_29 : memref<10000x32xf32, #tpu.memory_space<hbm>>) dst(%arg6 : memref<128x32xf32, #tpu.memory_space<vmem>>)
      %mul3A_30 = arith.constant 128 : i32
      %mul3A_31 = arith.muli %while3A_16, %mul3A_30 : i32
      %add3A_32 = arith.addi %mul3A_2, %mul3A_31 : i32
      "tpu.region"() ({
        %run_scoped3A_33 = tpu.sem_alloc : memref<!tpu.dma_semaphore, #tpu.memory_space<semaphore_mem>>
        %dma_start3A_34 = arith.constant 0 : i32
        %dma_start3A_35 = tpu.memref_slice %arg4[%add3A_32, %dma_start3A_34] : memref<163840x128xf32, #tpu.memory_space<hbm>> -> memref<128x32xf32, #tpu.memory_space<hbm>>
        %dma_start3A_36 = arith.constant 0 : i32
        %dma_start3A_37 = tpu.memref_slice %arg4[%add3A_32, %dma_start3A_36] : memref<163840x128xf32, #tpu.memory_space<hbm>> -> memref<128x32xf32, #tpu.memory_space<hbm>>
        tpu.enqueue_dma source(%arg6 : memref<128x32xf32, #tpu.memory_space<vmem>>) target(%dma_start3A_37 : memref<128x32xf32, #tpu.memory_space<hbm>>) target_semaphore(%run_scoped3A_33 : memref<!tpu.dma_semaphore, #tpu.memory_space<semaphore_mem>>)
        %dma_wait3A_38 = arith.constant 0 : i32
        %dma_wait3A_39 = tpu.memref_slice %arg4[%add3A_32, %dma_wait3A_38] : memref<163840x128xf32, #tpu.memory_space<hbm>> -> memref<128x32xf32, #tpu.memory_space<hbm>>
        %dma_wait3A_40 = arith.constant 0 : i32
        %dma_wait3A_41 = tpu.memref_slice %arg4[%add3A_32, %dma_wait3A_40] : memref<163840x128xf32, #tpu.memory_space<hbm>> -> memref<128x32xf32, #tpu.memory_space<hbm>>
        tpu.wait_dma2 semaphore(%run_scoped3A_33 : memref<!tpu.dma_semaphore, #tpu.memory_space<semaphore_mem>>) src(%arg6 : memref<128x32xf32, #tpu.memory_space<vmem>>) dst(%dma_wait3A_41 : memref<128x32xf32, #tpu.memory_space<hbm>>)
        tpu.yield
      }) : () -> ()
    }
    %while3A_15 = arith.constant 1 : i32
    scf.for %while3A_16 = %while3A_13 to %while3A_9 step %while3A_15  : i32 {
      %mul3A_17 = arith.constant 128 : i32
      %mul3A_18 = arith.muli %while3A_16, %mul3A_17 : i32
      %add3A_19 = arith.addi %mul3A_2, %mul3A_18 : i32
      %run_scoped3A = arith.constant 0 : i32
      "tpu.region"() ({
        %run_scoped3A_33 = tpu.sem_alloc : memref<!tpu.dma_semaphore, #tpu.memory_space<semaphore_mem>>
        %dma_start3A_34 = arith.constant 0 : i32
        %dma_start3A_35 = tpu.memref_slice %arg5[%while3A_16, %dma_start3A_34] : memref<40x128xi32, #tpu.memory_space<vmem>> -> memref<1x128xi32, #tpu.memory_space<vmem>>
        %dma_start3A_36 = tpu.memref_squeeze %dma_start3A_35 : memref<1x128xi32, #tpu.memory_space<vmem>> -> memref<128xi32, #tpu.memory_space<vmem>>
        %dma_start3A_37 = tpu.memref_slice %arg3[%run_scoped3A, %add3A_19] : memref<2x160000xi32, #tpu.memory_space<hbm>> -> memref<1x128xi32, #tpu.memory_space<hbm>>
        %dma_start3A_38 = tpu.memref_squeeze %dma_start3A_37 : memref<1x128xi32, #tpu.memory_space<hbm>> -> memref<128xi32, #tpu.memory_space<hbm>>
        %dma_start3A_39 = arith.constant 0 : i32
        %dma_start3A_40 = tpu.memref_slice %arg5[%while3A_16, %dma_start3A_39] : memref<40x128xi32, #tpu.memory_space<vmem>> -> memref<1x128xi32, #tpu.memory_space<vmem>>
        %dma_start3A_41 = tpu.memref_squeeze %dma_start3A_40 : memref<1x128xi32, #tpu.memory_space<vmem>> -> memref<128xi32, #tpu.memory_space<vmem>>
        %dma_start3A_42 = tpu.memref_slice %arg3[%run_scoped3A, %add3A_19] : memref<2x160000xi32, #tpu.memory_space<hbm>> -> memref<1x128xi32, #tpu.memory_space<hbm>>
        %dma_start3A_43 = tpu.memref_squeeze %dma_start3A_42 : memref<1x128xi32, #tpu.memory_space<hbm>> -> memref<128xi32, #tpu.memory_space<hbm>>
        tpu.enqueue_dma source(%dma_start3A_43 : memref<128xi32, #tpu.memory_space<hbm>>) target(%dma_start3A_41 : memref<128xi32, #tpu.memory_space<vmem>>) target_semaphore(%run_scoped3A_33 : memref<!tpu.dma_semaphore, #tpu.memory_space<semaphore_mem>>)
        %dma_wait3A_44 = arith.constant 0 : i32
        %dma_wait3A_45 = tpu.memref_slice %arg5[%while3A_16, %dma_wait3A_44] : memref<40x128xi32, #tpu.memory_space<vmem>> -> memref<1x128xi32, #tpu.memory_space<vmem>>
        %dma_wait3A_46 = tpu.memref_squeeze %dma_wait3A_45 : memref<1x128xi32, #tpu.memory_space<vmem>> -> memref<128xi32, #tpu.memory_space<vmem>>
        %dma_wait3A_47 = tpu.memref_slice %arg3[%run_scoped3A, %add3A_19] : memref<2x160000xi32, #tpu.memory_space<hbm>> -> memref<1x128xi32, #tpu.memory_space<hbm>>
        %dma_wait3A_48 = tpu.memref_squeeze %dma_wait3A_47 : memref<1x128xi32, #tpu.memory_space<hbm>> -> memref<128xi32, #tpu.memory_space<hbm>>
        %dma_wait3A_49 = arith.constant 0 : i32
        %dma_wait3A_50 = tpu.memref_slice %arg5[%while3A_16, %dma_wait3A_49] : memref<40x128xi32, #tpu.memory_space<vmem>> -> memref<1x128xi32, #tpu.memory_space<vmem>>
        %dma_wait3A_51 = tpu.memref_squeeze %dma_wait3A_50 : memref<1x128xi32, #tpu.memory_space<vmem>> -> memref<128xi32, #tpu.memory_space<vmem>>
        %dma_wait3A_52 = tpu.memref_slice %arg3[%run_scoped3A, %add3A_19] : memref<2x160000xi32, #tpu.memory_space<hbm>> -> memref<1x128xi32, #tpu.memory_space<hbm>>
        %dma_wait3A_53 = tpu.memref_squeeze %dma_wait3A_52 : memref<1x128xi32, #tpu.memory_space<hbm>> -> memref<128xi32, #tpu.memory_space<hbm>>
        tpu.wait_dma2 semaphore(%run_scoped3A_33 : memref<!tpu.dma_semaphore, #tpu.memory_space<semaphore_mem>>) src(%dma_wait3A_53 : memref<128xi32, #tpu.memory_space<hbm>>) dst(%dma_wait3A_51 : memref<128xi32, #tpu.memory_space<vmem>>)
        tpu.yield
      }) : () -> ()
      %dma_start3A = arith.constant 0 : i32
      %dma_start3A_20 = tpu.memref_slice %arg5[%while3A_16, %dma_start3A] : memref<40x128xi32, #tpu.memory_space<vmem>> -> memref<1x128xi32, #tpu.memory_space<vmem>>
      %dma_start3A_21 = tpu.memref_squeeze %dma_start3A_20 : memref<1x128xi32, #tpu.memory_space<vmem>> -> memref<128xi32, #tpu.memory_space<vmem>>
      %dma_start3A_22 = arith.constant 0 : i32
      %dma_start3A_23 = arith.constant 0 : i32
      %dma_start3A_24 = tpu.memref_slice %arg2[%dma_start3A_22, %dma_start3A_23] : memref<10000x32xf32, #tpu.memory_space<hbm>> -> memref<10000x32xf32, #tpu.memory_space<hbm>>
      tpu.enqueue_indirect_dma source(%dma_start3A_24 : memref<10000x32xf32, #tpu.memory_space<hbm>>) target(%arg6 : memref<128x32xf32, #tpu.memory_space<vmem>>) offsets(%dma_start3A_21 : memref<128xi32, #tpu.memory_space<vmem>>) semaphore(%arg7 : memref<!tpu.dma_semaphore, #tpu.memory_space<semaphore_mem>>)
      %dma_wait3A = arith.constant 0 : i32
      %dma_wait3A_25 = tpu.memref_slice %arg5[%while3A_16, %dma_wait3A] : memref<40x128xi32, #tpu.memory_space<vmem>> -> memref<1x128xi32, #tpu.memory_space<vmem>>
      %dma_wait3A_26 = tpu.memref_squeeze %dma_wait3A_25 : memref<1x128xi32, #tpu.memory_space<vmem>> -> memref<128xi32, #tpu.memory_space<vmem>>
      %dma_wait3A_27 = arith.constant 0 : i32
      %dma_wait3A_28 = arith.constant 0 : i32
      %dma_wait3A_29 = tpu.memref_slice %arg2[%dma_wait3A_27, %dma_wait3A_28] : memref<10000x32xf32, #tpu.memory_space<hbm>> -> memref<10000x32xf32, #tpu.memory_space<hbm>>
      tpu.wait_indirect_dma semaphore(%arg7 : memref<!tpu.dma_semaphore, #tpu.memory_space<semaphore_mem>>) src(%dma_wait3A_29 : memref<10000x32xf32, #tpu.memory_space<hbm>>) dst(%arg6 : memref<128x32xf32, #tpu.memory_space<vmem>>)
      %mul3A_30 = arith.constant 128 : i32
      %mul3A_31 = arith.muli %while3A_16, %mul3A_30 : i32
      %add3A_32 = arith.addi %mul3A_2, %mul3A_31 : i32
      "tpu.region"() ({
        %run_scoped3A_33 = tpu.sem_alloc : memref<!tpu.dma_semaphore, #tpu.memory_space<semaphore_mem>>
        %dma_start3A_34 = arith.constant 0 : i32
        %dma_start3A_35 = tpu.memref_slice %arg4[%add3A_32, %dma_start3A_34] : memref<163840x128xf32, #tpu.memory_space<hbm>> -> memref<128x32xf32, #tpu.memory_space<hbm>>
        %dma_start3A_36 = arith.constant 0 : i32
        %dma_start3A_37 = tpu.memref_slice %arg4[%add3A_32, %dma_start3A_36] : memref<163840x128xf32, #tpu.memory_space<hbm>> -> memref<128x32xf32, #tpu.memory_space<hbm>>
        tpu.enqueue_dma source(%arg6 : memref<128x32xf32, #tpu.memory_space<vmem>>) target(%dma_start3A_37 : memref<128x32xf32, #tpu.memory_space<hbm>>) target_semaphore(%run_scoped3A_33 : memref<!tpu.dma_semaphore, #tpu.memory_space<semaphore_mem>>)
        %dma_wait3A_38 = arith.constant 0 : i32
        %dma_wait3A_39 = tpu.memref_slice %arg4[%add3A_32, %dma_wait3A_38] : memref<163840x128xf32, #tpu.memory_space<hbm>> -> memref<128x32xf32, #tpu.memory_space<hbm>>
        %dma_wait3A_40 = arith.constant 0 : i32
        %dma_wait3A_41 = tpu.memref_slice %arg4[%add3A_32, %dma_wait3A_40] : memref<163840x128xf32, #tpu.memory_space<hbm>> -> memref<128x32xf32, #tpu.memory_space<hbm>>
        tpu.wait_dma2 semaphore(%run_scoped3A_33 : memref<!tpu.dma_semaphore, #tpu.memory_space<semaphore_mem>>) src(%arg6 : memref<128x32xf32, #tpu.memory_space<vmem>>) dst(%dma_wait3A_41 : memref<128x32xf32, #tpu.memory_space<hbm>>)
        tpu.yield
      }) : () -> ()
    }
    return
  }
}

#map = affine_map<(d0, d1) -> (0, 0)>
#map1 = affine_map<(d0, d1) -> (0, 0, 0)>
module attributes {stable_mosaic.version = 14 : i64} {
  func.func @body(%arg0: i32, %arg1: i32, %arg2: memref<163840x128xf32, #tpu.memory_space<hbm>>, %arg3: memref<2x160000xi32, #tpu.memory_space<hbm>>, %arg4: memref<10000x32xf32, #tpu.memory_space<hbm>>, %arg5: memref<128x32xf32, #tpu.memory_space<hbm>>, %arg6: memref<2x10000x128xf32, #tpu.memory_space<hbm>>, %arg7: memref<40x128xi32, #tpu.memory_space<vmem>>, %arg8: memref<128x32xf32, #tpu.memory_space<vmem>>, %arg9: memref<128x32xf32, #tpu.memory_space<vmem>>, %arg10: memref<10000x32xf32, #tpu.memory_space<vmem_shared>>, %arg11: memref<10000x32xf32, #tpu.memory_space<vmem_shared>>) attributes {dimension_semantics = [#tpu.dimension_semantics<core_parallel>, #tpu.dimension_semantics<subcore_parallel>], iteration_bounds = array<i64: 2, 16>, scalar_prefetch = 0 : i64, scratch_operands = 5 : i64, tpu.core_type = #tpu.core_type<sc_vector_subcore>, window_params = [{transform_indices = #map}, {transform_indices = #map}, {transform_indices = #map}, {transform_indices = #map}, {transform_indices = #map1}]} {
    %mul3A = arith.constant 2 : i32
    %mul3A_0 = arith.muli %arg1, %mul3A : i32
    %add3A = arith.addi %mul3A_0, %arg0 : i32
    %mul3A_1 = arith.constant 625 : i32
    %mul3A_2 = arith.muli %arg1, %mul3A_1 : i32
    %mul3A_3 = arith.constant 625 : i32
    %mul3A_4 = arith.muli %arg1, %mul3A_3 : i32
    "tpu.region"() ({
      %run_scoped3A = tpu.sem_alloc : memref<!tpu.dma_semaphore, #tpu.memory_space<semaphore_mem>>
      %dma_start3A = arith.constant 0 : i32
      %dma_start3A_25 = tpu.memref_slice %arg10[%mul3A_4, %dma_start3A] : memref<10000x32xf32, #tpu.memory_space<vmem_shared>> -> memref<625x32xf32, #tpu.memory_space<vmem_shared>>
      %dma_start3A_26 = arith.constant 0 : i32
      %dma_start3A_27 = tpu.memref_slice %arg4[%mul3A_2, %dma_start3A_26] : memref<10000x32xf32, #tpu.memory_space<hbm>> -> memref<625x32xf32, #tpu.memory_space<hbm>>
      tpu.enqueue_dma source(%dma_start3A_27 : memref<625x32xf32, #tpu.memory_space<hbm>>) target(%dma_start3A_25 : memref<625x32xf32, #tpu.memory_space<vmem_shared>>) target_semaphore(%run_scoped3A : memref<!tpu.dma_semaphore, #tpu.memory_space<semaphore_mem>>)
      %dma_wait3A = arith.constant 0 : i32
      %dma_wait3A_28 = tpu.memref_slice %arg10[%mul3A_4, %dma_wait3A] : memref<10000x32xf32, #tpu.memory_space<vmem_shared>> -> memref<625x32xf32, #tpu.memory_space<vmem_shared>>
      %dma_wait3A_29 = arith.constant 0 : i32
      %dma_wait3A_30 = tpu.memref_slice %arg4[%mul3A_2, %dma_wait3A_29] : memref<10000x32xf32, #tpu.memory_space<hbm>> -> memref<625x32xf32, #tpu.memory_space<hbm>>
      tpu.wait_dma2 semaphore(%run_scoped3A : memref<!tpu.dma_semaphore, #tpu.memory_space<semaphore_mem>>) src(%dma_wait3A_30 : memref<625x32xf32, #tpu.memory_space<hbm>>) dst(%dma_wait3A_28 : memref<625x32xf32, #tpu.memory_space<vmem_shared>>)
      tpu.yield
    }) : () -> ()
    %barrier3A = arith.constant 0 : index
    tpu.barrier barrier_id(%barrier3A)
    %mul3A_5 = arith.constant 5120 : i32
    %mul3A_6 = arith.muli %add3A, %mul3A_5 : i32
    %eq3A = arith.constant 31 : i32
    %eq3A_7 = arith.cmpi eq, %add3A, %eq3A : i32
    %jit3A = arith.constant 10 : i32
    %jit3A_8 = arith.constant 40 : i32
    %select_n3A = arith.select %eq3A_7, %jit3A, %jit3A_8 : i32
    %min3A = arith.constant 40 : i32
    %min3A_9 = arith.minsi %select_n3A, %min3A : i32
    %max3A = arith.constant 20 : i32
    %max3A_10 = arith.maxsi %min3A_9, %max3A : i32
    %while3A = arith.constant 0 : i32
    %while3A_11 = arith.constant 20 : i32
    %while3A_12 = arith.subi %max3A_10, %while3A_11 : i32
    %while3A_13 = arith.addi %while3A_11, %while3A_12 : i32
    %while3A_14 = arith.constant 1 : i32
    %while3A_15 = arith.divsi %while3A_12, %while3A_14 : i32
    %while3A_16 = arith.muli %while3A_15, %while3A_14 : i32
    %while3A_17 = arith.addi %while3A_11, %while3A_16 : i32
    %while3A_18 = arith.constant 1 : i32
    scf.for %while3A_25 = %while3A_11 to %while3A_17 step %while3A_18  : i32 {
      %mul3A_26 = arith.constant 128 : i32
      %mul3A_27 = arith.muli %while3A_25, %mul3A_26 : i32
      %add3A_28 = arith.addi %mul3A_6, %mul3A_27 : i32
      %run_scoped3A = arith.constant 1 : i32
      "tpu.region"() ({
        %run_scoped3A_32 = tpu.sem_alloc : memref<!tpu.dma_semaphore, #tpu.memory_space<semaphore_mem>>
        %dma_start3A = arith.constant 0 : i32
        %dma_start3A_33 = tpu.memref_slice %arg7[%while3A_25, %dma_start3A] : memref<40x128xi32, #tpu.memory_space<vmem>> -> memref<1x128xi32, #tpu.memory_space<vmem>>
        %dma_start3A_34 = tpu.memref_squeeze %dma_start3A_33 : memref<1x128xi32, #tpu.memory_space<vmem>> -> memref<128xi32, #tpu.memory_space<vmem>>
        %dma_start3A_35 = tpu.memref_slice %arg3[%run_scoped3A, %add3A_28] : memref<2x160000xi32, #tpu.memory_space<hbm>> -> memref<1x128xi32, #tpu.memory_space<hbm>>
        %dma_start3A_36 = tpu.memref_squeeze %dma_start3A_35 : memref<1x128xi32, #tpu.memory_space<hbm>> -> memref<128xi32, #tpu.memory_space<hbm>>
        %dma_start3A_37 = arith.constant 0 : i32
        %dma_start3A_38 = tpu.memref_slice %arg7[%while3A_25, %dma_start3A_37] : memref<40x128xi32, #tpu.memory_space<vmem>> -> memref<1x128xi32, #tpu.memory_space<vmem>>
        %dma_start3A_39 = tpu.memref_squeeze %dma_start3A_38 : memref<1x128xi32, #tpu.memory_space<vmem>> -> memref<128xi32, #tpu.memory_space<vmem>>
        %dma_start3A_40 = tpu.memref_slice %arg3[%run_scoped3A, %add3A_28] : memref<2x160000xi32, #tpu.memory_space<hbm>> -> memref<1x128xi32, #tpu.memory_space<hbm>>
        %dma_start3A_41 = tpu.memref_squeeze %dma_start3A_40 : memref<1x128xi32, #tpu.memory_space<hbm>> -> memref<128xi32, #tpu.memory_space<hbm>>
        tpu.enqueue_dma source(%dma_start3A_41 : memref<128xi32, #tpu.memory_space<hbm>>) target(%dma_start3A_39 : memref<128xi32, #tpu.memory_space<vmem>>) target_semaphore(%run_scoped3A_32 : memref<!tpu.dma_semaphore, #tpu.memory_space<semaphore_mem>>)
        %dma_wait3A = arith.constant 0 : i32
        %dma_wait3A_42 = tpu.memref_slice %arg7[%while3A_25, %dma_wait3A] : memref<40x128xi32, #tpu.memory_space<vmem>> -> memref<1x128xi32, #tpu.memory_space<vmem>>
        %dma_wait3A_43 = tpu.memref_squeeze %dma_wait3A_42 : memref<1x128xi32, #tpu.memory_space<vmem>> -> memref<128xi32, #tpu.memory_space<vmem>>
        %dma_wait3A_44 = tpu.memref_slice %arg3[%run_scoped3A, %add3A_28] : memref<2x160000xi32, #tpu.memory_space<hbm>> -> memref<1x128xi32, #tpu.memory_space<hbm>>
        %dma_wait3A_45 = tpu.memref_squeeze %dma_wait3A_44 : memref<1x128xi32, #tpu.memory_space<hbm>> -> memref<128xi32, #tpu.memory_space<hbm>>
        %dma_wait3A_46 = arith.constant 0 : i32
        %dma_wait3A_47 = tpu.memref_slice %arg7[%while3A_25, %dma_wait3A_46] : memref<40x128xi32, #tpu.memory_space<vmem>> -> memref<1x128xi32, #tpu.memory_space<vmem>>
        %dma_wait3A_48 = tpu.memref_squeeze %dma_wait3A_47 : memref<1x128xi32, #tpu.memory_space<vmem>> -> memref<128xi32, #tpu.memory_space<vmem>>
        %dma_wait3A_49 = tpu.memref_slice %arg3[%run_scoped3A, %add3A_28] : memref<2x160000xi32, #tpu.memory_space<hbm>> -> memref<1x128xi32, #tpu.memory_space<hbm>>
        %dma_wait3A_50 = tpu.memref_squeeze %dma_wait3A_49 : memref<1x128xi32, #tpu.memory_space<hbm>> -> memref<128xi32, #tpu.memory_space<hbm>>
        tpu.wait_dma2 semaphore(%run_scoped3A_32 : memref<!tpu.dma_semaphore, #tpu.memory_space<semaphore_mem>>) src(%dma_wait3A_50 : memref<128xi32, #tpu.memory_space<hbm>>) dst(%dma_wait3A_48 : memref<128xi32, #tpu.memory_space<vmem>>)
        tpu.yield
      }) : () -> ()
      %mul3A_29 = arith.constant 128 : i32
      %mul3A_30 = arith.muli %while3A_25, %mul3A_29 : i32
      %add3A_31 = arith.addi %mul3A_6, %mul3A_30 : i32
      "tpu.region"() ({
        %run_scoped3A_32 = tpu.sem_alloc : memref<!tpu.dma_semaphore, #tpu.memory_space<semaphore_mem>>
        %dma_start3A = arith.constant 0 : i32
        %dma_start3A_33 = tpu.memref_slice %arg2[%add3A_31, %dma_start3A] : memref<163840x128xf32, #tpu.memory_space<hbm>> -> memref<128x32xf32, #tpu.memory_space<hbm>>
        %dma_start3A_34 = arith.constant 0 : i32
        %dma_start3A_35 = tpu.memref_slice %arg2[%add3A_31, %dma_start3A_34] : memref<163840x128xf32, #tpu.memory_space<hbm>> -> memref<128x32xf32, #tpu.memory_space<hbm>>
        tpu.enqueue_dma source(%dma_start3A_35 : memref<128x32xf32, #tpu.memory_space<hbm>>) target(%arg8 : memref<128x32xf32, #tpu.memory_space<vmem>>) target_semaphore(%run_scoped3A_32 : memref<!tpu.dma_semaphore, #tpu.memory_space<semaphore_mem>>)
        %dma_wait3A = arith.constant 0 : i32
        %dma_wait3A_36 = tpu.memref_slice %arg2[%add3A_31, %dma_wait3A] : memref<163840x128xf32, #tpu.memory_space<hbm>> -> memref<128x32xf32, #tpu.memory_space<hbm>>
        %dma_wait3A_37 = arith.constant 0 : i32
        %dma_wait3A_38 = tpu.memref_slice %arg2[%add3A_31, %dma_wait3A_37] : memref<163840x128xf32, #tpu.memory_space<hbm>> -> memref<128x32xf32, #tpu.memory_space<hbm>>
        tpu.wait_dma2 semaphore(%run_scoped3A_32 : memref<!tpu.dma_semaphore, #tpu.memory_space<semaphore_mem>>) src(%dma_wait3A_38 : memref<128x32xf32, #tpu.memory_space<hbm>>) dst(%arg8 : memref<128x32xf32, #tpu.memory_space<vmem>>)
        tpu.yield
      }) : () -> ()
      "tpu.region"() ({
        %run_scoped3A_32 = tpu.sem_alloc : memref<!tpu.dma_semaphore, #tpu.memory_space<semaphore_mem>>
        %dma_start3A = arith.constant 0 : i32
        %dma_start3A_33 = tpu.memref_slice %arg7[%while3A_25, %dma_start3A] : memref<40x128xi32, #tpu.memory_space<vmem>> -> memref<1x128xi32, #tpu.memory_space<vmem>>
        %dma_start3A_34 = tpu.memref_squeeze %dma_start3A_33 : memref<1x128xi32, #tpu.memory_space<vmem>> -> memref<128xi32, #tpu.memory_space<vmem>>
        %dma_start3A_35 = arith.constant 0 : i32
        %dma_start3A_36 = arith.constant 0 : i32
        %dma_start3A_37 = tpu.memref_slice %arg10[%dma_start3A_35, %dma_start3A_36] : memref<10000x32xf32, #tpu.memory_space<vmem_shared>> -> memref<10000x32xf32, #tpu.memory_space<vmem_shared>>
        tpu.enqueue_indirect_dma source(%arg8 : memref<128x32xf32, #tpu.memory_space<vmem>>) target(%dma_start3A_37 : memref<10000x32xf32, #tpu.memory_space<vmem_shared>>) offsets(%dma_start3A_34 : memref<128xi32, #tpu.memory_space<vmem>>) semaphore(%run_scoped3A_32 : memref<!tpu.dma_semaphore, #tpu.memory_space<semaphore_mem>>) {add = true}
        %dma_wait3A = arith.constant 0 : i32
        %dma_wait3A_38 = tpu.memref_slice %arg7[%while3A_25, %dma_wait3A] : memref<40x128xi32, #tpu.memory_space<vmem>> -> memref<1x128xi32, #tpu.memory_space<vmem>>
        %dma_wait3A_39 = tpu.memref_squeeze %dma_wait3A_38 : memref<1x128xi32, #tpu.memory_space<vmem>> -> memref<128xi32, #tpu.memory_space<vmem>>
        %dma_wait3A_40 = arith.constant 0 : i32
        %dma_wait3A_41 = arith.constant 0 : i32
        %dma_wait3A_42 = tpu.memref_slice %arg10[%dma_wait3A_40, %dma_wait3A_41] : memref<10000x32xf32, #tpu.memory_space<vmem_shared>> -> memref<10000x32xf32, #tpu.memory_space<vmem_shared>>
        tpu.wait_indirect_dma semaphore(%run_scoped3A_32 : memref<!tpu.dma_semaphore, #tpu.memory_space<semaphore_mem>>) src(%arg8 : memref<128x32xf32, #tpu.memory_space<vmem>>) dst(%dma_wait3A_42 : memref<10000x32xf32, #tpu.memory_space<vmem_shared>>)
        tpu.yield
      }) : () -> ()
    }
    %while3A_19 = arith.constant 1 : i32
    scf.for %while3A_25 = %while3A_17 to %while3A_13 step %while3A_19  : i32 {
      %mul3A_26 = arith.constant 128 : i32
      %mul3A_27 = arith.muli %while3A_25, %mul3A_26 : i32
      %add3A_28 = arith.addi %mul3A_6, %mul3A_27 : i32
      %run_scoped3A = arith.constant 1 : i32
      "tpu.region"() ({
        %run_scoped3A_32 = tpu.sem_alloc : memref<!tpu.dma_semaphore, #tpu.memory_space<semaphore_mem>>
        %dma_start3A = arith.constant 0 : i32
        %dma_start3A_33 = tpu.memref_slice %arg7[%while3A_25, %dma_start3A] : memref<40x128xi32, #tpu.memory_space<vmem>> -> memref<1x128xi32, #tpu.memory_space<vmem>>
        %dma_start3A_34 = tpu.memref_squeeze %dma_start3A_33 : memref<1x128xi32, #tpu.memory_space<vmem>> -> memref<128xi32, #tpu.memory_space<vmem>>
        %dma_start3A_35 = tpu.memref_slice %arg3[%run_scoped3A, %add3A_28] : memref<2x160000xi32, #tpu.memory_space<hbm>> -> memref<1x128xi32, #tpu.memory_space<hbm>>
        %dma_start3A_36 = tpu.memref_squeeze %dma_start3A_35 : memref<1x128xi32, #tpu.memory_space<hbm>> -> memref<128xi32, #tpu.memory_space<hbm>>
        %dma_start3A_37 = arith.constant 0 : i32
        %dma_start3A_38 = tpu.memref_slice %arg7[%while3A_25, %dma_start3A_37] : memref<40x128xi32, #tpu.memory_space<vmem>> -> memref<1x128xi32, #tpu.memory_space<vmem>>
        %dma_start3A_39 = tpu.memref_squeeze %dma_start3A_38 : memref<1x128xi32, #tpu.memory_space<vmem>> -> memref<128xi32, #tpu.memory_space<vmem>>
        %dma_start3A_40 = tpu.memref_slice %arg3[%run_scoped3A, %add3A_28] : memref<2x160000xi32, #tpu.memory_space<hbm>> -> memref<1x128xi32, #tpu.memory_space<hbm>>
        %dma_start3A_41 = tpu.memref_squeeze %dma_start3A_40 : memref<1x128xi32, #tpu.memory_space<hbm>> -> memref<128xi32, #tpu.memory_space<hbm>>
        tpu.enqueue_dma source(%dma_start3A_41 : memref<128xi32, #tpu.memory_space<hbm>>) target(%dma_start3A_39 : memref<128xi32, #tpu.memory_space<vmem>>) target_semaphore(%run_scoped3A_32 : memref<!tpu.dma_semaphore, #tpu.memory_space<semaphore_mem>>)
        %dma_wait3A = arith.constant 0 : i32
        %dma_wait3A_42 = tpu.memref_slice %arg7[%while3A_25, %dma_wait3A] : memref<40x128xi32, #tpu.memory_space<vmem>> -> memref<1x128xi32, #tpu.memory_space<vmem>>
        %dma_wait3A_43 = tpu.memref_squeeze %dma_wait3A_42 : memref<1x128xi32, #tpu.memory_space<vmem>> -> memref<128xi32, #tpu.memory_space<vmem>>
        %dma_wait3A_44 = tpu.memref_slice %arg3[%run_scoped3A, %add3A_28] : memref<2x160000xi32, #tpu.memory_space<hbm>> -> memref<1x128xi32, #tpu.memory_space<hbm>>
        %dma_wait3A_45 = tpu.memref_squeeze %dma_wait3A_44 : memref<1x128xi32, #tpu.memory_space<hbm>> -> memref<128xi32, #tpu.memory_space<hbm>>
        %dma_wait3A_46 = arith.constant 0 : i32
        %dma_wait3A_47 = tpu.memref_slice %arg7[%while3A_25, %dma_wait3A_46] : memref<40x128xi32, #tpu.memory_space<vmem>> -> memref<1x128xi32, #tpu.memory_space<vmem>>
        %dma_wait3A_48 = tpu.memref_squeeze %dma_wait3A_47 : memref<1x128xi32, #tpu.memory_space<vmem>> -> memref<128xi32, #tpu.memory_space<vmem>>
        %dma_wait3A_49 = tpu.memref_slice %arg3[%run_scoped3A, %add3A_28] : memref<2x160000xi32, #tpu.memory_space<hbm>> -> memref<1x128xi32, #tpu.memory_space<hbm>>
        %dma_wait3A_50 = tpu.memref_squeeze %dma_wait3A_49 : memref<1x128xi32, #tpu.memory_space<hbm>> -> memref<128xi32, #tpu.memory_space<hbm>>
        tpu.wait_dma2 semaphore(%run_scoped3A_32 : memref<!tpu.dma_semaphore, #tpu.memory_space<semaphore_mem>>) src(%dma_wait3A_50 : memref<128xi32, #tpu.memory_space<hbm>>) dst(%dma_wait3A_48 : memref<128xi32, #tpu.memory_space<vmem>>)
        tpu.yield
      }) : () -> ()
      %mul3A_29 = arith.constant 128 : i32
      %mul3A_30 = arith.muli %while3A_25, %mul3A_29 : i32
      %add3A_31 = arith.addi %mul3A_6, %mul3A_30 : i32
      "tpu.region"() ({
        %run_scoped3A_32 = tpu.sem_alloc : memref<!tpu.dma_semaphore, #tpu.memory_space<semaphore_mem>>
        %dma_start3A = arith.constant 0 : i32
        %dma_start3A_33 = tpu.memref_slice %arg2[%add3A_31, %dma_start3A] : memref<163840x128xf32, #tpu.memory_space<hbm>> -> memref<128x32xf32, #tpu.memory_space<hbm>>
        %dma_start3A_34 = arith.constant 0 : i32
        %dma_start3A_35 = tpu.memref_slice %arg2[%add3A_31, %dma_start3A_34] : memref<163840x128xf32, #tpu.memory_space<hbm>> -> memref<128x32xf32, #tpu.memory_space<hbm>>
        tpu.enqueue_dma source(%dma_start3A_35 : memref<128x32xf32, #tpu.memory_space<hbm>>) target(%arg8 : memref<128x32xf32, #tpu.memory_space<vmem>>) target_semaphore(%run_scoped3A_32 : memref<!tpu.dma_semaphore, #tpu.memory_space<semaphore_mem>>)
        %dma_wait3A = arith.constant 0 : i32
        %dma_wait3A_36 = tpu.memref_slice %arg2[%add3A_31, %dma_wait3A] : memref<163840x128xf32, #tpu.memory_space<hbm>> -> memref<128x32xf32, #tpu.memory_space<hbm>>
        %dma_wait3A_37 = arith.constant 0 : i32
        %dma_wait3A_38 = tpu.memref_slice %arg2[%add3A_31, %dma_wait3A_37] : memref<163840x128xf32, #tpu.memory_space<hbm>> -> memref<128x32xf32, #tpu.memory_space<hbm>>
        tpu.wait_dma2 semaphore(%run_scoped3A_32 : memref<!tpu.dma_semaphore, #tpu.memory_space<semaphore_mem>>) src(%dma_wait3A_38 : memref<128x32xf32, #tpu.memory_space<hbm>>) dst(%arg8 : memref<128x32xf32, #tpu.memory_space<vmem>>)
        tpu.yield
      }) : () -> ()
      "tpu.region"() ({
        %run_scoped3A_32 = tpu.sem_alloc : memref<!tpu.dma_semaphore, #tpu.memory_space<semaphore_mem>>
        %dma_start3A = arith.constant 0 : i32
        %dma_start3A_33 = tpu.memref_slice %arg7[%while3A_25, %dma_start3A] : memref<40x128xi32, #tpu.memory_space<vmem>> -> memref<1x128xi32, #tpu.memory_space<vmem>>
        %dma_start3A_34 = tpu.memref_squeeze %dma_start3A_33 : memref<1x128xi32, #tpu.memory_space<vmem>> -> memref<128xi32, #tpu.memory_space<vmem>>
        %dma_start3A_35 = arith.constant 0 : i32
        %dma_start3A_36 = arith.constant 0 : i32
        %dma_start3A_37 = tpu.memref_slice %arg10[%dma_start3A_35, %dma_start3A_36] : memref<10000x32xf32, #tpu.memory_space<vmem_shared>> -> memref<10000x32xf32, #tpu.memory_space<vmem_shared>>
        tpu.enqueue_indirect_dma source(%arg8 : memref<128x32xf32, #tpu.memory_space<vmem>>) target(%dma_start3A_37 : memref<10000x32xf32, #tpu.memory_space<vmem_shared>>) offsets(%dma_start3A_34 : memref<128xi32, #tpu.memory_space<vmem>>) semaphore(%run_scoped3A_32 : memref<!tpu.dma_semaphore, #tpu.memory_space<semaphore_mem>>) {add = true}
        %dma_wait3A = arith.constant 0 : i32
        %dma_wait3A_38 = tpu.memref_slice %arg7[%while3A_25, %dma_wait3A] : memref<40x128xi32, #tpu.memory_space<vmem>> -> memref<1x128xi32, #tpu.memory_space<vmem>>
        %dma_wait3A_39 = tpu.memref_squeeze %dma_wait3A_38 : memref<1x128xi32, #tpu.memory_space<vmem>> -> memref<128xi32, #tpu.memory_space<vmem>>
        %dma_wait3A_40 = arith.constant 0 : i32
        %dma_wait3A_41 = arith.constant 0 : i32
        %dma_wait3A_42 = tpu.memref_slice %arg10[%dma_wait3A_40, %dma_wait3A_41] : memref<10000x32xf32, #tpu.memory_space<vmem_shared>> -> memref<10000x32xf32, #tpu.memory_space<vmem_shared>>
        tpu.wait_indirect_dma semaphore(%run_scoped3A_32 : memref<!tpu.dma_semaphore, #tpu.memory_space<semaphore_mem>>) src(%arg8 : memref<128x32xf32, #tpu.memory_space<vmem>>) dst(%dma_wait3A_42 : memref<10000x32xf32, #tpu.memory_space<vmem_shared>>)
        tpu.yield
      }) : () -> ()
    }
    %barrier3A_20 = arith.constant 0 : index
    tpu.barrier barrier_id(%barrier3A_20)
    %mul3A_21 = arith.constant 625 : i32
    %mul3A_22 = arith.muli %arg1, %mul3A_21 : i32
    %mul3A_23 = arith.constant 625 : i32
    %mul3A_24 = arith.muli %arg1, %mul3A_23 : i32
    "tpu.region"() ({
      %run_scoped3A = tpu.sem_alloc : memref<!tpu.dma_semaphore, #tpu.memory_space<semaphore_mem>>
      %dma_start3A = arith.constant 0 : i32
      %dma_start3A_25 = tpu.memref_slice %arg6[%arg0, %mul3A_24, %dma_start3A] : memref<2x10000x128xf32, #tpu.memory_space<hbm>> -> memref<1x625x32xf32, #tpu.memory_space<hbm>>
      %dma_start3A_26 = tpu.memref_squeeze %dma_start3A_25 : memref<1x625x32xf32, #tpu.memory_space<hbm>> -> memref<625x32xf32, #tpu.memory_space<hbm>>
      %dma_start3A_27 = arith.constant 0 : i32
      %dma_start3A_28 = tpu.memref_slice %arg10[%mul3A_22, %dma_start3A_27] : memref<10000x32xf32, #tpu.memory_space<vmem_shared>> -> memref<625x32xf32, #tpu.memory_space<vmem_shared>>
      tpu.enqueue_dma source(%dma_start3A_28 : memref<625x32xf32, #tpu.memory_space<vmem_shared>>) target(%dma_start3A_26 : memref<625x32xf32, #tpu.memory_space<hbm>>) target_semaphore(%run_scoped3A : memref<!tpu.dma_semaphore, #tpu.memory_space<semaphore_mem>>)
      %dma_wait3A = arith.constant 0 : i32
      %dma_wait3A_29 = tpu.memref_slice %arg6[%arg0, %mul3A_24, %dma_wait3A] : memref<2x10000x128xf32, #tpu.memory_space<hbm>> -> memref<1x625x32xf32, #tpu.memory_space<hbm>>
      %dma_wait3A_30 = tpu.memref_squeeze %dma_wait3A_29 : memref<1x625x32xf32, #tpu.memory_space<hbm>> -> memref<625x32xf32, #tpu.memory_space<hbm>>
      %dma_wait3A_31 = arith.constant 0 : i32
      %dma_wait3A_32 = tpu.memref_slice %arg10[%mul3A_22, %dma_wait3A_31] : memref<10000x32xf32, #tpu.memory_space<vmem_shared>> -> memref<625x32xf32, #tpu.memory_space<vmem_shared>>
      tpu.wait_dma2 semaphore(%run_scoped3A : memref<!tpu.dma_semaphore, #tpu.memory_space<semaphore_mem>>) src(%dma_wait3A_32 : memref<625x32xf32, #tpu.memory_space<vmem_shared>>) dst(%dma_wait3A_30 : memref<625x32xf32, #tpu.memory_space<hbm>>)
      tpu.yield
    }) : () -> ()
    return
  }
}

#map = affine_map<(d0, d1) -> (0, 0)>
module attributes {stable_mosaic.version = 14 : i64} {
  func.func @k(%arg0: i32, %arg1: i32, %arg2: memref<10000x32xf32, #tpu.memory_space<hbm>>, %arg3: memref<2x160000xi32, #tpu.memory_space<hbm>>, %arg4: memref<163840x128xf32, #tpu.memory_space<hbm>>, %arg5: memref<40x128xi32, #tpu.memory_space<vmem>>, %arg6: memref<128x32xf32, #tpu.memory_space<vmem>>, %arg7: memref<!tpu.dma_semaphore, #tpu.memory_space<semaphore_mem>>) attributes {dimension_semantics = [#tpu.dimension_semantics<core_parallel>, #tpu.dimension_semantics<subcore_parallel>], iteration_bounds = array<i64: 2, 16>, scalar_prefetch = 0 : i64, scratch_operands = 3 : i64, tpu.core_type = #tpu.core_type<sc_vector_subcore>, window_params = [{transform_indices = #map}, {transform_indices = #map}, {transform_indices = #map}]} {
    %mul3A = arith.constant 2 : i32
    %mul3A_0 = arith.muli %arg1, %mul3A : i32
    %add3A = arith.addi %mul3A_0, %arg0 : i32
    %mul3A_1 = arith.constant 5120 : i32
    %mul3A_2 = arith.muli %add3A, %mul3A_1 : i32
    %eq3A = arith.constant 31 : i32
    %eq3A_3 = arith.cmpi eq, %add3A, %eq3A : i32
    %jit3A = arith.constant 10 : i32
    %jit3A_4 = arith.constant 40 : i32
    %select_n3A = arith.select %eq3A_3, %jit3A, %jit3A_4 : i32
    %min3A = arith.constant 20 : i32
    %min3A_5 = arith.minsi %select_n3A, %min3A : i32
    %max3A = arith.constant 0 : i32
    %max3A_6 = arith.maxsi %min3A_5, %max3A : i32
    %while3A = arith.constant 0 : i32
    %while3A_7 = arith.constant 0 : i32
    %while3A_8 = arith.subi %max3A_6, %while3A_7 : i32
    %while3A_9 = arith.addi %while3A_7, %while3A_8 : i32
    %while3A_10 = arith.constant 1 : i32
    %while3A_11 = arith.divsi %while3A_8, %while3A_10 : i32
    %while3A_12 = arith.muli %while3A_11, %while3A_10 : i32
    %while3A_13 = arith.addi %while3A_7, %while3A_12 : i32
    %while3A_14 = arith.constant 1 : i32
    scf.for %while3A_16 = %while3A_7 to %while3A_13 step %while3A_14  : i32 {
      %mul3A_17 = arith.constant 128 : i32
      %mul3A_18 = arith.muli %while3A_16, %mul3A_17 : i32
      %add3A_19 = arith.addi %mul3A_2, %mul3A_18 : i32
      %run_scoped3A = arith.constant 0 : i32
      "tpu.region"() ({
        %run_scoped3A_33 = tpu.sem_alloc : memref<!tpu.dma_semaphore, #tpu.memory_space<semaphore_mem>>
        %dma_start3A_34 = arith.constant 0 : i32
        %dma_start3A_35 = tpu.memref_slice %arg5[%while3A_16, %dma_start3A_34] : memref<40x128xi32, #tpu.memory_space<vmem>> -> memref<1x128xi32, #tpu.memory_space<vmem>>
        %dma_start3A_36 = tpu.memref_squeeze %dma_start3A_35 : memref<1x128xi32, #tpu.memory_space<vmem>> -> memref<128xi32, #tpu.memory_space<vmem>>
        %dma_start3A_37 = tpu.memref_slice %arg3[%run_scoped3A, %add3A_19] : memref<2x160000xi32, #tpu.memory_space<hbm>> -> memref<1x128xi32, #tpu.memory_space<hbm>>
        %dma_start3A_38 = tpu.memref_squeeze %dma_start3A_37 : memref<1x128xi32, #tpu.memory_space<hbm>> -> memref<128xi32, #tpu.memory_space<hbm>>
        %dma_start3A_39 = arith.constant 0 : i32
        %dma_start3A_40 = tpu.memref_slice %arg5[%while3A_16, %dma_start3A_39] : memref<40x128xi32, #tpu.memory_space<vmem>> -> memref<1x128xi32, #tpu.memory_space<vmem>>
        %dma_start3A_41 = tpu.memref_squeeze %dma_start3A_40 : memref<1x128xi32, #tpu.memory_space<vmem>> -> memref<128xi32, #tpu.memory_space<vmem>>
        %dma_start3A_42 = tpu.memref_slice %arg3[%run_scoped3A, %add3A_19] : memref<2x160000xi32, #tpu.memory_space<hbm>> -> memref<1x128xi32, #tpu.memory_space<hbm>>
        %dma_start3A_43 = tpu.memref_squeeze %dma_start3A_42 : memref<1x128xi32, #tpu.memory_space<hbm>> -> memref<128xi32, #tpu.memory_space<hbm>>
        tpu.enqueue_dma source(%dma_start3A_43 : memref<128xi32, #tpu.memory_space<hbm>>) target(%dma_start3A_41 : memref<128xi32, #tpu.memory_space<vmem>>) target_semaphore(%run_scoped3A_33 : memref<!tpu.dma_semaphore, #tpu.memory_space<semaphore_mem>>)
        %dma_wait3A_44 = arith.constant 0 : i32
        %dma_wait3A_45 = tpu.memref_slice %arg5[%while3A_16, %dma_wait3A_44] : memref<40x128xi32, #tpu.memory_space<vmem>> -> memref<1x128xi32, #tpu.memory_space<vmem>>
        %dma_wait3A_46 = tpu.memref_squeeze %dma_wait3A_45 : memref<1x128xi32, #tpu.memory_space<vmem>> -> memref<128xi32, #tpu.memory_space<vmem>>
        %dma_wait3A_47 = tpu.memref_slice %arg3[%run_scoped3A, %add3A_19] : memref<2x160000xi32, #tpu.memory_space<hbm>> -> memref<1x128xi32, #tpu.memory_space<hbm>>
        %dma_wait3A_48 = tpu.memref_squeeze %dma_wait3A_47 : memref<1x128xi32, #tpu.memory_space<hbm>> -> memref<128xi32, #tpu.memory_space<hbm>>
        %dma_wait3A_49 = arith.constant 0 : i32
        %dma_wait3A_50 = tpu.memref_slice %arg5[%while3A_16, %dma_wait3A_49] : memref<40x128xi32, #tpu.memory_space<vmem>> -> memref<1x128xi32, #tpu.memory_space<vmem>>
        %dma_wait3A_51 = tpu.memref_squeeze %dma_wait3A_50 : memref<1x128xi32, #tpu.memory_space<vmem>> -> memref<128xi32, #tpu.memory_space<vmem>>
        %dma_wait3A_52 = tpu.memref_slice %arg3[%run_scoped3A, %add3A_19] : memref<2x160000xi32, #tpu.memory_space<hbm>> -> memref<1x128xi32, #tpu.memory_space<hbm>>
        %dma_wait3A_53 = tpu.memref_squeeze %dma_wait3A_52 : memref<1x128xi32, #tpu.memory_space<hbm>> -> memref<128xi32, #tpu.memory_space<hbm>>
        tpu.wait_dma2 semaphore(%run_scoped3A_33 : memref<!tpu.dma_semaphore, #tpu.memory_space<semaphore_mem>>) src(%dma_wait3A_53 : memref<128xi32, #tpu.memory_space<hbm>>) dst(%dma_wait3A_51 : memref<128xi32, #tpu.memory_space<vmem>>)
        tpu.yield
      }) : () -> ()
      %dma_start3A = arith.constant 0 : i32
      %dma_start3A_20 = tpu.memref_slice %arg5[%while3A_16, %dma_start3A] : memref<40x128xi32, #tpu.memory_space<vmem>> -> memref<1x128xi32, #tpu.memory_space<vmem>>
      %dma_start3A_21 = tpu.memref_squeeze %dma_start3A_20 : memref<1x128xi32, #tpu.memory_space<vmem>> -> memref<128xi32, #tpu.memory_space<vmem>>
      %dma_start3A_22 = arith.constant 0 : i32
      %dma_start3A_23 = arith.constant 0 : i32
      %dma_start3A_24 = tpu.memref_slice %arg2[%dma_start3A_22, %dma_start3A_23] : memref<10000x32xf32, #tpu.memory_space<hbm>> -> memref<10000x32xf32, #tpu.memory_space<hbm>>
      tpu.enqueue_indirect_dma source(%dma_start3A_24 : memref<10000x32xf32, #tpu.memory_space<hbm>>) target(%arg6 : memref<128x32xf32, #tpu.memory_space<vmem>>) offsets(%dma_start3A_21 : memref<128xi32, #tpu.memory_space<vmem>>) semaphore(%arg7 : memref<!tpu.dma_semaphore, #tpu.memory_space<semaphore_mem>>)
      %dma_wait3A = arith.constant 0 : i32
      %dma_wait3A_25 = tpu.memref_slice %arg5[%while3A_16, %dma_wait3A] : memref<40x128xi32, #tpu.memory_space<vmem>> -> memref<1x128xi32, #tpu.memory_space<vmem>>
      %dma_wait3A_26 = tpu.memref_squeeze %dma_wait3A_25 : memref<1x128xi32, #tpu.memory_space<vmem>> -> memref<128xi32, #tpu.memory_space<vmem>>
      %dma_wait3A_27 = arith.constant 0 : i32
      %dma_wait3A_28 = arith.constant 0 : i32
      %dma_wait3A_29 = tpu.memref_slice %arg2[%dma_wait3A_27, %dma_wait3A_28] : memref<10000x32xf32, #tpu.memory_space<hbm>> -> memref<10000x32xf32, #tpu.memory_space<hbm>>
      tpu.wait_indirect_dma semaphore(%arg7 : memref<!tpu.dma_semaphore, #tpu.memory_space<semaphore_mem>>) src(%dma_wait3A_29 : memref<10000x32xf32, #tpu.memory_space<hbm>>) dst(%arg6 : memref<128x32xf32, #tpu.memory_space<vmem>>)
      %mul3A_30 = arith.constant 128 : i32
      %mul3A_31 = arith.muli %while3A_16, %mul3A_30 : i32
      %add3A_32 = arith.addi %mul3A_2, %mul3A_31 : i32
      "tpu.region"() ({
        %run_scoped3A_33 = tpu.sem_alloc : memref<!tpu.dma_semaphore, #tpu.memory_space<semaphore_mem>>
        %dma_start3A_34 = arith.constant 0 : i32
        %dma_start3A_35 = tpu.memref_slice %arg4[%add3A_32, %dma_start3A_34] : memref<163840x128xf32, #tpu.memory_space<hbm>> -> memref<128x32xf32, #tpu.memory_space<hbm>>
        %dma_start3A_36 = arith.constant 0 : i32
        %dma_start3A_37 = tpu.memref_slice %arg4[%add3A_32, %dma_start3A_36] : memref<163840x128xf32, #tpu.memory_space<hbm>> -> memref<128x32xf32, #tpu.memory_space<hbm>>
        tpu.enqueue_dma source(%arg6 : memref<128x32xf32, #tpu.memory_space<vmem>>) target(%dma_start3A_37 : memref<128x32xf32, #tpu.memory_space<hbm>>) target_semaphore(%run_scoped3A_33 : memref<!tpu.dma_semaphore, #tpu.memory_space<semaphore_mem>>)
        %dma_wait3A_38 = arith.constant 0 : i32
        %dma_wait3A_39 = tpu.memref_slice %arg4[%add3A_32, %dma_wait3A_38] : memref<163840x128xf32, #tpu.memory_space<hbm>> -> memref<128x32xf32, #tpu.memory_space<hbm>>
        %dma_wait3A_40 = arith.constant 0 : i32
        %dma_wait3A_41 = tpu.memref_slice %arg4[%add3A_32, %dma_wait3A_40] : memref<163840x128xf32, #tpu.memory_space<hbm>> -> memref<128x32xf32, #tpu.memory_space<hbm>>
        tpu.wait_dma2 semaphore(%run_scoped3A_33 : memref<!tpu.dma_semaphore, #tpu.memory_space<semaphore_mem>>) src(%arg6 : memref<128x32xf32, #tpu.memory_space<vmem>>) dst(%dma_wait3A_41 : memref<128x32xf32, #tpu.memory_space<hbm>>)
        tpu.yield
      }) : () -> ()
    }
    %while3A_15 = arith.constant 1 : i32
    scf.for %while3A_16 = %while3A_13 to %while3A_9 step %while3A_15  : i32 {
      %mul3A_17 = arith.constant 128 : i32
      %mul3A_18 = arith.muli %while3A_16, %mul3A_17 : i32
      %add3A_19 = arith.addi %mul3A_2, %mul3A_18 : i32
      %run_scoped3A = arith.constant 0 : i32
      "tpu.region"() ({
        %run_scoped3A_33 = tpu.sem_alloc : memref<!tpu.dma_semaphore, #tpu.memory_space<semaphore_mem>>
        %dma_start3A_34 = arith.constant 0 : i32
        %dma_start3A_35 = tpu.memref_slice %arg5[%while3A_16, %dma_start3A_34] : memref<40x128xi32, #tpu.memory_space<vmem>> -> memref<1x128xi32, #tpu.memory_space<vmem>>
        %dma_start3A_36 = tpu.memref_squeeze %dma_start3A_35 : memref<1x128xi32, #tpu.memory_space<vmem>> -> memref<128xi32, #tpu.memory_space<vmem>>
        %dma_start3A_37 = tpu.memref_slice %arg3[%run_scoped3A, %add3A_19] : memref<2x160000xi32, #tpu.memory_space<hbm>> -> memref<1x128xi32, #tpu.memory_space<hbm>>
        %dma_start3A_38 = tpu.memref_squeeze %dma_start3A_37 : memref<1x128xi32, #tpu.memory_space<hbm>> -> memref<128xi32, #tpu.memory_space<hbm>>
        %dma_start3A_39 = arith.constant 0 : i32
        %dma_start3A_40 = tpu.memref_slice %arg5[%while3A_16, %dma_start3A_39] : memref<40x128xi32, #tpu.memory_space<vmem>> -> memref<1x128xi32, #tpu.memory_space<vmem>>
        %dma_start3A_41 = tpu.memref_squeeze %dma_start3A_40 : memref<1x128xi32, #tpu.memory_space<vmem>> -> memref<128xi32, #tpu.memory_space<vmem>>
        %dma_start3A_42 = tpu.memref_slice %arg3[%run_scoped3A, %add3A_19] : memref<2x160000xi32, #tpu.memory_space<hbm>> -> memref<1x128xi32, #tpu.memory_space<hbm>>
        %dma_start3A_43 = tpu.memref_squeeze %dma_start3A_42 : memref<1x128xi32, #tpu.memory_space<hbm>> -> memref<128xi32, #tpu.memory_space<hbm>>
        tpu.enqueue_dma source(%dma_start3A_43 : memref<128xi32, #tpu.memory_space<hbm>>) target(%dma_start3A_41 : memref<128xi32, #tpu.memory_space<vmem>>) target_semaphore(%run_scoped3A_33 : memref<!tpu.dma_semaphore, #tpu.memory_space<semaphore_mem>>)
        %dma_wait3A_44 = arith.constant 0 : i32
        %dma_wait3A_45 = tpu.memref_slice %arg5[%while3A_16, %dma_wait3A_44] : memref<40x128xi32, #tpu.memory_space<vmem>> -> memref<1x128xi32, #tpu.memory_space<vmem>>
        %dma_wait3A_46 = tpu.memref_squeeze %dma_wait3A_45 : memref<1x128xi32, #tpu.memory_space<vmem>> -> memref<128xi32, #tpu.memory_space<vmem>>
        %dma_wait3A_47 = tpu.memref_slice %arg3[%run_scoped3A, %add3A_19] : memref<2x160000xi32, #tpu.memory_space<hbm>> -> memref<1x128xi32, #tpu.memory_space<hbm>>
        %dma_wait3A_48 = tpu.memref_squeeze %dma_wait3A_47 : memref<1x128xi32, #tpu.memory_space<hbm>> -> memref<128xi32, #tpu.memory_space<hbm>>
        %dma_wait3A_49 = arith.constant 0 : i32
        %dma_wait3A_50 = tpu.memref_slice %arg5[%while3A_16, %dma_wait3A_49] : memref<40x128xi32, #tpu.memory_space<vmem>> -> memref<1x128xi32, #tpu.memory_space<vmem>>
        %dma_wait3A_51 = tpu.memref_squeeze %dma_wait3A_50 : memref<1x128xi32, #tpu.memory_space<vmem>> -> memref<128xi32, #tpu.memory_space<vmem>>
        %dma_wait3A_52 = tpu.memref_slice %arg3[%run_scoped3A, %add3A_19] : memref<2x160000xi32, #tpu.memory_space<hbm>> -> memref<1x128xi32, #tpu.memory_space<hbm>>
        %dma_wait3A_53 = tpu.memref_squeeze %dma_wait3A_52 : memref<1x128xi32, #tpu.memory_space<hbm>> -> memref<128xi32, #tpu.memory_space<hbm>>
        tpu.wait_dma2 semaphore(%run_scoped3A_33 : memref<!tpu.dma_semaphore, #tpu.memory_space<semaphore_mem>>) src(%dma_wait3A_53 : memref<128xi32, #tpu.memory_space<hbm>>) dst(%dma_wait3A_51 : memref<128xi32, #tpu.memory_space<vmem>>)
        tpu.yield
      }) : () -> ()
      %dma_start3A = arith.constant 0 : i32
      %dma_start3A_20 = tpu.memref_slice %arg5[%while3A_16, %dma_start3A] : memref<40x128xi32, #tpu.memory_space<vmem>> -> memref<1x128xi32, #tpu.memory_space<vmem>>
      %dma_start3A_21 = tpu.memref_squeeze %dma_start3A_20 : memref<1x128xi32, #tpu.memory_space<vmem>> -> memref<128xi32, #tpu.memory_space<vmem>>
      %dma_start3A_22 = arith.constant 0 : i32
      %dma_start3A_23 = arith.constant 0 : i32
      %dma_start3A_24 = tpu.memref_slice %arg2[%dma_start3A_22, %dma_start3A_23] : memref<10000x32xf32, #tpu.memory_space<hbm>> -> memref<10000x32xf32, #tpu.memory_space<hbm>>
      tpu.enqueue_indirect_dma source(%dma_start3A_24 : memref<10000x32xf32, #tpu.memory_space<hbm>>) target(%arg6 : memref<128x32xf32, #tpu.memory_space<vmem>>) offsets(%dma_start3A_21 : memref<128xi32, #tpu.memory_space<vmem>>) semaphore(%arg7 : memref<!tpu.dma_semaphore, #tpu.memory_space<semaphore_mem>>)
      %dma_wait3A = arith.constant 0 : i32
      %dma_wait3A_25 = tpu.memref_slice %arg5[%while3A_16, %dma_wait3A] : memref<40x128xi32, #tpu.memory_space<vmem>> -> memref<1x128xi32, #tpu.memory_space<vmem>>
      %dma_wait3A_26 = tpu.memref_squeeze %dma_wait3A_25 : memref<1x128xi32, #tpu.memory_space<vmem>> -> memref<128xi32, #tpu.memory_space<vmem>>
      %dma_wait3A_27 = arith.constant 0 : i32
      %dma_wait3A_28 = arith.constant 0 : i32
      %dma_wait3A_29 = tpu.memref_slice %arg2[%dma_wait3A_27, %dma_wait3A_28] : memref<10000x32xf32, #tpu.memory_space<hbm>> -> memref<10000x32xf32, #tpu.memory_space<hbm>>
      tpu.wait_indirect_dma semaphore(%arg7 : memref<!tpu.dma_semaphore, #tpu.memory_space<semaphore_mem>>) src(%dma_wait3A_29 : memref<10000x32xf32, #tpu.memory_space<hbm>>) dst(%arg6 : memref<128x32xf32, #tpu.memory_space<vmem>>)
      %mul3A_30 = arith.constant 128 : i32
      %mul3A_31 = arith.muli %while3A_16, %mul3A_30 : i32
      %add3A_32 = arith.addi %mul3A_2, %mul3A_31 : i32
      "tpu.region"() ({
        %run_scoped3A_33 = tpu.sem_alloc : memref<!tpu.dma_semaphore, #tpu.memory_space<semaphore_mem>>
        %dma_start3A_34 = arith.constant 0 : i32
        %dma_start3A_35 = tpu.memref_slice %arg4[%add3A_32, %dma_start3A_34] : memref<163840x128xf32, #tpu.memory_space<hbm>> -> memref<128x32xf32, #tpu.memory_space<hbm>>
        %dma_start3A_36 = arith.constant 0 : i32
        %dma_start3A_37 = tpu.memref_slice %arg4[%add3A_32, %dma_start3A_36] : memref<163840x128xf32, #tpu.memory_space<hbm>> -> memref<128x32xf32, #tpu.memory_space<hbm>>
        tpu.enqueue_dma source(%arg6 : memref<128x32xf32, #tpu.memory_space<vmem>>) target(%dma_start3A_37 : memref<128x32xf32, #tpu.memory_space<hbm>>) target_semaphore(%run_scoped3A_33 : memref<!tpu.dma_semaphore, #tpu.memory_space<semaphore_mem>>)
        %dma_wait3A_38 = arith.constant 0 : i32
        %dma_wait3A_39 = tpu.memref_slice %arg4[%add3A_32, %dma_wait3A_38] : memref<163840x128xf32, #tpu.memory_space<hbm>> -> memref<128x32xf32, #tpu.memory_space<hbm>>
        %dma_wait3A_40 = arith.constant 0 : i32
        %dma_wait3A_41 = tpu.memref_slice %arg4[%add3A_32, %dma_wait3A_40] : memref<163840x128xf32, #tpu.memory_space<hbm>> -> memref<128x32xf32, #tpu.memory_space<hbm>>
        tpu.wait_dma2 semaphore(%run_scoped3A_33 : memref<!tpu.dma_semaphore, #tpu.memory_space<semaphore_mem>>) src(%arg6 : memref<128x32xf32, #tpu.memory_space<vmem>>) dst(%dma_wait3A_41 : memref<128x32xf32, #tpu.memory_space<hbm>>)
        tpu.yield
      }) : () -> ()
    }
    return
  }
}

#map = affine_map<(d0, d1) -> (0, 0)>
#map1 = affine_map<(d0, d1) -> (0, 0, 0)>
module attributes {stable_mosaic.version = 14 : i64} {
  func.func @body(%arg0: i32, %arg1: i32, %arg2: memref<163840x128xf32, #tpu.memory_space<hbm>>, %arg3: memref<2x160000xi32, #tpu.memory_space<hbm>>, %arg4: memref<10000x32xf32, #tpu.memory_space<hbm>>, %arg5: memref<128x32xf32, #tpu.memory_space<hbm>>, %arg6: memref<2x10000x128xf32, #tpu.memory_space<hbm>>, %arg7: memref<40x128xi32, #tpu.memory_space<vmem>>, %arg8: memref<128x32xf32, #tpu.memory_space<vmem>>, %arg9: memref<128x32xf32, #tpu.memory_space<vmem>>, %arg10: memref<10000x32xf32, #tpu.memory_space<vmem_shared>>, %arg11: memref<10000x32xf32, #tpu.memory_space<vmem_shared>>) attributes {dimension_semantics = [#tpu.dimension_semantics<core_parallel>, #tpu.dimension_semantics<subcore_parallel>], iteration_bounds = array<i64: 2, 16>, scalar_prefetch = 0 : i64, scratch_operands = 5 : i64, tpu.core_type = #tpu.core_type<sc_vector_subcore>, window_params = [{transform_indices = #map}, {transform_indices = #map}, {transform_indices = #map}, {transform_indices = #map}, {transform_indices = #map1}]} {
    %mul3A = arith.constant 2 : i32
    %mul3A_0 = arith.muli %arg1, %mul3A : i32
    %add3A = arith.addi %mul3A_0, %arg0 : i32
    %mul3A_1 = arith.constant 625 : i32
    %mul3A_2 = arith.muli %arg1, %mul3A_1 : i32
    %mul3A_3 = arith.constant 625 : i32
    %mul3A_4 = arith.muli %arg1, %mul3A_3 : i32
    "tpu.region"() ({
      %run_scoped3A = tpu.sem_alloc : memref<!tpu.dma_semaphore, #tpu.memory_space<semaphore_mem>>
      %dma_start3A = arith.constant 0 : i32
      %dma_start3A_25 = tpu.memref_slice %arg10[%mul3A_4, %dma_start3A] : memref<10000x32xf32, #tpu.memory_space<vmem_shared>> -> memref<625x32xf32, #tpu.memory_space<vmem_shared>>
      %dma_start3A_26 = arith.constant 0 : i32
      %dma_start3A_27 = tpu.memref_slice %arg4[%mul3A_2, %dma_start3A_26] : memref<10000x32xf32, #tpu.memory_space<hbm>> -> memref<625x32xf32, #tpu.memory_space<hbm>>
      tpu.enqueue_dma source(%dma_start3A_27 : memref<625x32xf32, #tpu.memory_space<hbm>>) target(%dma_start3A_25 : memref<625x32xf32, #tpu.memory_space<vmem_shared>>) target_semaphore(%run_scoped3A : memref<!tpu.dma_semaphore, #tpu.memory_space<semaphore_mem>>)
      %dma_wait3A = arith.constant 0 : i32
      %dma_wait3A_28 = tpu.memref_slice %arg10[%mul3A_4, %dma_wait3A] : memref<10000x32xf32, #tpu.memory_space<vmem_shared>> -> memref<625x32xf32, #tpu.memory_space<vmem_shared>>
      %dma_wait3A_29 = arith.constant 0 : i32
      %dma_wait3A_30 = tpu.memref_slice %arg4[%mul3A_2, %dma_wait3A_29] : memref<10000x32xf32, #tpu.memory_space<hbm>> -> memref<625x32xf32, #tpu.memory_space<hbm>>
      tpu.wait_dma2 semaphore(%run_scoped3A : memref<!tpu.dma_semaphore, #tpu.memory_space<semaphore_mem>>) src(%dma_wait3A_30 : memref<625x32xf32, #tpu.memory_space<hbm>>) dst(%dma_wait3A_28 : memref<625x32xf32, #tpu.memory_space<vmem_shared>>)
      tpu.yield
    }) : () -> ()
    %barrier3A = arith.constant 0 : index
    tpu.barrier barrier_id(%barrier3A)
    %mul3A_5 = arith.constant 5120 : i32
    %mul3A_6 = arith.muli %add3A, %mul3A_5 : i32
    %eq3A = arith.constant 31 : i32
    %eq3A_7 = arith.cmpi eq, %add3A, %eq3A : i32
    %jit3A = arith.constant 10 : i32
    %jit3A_8 = arith.constant 40 : i32
    %select_n3A = arith.select %eq3A_7, %jit3A, %jit3A_8 : i32
    %min3A = arith.constant 20 : i32
    %min3A_9 = arith.minsi %select_n3A, %min3A : i32
    %max3A = arith.constant 0 : i32
    %max3A_10 = arith.maxsi %min3A_9, %max3A : i32
    %while3A = arith.constant 0 : i32
    %while3A_11 = arith.constant 0 : i32
    %while3A_12 = arith.subi %max3A_10, %while3A_11 : i32
    %while3A_13 = arith.addi %while3A_11, %while3A_12 : i32
    %while3A_14 = arith.constant 1 : i32
    %while3A_15 = arith.divsi %while3A_12, %while3A_14 : i32
    %while3A_16 = arith.muli %while3A_15, %while3A_14 : i32
    %while3A_17 = arith.addi %while3A_11, %while3A_16 : i32
    %while3A_18 = arith.constant 1 : i32
    scf.for %while3A_25 = %while3A_11 to %while3A_17 step %while3A_18  : i32 {
      %mul3A_26 = arith.constant 128 : i32
      %mul3A_27 = arith.muli %while3A_25, %mul3A_26 : i32
      %add3A_28 = arith.addi %mul3A_6, %mul3A_27 : i32
      %run_scoped3A = arith.constant 1 : i32
      "tpu.region"() ({
        %run_scoped3A_32 = tpu.sem_alloc : memref<!tpu.dma_semaphore, #tpu.memory_space<semaphore_mem>>
        %dma_start3A = arith.constant 0 : i32
        %dma_start3A_33 = tpu.memref_slice %arg7[%while3A_25, %dma_start3A] : memref<40x128xi32, #tpu.memory_space<vmem>> -> memref<1x128xi32, #tpu.memory_space<vmem>>
        %dma_start3A_34 = tpu.memref_squeeze %dma_start3A_33 : memref<1x128xi32, #tpu.memory_space<vmem>> -> memref<128xi32, #tpu.memory_space<vmem>>
        %dma_start3A_35 = tpu.memref_slice %arg3[%run_scoped3A, %add3A_28] : memref<2x160000xi32, #tpu.memory_space<hbm>> -> memref<1x128xi32, #tpu.memory_space<hbm>>
        %dma_start3A_36 = tpu.memref_squeeze %dma_start3A_35 : memref<1x128xi32, #tpu.memory_space<hbm>> -> memref<128xi32, #tpu.memory_space<hbm>>
        %dma_start3A_37 = arith.constant 0 : i32
        %dma_start3A_38 = tpu.memref_slice %arg7[%while3A_25, %dma_start3A_37] : memref<40x128xi32, #tpu.memory_space<vmem>> -> memref<1x128xi32, #tpu.memory_space<vmem>>
        %dma_start3A_39 = tpu.memref_squeeze %dma_start3A_38 : memref<1x128xi32, #tpu.memory_space<vmem>> -> memref<128xi32, #tpu.memory_space<vmem>>
        %dma_start3A_40 = tpu.memref_slice %arg3[%run_scoped3A, %add3A_28] : memref<2x160000xi32, #tpu.memory_space<hbm>> -> memref<1x128xi32, #tpu.memory_space<hbm>>
        %dma_start3A_41 = tpu.memref_squeeze %dma_start3A_40 : memref<1x128xi32, #tpu.memory_space<hbm>> -> memref<128xi32, #tpu.memory_space<hbm>>
        tpu.enqueue_dma source(%dma_start3A_41 : memref<128xi32, #tpu.memory_space<hbm>>) target(%dma_start3A_39 : memref<128xi32, #tpu.memory_space<vmem>>) target_semaphore(%run_scoped3A_32 : memref<!tpu.dma_semaphore, #tpu.memory_space<semaphore_mem>>)
        %dma_wait3A = arith.constant 0 : i32
        %dma_wait3A_42 = tpu.memref_slice %arg7[%while3A_25, %dma_wait3A] : memref<40x128xi32, #tpu.memory_space<vmem>> -> memref<1x128xi32, #tpu.memory_space<vmem>>
        %dma_wait3A_43 = tpu.memref_squeeze %dma_wait3A_42 : memref<1x128xi32, #tpu.memory_space<vmem>> -> memref<128xi32, #tpu.memory_space<vmem>>
        %dma_wait3A_44 = tpu.memref_slice %arg3[%run_scoped3A, %add3A_28] : memref<2x160000xi32, #tpu.memory_space<hbm>> -> memref<1x128xi32, #tpu.memory_space<hbm>>
        %dma_wait3A_45 = tpu.memref_squeeze %dma_wait3A_44 : memref<1x128xi32, #tpu.memory_space<hbm>> -> memref<128xi32, #tpu.memory_space<hbm>>
        %dma_wait3A_46 = arith.constant 0 : i32
        %dma_wait3A_47 = tpu.memref_slice %arg7[%while3A_25, %dma_wait3A_46] : memref<40x128xi32, #tpu.memory_space<vmem>> -> memref<1x128xi32, #tpu.memory_space<vmem>>
        %dma_wait3A_48 = tpu.memref_squeeze %dma_wait3A_47 : memref<1x128xi32, #tpu.memory_space<vmem>> -> memref<128xi32, #tpu.memory_space<vmem>>
        %dma_wait3A_49 = tpu.memref_slice %arg3[%run_scoped3A, %add3A_28] : memref<2x160000xi32, #tpu.memory_space<hbm>> -> memref<1x128xi32, #tpu.memory_space<hbm>>
        %dma_wait3A_50 = tpu.memref_squeeze %dma_wait3A_49 : memref<1x128xi32, #tpu.memory_space<hbm>> -> memref<128xi32, #tpu.memory_space<hbm>>
        tpu.wait_dma2 semaphore(%run_scoped3A_32 : memref<!tpu.dma_semaphore, #tpu.memory_space<semaphore_mem>>) src(%dma_wait3A_50 : memref<128xi32, #tpu.memory_space<hbm>>) dst(%dma_wait3A_48 : memref<128xi32, #tpu.memory_space<vmem>>)
        tpu.yield
      }) : () -> ()
      %mul3A_29 = arith.constant 128 : i32
      %mul3A_30 = arith.muli %while3A_25, %mul3A_29 : i32
      %add3A_31 = arith.addi %mul3A_6, %mul3A_30 : i32
      "tpu.region"() ({
        %run_scoped3A_32 = tpu.sem_alloc : memref<!tpu.dma_semaphore, #tpu.memory_space<semaphore_mem>>
        %dma_start3A = arith.constant 0 : i32
        %dma_start3A_33 = tpu.memref_slice %arg2[%add3A_31, %dma_start3A] : memref<163840x128xf32, #tpu.memory_space<hbm>> -> memref<128x32xf32, #tpu.memory_space<hbm>>
        %dma_start3A_34 = arith.constant 0 : i32
        %dma_start3A_35 = tpu.memref_slice %arg2[%add3A_31, %dma_start3A_34] : memref<163840x128xf32, #tpu.memory_space<hbm>> -> memref<128x32xf32, #tpu.memory_space<hbm>>
        tpu.enqueue_dma source(%dma_start3A_35 : memref<128x32xf32, #tpu.memory_space<hbm>>) target(%arg8 : memref<128x32xf32, #tpu.memory_space<vmem>>) target_semaphore(%run_scoped3A_32 : memref<!tpu.dma_semaphore, #tpu.memory_space<semaphore_mem>>)
        %dma_wait3A = arith.constant 0 : i32
        %dma_wait3A_36 = tpu.memref_slice %arg2[%add3A_31, %dma_wait3A] : memref<163840x128xf32, #tpu.memory_space<hbm>> -> memref<128x32xf32, #tpu.memory_space<hbm>>
        %dma_wait3A_37 = arith.constant 0 : i32
        %dma_wait3A_38 = tpu.memref_slice %arg2[%add3A_31, %dma_wait3A_37] : memref<163840x128xf32, #tpu.memory_space<hbm>> -> memref<128x32xf32, #tpu.memory_space<hbm>>
        tpu.wait_dma2 semaphore(%run_scoped3A_32 : memref<!tpu.dma_semaphore, #tpu.memory_space<semaphore_mem>>) src(%dma_wait3A_38 : memref<128x32xf32, #tpu.memory_space<hbm>>) dst(%arg8 : memref<128x32xf32, #tpu.memory_space<vmem>>)
        tpu.yield
      }) : () -> ()
      "tpu.region"() ({
        %run_scoped3A_32 = tpu.sem_alloc : memref<!tpu.dma_semaphore, #tpu.memory_space<semaphore_mem>>
        %dma_start3A = arith.constant 0 : i32
        %dma_start3A_33 = tpu.memref_slice %arg7[%while3A_25, %dma_start3A] : memref<40x128xi32, #tpu.memory_space<vmem>> -> memref<1x128xi32, #tpu.memory_space<vmem>>
        %dma_start3A_34 = tpu.memref_squeeze %dma_start3A_33 : memref<1x128xi32, #tpu.memory_space<vmem>> -> memref<128xi32, #tpu.memory_space<vmem>>
        %dma_start3A_35 = arith.constant 0 : i32
        %dma_start3A_36 = arith.constant 0 : i32
        %dma_start3A_37 = tpu.memref_slice %arg10[%dma_start3A_35, %dma_start3A_36] : memref<10000x32xf32, #tpu.memory_space<vmem_shared>> -> memref<10000x32xf32, #tpu.memory_space<vmem_shared>>
        tpu.enqueue_indirect_dma source(%arg8 : memref<128x32xf32, #tpu.memory_space<vmem>>) target(%dma_start3A_37 : memref<10000x32xf32, #tpu.memory_space<vmem_shared>>) offsets(%dma_start3A_34 : memref<128xi32, #tpu.memory_space<vmem>>) semaphore(%run_scoped3A_32 : memref<!tpu.dma_semaphore, #tpu.memory_space<semaphore_mem>>) {add = true}
        %dma_wait3A = arith.constant 0 : i32
        %dma_wait3A_38 = tpu.memref_slice %arg7[%while3A_25, %dma_wait3A] : memref<40x128xi32, #tpu.memory_space<vmem>> -> memref<1x128xi32, #tpu.memory_space<vmem>>
        %dma_wait3A_39 = tpu.memref_squeeze %dma_wait3A_38 : memref<1x128xi32, #tpu.memory_space<vmem>> -> memref<128xi32, #tpu.memory_space<vmem>>
        %dma_wait3A_40 = arith.constant 0 : i32
        %dma_wait3A_41 = arith.constant 0 : i32
        %dma_wait3A_42 = tpu.memref_slice %arg10[%dma_wait3A_40, %dma_wait3A_41] : memref<10000x32xf32, #tpu.memory_space<vmem_shared>> -> memref<10000x32xf32, #tpu.memory_space<vmem_shared>>
        tpu.wait_indirect_dma semaphore(%run_scoped3A_32 : memref<!tpu.dma_semaphore, #tpu.memory_space<semaphore_mem>>) src(%arg8 : memref<128x32xf32, #tpu.memory_space<vmem>>) dst(%dma_wait3A_42 : memref<10000x32xf32, #tpu.memory_space<vmem_shared>>)
        tpu.yield
      }) : () -> ()
    }
    %while3A_19 = arith.constant 1 : i32
    scf.for %while3A_25 = %while3A_17 to %while3A_13 step %while3A_19  : i32 {
      %mul3A_26 = arith.constant 128 : i32
      %mul3A_27 = arith.muli %while3A_25, %mul3A_26 : i32
      %add3A_28 = arith.addi %mul3A_6, %mul3A_27 : i32
      %run_scoped3A = arith.constant 1 : i32
      "tpu.region"() ({
        %run_scoped3A_32 = tpu.sem_alloc : memref<!tpu.dma_semaphore, #tpu.memory_space<semaphore_mem>>
        %dma_start3A = arith.constant 0 : i32
        %dma_start3A_33 = tpu.memref_slice %arg7[%while3A_25, %dma_start3A] : memref<40x128xi32, #tpu.memory_space<vmem>> -> memref<1x128xi32, #tpu.memory_space<vmem>>
        %dma_start3A_34 = tpu.memref_squeeze %dma_start3A_33 : memref<1x128xi32, #tpu.memory_space<vmem>> -> memref<128xi32, #tpu.memory_space<vmem>>
        %dma_start3A_35 = tpu.memref_slice %arg3[%run_scoped3A, %add3A_28] : memref<2x160000xi32, #tpu.memory_space<hbm>> -> memref<1x128xi32, #tpu.memory_space<hbm>>
        %dma_start3A_36 = tpu.memref_squeeze %dma_start3A_35 : memref<1x128xi32, #tpu.memory_space<hbm>> -> memref<128xi32, #tpu.memory_space<hbm>>
        %dma_start3A_37 = arith.constant 0 : i32
        %dma_start3A_38 = tpu.memref_slice %arg7[%while3A_25, %dma_start3A_37] : memref<40x128xi32, #tpu.memory_space<vmem>> -> memref<1x128xi32, #tpu.memory_space<vmem>>
        %dma_start3A_39 = tpu.memref_squeeze %dma_start3A_38 : memref<1x128xi32, #tpu.memory_space<vmem>> -> memref<128xi32, #tpu.memory_space<vmem>>
        %dma_start3A_40 = tpu.memref_slice %arg3[%run_scoped3A, %add3A_28] : memref<2x160000xi32, #tpu.memory_space<hbm>> -> memref<1x128xi32, #tpu.memory_space<hbm>>
        %dma_start3A_41 = tpu.memref_squeeze %dma_start3A_40 : memref<1x128xi32, #tpu.memory_space<hbm>> -> memref<128xi32, #tpu.memory_space<hbm>>
        tpu.enqueue_dma source(%dma_start3A_41 : memref<128xi32, #tpu.memory_space<hbm>>) target(%dma_start3A_39 : memref<128xi32, #tpu.memory_space<vmem>>) target_semaphore(%run_scoped3A_32 : memref<!tpu.dma_semaphore, #tpu.memory_space<semaphore_mem>>)
        %dma_wait3A = arith.constant 0 : i32
        %dma_wait3A_42 = tpu.memref_slice %arg7[%while3A_25, %dma_wait3A] : memref<40x128xi32, #tpu.memory_space<vmem>> -> memref<1x128xi32, #tpu.memory_space<vmem>>
        %dma_wait3A_43 = tpu.memref_squeeze %dma_wait3A_42 : memref<1x128xi32, #tpu.memory_space<vmem>> -> memref<128xi32, #tpu.memory_space<vmem>>
        %dma_wait3A_44 = tpu.memref_slice %arg3[%run_scoped3A, %add3A_28] : memref<2x160000xi32, #tpu.memory_space<hbm>> -> memref<1x128xi32, #tpu.memory_space<hbm>>
        %dma_wait3A_45 = tpu.memref_squeeze %dma_wait3A_44 : memref<1x128xi32, #tpu.memory_space<hbm>> -> memref<128xi32, #tpu.memory_space<hbm>>
        %dma_wait3A_46 = arith.constant 0 : i32
        %dma_wait3A_47 = tpu.memref_slice %arg7[%while3A_25, %dma_wait3A_46] : memref<40x128xi32, #tpu.memory_space<vmem>> -> memref<1x128xi32, #tpu.memory_space<vmem>>
        %dma_wait3A_48 = tpu.memref_squeeze %dma_wait3A_47 : memref<1x128xi32, #tpu.memory_space<vmem>> -> memref<128xi32, #tpu.memory_space<vmem>>
        %dma_wait3A_49 = tpu.memref_slice %arg3[%run_scoped3A, %add3A_28] : memref<2x160000xi32, #tpu.memory_space<hbm>> -> memref<1x128xi32, #tpu.memory_space<hbm>>
        %dma_wait3A_50 = tpu.memref_squeeze %dma_wait3A_49 : memref<1x128xi32, #tpu.memory_space<hbm>> -> memref<128xi32, #tpu.memory_space<hbm>>
        tpu.wait_dma2 semaphore(%run_scoped3A_32 : memref<!tpu.dma_semaphore, #tpu.memory_space<semaphore_mem>>) src(%dma_wait3A_50 : memref<128xi32, #tpu.memory_space<hbm>>) dst(%dma_wait3A_48 : memref<128xi32, #tpu.memory_space<vmem>>)
        tpu.yield
      }) : () -> ()
      %mul3A_29 = arith.constant 128 : i32
      %mul3A_30 = arith.muli %while3A_25, %mul3A_29 : i32
      %add3A_31 = arith.addi %mul3A_6, %mul3A_30 : i32
      "tpu.region"() ({
        %run_scoped3A_32 = tpu.sem_alloc : memref<!tpu.dma_semaphore, #tpu.memory_space<semaphore_mem>>
        %dma_start3A = arith.constant 0 : i32
        %dma_start3A_33 = tpu.memref_slice %arg2[%add3A_31, %dma_start3A] : memref<163840x128xf32, #tpu.memory_space<hbm>> -> memref<128x32xf32, #tpu.memory_space<hbm>>
        %dma_start3A_34 = arith.constant 0 : i32
        %dma_start3A_35 = tpu.memref_slice %arg2[%add3A_31, %dma_start3A_34] : memref<163840x128xf32, #tpu.memory_space<hbm>> -> memref<128x32xf32, #tpu.memory_space<hbm>>
        tpu.enqueue_dma source(%dma_start3A_35 : memref<128x32xf32, #tpu.memory_space<hbm>>) target(%arg8 : memref<128x32xf32, #tpu.memory_space<vmem>>) target_semaphore(%run_scoped3A_32 : memref<!tpu.dma_semaphore, #tpu.memory_space<semaphore_mem>>)
        %dma_wait3A = arith.constant 0 : i32
        %dma_wait3A_36 = tpu.memref_slice %arg2[%add3A_31, %dma_wait3A] : memref<163840x128xf32, #tpu.memory_space<hbm>> -> memref<128x32xf32, #tpu.memory_space<hbm>>
        %dma_wait3A_37 = arith.constant 0 : i32
        %dma_wait3A_38 = tpu.memref_slice %arg2[%add3A_31, %dma_wait3A_37] : memref<163840x128xf32, #tpu.memory_space<hbm>> -> memref<128x32xf32, #tpu.memory_space<hbm>>
        tpu.wait_dma2 semaphore(%run_scoped3A_32 : memref<!tpu.dma_semaphore, #tpu.memory_space<semaphore_mem>>) src(%dma_wait3A_38 : memref<128x32xf32, #tpu.memory_space<hbm>>) dst(%arg8 : memref<128x32xf32, #tpu.memory_space<vmem>>)
        tpu.yield
      }) : () -> ()
      "tpu.region"() ({
        %run_scoped3A_32 = tpu.sem_alloc : memref<!tpu.dma_semaphore, #tpu.memory_space<semaphore_mem>>
        %dma_start3A = arith.constant 0 : i32
        %dma_start3A_33 = tpu.memref_slice %arg7[%while3A_25, %dma_start3A] : memref<40x128xi32, #tpu.memory_space<vmem>> -> memref<1x128xi32, #tpu.memory_space<vmem>>
        %dma_start3A_34 = tpu.memref_squeeze %dma_start3A_33 : memref<1x128xi32, #tpu.memory_space<vmem>> -> memref<128xi32, #tpu.memory_space<vmem>>
        %dma_start3A_35 = arith.constant 0 : i32
        %dma_start3A_36 = arith.constant 0 : i32
        %dma_start3A_37 = tpu.memref_slice %arg10[%dma_start3A_35, %dma_start3A_36] : memref<10000x32xf32, #tpu.memory_space<vmem_shared>> -> memref<10000x32xf32, #tpu.memory_space<vmem_shared>>
        tpu.enqueue_indirect_dma source(%arg8 : memref<128x32xf32, #tpu.memory_space<vmem>>) target(%dma_start3A_37 : memref<10000x32xf32, #tpu.memory_space<vmem_shared>>) offsets(%dma_start3A_34 : memref<128xi32, #tpu.memory_space<vmem>>) semaphore(%run_scoped3A_32 : memref<!tpu.dma_semaphore, #tpu.memory_space<semaphore_mem>>) {add = true}
        %dma_wait3A = arith.constant 0 : i32
        %dma_wait3A_38 = tpu.memref_slice %arg7[%while3A_25, %dma_wait3A] : memref<40x128xi32, #tpu.memory_space<vmem>> -> memref<1x128xi32, #tpu.memory_space<vmem>>
        %dma_wait3A_39 = tpu.memref_squeeze %dma_wait3A_38 : memref<1x128xi32, #tpu.memory_space<vmem>> -> memref<128xi32, #tpu.memory_space<vmem>>
        %dma_wait3A_40 = arith.constant 0 : i32
        %dma_wait3A_41 = arith.constant 0 : i32
        %dma_wait3A_42 = tpu.memref_slice %arg10[%dma_wait3A_40, %dma_wait3A_41] : memref<10000x32xf32, #tpu.memory_space<vmem_shared>> -> memref<10000x32xf32, #tpu.memory_space<vmem_shared>>
        tpu.wait_indirect_dma semaphore(%run_scoped3A_32 : memref<!tpu.dma_semaphore, #tpu.memory_space<semaphore_mem>>) src(%arg8 : memref<128x32xf32, #tpu.memory_space<vmem>>) dst(%dma_wait3A_42 : memref<10000x32xf32, #tpu.memory_space<vmem_shared>>)
        tpu.yield
      }) : () -> ()
    }
    %barrier3A_20 = arith.constant 0 : index
    tpu.barrier barrier_id(%barrier3A_20)
    %mul3A_21 = arith.constant 625 : i32
    %mul3A_22 = arith.muli %arg1, %mul3A_21 : i32
    %mul3A_23 = arith.constant 625 : i32
    %mul3A_24 = arith.muli %arg1, %mul3A_23 : i32
    "tpu.region"() ({
      %run_scoped3A = tpu.sem_alloc : memref<!tpu.dma_semaphore, #tpu.memory_space<semaphore_mem>>
      %dma_start3A = arith.constant 0 : i32
      %dma_start3A_25 = tpu.memref_slice %arg6[%arg0, %mul3A_24, %dma_start3A] : memref<2x10000x128xf32, #tpu.memory_space<hbm>> -> memref<1x625x32xf32, #tpu.memory_space<hbm>>
      %dma_start3A_26 = tpu.memref_squeeze %dma_start3A_25 : memref<1x625x32xf32, #tpu.memory_space<hbm>> -> memref<625x32xf32, #tpu.memory_space<hbm>>
      %dma_start3A_27 = arith.constant 0 : i32
      %dma_start3A_28 = tpu.memref_slice %arg10[%mul3A_22, %dma_start3A_27] : memref<10000x32xf32, #tpu.memory_space<vmem_shared>> -> memref<625x32xf32, #tpu.memory_space<vmem_shared>>
      tpu.enqueue_dma source(%dma_start3A_28 : memref<625x32xf32, #tpu.memory_space<vmem_shared>>) target(%dma_start3A_26 : memref<625x32xf32, #tpu.memory_space<hbm>>) target_semaphore(%run_scoped3A : memref<!tpu.dma_semaphore, #tpu.memory_space<semaphore_mem>>)
      %dma_wait3A = arith.constant 0 : i32
      %dma_wait3A_29 = tpu.memref_slice %arg6[%arg0, %mul3A_24, %dma_wait3A] : memref<2x10000x128xf32, #tpu.memory_space<hbm>> -> memref<1x625x32xf32, #tpu.memory_space<hbm>>
      %dma_wait3A_30 = tpu.memref_squeeze %dma_wait3A_29 : memref<1x625x32xf32, #tpu.memory_space<hbm>> -> memref<625x32xf32, #tpu.memory_space<hbm>>
      %dma_wait3A_31 = arith.constant 0 : i32
      %dma_wait3A_32 = tpu.memref_slice %arg10[%mul3A_22, %dma_wait3A_31] : memref<10000x32xf32, #tpu.memory_space<vmem_shared>> -> memref<625x32xf32, #tpu.memory_space<vmem_shared>>
      tpu.wait_dma2 semaphore(%run_scoped3A : memref<!tpu.dma_semaphore, #tpu.memory_space<semaphore_mem>>) src(%dma_wait3A_32 : memref<625x32xf32, #tpu.memory_space<vmem_shared>>) dst(%dma_wait3A_30 : memref<625x32xf32, #tpu.memory_space<hbm>>)
      tpu.yield
    }) : () -> ()
    return
  }
}

module attributes {stable_mosaic.version = 14 : i64} {
  func.func @_moments_body(%arg0: i32, %arg1: memref<8000x16xf32, #tpu.memory_space<vmem>>, %arg2: memref<16x16xf32, #tpu.memory_space<vmem>>, %arg3: memref<1x16xf32, #tpu.memory_space<vmem>>) attributes {dimension_semantics = [#tpu.dimension_semantics<arbitrary>], iteration_bounds = array<i64: 20>, scalar_prefetch = 0 : i64, scratch_operands = 0 : i64, tpu.core_type = #tpu.core_type<tc>, window_params = [{transform_indices = @transform_0, window_bounds = array<i64: 8000, 16>}, {pipeline_mode = #tpu.pipeline_mode<synchronous>, transform_indices = @transform_1, window_bounds = array<i64: 16, 16>}, {pipeline_mode = #tpu.pipeline_mode<synchronous>, transform_indices = @transform_2, window_bounds = array<i64: 1, 16>}]} {
    %eq3A = arith.constant 0 : i32
    %eq3A_0 = arith.cmpi eq, %arg0, %eq3A : i32
    %convert_element_type3A = arith.extui %eq3A_0 : i1 to i32
    %cond3A = arith.constant 0 : i32
    %cond3A_1 = arith.cmpi ne, %convert_element_type3A, %cond3A : i32
    scf.if %cond3A_1 {
      %broadcast_in_dim3A_18 = arith.constant 0.000000e+00 : f32
      %broadcast_in_dim3A_19 = vector.broadcast %broadcast_in_dim3A_18 : f32 to vector<16x16xf32>
      %swap3A_20 = arith.constant 0 : index
      %swap3A_21 = arith.constant 0 : index
      %swap3A_22 = vector.load %arg2[%swap3A_20, %swap3A_21] : memref<16x16xf32, #tpu.memory_space<vmem>>, vector<16x16xf32>
      tpu.vector_store %arg2[%swap3A_20, %swap3A_21], %broadcast_in_dim3A_19 {strides = array<i32>} : memref<16x16xf32, #tpu.memory_space<vmem>>, vector<16x16xf32>,
      %broadcast_in_dim3A_23 = arith.constant 0.000000e+00 : f32
      %broadcast_in_dim3A_24 = vector.broadcast %broadcast_in_dim3A_23 : f32 to vector<1x16xf32>
      %swap3A_25 = arith.constant 0 : index
      %swap3A_26 = arith.constant 0 : index
      %swap3A_27 = vector.load %arg3[%swap3A_25, %swap3A_26] : memref<1x16xf32, #tpu.memory_space<vmem>>, vector<1x16xf32>
      tpu.vector_store %arg3[%swap3A_25, %swap3A_26], %broadcast_in_dim3A_24 {strides = array<i32>} : memref<1x16xf32, #tpu.memory_space<vmem>>, vector<1x16xf32>,
    } else {
    }
    %get3A = arith.constant 0 : index
    %get3A_2 = arith.constant 0 : index
    %get3A_3 = vector.load %arg1[%get3A, %get3A_2] : memref<8000x16xf32, #tpu.memory_space<vmem>>, vector<8000x16xf32>
    %get3A_4 = arith.constant 0 : index
    %get3A_5 = arith.constant 0 : index
    %get3A_6 = vector.load %arg2[%get3A_4, %get3A_5] : memref<16x16xf32, #tpu.memory_space<vmem>>, vector<16x16xf32>
    %dot_general3A = arith.constant dense<0.000000e+00> : vector<16x16xf32>
    %dot_general3A_7 = tpu.matmul %get3A_3, %get3A_3, %dot_general3A {dimension_numbers = #tpu.dot_dimension_numbers<[0], [0], [1], [1], [0, 1, 1, 1], [], []>, transpose_lhs_hint = false} : vector<8000x16xf32>, vector<8000x16xf32>, vector<16x16xf32> -> vector<16x16xf32>
    %add3A = arith.addf %get3A_6, %dot_general3A_7 : vector<16x16xf32>
    %swap3A = arith.constant 0 : index
    %swap3A_8 = arith.constant 0 : index
    %swap3A_9 = vector.load %arg2[%swap3A, %swap3A_8] : memref<16x16xf32, #tpu.memory_space<vmem>>, vector<16x16xf32>
    tpu.vector_store %arg2[%swap3A, %swap3A_8], %add3A {strides = array<i32>} : memref<16x16xf32, #tpu.memory_space<vmem>>, vector<16x16xf32>,
    %get3A_10 = arith.constant 0 : index
    %get3A_11 = arith.constant 0 : index
    %get3A_12 = vector.load %arg3[%get3A_10, %get3A_11] : memref<1x16xf32, #tpu.memory_space<vmem>>, vector<1x16xf32>
    %reduce_sum3A = arith.constant dense<0.000000e+00> : vector<16xf32>
    %reduce_sum3A_13 = vector.multi_reduction <add>, %get3A_3, %reduce_sum3A [0] : vector<8000x16xf32> to vector<16xf32>
    %broadcast_in_dim3A = vector.shape_cast %reduce_sum3A_13 : vector<16xf32> to vector<1x16xf32>
    %add3A_14 = arith.addf %get3A_12, %broadcast_in_dim3A : vector<1x16xf32>
    %swap3A_15 = arith.constant 0 : index
    %swap3A_16 = arith.constant 0 : index
    %swap3A_17 = vector.load %arg3[%swap3A_15, %swap3A_16] : memref<1x16xf32, #tpu.memory_space<vmem>>, vector<1x16xf32>
    tpu.vector_store %arg3[%swap3A_15, %swap3A_16], %add3A_14 {strides = array<i32>} : memref<1x16xf32, #tpu.memory_space<vmem>>, vector<1x16xf32>,
    return
  }
  func.func @transform_0(%arg0: i32) -> (i32, i32) {
    %c0_i32 = arith.constant 0 : i32
    %c0_i32_0 = arith.constant 0 : i32
    return %arg0, %c0_i32 : i32, i32
  }
  func.func @transform_1(%arg0: i32) -> (i32, i32) {
    %c0_i32 = arith.constant 0 : i32
    %c0_i32_0 = arith.constant 0 : i32
    %c0_i32_1 = arith.constant 0 : i32
    return %c0_i32, %c0_i32_0 : i32, i32
  }
  func.func @transform_2(%arg0: i32) -> (i32, i32) {
    %c0_i32 = arith.constant 0 : i32
    %c0_i32_0 = arith.constant 0 : i32
    %c0_i32_1 = arith.constant 0 : i32
    return %c0_i32, %c0_i32_0 : i32, i32
  }
}

module attributes {stable_mosaic.version = 14 : i64} {
  func.func @_x1_body(%arg0: i32, %arg1: memref<8000x16xf32, #tpu.memory_space<vmem>>, %arg2: memref<16x16xf32, #tpu.memory_space<vmem>>, %arg3: memref<1x16xf32, #tpu.memory_space<vmem>>, %arg4: memref<8000x16xbf16, #tpu.memory_space<vmem>>, %arg5: memref<16x16xf32, #tpu.memory_space<vmem>>, %arg6: memref<1x16xf32, #tpu.memory_space<vmem>>) attributes {dimension_semantics = [#tpu.dimension_semantics<arbitrary>], iteration_bounds = array<i64: 20>, scalar_prefetch = 0 : i64, scratch_operands = 0 : i64, tpu.core_type = #tpu.core_type<tc>, window_params = [{transform_indices = @transform_0, window_bounds = array<i64: 8000, 16>}, {pipeline_mode = #tpu.pipeline_mode<synchronous>, transform_indices = @transform_1, window_bounds = array<i64: 16, 16>}, {pipeline_mode = #tpu.pipeline_mode<synchronous>, transform_indices = @transform_2, window_bounds = array<i64: 1, 16>}, {transform_indices = @transform_3, window_bounds = array<i64: 8000, 16>}, {pipeline_mode = #tpu.pipeline_mode<synchronous>, transform_indices = @transform_4, window_bounds = array<i64: 16, 16>}, {pipeline_mode = #tpu.pipeline_mode<synchronous>, transform_indices = @transform_5, window_bounds = array<i64: 1, 16>}]} {
    %eq3A = arith.constant 0 : i32
    %eq3A_0 = arith.cmpi eq, %arg0, %eq3A : i32
    %convert_element_type3A = arith.extui %eq3A_0 : i1 to i32
    %cond3A = arith.constant 0 : i32
    %cond3A_1 = arith.cmpi ne, %convert_element_type3A, %cond3A : i32
    scf.if %cond3A_1 {
      %broadcast_in_dim3A_36 = arith.constant 0.000000e+00 : f32
      %broadcast_in_dim3A_37 = vector.broadcast %broadcast_in_dim3A_36 : f32 to vector<16x16xf32>
      %swap3A_38 = arith.constant 0 : index
      %swap3A_39 = arith.constant 0 : index
      %swap3A_40 = vector.load %arg5[%swap3A_38, %swap3A_39] : memref<16x16xf32, #tpu.memory_space<vmem>>, vector<16x16xf32>
      tpu.vector_store %arg5[%swap3A_38, %swap3A_39], %broadcast_in_dim3A_37 {strides = array<i32>} : memref<16x16xf32, #tpu.memory_space<vmem>>, vector<16x16xf32>,
      %broadcast_in_dim3A_41 = arith.constant 0.000000e+00 : f32
      %broadcast_in_dim3A_42 = vector.broadcast %broadcast_in_dim3A_41 : f32 to vector<1x16xf32>
      %swap3A_43 = arith.constant 0 : index
      %swap3A_44 = arith.constant 0 : index
      %swap3A_45 = vector.load %arg6[%swap3A_43, %swap3A_44] : memref<1x16xf32, #tpu.memory_space<vmem>>, vector<1x16xf32>
      tpu.vector_store %arg6[%swap3A_43, %swap3A_44], %broadcast_in_dim3A_42 {strides = array<i32>} : memref<1x16xf32, #tpu.memory_space<vmem>>, vector<1x16xf32>,
    } else {
    }
    %get3A = arith.constant 0 : index
    %get3A_2 = arith.constant 0 : index
    %get3A_3 = vector.load %arg1[%get3A, %get3A_2] : memref<8000x16xf32, #tpu.memory_space<vmem>>, vector<8000x16xf32>
    %get3A_4 = arith.constant 0 : index
    %get3A_5 = arith.constant 0 : index
    %get3A_6 = vector.load %arg2[%get3A_4, %get3A_5] : memref<16x16xf32, #tpu.memory_space<vmem>>, vector<16x16xf32>
    %dot_general3A = arith.constant dense<0.000000e+00> : vector<8000x16xf32>
    %dot_general3A_7 = tpu.matmul %get3A_3, %get3A_6, %dot_general3A {dimension_numbers = #tpu.dot_dimension_numbers<[1], [0], [0], [1], [0, 0, 1, 1], [], []>, transpose_lhs_hint = false} : vector<8000x16xf32>, vector<16x16xf32>, vector<8000x16xf32> -> vector<8000x16xf32>
    %get3A_8 = arith.constant 0 : index
    %get3A_9 = arith.constant 0 : index
    %get3A_10 = vector.load %arg3[%get3A_8, %get3A_9] : memref<1x16xf32, #tpu.memory_space<vmem>>, vector<1x16xf32>
    %add3A = vector.broadcast %get3A_10 : vector<1x16xf32> to vector<8000x16xf32>
    %add3A_11 = arith.addf %dot_general3A_7, %add3A : vector<8000x16xf32>
    %ge3A = arith.constant 0.000000e+00 : f32
    %ge3A_12 = vector.broadcast %ge3A : f32 to vector<8000x16xf32>
    %ge3A_13 = arith.cmpf oge, %add3A_11, %ge3A_12 : vector<8000x16xf32>
    %mul3A = arith.constant 8.000000e-01 : f32
    %mul3A_14 = vector.broadcast %mul3A : f32 to vector<8000x16xf32>
    %mul3A_15 = arith.mulf %mul3A_14, %add3A_11 : vector<8000x16xf32>
    %select_n3A = arith.select %ge3A_13, %add3A_11, %mul3A_15 : vector<8000x16xi1>, vector<8000x16xf32>
    %convert_element_type3A_16 = arith.truncf %select_n3A : vector<8000x16xf32> to vector<8000x16xbf16>
    %swap3A = arith.constant 0 : index
    %swap3A_17 = arith.constant 0 : index
    %swap3A_18 = vector.load %arg4[%swap3A, %swap3A_17] : memref<8000x16xbf16, #tpu.memory_space<vmem>>, vector<8000x16xbf16>
    tpu.vector_store %arg4[%swap3A, %swap3A_17], %convert_element_type3A_16 {strides = array<i32>} : memref<8000x16xbf16, #tpu.memory_space<vmem>>, vector<8000x16xbf16>,
    %get3A_19 = arith.constant 0 : index
    %get3A_20 = arith.constant 0 : index
    %get3A_21 = vector.load %arg5[%get3A_19, %get3A_20] : memref<16x16xf32, #tpu.memory_space<vmem>>, vector<16x16xf32>
    %dot_general3A_22 = arith.constant dense<0.000000e+00> : vector<16x16xf32>
    %dot_general3A_23 = tpu.matmul %select_n3A, %select_n3A, %dot_general3A_22 {dimension_numbers = #tpu.dot_dimension_numbers<[0], [0], [1], [1], [0, 1, 1, 1], [], []>, transpose_lhs_hint = false} : vector<8000x16xf32>, vector<8000x16xf32>, vector<16x16xf32> -> vector<16x16xf32>
    %add3A_24 = arith.addf %get3A_21, %dot_general3A_23 : vector<16x16xf32>
    %swap3A_25 = arith.constant 0 : index
    %swap3A_26 = arith.constant 0 : index
    %swap3A_27 = vector.load %arg5[%swap3A_25, %swap3A_26] : memref<16x16xf32, #tpu.memory_space<vmem>>, vector<16x16xf32>
    tpu.vector_store %arg5[%swap3A_25, %swap3A_26], %add3A_24 {strides = array<i32>} : memref<16x16xf32, #tpu.memory_space<vmem>>, vector<16x16xf32>,
    %get3A_28 = arith.constant 0 : index
    %get3A_29 = arith.constant 0 : index
    %get3A_30 = vector.load %arg6[%get3A_28, %get3A_29] : memref<1x16xf32, #tpu.memory_space<vmem>>, vector<1x16xf32>
    %reduce_sum3A = arith.constant dense<0.000000e+00> : vector<16xf32>
    %reduce_sum3A_31 = vector.multi_reduction <add>, %select_n3A, %reduce_sum3A [0] : vector<8000x16xf32> to vector<16xf32>
    %broadcast_in_dim3A = vector.shape_cast %reduce_sum3A_31 : vector<16xf32> to vector<1x16xf32>
    %add3A_32 = arith.addf %get3A_30, %broadcast_in_dim3A : vector<1x16xf32>
    %swap3A_33 = arith.constant 0 : index
    %swap3A_34 = arith.constant 0 : index
    %swap3A_35 = vector.load %arg6[%swap3A_33, %swap3A_34] : memref<1x16xf32, #tpu.memory_space<vmem>>, vector<1x16xf32>
    tpu.vector_store %arg6[%swap3A_33, %swap3A_34], %add3A_32 {strides = array<i32>} : memref<1x16xf32, #tpu.memory_space<vmem>>, vector<1x16xf32>,
    return
  }
  func.func @transform_0(%arg0: i32) -> (i32, i32) {
    %c0_i32 = arith.constant 0 : i32
    %c0_i32_0 = arith.constant 0 : i32
    return %arg0, %c0_i32 : i32, i32
  }
  func.func @transform_1(%arg0: i32) -> (i32, i32) {
    %c0_i32 = arith.constant 0 : i32
    %c0_i32_0 = arith.constant 0 : i32
    %c0_i32_1 = arith.constant 0 : i32
    return %c0_i32, %c0_i32_0 : i32, i32
  }
  func.func @transform_2(%arg0: i32) -> (i32, i32) {
    %c0_i32 = arith.constant 0 : i32
    %c0_i32_0 = arith.constant 0 : i32
    %c0_i32_1 = arith.constant 0 : i32
    return %c0_i32, %c0_i32_0 : i32, i32
  }
  func.func @transform_3(%arg0: i32) -> (i32, i32) {
    %c0_i32 = arith.constant 0 : i32
    %c0_i32_0 = arith.constant 0 : i32
    return %arg0, %c0_i32 : i32, i32
  }
  func.func @transform_4(%arg0: i32) -> (i32, i32) {
    %c0_i32 = arith.constant 0 : i32
    %c0_i32_0 = arith.constant 0 : i32
    %c0_i32_1 = arith.constant 0 : i32
    return %c0_i32, %c0_i32_0 : i32, i32
  }
  func.func @transform_5(%arg0: i32) -> (i32, i32) {
    %c0_i32 = arith.constant 0 : i32
    %c0_i32_0 = arith.constant 0 : i32
    %c0_i32_1 = arith.constant 0 : i32
    return %c0_i32, %c0_i32_0 : i32, i32
  }
}

module attributes {stable_mosaic.version = 14 : i64} {
  func.func @_edge_body(%arg0: i32, %arg1: memref<2560x128xf32, #tpu.memory_space<vmem>>, %arg2: memref<2560x16xbf16, #tpu.memory_space<vmem>>, %arg3: memref<16x512xbf16, #tpu.memory_space<vmem>>, %arg4: memref<512x32xf32, #tpu.memory_space<vmem>>, %arg5: memref<32x32xf32, #tpu.memory_space<vmem>>, %arg6: memref<2560x128xf32, #tpu.memory_space<vmem>>) attributes {dimension_semantics = [#tpu.dimension_semantics<arbitrary>], iteration_bounds = array<i64: 32>, scalar_prefetch = 0 : i64, scratch_operands = 0 : i64, tpu.core_type = #tpu.core_type<tc>, window_params = [{transform_indices = @transform_0, window_bounds = array<i64: 2560, 128>}, {transform_indices = @transform_1, window_bounds = array<i64: 2560, 16>}, {pipeline_mode = #tpu.pipeline_mode<synchronous>, transform_indices = @transform_2, window_bounds = array<i64: 16, 512>}, {pipeline_mode = #tpu.pipeline_mode<synchronous>, transform_indices = @transform_3, window_bounds = array<i64: 512, 32>}, {pipeline_mode = #tpu.pipeline_mode<synchronous>, transform_indices = @transform_4, window_bounds = array<i64: 32, 32>}, {transform_indices = @transform_5, window_bounds = array<i64: 2560, 128>}]} {
    %get3A = arith.constant 0 : index
    %get3A_0 = arith.constant 0 : index
    %get3A_1 = vector.load %arg1[%get3A, %get3A_0] : memref<2560x128xf32, #tpu.memory_space<vmem>>, vector<2560x32xf32>
    %get3A_2 = arith.constant 0 : index
    %get3A_3 = arith.constant 0 : index
    %get3A_4 = vector.load %arg2[%get3A_2, %get3A_3] : memref<2560x16xbf16, #tpu.memory_space<vmem>>, vector<2560x16xbf16>
    %get3A_5 = arith.constant 0 : index
    %get3A_6 = arith.constant 0 : index
    %get3A_7 = vector.load %arg3[%get3A_5, %get3A_6] : memref<16x512xbf16, #tpu.memory_space<vmem>>, vector<16x512xbf16>
    %dot_general3A = arith.constant dense<0.000000e+00> : vector<2560x512xf32>
    %dot_general3A_8 = tpu.matmul %get3A_4, %get3A_7, %dot_general3A {dimension_numbers = #tpu.dot_dimension_numbers<[1], [0], [0], [1], [0, 0, 1, 1], [], []>, transpose_lhs_hint = false} : vector<2560x16xbf16>, vector<16x512xbf16>, vector<2560x512xf32> -> vector<2560x512xf32>
    %tile3A = tpu.concatenate %get3A_1, %get3A_1, %get3A_1, %get3A_1, %get3A_1, %get3A_1, %get3A_1, %get3A_1, %get3A_1, %get3A_1, %get3A_1, %get3A_1, %get3A_1, %get3A_1, %get3A_1, %get3A_1 in 1 : vector<2560x32xf32>, vector<2560x32xf32>, vector<2560x32xf32>, vector<2560x32xf32>, vector<2560x32xf32>, vector<2560x32xf32>, vector<2560x32xf32>, vector<2560x32xf32>, vector<2560x32xf32>, vector<2560x32xf32>, vector<2560x32xf32>, vector<2560x32xf32>, vector<2560x32xf32>, vector<2560x32xf32>, vector<2560x32xf32>, vector<2560x32xf32> -> vector<2560x512xf32>
    %mul3A = arith.mulf %dot_general3A_8, %tile3A : vector<2560x512xf32>
    %get3A_9 = arith.constant 0 : index
    %get3A_10 = arith.constant 0 : index
    %get3A_11 = vector.load %arg4[%get3A_9, %get3A_10] : memref<512x32xf32, #tpu.memory_space<vmem>>, vector<512x32xf32>
    %dot_general3A_12 = arith.constant dense<0.000000e+00> : vector<2560x32xf32>
    %dot_general3A_13 = tpu.matmul %mul3A, %get3A_11, %dot_general3A_12 {dimension_numbers = #tpu.dot_dimension_numbers<[1], [0], [0], [1], [0, 0, 1, 1], [], []>, transpose_lhs_hint = false} : vector<2560x512xf32>, vector<512x32xf32>, vector<2560x32xf32> -> vector<2560x32xf32>
    %get3A_14 = arith.constant 0 : index
    %get3A_15 = arith.constant 0 : index
    %get3A_16 = vector.load %arg5[%get3A_14, %get3A_15] : memref<32x32xf32, #tpu.memory_space<vmem>>, vector<32x32xf32>
    %dot_general3A_17 = arith.constant dense<0.000000e+00> : vector<2560x32xf32>
    %dot_general3A_18 = tpu.matmul %get3A_1, %get3A_16, %dot_general3A_17 {dimension_numbers = #tpu.dot_dimension_numbers<[1], [0], [0], [1], [0, 0, 1, 1], [], []>, transpose_lhs_hint = false} : vector<2560x32xf32>, vector<32x32xf32>, vector<2560x32xf32> -> vector<2560x32xf32>
    %add3A = arith.addf %dot_general3A_13, %dot_general3A_18 : vector<2560x32xf32>
    %swap3A = arith.constant 0 : index
    %swap3A_19 = arith.constant 0 : index
    %swap3A_20 = vector.load %arg6[%swap3A, %swap3A_19] : memref<2560x128xf32, #tpu.memory_space<vmem>>, vector<2560x32xf32>
    tpu.vector_store %arg6[%swap3A, %swap3A_19], %add3A {strides = array<i32>} : memref<2560x128xf32, #tpu.memory_space<vmem>>, vector<2560x32xf32>,
    return
  }
  func.func @transform_0(%arg0: i32) -> (i32, i32) {
    %mul3A = arith.constant 2 : i32
    %mul3A_0 = arith.muli %mul3A, %arg0 : i32
    %add3A = arith.constant 1 : i32
    %add3A_1 = arith.addi %mul3A_0, %add3A : i32
    %c0_i32 = arith.constant 0 : i32
    %c0_i32_2 = arith.constant 0 : i32
    return %add3A_1, %c0_i32 : i32, i32
  }
  func.func @transform_1(%arg0: i32) -> (i32, i32) {
    %mul3A = arith.constant 2 : i32
    %mul3A_0 = arith.muli %mul3A, %arg0 : i32
    %add3A = arith.constant 1 : i32
    %add3A_1 = arith.addi %mul3A_0, %add3A : i32
    %c0_i32 = arith.constant 0 : i32
    %c0_i32_2 = arith.constant 0 : i32
    return %add3A_1, %c0_i32 : i32, i32
  }
  func.func @transform_2(%arg0: i32) -> (i32, i32) {
    %c0_i32 = arith.constant 0 : i32
    %c0_i32_0 = arith.constant 0 : i32
    %c0_i32_1 = arith.constant 0 : i32
    return %c0_i32, %c0_i32_0 : i32, i32
  }
  func.func @transform_3(%arg0: i32) -> (i32, i32) {
    %c0_i32 = arith.constant 0 : i32
    %c0_i32_0 = arith.constant 0 : i32
    %c0_i32_1 = arith.constant 0 : i32
    return %c0_i32, %c0_i32_0 : i32, i32
  }
  func.func @transform_4(%arg0: i32) -> (i32, i32) {
    %c0_i32 = arith.constant 0 : i32
    %c0_i32_0 = arith.constant 0 : i32
    %c0_i32_1 = arith.constant 0 : i32
    return %c0_i32, %c0_i32_0 : i32, i32
  }
  func.func @transform_5(%arg0: i32) -> (i32, i32) {
    %mul3A = arith.constant 2 : i32
    %mul3A_0 = arith.muli %mul3A, %arg0 : i32
    %add3A = arith.constant 1 : i32
    %add3A_1 = arith.addi %mul3A_0, %add3A : i32
    %c0_i32 = arith.constant 0 : i32
    %c0_i32_2 = arith.constant 0 : i32
    return %add3A_1, %c0_i32 : i32, i32
  }
}

module attributes {stable_mosaic.version = 14 : i64} {
  func.func @_edge_body(%arg0: i32, %arg1: memref<2560x128xf32, #tpu.memory_space<vmem>>, %arg2: memref<2560x16xbf16, #tpu.memory_space<vmem>>, %arg3: memref<16x512xbf16, #tpu.memory_space<vmem>>, %arg4: memref<512x32xf32, #tpu.memory_space<vmem>>, %arg5: memref<32x32xf32, #tpu.memory_space<vmem>>, %arg6: memref<2560x128xf32, #tpu.memory_space<vmem>>) attributes {dimension_semantics = [#tpu.dimension_semantics<arbitrary>], iteration_bounds = array<i64: 32>, scalar_prefetch = 0 : i64, scratch_operands = 0 : i64, tpu.core_type = #tpu.core_type<tc>, window_params = [{transform_indices = @transform_0, window_bounds = array<i64: 2560, 128>}, {transform_indices = @transform_1, window_bounds = array<i64: 2560, 16>}, {pipeline_mode = #tpu.pipeline_mode<synchronous>, transform_indices = @transform_2, window_bounds = array<i64: 16, 512>}, {pipeline_mode = #tpu.pipeline_mode<synchronous>, transform_indices = @transform_3, window_bounds = array<i64: 512, 32>}, {pipeline_mode = #tpu.pipeline_mode<synchronous>, transform_indices = @transform_4, window_bounds = array<i64: 32, 32>}, {transform_indices = @transform_5, window_bounds = array<i64: 2560, 128>}]} {
    %get3A = arith.constant 0 : index
    %get3A_0 = arith.constant 0 : index
    %get3A_1 = vector.load %arg1[%get3A, %get3A_0] : memref<2560x128xf32, #tpu.memory_space<vmem>>, vector<2560x32xf32>
    %get3A_2 = arith.constant 0 : index
    %get3A_3 = arith.constant 0 : index
    %get3A_4 = vector.load %arg2[%get3A_2, %get3A_3] : memref<2560x16xbf16, #tpu.memory_space<vmem>>, vector<2560x16xbf16>
    %get3A_5 = arith.constant 0 : index
    %get3A_6 = arith.constant 0 : index
    %get3A_7 = vector.load %arg3[%get3A_5, %get3A_6] : memref<16x512xbf16, #tpu.memory_space<vmem>>, vector<16x512xbf16>
    %dot_general3A = arith.constant dense<0.000000e+00> : vector<2560x512xf32>
    %dot_general3A_8 = tpu.matmul %get3A_4, %get3A_7, %dot_general3A {dimension_numbers = #tpu.dot_dimension_numbers<[1], [0], [0], [1], [0, 0, 1, 1], [], []>, transpose_lhs_hint = false} : vector<2560x16xbf16>, vector<16x512xbf16>, vector<2560x512xf32> -> vector<2560x512xf32>
    %tile3A = tpu.concatenate %get3A_1, %get3A_1, %get3A_1, %get3A_1, %get3A_1, %get3A_1, %get3A_1, %get3A_1, %get3A_1, %get3A_1, %get3A_1, %get3A_1, %get3A_1, %get3A_1, %get3A_1, %get3A_1 in 1 : vector<2560x32xf32>, vector<2560x32xf32>, vector<2560x32xf32>, vector<2560x32xf32>, vector<2560x32xf32>, vector<2560x32xf32>, vector<2560x32xf32>, vector<2560x32xf32>, vector<2560x32xf32>, vector<2560x32xf32>, vector<2560x32xf32>, vector<2560x32xf32>, vector<2560x32xf32>, vector<2560x32xf32>, vector<2560x32xf32>, vector<2560x32xf32> -> vector<2560x512xf32>
    %mul3A = arith.mulf %dot_general3A_8, %tile3A : vector<2560x512xf32>
    %get3A_9 = arith.constant 0 : index
    %get3A_10 = arith.constant 0 : index
    %get3A_11 = vector.load %arg4[%get3A_9, %get3A_10] : memref<512x32xf32, #tpu.memory_space<vmem>>, vector<512x32xf32>
    %dot_general3A_12 = arith.constant dense<0.000000e+00> : vector<2560x32xf32>
    %dot_general3A_13 = tpu.matmul %mul3A, %get3A_11, %dot_general3A_12 {dimension_numbers = #tpu.dot_dimension_numbers<[1], [0], [0], [1], [0, 0, 1, 1], [], []>, transpose_lhs_hint = false} : vector<2560x512xf32>, vector<512x32xf32>, vector<2560x32xf32> -> vector<2560x32xf32>
    %get3A_14 = arith.constant 0 : index
    %get3A_15 = arith.constant 0 : index
    %get3A_16 = vector.load %arg5[%get3A_14, %get3A_15] : memref<32x32xf32, #tpu.memory_space<vmem>>, vector<32x32xf32>
    %dot_general3A_17 = arith.constant dense<0.000000e+00> : vector<2560x32xf32>
    %dot_general3A_18 = tpu.matmul %get3A_1, %get3A_16, %dot_general3A_17 {dimension_numbers = #tpu.dot_dimension_numbers<[1], [0], [0], [1], [0, 0, 1, 1], [], []>, transpose_lhs_hint = false} : vector<2560x32xf32>, vector<32x32xf32>, vector<2560x32xf32> -> vector<2560x32xf32>
    %add3A = arith.addf %dot_general3A_13, %dot_general3A_18 : vector<2560x32xf32>
    %swap3A = arith.constant 0 : index
    %swap3A_19 = arith.constant 0 : index
    %swap3A_20 = vector.load %arg6[%swap3A, %swap3A_19] : memref<2560x128xf32, #tpu.memory_space<vmem>>, vector<2560x32xf32>
    tpu.vector_store %arg6[%swap3A, %swap3A_19], %add3A {strides = array<i32>} : memref<2560x128xf32, #tpu.memory_space<vmem>>, vector<2560x32xf32>,
    return
  }
  func.func @transform_0(%arg0: i32) -> (i32, i32) {
    %mul3A = arith.constant 2 : i32
    %mul3A_0 = arith.muli %mul3A, %arg0 : i32
    %add3A = arith.constant 0 : i32
    %add3A_1 = arith.addi %mul3A_0, %add3A : i32
    %c0_i32 = arith.constant 0 : i32
    %c0_i32_2 = arith.constant 0 : i32
    return %add3A_1, %c0_i32 : i32, i32
  }
  func.func @transform_1(%arg0: i32) -> (i32, i32) {
    %mul3A = arith.constant 2 : i32
    %mul3A_0 = arith.muli %mul3A, %arg0 : i32
    %add3A = arith.constant 0 : i32
    %add3A_1 = arith.addi %mul3A_0, %add3A : i32
    %c0_i32 = arith.constant 0 : i32
    %c0_i32_2 = arith.constant 0 : i32
    return %add3A_1, %c0_i32 : i32, i32
  }
  func.func @transform_2(%arg0: i32) -> (i32, i32) {
    %c0_i32 = arith.constant 0 : i32
    %c0_i32_0 = arith.constant 0 : i32
    %c0_i32_1 = arith.constant 0 : i32
    return %c0_i32, %c0_i32_0 : i32, i32
  }
  func.func @transform_3(%arg0: i32) -> (i32, i32) {
    %c0_i32 = arith.constant 0 : i32
    %c0_i32_0 = arith.constant 0 : i32
    %c0_i32_1 = arith.constant 0 : i32
    return %c0_i32, %c0_i32_0 : i32, i32
  }
  func.func @transform_4(%arg0: i32) -> (i32, i32) {
    %c0_i32 = arith.constant 0 : i32
    %c0_i32_0 = arith.constant 0 : i32
    %c0_i32_1 = arith.constant 0 : i32
    return %c0_i32, %c0_i32_0 : i32, i32
  }
  func.func @transform_5(%arg0: i32) -> (i32, i32) {
    %mul3A = arith.constant 2 : i32
    %mul3A_0 = arith.muli %mul3A, %arg0 : i32
    %add3A = arith.constant 0 : i32
    %add3A_1 = arith.addi %mul3A_0, %add3A : i32
    %c0_i32 = arith.constant 0 : i32
    %c0_i32_2 = arith.constant 0 : i32
    return %add3A_1, %c0_i32 : i32, i32
  }
}

module attributes {stable_mosaic.version = 14 : i64} {
  func.func @_gru1_body(%arg0: i32, %arg1: memref<2000x128xf32, #tpu.memory_space<vmem>>, %arg2: memref<2000x128xf32, #tpu.memory_space<vmem>>, %arg3: memref<2000x128xf32, #tpu.memory_space<vmem>>, %arg4: memref<2000x128xf32, #tpu.memory_space<vmem>>, %arg5: memref<2000x32xf32, #tpu.memory_space<vmem>>, %arg6: memref<32x96xf32, #tpu.memory_space<vmem>>, %arg7: memref<32x96xf32, #tpu.memory_space<vmem>>, %arg8: memref<1x96xf32, #tpu.memory_space<vmem>>, %arg9: memref<1x96xf32, #tpu.memory_space<vmem>>, %arg10: memref<2000x32xf32, #tpu.memory_space<vmem>>, %arg11: memref<2000x128xf32, #tpu.memory_space<vmem>>) attributes {dimension_semantics = [#tpu.dimension_semantics<arbitrary>], iteration_bounds = array<i64: 5>, scalar_prefetch = 0 : i64, scratch_operands = 0 : i64, tpu.core_type = #tpu.core_type<tc>, window_params = [{transform_indices = @transform_0, window_bounds = array<i64: 2000, 128>}, {transform_indices = @transform_1, window_bounds = array<i64: 2000, 128>}, {transform_indices = @transform_2, window_bounds = array<i64: 2000, 128>}, {transform_indices = @transform_3, window_bounds = array<i64: 2000, 128>}, {transform_indices = @transform_4, window_bounds = array<i64: 2000, 32>}, {pipeline_mode = #tpu.pipeline_mode<synchronous>, transform_indices = @transform_5, window_bounds = array<i64: 32, 96>}, {pipeline_mode = #tpu.pipeline_mode<synchronous>, transform_indices = @transform_6, window_bounds = array<i64: 32, 96>}, {pipeline_mode = #tpu.pipeline_mode<synchronous>, transform_indices = @transform_7, window_bounds = array<i64: 1, 96>}, {pipeline_mode = #tpu.pipeline_mode<synchronous>, transform_indices = @transform_8, window_bounds = array<i64: 1, 96>}, {transform_indices = @transform_9, window_bounds = array<i64: 2000, 32>}, {transform_indices = @transform_10, window_bounds = array<i64: 2000, 128>}]} {
    %get3A = arith.constant 0 : index
    %get3A_0 = arith.constant 0 : index
    %get3A_1 = vector.load %arg1[%get3A, %get3A_0] : memref<2000x128xf32, #tpu.memory_space<vmem>>, vector<2000x32xf32>
    %get3A_2 = arith.constant 0 : index
    %get3A_3 = arith.constant 0 : index
    %get3A_4 = vector.load %arg2[%get3A_2, %get3A_3] : memref<2000x128xf32, #tpu.memory_space<vmem>>, vector<2000x32xf32>
    %add3A = arith.addf %get3A_1, %get3A_4 : vector<2000x32xf32>
    %get3A_5 = arith.constant 0 : index
    %get3A_6 = arith.constant 0 : index
    %get3A_7 = vector.load %arg3[%get3A_5, %get3A_6] : memref<2000x128xf32, #tpu.memory_space<vmem>>, vector<2000x32xf32>
    %get3A_8 = arith.constant 0 : index
    %get3A_9 = arith.constant 0 : index
    %get3A_10 = vector.load %arg4[%get3A_8, %get3A_9] : memref<2000x128xf32, #tpu.memory_space<vmem>>, vector<2000x32xf32>
    %add3A_11 = arith.addf %get3A_7, %get3A_10 : vector<2000x32xf32>
    %add3A_12 = arith.addf %add3A, %add3A_11 : vector<2000x32xf32>
    %get3A_13 = arith.constant 0 : index
    %get3A_14 = arith.constant 32 : index
    %get3A_15 = vector.load %arg1[%get3A_13, %get3A_14] : memref<2000x128xf32, #tpu.memory_space<vmem>>, vector<2000x32xf32>
    %get3A_16 = arith.constant 0 : index
    %get3A_17 = arith.constant 32 : index
    %get3A_18 = vector.load %arg2[%get3A_16, %get3A_17] : memref<2000x128xf32, #tpu.memory_space<vmem>>, vector<2000x32xf32>
    %add3A_19 = arith.addf %get3A_15, %get3A_18 : vector<2000x32xf32>
    %get3A_20 = arith.constant 0 : index
    %get3A_21 = arith.constant 32 : index
    %get3A_22 = vector.load %arg3[%get3A_20, %get3A_21] : memref<2000x128xf32, #tpu.memory_space<vmem>>, vector<2000x32xf32>
    %get3A_23 = arith.constant 0 : index
    %get3A_24 = arith.constant 32 : index
    %get3A_25 = vector.load %arg4[%get3A_23, %get3A_24] : memref<2000x128xf32, #tpu.memory_space<vmem>>, vector<2000x32xf32>
    %add3A_26 = arith.addf %get3A_22, %get3A_25 : vector<2000x32xf32>
    %add3A_27 = arith.addf %add3A_19, %add3A_26 : vector<2000x32xf32>
    %max3A = arith.constant 1.000000e+00 : f32
    %max3A_28 = vector.broadcast %max3A : f32 to vector<2000x32xf32>
    %max3A_29 = arith.maximumf %add3A_27, %max3A_28 : vector<2000x32xf32>
    %swap3A = arith.constant 0 : index
    %swap3A_30 = arith.constant 0 : index
    %swap3A_31 = vector.load %arg11[%swap3A, %swap3A_30] : memref<2000x128xf32, #tpu.memory_space<vmem>>, vector<2000x32xf32>
    tpu.vector_store %arg11[%swap3A, %swap3A_30], %max3A_29 {strides = array<i32>} : memref<2000x128xf32, #tpu.memory_space<vmem>>, vector<2000x32xf32>,
    %div3A = arith.divf %add3A_12, %max3A_29 : vector<2000x32xf32>
    %get3A_32 = arith.constant 0 : index
    %get3A_33 = arith.constant 0 : index
    %get3A_34 = vector.load %arg5[%get3A_32, %get3A_33] : memref<2000x32xf32, #tpu.memory_space<vmem>>, vector<2000x32xf32>
    %get3A_35 = arith.constant 0 : index
    %get3A_36 = arith.constant 0 : index
    %get3A_37 = vector.load %arg6[%get3A_35, %get3A_36] : memref<32x96xf32, #tpu.memory_space<vmem>>, vector<32x96xf32>
    %dot_general3A = arith.constant dense<0.000000e+00> : vector<2000x96xf32>
    %dot_general3A_38 = tpu.matmul %div3A, %get3A_37, %dot_general3A {dimension_numbers = #tpu.dot_dimension_numbers<[1], [0], [0], [1], [0, 0, 1, 1], [], []>, transpose_lhs_hint = false} : vector<2000x32xf32>, vector<32x96xf32>, vector<2000x96xf32> -> vector<2000x96xf32>
    %get3A_39 = arith.constant 0 : index
    %get3A_40 = arith.constant 0 : index
    %get3A_41 = vector.load %arg8[%get3A_39, %get3A_40] : memref<1x96xf32, #tpu.memory_space<vmem>>, vector<1x96xf32>
    %add3A_42 = vector.broadcast %get3A_41 : vector<1x96xf32> to vector<2000x96xf32>
    %add3A_43 = arith.addf %dot_general3A_38, %add3A_42 : vector<2000x96xf32>
    %get3A_44 = arith.constant 0 : index
    %get3A_45 = arith.constant 0 : index
    %get3A_46 = vector.load %arg7[%get3A_44, %get3A_45] : memref<32x96xf32, #tpu.memory_space<vmem>>, vector<32x96xf32>
    %dot_general3A_47 = arith.constant dense<0.000000e+00> : vector<2000x96xf32>
    %dot_general3A_48 = tpu.matmul %get3A_34, %get3A_46, %dot_general3A_47 {dimension_numbers = #tpu.dot_dimension_numbers<[1], [0], [0], [1], [0, 0, 1, 1], [], []>, transpose_lhs_hint = false} : vector<2000x32xf32>, vector<32x96xf32>, vector<2000x96xf32> -> vector<2000x96xf32>
    %get3A_49 = arith.constant 0 : index
    %get3A_50 = arith.constant 0 : index
    %get3A_51 = vector.load %arg9[%get3A_49, %get3A_50] : memref<1x96xf32, #tpu.memory_space<vmem>>, vector<1x96xf32>
    %add3A_52 = vector.broadcast %get3A_51 : vector<1x96xf32> to vector<2000x96xf32>
    %add3A_53 = arith.addf %dot_general3A_48, %add3A_52 : vector<2000x96xf32>
    %slice3A = vector.extract_strided_slice %add3A_43 {offsets = [0, 0], sizes = [2000, 32], strides = [1, 1]} : vector<2000x96xf32> to vector<2000x32xf32>
    %slice3A_54 = vector.extract_strided_slice %add3A_53 {offsets = [0, 0], sizes = [2000, 32], strides = [1, 1]} : vector<2000x96xf32> to vector<2000x32xf32>
    %add3A_55 = arith.addf %slice3A, %slice3A_54 : vector<2000x32xf32>
    %logistic3A = arith.negf %add3A_55 : vector<2000x32xf32>
    %logistic3A_56 = math.exp %logistic3A : vector<2000x32xf32>
    %logistic3A_57 = arith.constant 1.000000e+00 : f32
    %logistic3A_58 = vector.broadcast %logistic3A_57 : f32 to vector<2000x32xf32>
    %logistic3A_59 = arith.addf %logistic3A_58, %logistic3A_56 : vector<2000x32xf32>
    %logistic3A_60 = arith.divf %logistic3A_58, %logistic3A_59 : vector<2000x32xf32>
    %slice3A_61 = vector.extract_strided_slice %add3A_43 {offsets = [0, 32], sizes = [2000, 32], strides = [1, 1]} : vector<2000x96xf32> to vector<2000x32xf32>
    %slice3A_62 = vector.extract_strided_slice %add3A_53 {offsets = [0, 32], sizes = [2000, 32], strides = [1, 1]} : vector<2000x96xf32> to vector<2000x32xf32>
    %add3A_63 = arith.addf %slice3A_61, %slice3A_62 : vector<2000x32xf32>
    %logistic3A_64 = arith.negf %add3A_63 : vector<2000x32xf32>
    %logistic3A_65 = math.exp %logistic3A_64 : vector<2000x32xf32>
    %logistic3A_66 = arith.constant 1.000000e+00 : f32
    %logistic3A_67 = vector.broadcast %logistic3A_66 : f32 to vector<2000x32xf32>
    %logistic3A_68 = arith.addf %logistic3A_67, %logistic3A_65 : vector<2000x32xf32>
    %logistic3A_69 = arith.divf %logistic3A_67, %logistic3A_68 : vector<2000x32xf32>
    %slice3A_70 = vector.extract_strided_slice %add3A_43 {offsets = [0, 64], sizes = [2000, 32], strides = [1, 1]} : vector<2000x96xf32> to vector<2000x32xf32>
    %slice3A_71 = vector.extract_strided_slice %add3A_53 {offsets = [0, 64], sizes = [2000, 32], strides = [1, 1]} : vector<2000x96xf32> to vector<2000x32xf32>
    %mul3A = arith.mulf %logistic3A_60, %slice3A_71 : vector<2000x32xf32>
    %add3A_72 = arith.addf %slice3A_70, %mul3A : vector<2000x32xf32>
    %tanh3A = math.tanh %add3A_72 : vector<2000x32xf32>
    %sub3A = arith.constant 1.000000e+00 : f32
    %sub3A_73 = vector.broadcast %sub3A : f32 to vector<2000x32xf32>
    %sub3A_74 = arith.subf %sub3A_73, %logistic3A_69 : vector<2000x32xf32>
    %mul3A_75 = arith.mulf %sub3A_74, %tanh3A : vector<2000x32xf32>
    %mul3A_76 = arith.mulf %logistic3A_69, %get3A_34 : vector<2000x32xf32>
    %add3A_77 = arith.addf %mul3A_75, %mul3A_76 : vector<2000x32xf32>
    %swap3A_78 = arith.constant 0 : index
    %swap3A_79 = arith.constant 0 : index
    %swap3A_80 = vector.load %arg10[%swap3A_78, %swap3A_79] : memref<2000x32xf32, #tpu.memory_space<vmem>>, vector<2000x32xf32>
    tpu.vector_store %arg10[%swap3A_78, %swap3A_79], %add3A_77 {strides = array<i32>} : memref<2000x32xf32, #tpu.memory_space<vmem>>, vector<2000x32xf32>,
    return
  }
  func.func @transform_0(%arg0: i32) -> (i32, i32) {
    %c0_i32 = arith.constant 0 : i32
    %c0_i32_0 = arith.constant 0 : i32
    return %arg0, %c0_i32 : i32, i32
  }
  func.func @transform_1(%arg0: i32) -> (i32, i32) {
    %c0_i32 = arith.constant 0 : i32
    %c0_i32_0 = arith.constant 0 : i32
    return %arg0, %c0_i32 : i32, i32
  }
  func.func @transform_2(%arg0: i32) -> (i32, i32) {
    %c0_i32 = arith.constant 0 : i32
    %c0_i32_0 = arith.constant 0 : i32
    return %arg0, %c0_i32 : i32, i32
  }
  func.func @transform_3(%arg0: i32) -> (i32, i32) {
    %c0_i32 = arith.constant 0 : i32
    %c0_i32_0 = arith.constant 0 : i32
    return %arg0, %c0_i32 : i32, i32
  }
  func.func @transform_4(%arg0: i32) -> (i32, i32) {
    %c0_i32 = arith.constant 0 : i32
    %c0_i32_0 = arith.constant 0 : i32
    return %arg0, %c0_i32 : i32, i32
  }
  func.func @transform_5(%arg0: i32) -> (i32, i32) {
    %c0_i32 = arith.constant 0 : i32
    %c0_i32_0 = arith.constant 0 : i32
    %c0_i32_1 = arith.constant 0 : i32
    return %c0_i32, %c0_i32_0 : i32, i32
  }
  func.func @transform_6(%arg0: i32) -> (i32, i32) {
    %c0_i32 = arith.constant 0 : i32
    %c0_i32_0 = arith.constant 0 : i32
    %c0_i32_1 = arith.constant 0 : i32
    return %c0_i32, %c0_i32_0 : i32, i32
  }
  func.func @transform_7(%arg0: i32) -> (i32, i32) {
    %c0_i32 = arith.constant 0 : i32
    %c0_i32_0 = arith.constant 0 : i32
    %c0_i32_1 = arith.constant 0 : i32
    return %c0_i32, %c0_i32_0 : i32, i32
  }
  func.func @transform_8(%arg0: i32) -> (i32, i32) {
    %c0_i32 = arith.constant 0 : i32
    %c0_i32_0 = arith.constant 0 : i32
    %c0_i32_1 = arith.constant 0 : i32
    return %c0_i32, %c0_i32_0 : i32, i32
  }
  func.func @transform_9(%arg0: i32) -> (i32, i32) {
    %c0_i32 = arith.constant 0 : i32
    %c0_i32_0 = arith.constant 0 : i32
    return %arg0, %c0_i32 : i32, i32
  }
  func.func @transform_10(%arg0: i32) -> (i32, i32) {
    %c0_i32 = arith.constant 0 : i32
    %c0_i32_0 = arith.constant 0 : i32
    return %arg0, %c0_i32 : i32, i32
  }
}

module attributes {stable_mosaic.version = 14 : i64} {
  func.func @_gru2_body(%arg0: i32, %arg1: memref<2000x128xf32, #tpu.memory_space<vmem>>, %arg2: memref<2000x128xf32, #tpu.memory_space<vmem>>, %arg3: memref<2000x128xf32, #tpu.memory_space<vmem>>, %arg4: memref<2000x128xf32, #tpu.memory_space<vmem>>, %arg5: memref<2000x128xf32, #tpu.memory_space<vmem>>, %arg6: memref<2000x32xf32, #tpu.memory_space<vmem>>, %arg7: memref<32x96xf32, #tpu.memory_space<vmem>>, %arg8: memref<32x96xf32, #tpu.memory_space<vmem>>, %arg9: memref<1x96xf32, #tpu.memory_space<vmem>>, %arg10: memref<1x96xf32, #tpu.memory_space<vmem>>, %arg11: memref<2000x32xf32, #tpu.memory_space<vmem>>) attributes {dimension_semantics = [#tpu.dimension_semantics<arbitrary>], iteration_bounds = array<i64: 5>, scalar_prefetch = 0 : i64, scratch_operands = 0 : i64, tpu.core_type = #tpu.core_type<tc>, window_params = [{transform_indices = @transform_0, window_bounds = array<i64: 2000, 128>}, {transform_indices = @transform_1, window_bounds = array<i64: 2000, 128>}, {transform_indices = @transform_2, window_bounds = array<i64: 2000, 128>}, {transform_indices = @transform_3, window_bounds = array<i64: 2000, 128>}, {transform_indices = @transform_4, window_bounds = array<i64: 2000, 128>}, {transform_indices = @transform_5, window_bounds = array<i64: 2000, 32>}, {pipeline_mode = #tpu.pipeline_mode<synchronous>, transform_indices = @transform_6, window_bounds = array<i64: 32, 96>}, {pipeline_mode = #tpu.pipeline_mode<synchronous>, transform_indices = @transform_7, window_bounds = array<i64: 32, 96>}, {pipeline_mode = #tpu.pipeline_mode<synchronous>, transform_indices = @transform_8, window_bounds = array<i64: 1, 96>}, {pipeline_mode = #tpu.pipeline_mode<synchronous>, transform_indices = @transform_9, window_bounds = array<i64: 1, 96>}, {transform_indices = @transform_10, window_bounds = array<i64: 2000, 32>}]} {
    %get3A = arith.constant 0 : index
    %get3A_0 = arith.constant 0 : index
    %get3A_1 = vector.load %arg1[%get3A, %get3A_0] : memref<2000x128xf32, #tpu.memory_space<vmem>>, vector<2000x32xf32>
    %get3A_2 = arith.constant 0 : index
    %get3A_3 = arith.constant 0 : index
    %get3A_4 = vector.load %arg2[%get3A_2, %get3A_3] : memref<2000x128xf32, #tpu.memory_space<vmem>>, vector<2000x32xf32>
    %add3A = arith.addf %get3A_1, %get3A_4 : vector<2000x32xf32>
    %get3A_5 = arith.constant 0 : index
    %get3A_6 = arith.constant 0 : index
    %get3A_7 = vector.load %arg3[%get3A_5, %get3A_6] : memref<2000x128xf32, #tpu.memory_space<vmem>>, vector<2000x32xf32>
    %get3A_8 = arith.constant 0 : index
    %get3A_9 = arith.constant 0 : index
    %get3A_10 = vector.load %arg4[%get3A_8, %get3A_9] : memref<2000x128xf32, #tpu.memory_space<vmem>>, vector<2000x32xf32>
    %add3A_11 = arith.addf %get3A_7, %get3A_10 : vector<2000x32xf32>
    %add3A_12 = arith.addf %add3A, %add3A_11 : vector<2000x32xf32>
    %get3A_13 = arith.constant 0 : index
    %get3A_14 = arith.constant 0 : index
    %get3A_15 = vector.load %arg5[%get3A_13, %get3A_14] : memref<2000x128xf32, #tpu.memory_space<vmem>>, vector<2000x32xf32>
    %div3A = arith.divf %add3A_12, %get3A_15 : vector<2000x32xf32>
    %get3A_16 = arith.constant 0 : index
    %get3A_17 = arith.constant 0 : index
    %get3A_18 = vector.load %arg6[%get3A_16, %get3A_17] : memref<2000x32xf32, #tpu.memory_space<vmem>>, vector<2000x32xf32>
    %get3A_19 = arith.constant 0 : index
    %get3A_20 = arith.constant 0 : index
    %get3A_21 = vector.load %arg7[%get3A_19, %get3A_20] : memref<32x96xf32, #tpu.memory_space<vmem>>, vector<32x96xf32>
    %dot_general3A = arith.constant dense<0.000000e+00> : vector<2000x96xf32>
    %dot_general3A_22 = tpu.matmul %div3A, %get3A_21, %dot_general3A {dimension_numbers = #tpu.dot_dimension_numbers<[1], [0], [0], [1], [0, 0, 1, 1], [], []>, transpose_lhs_hint = false} : vector<2000x32xf32>, vector<32x96xf32>, vector<2000x96xf32> -> vector<2000x96xf32>
    %get3A_23 = arith.constant 0 : index
    %get3A_24 = arith.constant 0 : index
    %get3A_25 = vector.load %arg9[%get3A_23, %get3A_24] : memref<1x96xf32, #tpu.memory_space<vmem>>, vector<1x96xf32>
    %add3A_26 = vector.broadcast %get3A_25 : vector<1x96xf32> to vector<2000x96xf32>
    %add3A_27 = arith.addf %dot_general3A_22, %add3A_26 : vector<2000x96xf32>
    %get3A_28 = arith.constant 0 : index
    %get3A_29 = arith.constant 0 : index
    %get3A_30 = vector.load %arg8[%get3A_28, %get3A_29] : memref<32x96xf32, #tpu.memory_space<vmem>>, vector<32x96xf32>
    %dot_general3A_31 = arith.constant dense<0.000000e+00> : vector<2000x96xf32>
    %dot_general3A_32 = tpu.matmul %get3A_18, %get3A_30, %dot_general3A_31 {dimension_numbers = #tpu.dot_dimension_numbers<[1], [0], [0], [1], [0, 0, 1, 1], [], []>, transpose_lhs_hint = false} : vector<2000x32xf32>, vector<32x96xf32>, vector<2000x96xf32> -> vector<2000x96xf32>
    %get3A_33 = arith.constant 0 : index
    %get3A_34 = arith.constant 0 : index
    %get3A_35 = vector.load %arg10[%get3A_33, %get3A_34] : memref<1x96xf32, #tpu.memory_space<vmem>>, vector<1x96xf32>
    %add3A_36 = vector.broadcast %get3A_35 : vector<1x96xf32> to vector<2000x96xf32>
    %add3A_37 = arith.addf %dot_general3A_32, %add3A_36 : vector<2000x96xf32>
    %slice3A = vector.extract_strided_slice %add3A_27 {offsets = [0, 0], sizes = [2000, 32], strides = [1, 1]} : vector<2000x96xf32> to vector<2000x32xf32>
    %slice3A_38 = vector.extract_strided_slice %add3A_37 {offsets = [0, 0], sizes = [2000, 32], strides = [1, 1]} : vector<2000x96xf32> to vector<2000x32xf32>
    %add3A_39 = arith.addf %slice3A, %slice3A_38 : vector<2000x32xf32>
    %logistic3A = arith.negf %add3A_39 : vector<2000x32xf32>
    %logistic3A_40 = math.exp %logistic3A : vector<2000x32xf32>
    %logistic3A_41 = arith.constant 1.000000e+00 : f32
    %logistic3A_42 = vector.broadcast %logistic3A_41 : f32 to vector<2000x32xf32>
    %logistic3A_43 = arith.addf %logistic3A_42, %logistic3A_40 : vector<2000x32xf32>
    %logistic3A_44 = arith.divf %logistic3A_42, %logistic3A_43 : vector<2000x32xf32>
    %slice3A_45 = vector.extract_strided_slice %add3A_27 {offsets = [0, 32], sizes = [2000, 32], strides = [1, 1]} : vector<2000x96xf32> to vector<2000x32xf32>
    %slice3A_46 = vector.extract_strided_slice %add3A_37 {offsets = [0, 32], sizes = [2000, 32], strides = [1, 1]} : vector<2000x96xf32> to vector<2000x32xf32>
    %add3A_47 = arith.addf %slice3A_45, %slice3A_46 : vector<2000x32xf32>
    %logistic3A_48 = arith.negf %add3A_47 : vector<2000x32xf32>
    %logistic3A_49 = math.exp %logistic3A_48 : vector<2000x32xf32>
    %logistic3A_50 = arith.constant 1.000000e+00 : f32
    %logistic3A_51 = vector.broadcast %logistic3A_50 : f32 to vector<2000x32xf32>
    %logistic3A_52 = arith.addf %logistic3A_51, %logistic3A_49 : vector<2000x32xf32>
    %logistic3A_53 = arith.divf %logistic3A_51, %logistic3A_52 : vector<2000x32xf32>
    %slice3A_54 = vector.extract_strided_slice %add3A_27 {offsets = [0, 64], sizes = [2000, 32], strides = [1, 1]} : vector<2000x96xf32> to vector<2000x32xf32>
    %slice3A_55 = vector.extract_strided_slice %add3A_37 {offsets = [0, 64], sizes = [2000, 32], strides = [1, 1]} : vector<2000x96xf32> to vector<2000x32xf32>
    %mul3A = arith.mulf %logistic3A_44, %slice3A_55 : vector<2000x32xf32>
    %add3A_56 = arith.addf %slice3A_54, %mul3A : vector<2000x32xf32>
    %tanh3A = math.tanh %add3A_56 : vector<2000x32xf32>
    %sub3A = arith.constant 1.000000e+00 : f32
    %sub3A_57 = vector.broadcast %sub3A : f32 to vector<2000x32xf32>
    %sub3A_58 = arith.subf %sub3A_57, %logistic3A_53 : vector<2000x32xf32>
    %mul3A_59 = arith.mulf %sub3A_58, %tanh3A : vector<2000x32xf32>
    %mul3A_60 = arith.mulf %logistic3A_53, %get3A_18 : vector<2000x32xf32>
    %add3A_61 = arith.addf %mul3A_59, %mul3A_60 : vector<2000x32xf32>
    %swap3A = arith.constant 0 : index
    %swap3A_62 = arith.constant 0 : index
    %swap3A_63 = vector.load %arg11[%swap3A, %swap3A_62] : memref<2000x32xf32, #tpu.memory_space<vmem>>, vector<2000x32xf32>
    tpu.vector_store %arg11[%swap3A, %swap3A_62], %add3A_61 {strides = array<i32>} : memref<2000x32xf32, #tpu.memory_space<vmem>>, vector<2000x32xf32>,
    return
  }
  func.func @transform_0(%arg0: i32) -> (i32, i32) {
    %c0_i32 = arith.constant 0 : i32
    %c0_i32_0 = arith.constant 0 : i32
    return %arg0, %c0_i32 : i32, i32
  }
  func.func @transform_1(%arg0: i32) -> (i32, i32) {
    %c0_i32 = arith.constant 0 : i32
    %c0_i32_0 = arith.constant 0 : i32
    return %arg0, %c0_i32 : i32, i32
  }
  func.func @transform_2(%arg0: i32) -> (i32, i32) {
    %c0_i32 = arith.constant 0 : i32
    %c0_i32_0 = arith.constant 0 : i32
    return %arg0, %c0_i32 : i32, i32
  }
  func.func @transform_3(%arg0: i32) -> (i32, i32) {
    %c0_i32 = arith.constant 0 : i32
    %c0_i32_0 = arith.constant 0 : i32
    return %arg0, %c0_i32 : i32, i32
  }
  func.func @transform_4(%arg0: i32) -> (i32, i32) {
    %c0_i32 = arith.constant 0 : i32
    %c0_i32_0 = arith.constant 0 : i32
    return %arg0, %c0_i32 : i32, i32
  }
  func.func @transform_5(%arg0: i32) -> (i32, i32) {
    %c0_i32 = arith.constant 0 : i32
    %c0_i32_0 = arith.constant 0 : i32
    return %arg0, %c0_i32 : i32, i32
  }
  func.func @transform_6(%arg0: i32) -> (i32, i32) {
    %c0_i32 = arith.constant 0 : i32
    %c0_i32_0 = arith.constant 0 : i32
    %c0_i32_1 = arith.constant 0 : i32
    return %c0_i32, %c0_i32_0 : i32, i32
  }
  func.func @transform_7(%arg0: i32) -> (i32, i32) {
    %c0_i32 = arith.constant 0 : i32
    %c0_i32_0 = arith.constant 0 : i32
    %c0_i32_1 = arith.constant 0 : i32
    return %c0_i32, %c0_i32_0 : i32, i32
  }
  func.func @transform_8(%arg0: i32) -> (i32, i32) {
    %c0_i32 = arith.constant 0 : i32
    %c0_i32_0 = arith.constant 0 : i32
    %c0_i32_1 = arith.constant 0 : i32
    return %c0_i32, %c0_i32_0 : i32, i32
  }
  func.func @transform_9(%arg0: i32) -> (i32, i32) {
    %c0_i32 = arith.constant 0 : i32
    %c0_i32_0 = arith.constant 0 : i32
    %c0_i32_1 = arith.constant 0 : i32
    return %c0_i32, %c0_i32_0 : i32, i32
  }
  func.func @transform_10(%arg0: i32) -> (i32, i32) {
    %c0_i32 = arith.constant 0 : i32
    %c0_i32_0 = arith.constant 0 : i32
    return %arg0, %c0_i32 : i32, i32
  }
}

</mosaic_0001>

<sc_bundles>
// kernel: kernel.18.cloned.1.call-start
scs
__scs_entry_jumppad:
0x0: {  	(pc) =	sbr.rel $0x88, $3  }
0x1: {  	(tag) =	ssettag $0x0;
	lr =	simm.s32 $0x1  }
0x2: {  	[smem:$0x3F92] =	sst lr;
	_ =	strace $0xD0000000  }
0x3: {  	_ = 	snop  }
0x4: {  	_ = 	snop  }
0x5: {  	_ = 	snop  }
0x6: {  	_ = 	snop  }
0x7: {  	_ = 	snop  }
__scs_overlays_trampoline_lowered:
0x8: {  	[smem:$0x3FA1] =	sst s0  }
0x9: {  	[smem:$0x3FA2] =	sst s1  }
0xa: {  	[smem:$0x3FA3] =	sst s2  }
0xb: {  	[smem:$0x3FA4] =	sst s3  }
0xc: {  	[smem:$0x3FA5] =	sst s4  }
0xd: {  	[smem:$0x3FA6] =	sst s5  }
0xe: {  	[smem:$0x3FA7] =	sst s6  }
0xf: {  	[smem:$0x3FA8] =	sst s7  }
0x10: {  	[smem:$0x3FA9] =	sst s8  }
0x11: {  	[smem:$0x3FAA] =	sst s9;
	s0 =	simm.s32 @!p0 $0x0  }
0x12: {  	s1 =	sld [smem:$0x3F90];
	s0 =	simm.s32 @p0 $0x1  }
0x13: {  	[smem:$0x3FAB] =	sst s0;
	s0 =	simm.s32 @!p1 $0x0  }
0x14: {  	s2 =	sld [smem:$0x3F8F];
	s0 =	simm.s32 @p1 $0x1  }
0x15: {  	[smem:$0x3FAC] =	sst s0;
	s0 =	simm.s32 @!p2 $0x0  }
0x16: {  	s3 =	sld [smem:$0x3FDB];
	s0 =	simm.s32 @p2 $0x1  }
0x17: {  	s4 =	simm.s32 $0x1BF5;
	[smem:$0x3FAE] =	sst s0  }
0x18: {  	s0 =	sld [smem:$0x3F91];
	_ =	swait.ge [sflag:s4], $0x0  }
0x19: {  	s7 =	sld [smem:$0x3F92]  }
0x1a: {  	s8 =	sadd.s32 $0xFFFFE003, lr  }
0x1b: {  	s9 =	sadd.s32 $0xFFFFFEF7, lr;
	s5 =	simm.s32 $0xFFFFFFFF;
	p2 =	slt.u32 s8, $0xFFFFF086  }
0x1c: {  	p1 =	slt.u32 s9, $0xF7A;
	s5 =	simm.s32 @!p2 $0x0  }
0x1d: {  	s5 =	simm.s32 @p1 $0x1;
	p0 =	seq.s32 s7, s2  }
0x1e: {  	s7 =	smul.u32 @!p0 $0xF7A, s2;
	p2 =	seq.s32 @!p0 s5, $0x0  }
0x1f: {  	s9 =	smul.u32 $0xF7A, s1;
	s8 =	simm.s32 @!p0 $0x1BF5;
	p2 =	por !p2, p0  }
0x20: {  	[sflag:s8] =	ssyncset.s32 @!p0 $0xFFFFF086;
	s6 =	sadd.s32 @!p0 s3, s7;
	s7 =	simm.s32 @!p0 $0x108  }
0x21: {  	s3 =	sadd.s32 s3, s9;
	s6 =	sadd.s32 @!p0 $0x88, s6;
	s7 =	simm.s32 @p2 $0x1082  }
0x22: {  	[simem:s7], [sflag:s8] =	dma.local @!p0 [hbm:s6], $0xF7A  }
0x23: {  	s9 =	sor.u32 $0xD0000000, s2;
	s6 =	simm.s32 $0x108;
	_ =	swait.ge @!p0 [sflag:s8], $0x0  }
0x24: {  	s3 =	sadd.s32 $0x88, s3;
	s6 =	simm.s32 @!p1 $0x1082;
	[sflag:s4] =	ssyncset.s32 $0xFFFFF086  }
0x25: {  	[simem:s6], [sflag:s4] =	dma.local [hbm:s3], $0xF7A  }
0x26: {  	[smem:$0x3F92] =	sst s1;
	(tag) =	ssettag s2;
	_ =	strace s9  }
0x27: {  	s1 =	sld [smem:$0x3FA2]  }
0x28: {  	s2 =	sld [smem:$0x3FA3]  }
0x29: {  	s4 =	sld [smem:$0x3FA5]  }
0x2a: {  	p0 =	seq.s32 s5, $0x0;
	s5 =	sld [smem:$0x3FA6]  }
0x2b: {  	s6 =	sld [smem:$0x3FA7]  }
0x2c: {  	s7 =	sld [smem:$0x3FA8]  }
0x2d: {  	s3 =	simm.s32 $0x108;
	s8 =	sld [smem:$0x3FA9]  }
0x2e: {  	s3 =	simm.s32 @!p0 $0x1082;
	s9 =	sld [smem:$0x3FAA]  }
0x2f: {  	lr =	sadd.s32 s0, s3;
	s0 =	sld [smem:$0x3FA1]  }
0x30: {  	s3 =	sld [smem:$0x3FA4]  }
0x31: {  	[smem:$0x3FAD] =	sst s10  }
0x32: {  	s10 =	sld [smem:$0x3FAB];
	_ =	sdelay $0x3  }
0x33: {  	p0 =	seq.s32 s10, $0x1;
	s10 =	sld [smem:$0x3FAD];
	_ =	sdelay $0x3  }
0x34: {  	[smem:$0x3FAD] =	sst s10  }
0x35: {  	s10 =	sld [smem:$0x3FAC];
	_ =	sdelay $0x3  }
0x36: {  	p1 =	seq.s32 s10, $0x1;
	s10 =	sld [smem:$0x3FAD];
	_ =	sdelay $0x3  }
0x37: {  	[smem:$0x3FAD] =	sst s10  }
0x38: {  	s10 =	sld [smem:$0x3FAE]  }
0x39: {  	_ = 	snop;
	(pc) =	sbr.ind lr, $3  }
0x3a: {  	_ = 	snop  }
0x3b: {  	_ = 	snop  }
0x3c: {  	p2 =	seq.s32 s10, $0x1;
	s10 =	sld [smem:$0x3FAD]  }
0x3d: {  	_ =	shalt  }
0x3e: {  	_ =	shalt  }
0x3f: {  	_ =	shalt  }
0x40: {  	_ =	shalt  }
0x41: {  	_ =	shalt  }
0x42: {  	_ =	shalt  }
0x43: {  	_ =	shalt  }
0x44: {  	_ =	shalt  }
0x45: {  	_ =	shalt  }
0x46: {  	_ =	shalt  }
0x47: {  	_ =	shalt  }
0x48: {  	_ =	shalt  }
0x49: {  	_ =	shalt  }
0x4a: {  	_ =	shalt  }
0x4b: {  	_ =	shalt  }
0x4c: {  	_ =	shalt  }
0x4d: {  	_ =	shalt  }
0x4e: {  	_ =	shalt  }
0x4f: {  	_ =	shalt  }
0x50: {  	_ =	shalt  }
0x51: {  	_ =	shalt  }
0x52: {  	_ =	shalt  }
0x53: {  	_ =	shalt  }
0x54: {  	_ =	shalt  }
0x55: {  	_ =	shalt  }
0x56: {  	_ =	shalt  }
0x57: {  	_ =	shalt  }
0x58: {  	_ =	shalt  }
0x59: {  	_ =	shalt  }
0x5a: {  	_ =	shalt  }
0x5b: {  	_ =	shalt  }
0x5c: {  	_ =	shalt  }
0x5d: {  	_ =	shalt  }
0x5e: {  	_ =	shalt  }
0x5f: {  	_ =	shalt  }
0x60: {  	_ =	shalt  }
0x61: {  	_ =	shalt  }
0x62: {  	_ =	shalt  }
0x63: {  	_ =	shalt  }
0x64: {  	_ =	shalt  }
0x65: {  	_ =	shalt  }
0x66: {  	_ =	shalt  }
0x67: {  	_ =	shalt  }
0x68: {  	_ =	shalt  }
0x69: {  	_ =	shalt  }
0x6a: {  	_ =	shalt  }
0x6b: {  	_ =	shalt  }
0x6c: {  	_ =	shalt  }
0x6d: {  	_ =	shalt  }
0x6e: {  	_ =	shalt  }
0x6f: {  	_ =	shalt  }
0x70: {  	_ =	shalt  }
0x71: {  	_ =	shalt  }
0x72: {  	_ =	shalt  }
0x73: {  	_ =	shalt  }
0x74: {  	_ =	shalt  }
0x75: {  	_ =	shalt  }
0x76: {  	_ =	shalt  }
0x77: {  	_ =	shalt  }
0x78: {  	_ =	shalt  }
0x79: {  	_ =	shalt  }
0x7a: {  	_ =	shalt  }
0x7b: {  	_ =	shalt  }
0x7c: {  	_ =	shalt  }
0x7d: {  	_ =	shalt  }
0x7e: {  	_ =	shalt  }
0x7f: {  	_ =	shalt  }
0x80: {  	_ =	shalt  }
0x81: {  	_ =	shalt  }
0x82: {  	_ =	shalt  }
0x83: {  	_ =	shalt  }
0x84: {  	_ =	shalt  }
0x85: {  	_ =	shalt  }
0x86: {  	_ =	shalt  }
0x87: {  	_ =	shalt  }
.Lfunc_end0:
.L_simem_size_0:
called_computation_lowered:
.L_overlay_start_0:
0x88: {  	s2 =	sld [smem:$0x3FD9]  }
0x89: {  	s3 =	sld [smem:$0x3FFE];
	_ =	sdelay $0x1  }
0x8a: {  	s1 =	srdreg.scid  }
0x8b: {  	s0 =	sand.u32 $0x1, s1  }
0x8c: {  	s17 =	sshll.u32 s0, $0xA;
	s2 =	sadd.s32 s3, s2  }
0x8d: {  	s2 =	sadd.s32 s2, s17  }
0x8e: {  	[smem:$0x3FB9] =	sst s2  }
0x8f: {  	_ = 	snop  }
0x90: {  	s18 =	sld [smem:$0x3FD0];
	(tm) =	ssettm $0x1  }
0x91: {  	s19 =	sld [smem:$0x3FFB];
	_ =	sdelay $0x3  }
0x92: {  	_ =	strace s19  }
0x93: {  	s2 =	sld [smem:$0x3FFC];
	_ =	sdelay $0x3  }
0x94: {  	_ =	strace s2  }
0x95: {  	s2 =	sld [smem:$0x3FFD];
	_ =	sdelay $0x3  }
0x96: {  	_ =	strace s2  }
0x97: {  	_ =	strace $0x8FFFFFFF  }
0x98: {  	s20 =	sld [smem:$0x3FDB];
	_ =	sdelay $0x1  }
0x99: {  	s4 =	simm.s32 $_scs_section_size  }
0x9a: {  	s5 =	simm.s32 $_size__tile_overlayer_lowered;
	s6 =	simm.s32 $_tile_overlayer_lowered  }
0x9b: {  	s7 =	simm.s32 $0x1BFF;
	s21 =	sshll.u32 s6, $0x1;
	s4 =	sadd.s32 s4, s20  }
0x9c: {  	s22 =	simm.s32 $0x0;
	s5 =	sshll.u32 s5, $0x1;
	s6 =	sadd.s32 s21, s4  }
0x9d: {  	[timem:s22], [sflag:s7] =	dma.local [hbm:s6], s5  }
0x9e: {  	_ =	swait.ge [sflag:s7], s5  }
0x9f: {  	s5 =	ssub.s32 $0x0, s5;
	[sflag:s7] =	ssyncset.done $0x0  }
0xa0: {  	[sflag:s7] =	ssyncadd.s32 s5;
	_ =	sdelay $0x1  }
0xa1: {  	s23 =	simm.s32 $0x1B8B  }
0xa2: {  	_ =	swait.ge [sflag:s23], $0x1  }
0xa3: {  	[sflag:s23] =	ssyncset.done $0x0  }
0xa4: {  	[sflag:s23] =	ssyncadd.s32 $0xFFFFFFFF  }
0xa5: {  	s5 =	sld [smem:$0x0]  }
0xa6: {  	s6 =	sand.u32 $0xFFFFFFFE, s1  }
0xa7: {  	p0 =	sne.s32 s1, s6  }
0xa8: {  	s6 =	sshll.u32 @p0 s6, $0xE  }
0xa9: {  	s6 =	sadd.s32 @p0 $0x11B8D, s6;
	s7 =	sshll.u32 @p0 s5, $0x11  }
0xaa: {  	s6 =	sor.u32 @p0 s7, s6  }
0xab: {  	[sflag:s6] =	ssyncadd.remote.s32 @p0 $0x1;
	_ =	sdelay $0x1  }
0xac: {  	s6 =	simm.s32 @p0 $0x1B8D  }
0xad: {  	_ =	swait.eq @p0 [sflag:s6], $0x1  }
0xae: {  	[sflag:s6] =	ssyncadd.s32 @p0 $0xFFFFFFFF  }
0xaf: {  	s7 =	sshll.u32 @!p0 s1, $0xE  }
0xb0: {  	s7 =	sor.u32 @!p0 $0x4000, s7;
	s6 =	simm.s32 @!p0 $0x1B8D  }
0xb1: {  	s5 =	sshll.u32 @!p0 s5, $0x11;
	s7 =	sadd.s32 @!p0 $0x11B8D, s7;
	_ =	swait.eq @!p0 [sflag:s6], $0x1  }
0xb2: {  	s5 =	sor.u32 @!p0 s5, s7;
	[sflag:s6] =	ssyncadd.s32 @!p0 $0xFFFFFFFF  }
0xb3: {  	s25 =	simm.s32 $0x1B8E;
	s24 =	sld [smem:$0x3FFE];
	[sflag:s5] =	ssyncadd.remote.s32 @!p0 $0x1  }
0xb4: {  	s26 =	simm.s32 $execute0_lowered;
	[smem:$0x3FD2] =	sst s25  }
0xb5: {  	s6 =	sshll.u32 s26, $0x1;
	_ =	strace $0x80000049;
	[dreg:$0x1] =	wrdreg $0xFFFFFFFF  }
0xb6: {  	s28 =	simm.s32 $_size_execute0_lowered;
	s4 =	sadd.s32 s4, s6;
	[dreg:$0x0] =	wrdreg $0x0  }
0xb7: {  	s6 =	sshll.u32 s28, $0x1;
	[dreg:$0x2] =	wrdreg s4  }
0xb8: {  	[dreg:$0x3] =	wrdreg s6  }
0xb9: {  	[dreg:$0x4] =	wrdreg $0xC0  }
0xba: {  	_ =	task [dreg:s22], $0x5FFFF  }
0xbb: {  	[dreg:$0x1] =	wrdreg $0xFFFFFFFF  }
0xbc: {  	[dreg:$0x0] =	wrdreg $0x60  }
0xbd: {  	[dreg:$0x2] =	wrdreg s18  }
0xbe: {  	[dreg:$0x3] =	wrdreg s24  }
0xbf: {  	[dreg:$0x4] =	wrdreg $0x9  }
0xc0: {  	_ =	task.clear_ibuf [dreg:s22], $0x5FFFF;
	_ =	strace $0x90000049  }
0xc1: {  	s29 =	simm.s32 $0x9;
	_ =	strace $0x8000004B  }
0xc2: {  	_ =	swait.ge [sflag:s29], $0x1  }
0xc3: {  	[sflag:s29] =	ssyncadd.s32 $0xFFFFFFFF  }
0xc4: {  	_ =	strace $0x9000004B  }
0xc5: {  	_ =	sfence  }
0xc6: {  	s30 =	sld [smem:$0x0];
	_ =	sdelay $0x2  }
0xc7: {  	s31 =	sshll.u32 s1, $0xD;
	s1 =	sshrl.u32 s1, $0x2  }
0xc8: {  	s4 =	sand.u32 $0x4000, s31;
	s1 =	sadd.s32 s1, s30  }
0xc9: {  	s0 =	sor.u32 s4, s0;
	s1 =	sshll.u32 s1, $0x11  }
0xca: {  	s0 =	sor.u32 s1, s0  }
0xcb: {  	s0 =	sadd.s32 $0x8F2B, s0  }
0xcc: {  	[sflag:s0] =	ssyncadd.remote.s32 $0x1  }
0xcd: {  	_ =	sfence.sel $0xFFFF  }
0xce: {  	[dreg:$0x0] =	wrdreg $0xFFFFFFFF;
	(pc) =	sbr.abs _section_cstart, $3  }
0xcf: {  	[dreg:$0x1] =	wrdreg $0xFFFFFFFF  }
0xd0: {  	_ =	task.clear_ibuf [dreg:s22], $0x2FFFF;
	_ =	strace $0x9FFFFFFF  }
0xd1: {  	(tm) =	ssettm $0x7FFFFFFF  }
tec
execute0_lowered:
.L_overlay_start_1:
0x0: {  	(tag) =	ssettag $0x1  }
0x1: {  	s2 =	rddreg [dreg:$0x0]  }
0x2: {  	s5 =	rddreg [dreg:$0x1]  }
0x3: {  	s0 =	rddreg [dreg:$0x2]  }
0x4: {  	s3 =	simm.s32 $0x0;
	s1 =	stileid.u32;
	s7 =	srdreg.scid  }
0x5: {  	s13 =	simm.s32 $0x20;
	s14 =	simm.s32 $0x0;
	s6 =	smul.u32 $0x28000, s1  }
0x6: {  	[smem:$0x7FF] =	sst s3;
	s7 =	sand.u32 $0x1, s7;
	s11 =	smul.u32 $0x2800, s1  }
0x7: {  	s4 =	sadd.s32 $0x6400, s5;
	s29 =	sshll.u32 s1, $0x1;
	s9 =	smul.u32 $0x14000, s7  }
0x8: {  	_ =	strace $0x8000004A;
	s8 =	ssub.s32 $0x2, s7;
	s12 =	smul.u32 $0x1400, s7  }
0x9: {  	s6 =	sadd.s32 s6, s5;
	s10 =	sshrl.u32 s8, $0x1;
	s5 =	sor.u32 s7, s29  }
0xa: {  	p0 =	seq.s32 s5, $0x1F;
	s5 =	simm.s32 $0xA;
	s30 =	ssub.s32 s8, s10  }
0xb: {  	s31 =	sadd.s32 s9, s6;
	s8 =	sadd.s32 s12, s11;
	s9 =	simm.s32 $0x2  }
0xc: {  	s10 =	simm.s32 $0x80;
	s11 =	simm.s32 $0x1400;
	s12 =	simm.s32 $0x1  }
0xd: {  	s5 =	simm.s32 @!p0 $0x14;
	s6 =	smax.u32 s30, $0x1;
	s7 =	sadd.s32 $0x2B7400, s31  }
.LBB2_1:
0xe: {  	p1 =	sne.s32 s5, $0x1  }
.Ltmp0:
0xf: {  	_ = 	snop;
	(pc) =	sbr.rel @!p1 .LBB2_2-.Ltmp0, $2  }
0x10: {  	_ =	sdelay $0x2  }
0x11: {  	s15 =	sadd.s32 $0xFFFFFFFF, s5;
	s19 =	sshrl.u32 s8, $0x3;
	p0 =	por $0x0, $0x0  }
0x12: {  	s16 =	sadd.s32 s4, s19  }
0x13: {  	[tilespmem:s3], [sflag:$0x2] =	stream.linear.gather [hbm4b:s16+s3], $0x80, $0x38;
	[tilespmem:$0x2400] =	vst v63  }
0x14: {  	_ =	swait.ge [sflag:s9], $0x80  }
0x15: {  	[sflag:s9] =	ssyncset.done $0x0  }
0x16: {  	[sflag:s9] =	ssyncadd.s32 $0xFFFFFF80  }
0x17: {  	[tilespmem:s11], [sflag:$0x1] =	stream.indirect.gather [hbm4b:s2+s10], $0x20, s3, s10, $0xb8;
	[tilespmem:$0x2400] =	vst v63  }
0x18: {  	p1 =	sne.s32 s15, $0x1;
	_ =	swait.ge [sflag:s12], $0x1000  }
.Ltmp1:
0x19: {  	[sflag:s12] =	ssyncset.done $0x0;
	(pc) =	sbr.rel @!p1 .LBB2_4-.Ltmp1, $4  }
0x1a: {  	s17 =	sadd.s32 $0x80, s8;
	s18 =	sadd.s32 $0xFFFFFFFF, s15;
	[sflag:s12] =	ssyncadd.s32 $0xFFFFF000  }
0x1b: {  	[hbm4b:s7+s13] =	stream.strided.scatter [tilespmem:s11], [sflag:$0x2], $0x1000, s10, s13, $0x38;
	[tilespmem:$0x2400] =	vst v63  }
0x1c: {  	s15 =	simm.s32 $0x80;
	p0 =	por $0x1, $0x1;
	_ =	swait.ge [sflag:s9], $0x1000  }
0x1d: {  	s19 =	sshrl.u32 s17, $0x3;
	s16 =	smov.u32 s7;
	[sflag:s9] =	ssyncset.done $0x0  }
.LBB2_5:
0x1e: {  	s19 =	sadd.s32 s4, s19;
	[sflag:s9] =	ssyncadd.s32 $0xFFFFF000;
	s16 =	sadd.s32 $0x800, s16  }
0x1f: {  	[tilespmem:s15], [sflag:$0x2] =	stream.linear.gather [hbm4b:s19+s3], $0x80, $0x38;
	[tilespmem:$0x2400] =	vst v63  }
0x20: {  	p1 =	sne.s32 s18, $0x1;
	s18 =	sadd.s32 $0xFFFFFFFF, s18;
	_ =	swait.ge [sflag:s9], $0x80  }
0x21: {  	[sflag:s9] =	ssyncset.done $0x0  }
0x22: {  	[sflag:s9] =	ssyncadd.s32 $0xFFFFFF80  }
0x23: {  	[tilespmem:s11], [sflag:$0x1] =	stream.indirect.gather [hbm4b:s2+s10], $0x20, s15, s10, $0xb8;
	[tilespmem:$0x2400] =	vst v63  }
0x24: {  	_ =	swait.ge [sflag:s12], $0x1000  }
.Ltmp2:
0x25: {  	[sflag:s12] =	ssyncset.done $0x0;
	(pc) =	sbr.rel @p1 .LBB2_5-.Ltmp2, $4  }
0x26: {  	[sflag:s12] =	ssyncadd.s32 $0xFFFFF000  }
0x27: {  	[hbm4b:s16+s13] =	stream.strided.scatter [tilespmem:s11], [sflag:$0x2], $0x1000, s10, s13, $0x38;
	[tilespmem:$0x2400] =	vst v63  }
0x28: {  	s17 =	sadd.s32 $0x80, s17;
	_ =	swait.ge [sflag:s9], $0x1000  }
0x29: {  	s19 =	sshrl.u32 s17, $0x3;
	s15 =	sadd.s32 $0x80, s15;
	[sflag:s9] =	ssyncset.done $0x0  }
.LBB2_6:
0x2a: {  	s17 =	sadd.s32 s4, s19;
	[sflag:s9] =	ssyncadd.s32 @p0 $0xFFFFF000  }
0x2b: {  	[tilespmem:s15], [sflag:$0x2] =	stream.linear.gather [hbm4b:s17+s3], $0x80, $0x38;
	[tilespmem:$0x2400] =	vst v63  }
0x2c: {  	_ =	swait.ge [sflag:s9], $0x80  }
0x2d: {  	[sflag:s9] =	ssyncset.done $0x0  }
0x2e: {  	[sflag:s9] =	ssyncadd.s32 $0xFFFFFF80  }
0x2f: {  	[tilespmem:s11], [sflag:$0x1] =	stream.indirect.gather [hbm4b:s2+s10], $0x20, s15, s10, $0xb8;
	[tilespmem:$0x2400] =	vst v63  }
0x30: {  	s14 =	sadd.s32 $0x1, s14;
	_ =	swait.ge [sflag:s12], $0x1000  }
0x31: {  	s15 =	sadd.s32 @p0 $0x800, s16;
	s16 =	smov.u32 s7;
	[sflag:s12] =	ssyncset.done $0x0  }
0x32: {  	s16 =	smov.u32 @p0 s15;
	p0 =	sne.s32 s14, s6;
	[sflag:s12] =	ssyncadd.s32 $0xFFFFF000  }
0x33: {  	[hbm4b:s16+s13] =	stream.strided.scatter [tilespmem:s11], [sflag:$0x2], $0x1000, s10, s13, $0x38;
	[tilespmem:$0x2400] =	vst v63  }
.Ltmp3:
0x34: {  	_ = 	snop;
	(pc) =	sbr.rel @p0 .LBB2_1-.Ltmp3, $4  }
.Ltmp4:
0x35: {  	_ = 	snop;
	(pc) =	sbr.rel @!p0 .LBB2_7-.Ltmp4, $4  }
0x36: {  	_ =	swait.ge [sflag:s9], $0x1000  }
0x37: {  	[sflag:s9] =	ssyncset.done $0x0  }
0x38: {  	[sflag:s9] =	ssyncadd.s32 $0xFFFFF000  }
0x39: {  	_ = 	snop  }
.LBB2_2:
.Ltmp5:
0x3a: {  	(pc) =	sbr.rel .LBB2_6-.Ltmp5, $2  }
0x3b: {  	_ =	sdelay $0x2  }
0x3c: {  	s16 =	smov.u32 s7;
	s15 =	simm.s32 $0x0  }
.LBB2_4:
.Ltmp6:
0x3d: {  	(pc) =	sbr.rel .LBB2_6-.Ltmp6, $2  }
0x3e: {  	_ =	sdelay $0x2  }
0x3f: {  	s16 =	smov.u32 s7  }
.LBB2_7:
0x40: {  	_ =	sfence.sel $0x180000  }
0x41: {  	[bflag:$0x0] =	sbarrier.arrive $0xFFFF  }
0x42: {  	p0 =	sne.s32 s1, $0x0;
	_ =	strace $0x9000004A  }
0x43: {  	s0 =	sadd.s32 @!p0 $0x100000, s0;
	[bflag:$0x2] =	sbarrier.arrive $0xFFFF  }
0x44: {  	[sflag:s0] =	ssyncadd.tile.s32 @!p0 $0x1;
	_ =	shalt  }
.Lfunc_end2:
_tile_overlayer_lowered:
.L_overlay_start_2:
0x45: {  	(tag) =	ssettag $0x2  }
0x46: {  	s0 =	rddreg [dreg:$0x0];
	s2 =	stileid.u32  }
0x47: {  	s1 =	rddreg [dreg:$0x1];
	p0 =	sne.s32 s2, $0x0  }
0x48: {  	s3 =	rddreg [dreg:$0x2];
	[bflag:$0x3] =	sbarrier.arrive $0xFFFF;
	s2 =	simm.s32 @!p0 $0x1C02  }
0x49: {  	[timem:s3], [sflag:s2] =	dma.local @!p0 [hbm:s0], s1  }
0x4a: {  	s0 =	simm.s32 @!p0 $0x2  }
0x4b: {  	_ =	swait.ge @!p0 [sflag:s0], s1  }
0x4c: {  	s1 =	ssub.s32 @!p0 $0x0, s1;
	[sflag:s0] =	ssyncset.done @!p0 $0x0  }
0x4d: {  	[sflag:s0] =	ssyncadd.s32 @!p0 s1  }
0x4e: {  	[bflag:$0x3] =	sbarrier.arrive $0xFFFF  }
0x4f: {  	_ =	shalt  }

// kernel: kernel.21.cloned.1.call-start
scs
__scs_entry_jumppad:
0x0: {  	(pc) =	sbr.rel $0x88, $3  }
0x1: {  	(tag) =	ssettag $0x0;
	lr =	simm.s32 $0x1  }
0x2: {  	[smem:$0x3F92] =	sst lr;
	_ =	strace $0xD0000000  }
0x3: {  	_ = 	snop  }
0x4: {  	_ = 	snop  }
0x5: {  	_ = 	snop  }
0x6: {  	_ = 	snop  }
0x7: {  	_ = 	snop  }
__scs_overlays_trampoline_lowered:
0x8: {  	[smem:$0x3FA1] =	sst s0  }
0x9: {  	[smem:$0x3FA2] =	sst s1  }
0xa: {  	[smem:$0x3FA3] =	sst s2  }
0xb: {  	[smem:$0x3FA4] =	sst s3  }
0xc: {  	[smem:$0x3FA5] =	sst s4  }
0xd: {  	[smem:$0x3FA6] =	sst s5  }
0xe: {  	[smem:$0x3FA7] =	sst s6  }
0xf: {  	[smem:$0x3FA8] =	sst s7  }
0x10: {  	[smem:$0x3FA9] =	sst s8  }
0x11: {  	[smem:$0x3FAA] =	sst s9;
	s0 =	simm.s32 @!p0 $0x0  }
0x12: {  	s1 =	sld [smem:$0x3F90];
	s0 =	simm.s32 @p0 $0x1  }
0x13: {  	[smem:$0x3FAB] =	sst s0;
	s0 =	simm.s32 @!p1 $0x0  }
0x14: {  	s2 =	sld [smem:$0x3F8F];
	s0 =	simm.s32 @p1 $0x1  }
0x15: {  	[smem:$0x3FAC] =	sst s0;
	s0 =	simm.s32 @!p2 $0x0  }
0x16: {  	s3 =	sld [smem:$0x3FDB];
	s0 =	simm.s32 @p2 $0x1  }
0x17: {  	s4 =	simm.s32 $0x1BF5;
	[smem:$0x3FAE] =	sst s0  }
0x18: {  	s0 =	sld [smem:$0x3F91];
	_ =	swait.ge [sflag:s4], $0x0  }
0x19: {  	s7 =	sld [smem:$0x3F92]  }
0x1a: {  	s8 =	sadd.s32 $0xFFFFE003, lr  }
0x1b: {  	s9 =	sadd.s32 $0xFFFFFEF7, lr;
	s5 =	simm.s32 $0xFFFFFFFF;
	p2 =	slt.u32 s8, $0xFFFFF086  }
0x1c: {  	p1 =	slt.u32 s9, $0xF7A;
	s5 =	simm.s32 @!p2 $0x0  }
0x1d: {  	s5 =	simm.s32 @p1 $0x1;
	p0 =	seq.s32 s7, s2  }
0x1e: {  	s7 =	smul.u32 @!p0 $0xF7A, s2;
	p2 =	seq.s32 @!p0 s5, $0x0  }
0x1f: {  	s9 =	smul.u32 $0xF7A, s1;
	s8 =	simm.s32 @!p0 $0x1BF5;
	p2 =	por !p2, p0  }
0x20: {  	[sflag:s8] =	ssyncset.s32 @!p0 $0xFFFFF086;
	s6 =	sadd.s32 @!p0 s3, s7;
	s7 =	simm.s32 @!p0 $0x108  }
0x21: {  	s3 =	sadd.s32 s3, s9;
	s6 =	sadd.s32 @!p0 $0x88, s6;
	s7 =	simm.s32 @p2 $0x1082  }
0x22: {  	[simem:s7], [sflag:s8] =	dma.local @!p0 [hbm:s6], $0xF7A  }
0x23: {  	s9 =	sor.u32 $0xD0000000, s2;
	s6 =	simm.s32 $0x108;
	_ =	swait.ge @!p0 [sflag:s8], $0x0  }
0x24: {  	s3 =	sadd.s32 $0x88, s3;
	s6 =	simm.s32 @!p1 $0x1082;
	[sflag:s4] =	ssyncset.s32 $0xFFFFF086  }
0x25: {  	[simem:s6], [sflag:s4] =	dma.local [hbm:s3], $0xF7A  }
0x26: {  	[smem:$0x3F92] =	sst s1;
	(tag) =	ssettag s2;
	_ =	strace s9  }
0x27: {  	s1 =	sld [smem:$0x3FA2]  }
0x28: {  	s2 =	sld [smem:$0x3FA3]  }
0x29: {  	s4 =	sld [smem:$0x3FA5]  }
0x2a: {  	p0 =	seq.s32 s5, $0x0;
	s5 =	sld [smem:$0x3FA6]  }
0x2b: {  	s6 =	sld [smem:$0x3FA7]  }
0x2c: {  	s7 =	sld [smem:$0x3FA8]  }
0x2d: {  	s3 =	simm.s32 $0x108;
	s8 =	sld [smem:$0x3FA9]  }
0x2e: {  	s3 =	simm.s32 @!p0 $0x1082;
	s9 =	sld [smem:$0x3FAA]  }
0x2f: {  	lr =	sadd.s32 s0, s3;
	s0 =	sld [smem:$0x3FA1]  }
0x30: {  	s3 =	sld [smem:$0x3FA4]  }
0x31: {  	[smem:$0x3FAD] =	sst s10  }
0x32: {  	s10 =	sld [smem:$0x3FAB];
	_ =	sdelay $0x3  }
0x33: {  	p0 =	seq.s32 s10, $0x1;
	s10 =	sld [smem:$0x3FAD];
	_ =	sdelay $0x3  }
0x34: {  	[smem:$0x3FAD] =	sst s10  }
0x35: {  	s10 =	sld [smem:$0x3FAC];
	_ =	sdelay $0x3  }
0x36: {  	p1 =	seq.s32 s10, $0x1;
	s10 =	sld [smem:$0x3FAD];
	_ =	sdelay $0x3  }
0x37: {  	[smem:$0x3FAD] =	sst s10  }
0x38: {  	s10 =	sld [smem:$0x3FAE]  }
0x39: {  	_ = 	snop;
	(pc) =	sbr.ind lr, $3  }
0x3a: {  	_ = 	snop  }
0x3b: {  	_ = 	snop  }
0x3c: {  	p2 =	seq.s32 s10, $0x1;
	s10 =	sld [smem:$0x3FAD]  }
0x3d: {  	_ =	shalt  }
0x3e: {  	_ =	shalt  }
0x3f: {  	_ =	shalt  }
0x40: {  	_ =	shalt  }
0x41: {  	_ =	shalt  }
0x42: {  	_ =	shalt  }
0x43: {  	_ =	shalt  }
0x44: {  	_ =	shalt  }
0x45: {  	_ =	shalt  }
0x46: {  	_ =	shalt  }
0x47: {  	_ =	shalt  }
0x48: {  	_ =	shalt  }
0x49: {  	_ =	shalt  }
0x4a: {  	_ =	shalt  }
0x4b: {  	_ =	shalt  }
0x4c: {  	_ =	shalt  }
0x4d: {  	_ =	shalt  }
0x4e: {  	_ =	shalt  }
0x4f: {  	_ =	shalt  }
0x50: {  	_ =	shalt  }
0x51: {  	_ =	shalt  }
0x52: {  	_ =	shalt  }
0x53: {  	_ =	shalt  }
0x54: {  	_ =	shalt  }
0x55: {  	_ =	shalt  }
0x56: {  	_ =	shalt  }
0x57: {  	_ =	shalt  }
0x58: {  	_ =	shalt  }
0x59: {  	_ =	shalt  }
0x5a: {  	_ =	shalt  }
0x5b: {  	_ =	shalt  }
0x5c: {  	_ =	shalt  }
0x5d: {  	_ =	shalt  }
0x5e: {  	_ =	shalt  }
0x5f: {  	_ =	shalt  }
0x60: {  	_ =	shalt  }
0x61: {  	_ =	shalt  }
0x62: {  	_ =	shalt  }
0x63: {  	_ =	shalt  }
0x64: {  	_ =	shalt  }
0x65: {  	_ =	shalt  }
0x66: {  	_ =	shalt  }
0x67: {  	_ =	shalt  }
0x68: {  	_ =	shalt  }
0x69: {  	_ =	shalt  }
0x6a: {  	_ =	shalt  }
0x6b: {  	_ =	shalt  }
0x6c: {  	_ =	shalt  }
0x6d: {  	_ =	shalt  }
0x6e: {  	_ =	shalt  }
0x6f: {  	_ =	shalt  }
0x70: {  	_ =	shalt  }
0x71: {  	_ =	shalt  }
0x72: {  	_ =	shalt  }
0x73: {  	_ =	shalt  }
0x74: {  	_ =	shalt  }
0x75: {  	_ =	shalt  }
0x76: {  	_ =	shalt  }
0x77: {  	_ =	shalt  }
0x78: {  	_ =	shalt  }
0x79: {  	_ =	shalt  }
0x7a: {  	_ =	shalt  }
0x7b: {  	_ =	shalt  }
0x7c: {  	_ =	shalt  }
0x7d: {  	_ =	shalt  }
0x7e: {  	_ =	shalt  }
0x7f: {  	_ =	shalt  }
0x80: {  	_ =	shalt  }
0x81: {  	_ =	shalt  }
0x82: {  	_ =	shalt  }
0x83: {  	_ =	shalt  }
0x84: {  	_ =	shalt  }
0x85: {  	_ =	shalt  }
0x86: {  	_ =	shalt  }
0x87: {  	_ =	shalt  }
.Lfunc_end0:
.L_simem_size_0:
called_computation.1_lowered:
.L_overlay_start_0:
0x88: {  	s2 =	sld [smem:$0x3FD9]  }
0x89: {  	s3 =	sld [smem:$0x3FFE];
	_ =	sdelay $0x1  }
0x8a: {  	s1 =	srdreg.scid  }
0x8b: {  	s0 =	sand.u32 $0x1, s1  }
0x8c: {  	s17 =	sshll.u32 s0, $0xA;
	s2 =	sadd.s32 s3, s2  }
0x8d: {  	s2 =	sadd.s32 s2, s17  }
0x8e: {  	[smem:$0x3FB9] =	sst s2  }
0x8f: {  	_ = 	snop  }
0x90: {  	s2 =	sld [smem:$0x3FD0];
	(tm) =	ssettm $0x1  }
0x91: {  	s18 =	sld [smem:$0x3FFB];
	_ =	sdelay $0x3  }
0x92: {  	_ =	strace s18  }
0x93: {  	s3 =	sld [smem:$0x3FFC];
	_ =	sdelay $0x3  }
0x94: {  	_ =	strace s3  }
0x95: {  	s3 =	sld [smem:$0x3FFD];
	_ =	sdelay $0x3  }
0x96: {  	_ =	strace s3  }
0x97: {  	_ =	strace $0x8FFFFFFF  }
0x98: {  	s19 =	sld [smem:$0x3FDB];
	_ =	sdelay $0x1  }
0x99: {  	s4 =	simm.s32 $_scs_section_size  }
0x9a: {  	s5 =	simm.s32 $_size__tile_overlayer_lowered;
	s6 =	simm.s32 $_tile_overlayer_lowered  }
0x9b: {  	s22 =	simm.s32 $0x1BFF;
	s21 =	sshll.u32 s6, $0x1;
	s3 =	sadd.s32 s4, s19  }
0x9c: {  	s7 =	simm.s32 $0x0;
	s20 =	sshll.u32 s5, $0x1;
	s5 =	sadd.s32 s21, s3  }
0x9d: {  	[timem:s7], [sflag:s22] =	dma.local [hbm:s5], s20  }
0x9e: {  	_ =	swait.ge [sflag:s22], s20  }
0x9f: {  	s4 =	ssub.s32 $0x0, s20;
	[sflag:s22] =	ssyncset.done $0x0  }
0xa0: {  	[sflag:s22] =	ssyncadd.s32 s4;
	_ =	sdelay $0x1  }
0xa1: {  	s23 =	simm.s32 $0x1B8B  }
0xa2: {  	_ =	swait.ge [sflag:s23], $0x1  }
0xa3: {  	[sflag:s23] =	ssyncset.done $0x0  }
0xa4: {  	s25 =	simm.s32 $0x1B8E;
	s24 =	sld [smem:$0x3FFE];
	[sflag:s23] =	ssyncadd.s32 $0xFFFFFFFF  }
0xa5: {  	s26 =	simm.s32 $execute0_lowered;
	[smem:$0x3FD2] =	sst s25  }
0xa6: {  	s5 =	sshll.u32 s26, $0x1;
	_ =	strace $0x80000046;
	[dreg:$0x1] =	wrdreg $0xFFFFFFFF  }
0xa7: {  	s28 =	simm.s32 $_size_execute0_lowered;
	s3 =	sadd.s32 s3, s5;
	[dreg:$0x0] =	wrdreg $0x0  }
0xa8: {  	s5 =	sshll.u32 s28, $0x1;
	[dreg:$0x2] =	wrdreg s3  }
0xa9: {  	[dreg:$0x3] =	wrdreg s5  }
0xaa: {  	[dreg:$0x4] =	wrdreg $0xC0  }
0xab: {  	_ =	task [dreg:s7], $0x5FFFF  }
0xac: {  	[dreg:$0x1] =	wrdreg $0xFFFFFFFF  }
0xad: {  	[dreg:$0x0] =	wrdreg $0x60  }
0xae: {  	[dreg:$0x2] =	wrdreg s2  }
0xaf: {  	[dreg:$0x3] =	wrdreg s24  }
0xb0: {  	[dreg:$0x4] =	wrdreg $0xA  }
0xb1: {  	_ =	task.clear_ibuf [dreg:s7], $0x5FFFF;
	_ =	strace $0x90000046  }
0xb2: {  	s29 =	simm.s32 $0xA;
	_ =	strace $0x80000048  }
0xb3: {  	_ =	swait.ge [sflag:s29], $0x1  }
0xb4: {  	[sflag:s29] =	ssyncadd.s32 $0xFFFFFFFF  }
0xb5: {  	_ =	strace $0x90000048  }
0xb6: {  	_ =	sfence  }
0xb7: {  	s30 =	sld [smem:$0x0];
	_ =	sdelay $0x2  }
0xb8: {  	s31 =	sshll.u32 s1, $0xD;
	s1 =	sshrl.u32 s1, $0x2  }
0xb9: {  	s3 =	sand.u32 $0x4000, s31;
	s1 =	sadd.s32 s1, s30  }
0xba: {  	s0 =	sor.u32 s3, s0;
	s1 =	sshll.u32 s1, $0x11  }
0xbb: {  	s0 =	sor.u32 s1, s0  }
0xbc: {  	s0 =	sadd.s32 $0x8F2B, s0  }
0xbd: {  	[sflag:s0] =	ssyncadd.remote.s32 $0x1  }
0xbe: {  	_ =	sfence.sel $0xFFFF  }
0xbf: {  	[dreg:$0x0] =	wrdreg $0xFFFFFFFF;
	(pc) =	sbr.abs _section_cstart, $3  }
0xc0: {  	[dreg:$0x1] =	wrdreg $0xFFFFFFFF  }
0xc1: {  	_ =	task.clear_ibuf [dreg:s7], $0x2FFFF;
	_ =	strace $0x9FFFFFFF  }
0xc2: {  	(tm) =	ssettm $0x7FFFFFFF  }
0xc3: {  	_ =	shalt  }
tec
execute0_lowered:
.L_overlay_start_1:
0x0: {  	(tag) =	ssettag $0x1  }
0x1: {  	s1 =	srdreg.scid;
	s0 =	stileid.u32  }
0x2: {  	s5 =	sand.u32 $0x1, s1;
	s6 =	sshll.u32 s0, $0x1  }
0x3: {  	s6 =	sor.u32 s5, s6  }
0x4: {  	p0 =	seq.s32 s6, $0x1F  }
.Ltmp0:
0x5: {  	_ = 	snop;
	(pc) =	sbr.rel @p0 .LBB2_5-.Ltmp0, $4  }
0x6: {  	s2 =	rddreg [dreg:$0x0]  }
0x7: {  	s4 =	rddreg [dreg:$0x1];
	s3 =	simm.s32 $0x0  }
0x8: {  	[smem:$0x7FF] =	sst s3  }
0x9: {  	s1 =	rddreg [dreg:$0x2];
	_ =	strace $0x80000047  }
0xa: {  	s6 =	smul.u32 $0x2800, s0  }
0xb: {  	s7 =	smul.u32 $0x1400, s5  }
0xc: {  	s8 =	sadd.s32 $0x6400, s4;
	s28 =	ssub.s32 $0x2, s5;
	s29 =	sadd.s32 $0x37400, s4  }
0xd: {  	s9 =	simm.s32 $0x1400;
	s10 =	simm.s32 $0x1;
	s11 =	simm.s32 $0x20  }
0xe: {  	s12 =	simm.s32 $0x0;
	s30 =	sshrl.u32 s28, $0x1;
	s6 =	sadd.s32 s7, s6  }
0xf: {  	s4 =	ssub.s32 s28, s30;
	s7 =	simm.s32 $0x2;
	s6 =	sadd.s32 $0xA00, s6  }
0x10: {  	s4 =	smax.u32 s4, $0x1;
	s31 =	sshll.u32 s6, $0x4;
	s6 =	sshrl.u32 s6, $0x3  }
0x11: {  	s5 =	sadd.s32 s31, s29;
	s6 =	sadd.s32 s6, s8;
	s8 =	simm.s32 $0x80  }
.LBB2_2:
0x12: {  	s13 =	simm.s32 $0xA00;
	s14 =	sadd.s32 $0x0, s6  }
0x13: {  	[tilespmem:s13], [sflag:$0x2] =	stream.linear.gather [hbm4b:s14+s3], $0x80, $0x38;
	[tilespmem:$0x2400] =	vst v63  }
0x14: {  	_ =	swait.ge [sflag:s7], $0x80  }
0x15: {  	[sflag:s7] =	ssyncset.done $0x0  }
0x16: {  	[sflag:s7] =	ssyncadd.s32 $0xFFFFFF80  }
0x17: {  	[tilespmem:s9], [sflag:$0x1] =	stream.indirect.gather [hbm4b:s2+s8], $0x20, s13, s8, $0xb8;
	[tilespmem:$0x2400] =	vst v63  }
0x18: {  	_ =	swait.ge [sflag:s10], $0x1000  }
0x19: {  	[sflag:s10] =	ssyncset.done $0x0  }
0x1a: {  	[sflag:s10] =	ssyncadd.s32 $0xFFFFF000  }
0x1b: {  	[hbm4b:s5+s11] =	stream.strided.scatter [tilespmem:s9], [sflag:$0x2], $0x1000, s8, s11, $0x38;
	[tilespmem:$0x2400] =	vst v63  }
0x1c: {  	s15 =	simm.s32 $0x10;
	s16 =	simm.s32 $0x20;
	_ =	swait.ge [sflag:s7], $0x1000  }
0x1d: {  	s14 =	simm.s32 $0xA80;
	s13 =	sadd.s32 $0x800, s5;
	[sflag:s7] =	ssyncset.done $0x0  }
.LBB2_3:
0x1e: {  	s17 =	sadd.s32 s15, s6  }
0x1f: {  	[sflag:s7] =	ssyncadd.s32 $0xFFFFF000;
	s15 =	smov.u32 s16;
	s18 =	sadd.s32 $0x10, s16  }
0x20: {  	[tilespmem:s14], [sflag:$0x2] =	stream.linear.gather [hbm4b:s17+s3], $0x80, $0x38;
	[tilespmem:$0x2400] =	vst v63  }
0x21: {  	p0 =	sne.s32 s16, $0x130;
	_ =	swait.ge [sflag:s7], $0x80  }
0x22: {  	[sflag:s7] =	ssyncset.done $0x0  }
0x23: {  	[sflag:s7] =	ssyncadd.s32 $0xFFFFFF80  }
0x24: {  	[tilespmem:s9], [sflag:$0x1] =	stream.indirect.gather [hbm4b:s2+s8], $0x20, s14, s8, $0xb8;
	[tilespmem:$0x2400] =	vst v63  }
0x25: {  	_ =	swait.ge [sflag:s10], $0x1000  }
.Ltmp1:
0x26: {  	[sflag:s10] =	ssyncset.done $0x0;
	(pc) =	sbr.rel @p0 .LBB2_3-.Ltmp1, $4  }
0x27: {  	[sflag:s10] =	ssyncadd.s32 $0xFFFFF000  }
0x28: {  	[hbm4b:s13+s11] =	stream.strided.scatter [tilespmem:s9], [sflag:$0x2], $0x1000, s8, s11, $0x38;
	[tilespmem:$0x2400] =	vst v63  }
0x29: {  	s16 =	smov.u32 s18;
	_ =	swait.ge [sflag:s7], $0x1000  }
0x2a: {  	s14 =	sadd.s32 $0x80, s14;
	s13 =	sadd.s32 $0x800, s13;
	[sflag:s7] =	ssyncset.done $0x0  }
0x2b: {  	s15 =	sadd.s32 s15, s6;
	[sflag:s7] =	ssyncadd.s32 $0xFFFFF000  }
0x2c: {  	[tilespmem:s14], [sflag:$0x2] =	stream.linear.gather [hbm4b:s15+s3], $0x80, $0x38;
	[tilespmem:$0x2400] =	vst v63  }
0x2d: {  	_ =	swait.ge [sflag:s7], $0x80  }
0x2e: {  	[sflag:s7] =	ssyncset.done $0x0  }
0x2f: {  	[sflag:s7] =	ssyncadd.s32 $0xFFFFFF80  }
0x30: {  	[tilespmem:s9], [sflag:$0x1] =	stream.indirect.gather [hbm4b:s2+s8], $0x20, s14, s8, $0xb8;
	[tilespmem:$0x2400] =	vst v63  }
0x31: {  	s12 =	sadd.s32 $0x1, s12;
	_ =	swait.ge [sflag:s10], $0x1000  }
0x32: {  	p0 =	sne.s32 s12, s4;
	[sflag:s10] =	ssyncset.done $0x0  }
.Ltmp2:
0x33: {  	[sflag:s10] =	ssyncadd.s32 $0xFFFFF000;
	(pc) =	sbr.rel @p0 .LBB2_2-.Ltmp2, $4  }
0x34: {  	[hbm4b:s13+s11] =	stream.strided.scatter [tilespmem:s9], [sflag:$0x2], $0x1000, s8, s11, $0x38;
	[tilespmem:$0x2400] =	vst v63  }
0x35: {  	_ =	swait.ge [sflag:s7], $0x1000  }
0x36: {  	[sflag:s7] =	ssyncset.done $0x0  }
0x37: {  	[sflag:s7] =	ssyncadd.s32 $0xFFFFF000  }
.LBB2_5:
0x38: {  	_ =	sfence.sel $0x180000  }
0x39: {  	[bflag:$0x0] =	sbarrier.arrive $0xFFFF  }
0x3a: {  	p0 =	sne.s32 s0, $0x0;
	_ =	strace $0x90000047  }
0x3b: {  	s0 =	sadd.s32 @!p0 $0x100000, s1;
	[bflag:$0x2] =	sbarrier.arrive $0xFFFF  }
0x3c: {  	[sflag:s0] =	ssyncadd.tile.s32 @!p0 $0x1;
	_ =	shalt  }
.Lfunc_end2:
_tile_overlayer_lowered:
.L_overlay_start_2:
0x3d: {  	(tag) =	ssettag $0x2  }
0x3e: {  	s0 =	rddreg [dreg:$0x0];
	s2 =	stileid.u32  }
0x3f: {  	s1 =	rddreg [dreg:$0x1];
	p0 =	sne.s32 s2, $0x0  }
0x40: {  	s3 =	rddreg [dreg:$0x2];
	[bflag:$0x3] =	sbarrier.arrive $0xFFFF;
	s2 =	simm.s32 @!p0 $0x1C02  }
0x41: {  	[timem:s3], [sflag:s2] =	dma.local @!p0 [hbm:s0], s1  }
0x42: {  	s0 =	simm.s32 @!p0 $0x2  }
0x43: {  	_ =	swait.ge @!p0 [sflag:s0], s1  }
0x44: {  	s1 =	ssub.s32 @!p0 $0x0, s1;
	[sflag:s0] =	ssyncset.done @!p0 $0x0  }
0x45: {  	[sflag:s0] =	ssyncadd.s32 @!p0 s1  }
0x46: {  	[bflag:$0x3] =	sbarrier.arrive $0xFFFF  }
0x47: {  	_ =	shalt  }

// kernel: kernel.24.cloned.1.call-start
scs
__scs_entry_jumppad:
0x0: {  	(pc) =	sbr.rel $0x88, $3  }
0x1: {  	(tag) =	ssettag $0x0;
	lr =	simm.s32 $0x1  }
0x2: {  	[smem:$0x3F92] =	sst lr;
	_ =	strace $0xD0000000  }
0x3: {  	_ = 	snop  }
0x4: {  	_ = 	snop  }
0x5: {  	_ = 	snop  }
0x6: {  	_ = 	snop  }
0x7: {  	_ = 	snop  }
__scs_overlays_trampoline_lowered:
0x8: {  	[smem:$0x3FA1] =	sst s0  }
0x9: {  	[smem:$0x3FA2] =	sst s1  }
0xa: {  	[smem:$0x3FA3] =	sst s2  }
0xb: {  	[smem:$0x3FA4] =	sst s3  }
0xc: {  	[smem:$0x3FA5] =	sst s4  }
0xd: {  	[smem:$0x3FA6] =	sst s5  }
0xe: {  	[smem:$0x3FA7] =	sst s6  }
0xf: {  	[smem:$0x3FA8] =	sst s7  }
0x10: {  	[smem:$0x3FA9] =	sst s8  }
0x11: {  	[smem:$0x3FAA] =	sst s9;
	s0 =	simm.s32 @!p0 $0x0  }
0x12: {  	s1 =	sld [smem:$0x3F90];
	s0 =	simm.s32 @p0 $0x1  }
0x13: {  	[smem:$0x3FAB] =	sst s0;
	s0 =	simm.s32 @!p1 $0x0  }
0x14: {  	s2 =	sld [smem:$0x3F8F];
	s0 =	simm.s32 @p1 $0x1  }
0x15: {  	[smem:$0x3FAC] =	sst s0;
	s0 =	simm.s32 @!p2 $0x0  }
0x16: {  	s3 =	sld [smem:$0x3FDB];
	s0 =	simm.s32 @p2 $0x1  }
0x17: {  	s4 =	simm.s32 $0x1BF5;
	[smem:$0x3FAE] =	sst s0  }
0x18: {  	s0 =	sld [smem:$0x3F91];
	_ =	swait.ge [sflag:s4], $0x0  }
0x19: {  	s7 =	sld [smem:$0x3F92]  }
0x1a: {  	s8 =	sadd.s32 $0xFFFFE003, lr  }
0x1b: {  	s9 =	sadd.s32 $0xFFFFFEF7, lr;
	s5 =	simm.s32 $0xFFFFFFFF;
	p2 =	slt.u32 s8, $0xFFFFF086  }
0x1c: {  	p1 =	slt.u32 s9, $0xF7A;
	s5 =	simm.s32 @!p2 $0x0  }
0x1d: {  	s5 =	simm.s32 @p1 $0x1;
	p0 =	seq.s32 s7, s2  }
0x1e: {  	s7 =	smul.u32 @!p0 $0xF7A, s2;
	p2 =	seq.s32 @!p0 s5, $0x0  }
0x1f: {  	s9 =	smul.u32 $0xF7A, s1;
	s8 =	simm.s32 @!p0 $0x1BF5;
	p2 =	por !p2, p0  }
0x20: {  	[sflag:s8] =	ssyncset.s32 @!p0 $0xFFFFF086;
	s6 =	sadd.s32 @!p0 s3, s7;
	s7 =	simm.s32 @!p0 $0x108  }
0x21: {  	s3 =	sadd.s32 s3, s9;
	s6 =	sadd.s32 @!p0 $0x88, s6;
	s7 =	simm.s32 @p2 $0x1082  }
0x22: {  	[simem:s7], [sflag:s8] =	dma.local @!p0 [hbm:s6], $0xF7A  }
0x23: {  	s9 =	sor.u32 $0xD0000000, s2;
	s6 =	simm.s32 $0x108;
	_ =	swait.ge @!p0 [sflag:s8], $0x0  }
0x24: {  	s3 =	sadd.s32 $0x88, s3;
	s6 =	simm.s32 @!p1 $0x1082;
	[sflag:s4] =	ssyncset.s32 $0xFFFFF086  }
0x25: {  	[simem:s6], [sflag:s4] =	dma.local [hbm:s3], $0xF7A  }
0x26: {  	[smem:$0x3F92] =	sst s1;
	(tag) =	ssettag s2;
	_ =	strace s9  }
0x27: {  	s1 =	sld [smem:$0x3FA2]  }
0x28: {  	s2 =	sld [smem:$0x3FA3]  }
0x29: {  	s4 =	sld [smem:$0x3FA5]  }
0x2a: {  	p0 =	seq.s32 s5, $0x0;
	s5 =	sld [smem:$0x3FA6]  }
0x2b: {  	s6 =	sld [smem:$0x3FA7]  }
0x2c: {  	s7 =	sld [smem:$0x3FA8]  }
0x2d: {  	s3 =	simm.s32 $0x108;
	s8 =	sld [smem:$0x3FA9]  }
0x2e: {  	s3 =	simm.s32 @!p0 $0x1082;
	s9 =	sld [smem:$0x3FAA]  }
0x2f: {  	lr =	sadd.s32 s0, s3;
	s0 =	sld [smem:$0x3FA1]  }
0x30: {  	s3 =	sld [smem:$0x3FA4]  }
0x31: {  	[smem:$0x3FAD] =	sst s10  }
0x32: {  	s10 =	sld [smem:$0x3FAB];
	_ =	sdelay $0x3  }
0x33: {  	p0 =	seq.s32 s10, $0x1;
	s10 =	sld [smem:$0x3FAD];
	_ =	sdelay $0x3  }
0x34: {  	[smem:$0x3FAD] =	sst s10  }
0x35: {  	s10 =	sld [smem:$0x3FAC];
	_ =	sdelay $0x3  }
0x36: {  	p1 =	seq.s32 s10, $0x1;
	s10 =	sld [smem:$0x3FAD];
	_ =	sdelay $0x3  }
0x37: {  	[smem:$0x3FAD] =	sst s10  }
0x38: {  	s10 =	sld [smem:$0x3FAE]  }
0x39: {  	_ = 	snop;
	(pc) =	sbr.ind lr, $3  }
0x3a: {  	_ = 	snop  }
0x3b: {  	_ = 	snop  }
0x3c: {  	p2 =	seq.s32 s10, $0x1;
	s10 =	sld [smem:$0x3FAD]  }
0x3d: {  	_ =	shalt  }
0x3e: {  	_ =	shalt  }
0x3f: {  	_ =	shalt  }
0x40: {  	_ =	shalt  }
0x41: {  	_ =	shalt  }
0x42: {  	_ =	shalt  }
0x43: {  	_ =	shalt  }
0x44: {  	_ =	shalt  }
0x45: {  	_ =	shalt  }
0x46: {  	_ =	shalt  }
0x47: {  	_ =	shalt  }
0x48: {  	_ =	shalt  }
0x49: {  	_ =	shalt  }
0x4a: {  	_ =	shalt  }
0x4b: {  	_ =	shalt  }
0x4c: {  	_ =	shalt  }
0x4d: {  	_ =	shalt  }
0x4e: {  	_ =	shalt  }
0x4f: {  	_ =	shalt  }
0x50: {  	_ =	shalt  }
0x51: {  	_ =	shalt  }
0x52: {  	_ =	shalt  }
0x53: {  	_ =	shalt  }
0x54: {  	_ =	shalt  }
0x55: {  	_ =	shalt  }
0x56: {  	_ =	shalt  }
0x57: {  	_ =	shalt  }
0x58: {  	_ =	shalt  }
0x59: {  	_ =	shalt  }
0x5a: {  	_ =	shalt  }
0x5b: {  	_ =	shalt  }
0x5c: {  	_ =	shalt  }
0x5d: {  	_ =	shalt  }
0x5e: {  	_ =	shalt  }
0x5f: {  	_ =	shalt  }
0x60: {  	_ =	shalt  }
0x61: {  	_ =	shalt  }
0x62: {  	_ =	shalt  }
0x63: {  	_ =	shalt  }
0x64: {  	_ =	shalt  }
0x65: {  	_ =	shalt  }
0x66: {  	_ =	shalt  }
0x67: {  	_ =	shalt  }
0x68: {  	_ =	shalt  }
0x69: {  	_ =	shalt  }
0x6a: {  	_ =	shalt  }
0x6b: {  	_ =	shalt  }
0x6c: {  	_ =	shalt  }
0x6d: {  	_ =	shalt  }
0x6e: {  	_ =	shalt  }
0x6f: {  	_ =	shalt  }
0x70: {  	_ =	shalt  }
0x71: {  	_ =	shalt  }
0x72: {  	_ =	shalt  }
0x73: {  	_ =	shalt  }
0x74: {  	_ =	shalt  }
0x75: {  	_ =	shalt  }
0x76: {  	_ =	shalt  }
0x77: {  	_ =	shalt  }
0x78: {  	_ =	shalt  }
0x79: {  	_ =	shalt  }
0x7a: {  	_ =	shalt  }
0x7b: {  	_ =	shalt  }
0x7c: {  	_ =	shalt  }
0x7d: {  	_ =	shalt  }
0x7e: {  	_ =	shalt  }
0x7f: {  	_ =	shalt  }
0x80: {  	_ =	shalt  }
0x81: {  	_ =	shalt  }
0x82: {  	_ =	shalt  }
0x83: {  	_ =	shalt  }
0x84: {  	_ =	shalt  }
0x85: {  	_ =	shalt  }
0x86: {  	_ =	shalt  }
0x87: {  	_ =	shalt  }
.Lfunc_end0:
.L_simem_size_0:
called_computation.2_lowered:
.L_overlay_start_0:
0x88: {  	s2 =	sld [smem:$0x3FD9]  }
0x89: {  	s3 =	sld [smem:$0x3FFE];
	_ =	sdelay $0x1  }
0x8a: {  	s1 =	srdreg.scid  }
0x8b: {  	s0 =	sand.u32 $0x1, s1  }
0x8c: {  	s17 =	sshll.u32 s0, $0xA;
	s2 =	sadd.s32 s3, s2  }
0x8d: {  	s2 =	sadd.s32 s2, s17  }
0x8e: {  	[smem:$0x3FB9] =	sst s2  }
0x8f: {  	_ = 	snop  }
0x90: {  	(tm) =	ssettm $0x1  }
0x91: {  	s18 =	sld [smem:$0x3FFB];
	_ =	sdelay $0x3  }
0x92: {  	_ =	strace s18  }
0x93: {  	s2 =	sld [smem:$0x3FFC];
	_ =	sdelay $0x3  }
0x94: {  	_ =	strace s2  }
0x95: {  	s2 =	sld [smem:$0x3FFD];
	_ =	sdelay $0x3  }
0x96: {  	_ =	strace s2  }
0x97: {  	_ =	strace $0x8FFFFFFF  }
0x98: {  	s19 =	sld [smem:$0x3FDB];
	_ =	sdelay $0x1  }
0x99: {  	s20 =	simm.s32 $_scs_section_size  }
0x9a: {  	s4 =	simm.s32 $_size__tile_overlayer_lowered;
	s5 =	simm.s32 $_tile_overlayer_lowered  }
0x9b: {  	s6 =	simm.s32 $0x1BFF;
	s21 =	sshll.u32 s5, $0x1;
	s3 =	sadd.s32 s20, s19  }
0x9c: {  	s22 =	simm.s32 $0x0;
	s4 =	sshll.u32 s4, $0x1;
	s5 =	sadd.s32 s21, s3  }
0x9d: {  	[timem:s22], [sflag:s6] =	dma.local [hbm:s5], s4  }
0x9e: {  	_ =	swait.ge [sflag:s6], s4  }
0x9f: {  	s4 =	ssub.s32 $0x0, s4;
	[sflag:s6] =	ssyncset.done $0x0  }
0xa0: {  	[sflag:s6] =	ssyncadd.s32 s4;
	_ =	sdelay $0x1  }
0xa1: {  	s23 =	simm.s32 $0x1B8B  }
0xa2: {  	_ =	swait.ge [sflag:s23], $0x1  }
0xa3: {  	[sflag:s23] =	ssyncset.done $0x0  }
0xa4: {  	[sflag:s23] =	ssyncadd.s32 $0xFFFFFFFF  }
0xa5: {  	s4 =	sld [smem:$0x0]  }
0xa6: {  	s5 =	sand.u32 $0xFFFFFFFE, s1  }
0xa7: {  	p0 =	sne.s32 s1, s5  }
0xa8: {  	s5 =	sshll.u32 @p0 s5, $0xE  }
0xa9: {  	s5 =	sadd.s32 @p0 $0x11B8D, s5;
	s6 =	sshll.u32 @p0 s4, $0x11  }
0xaa: {  	s5 =	sor.u32 @p0 s6, s5  }
0xab: {  	[sflag:s5] =	ssyncadd.remote.s32 @p0 $0x1;
	_ =	sdelay $0x1  }
0xac: {  	s5 =	simm.s32 @p0 $0x1B8D  }
0xad: {  	_ =	swait.eq @p0 [sflag:s5], $0x1  }
0xae: {  	[sflag:s5] =	ssyncadd.s32 @p0 $0xFFFFFFFF  }
0xaf: {  	s6 =	sshll.u32 @!p0 s1, $0xE  }
0xb0: {  	s6 =	sor.u32 @!p0 $0x4000, s6;
	s5 =	simm.s32 @!p0 $0x1B8D  }
0xb1: {  	s4 =	sshll.u32 @!p0 s4, $0x11;
	s6 =	sadd.s32 @!p0 $0x11B8D, s6;
	_ =	swait.eq @!p0 [sflag:s5], $0x1  }
0xb2: {  	s4 =	sor.u32 @!p0 s4, s6;
	[sflag:s5] =	ssyncadd.s32 @!p0 $0xFFFFFFFF  }
0xb3: {  	s25 =	simm.s32 $0x1B8E;
	s24 =	sld [smem:$0x3FFE];
	[sflag:s4] =	ssyncadd.remote.s32 @!p0 $0x1  }
0xb4: {  	s26 =	simm.s32 $execute0_lowered;
	[smem:$0x3FD2] =	sst s25  }
0xb5: {  	s5 =	sshll.u32 s26, $0x1;
	_ =	strace $0x8000004F;
	[dreg:$0x1] =	wrdreg $0xFFFFFFFF  }
0xb6: {  	s28 =	simm.s32 $_size_execute0_lowered;
	s3 =	sadd.s32 s3, s5;
	[dreg:$0x0] =	wrdreg $0x0  }
0xb7: {  	s5 =	sshll.u32 s28, $0x1;
	[dreg:$0x2] =	wrdreg s3  }
0xb8: {  	[dreg:$0x3] =	wrdreg s5  }
0xb9: {  	[dreg:$0x4] =	wrdreg $0xC0  }
0xba: {  	_ =	task [dreg:s22], $0x5FFFF  }
0xbb: {  	[dreg:$0x1] =	wrdreg $0xFFFFFFFF  }
0xbc: {  	[dreg:$0x0] =	wrdreg $0x60  }
0xbd: {  	[dreg:$0x2] =	wrdreg s24  }
0xbe: {  	[dreg:$0x3] =	wrdreg $0x34000  }
0xbf: {  	[dreg:$0x4] =	wrdreg $0x82200  }
0xc0: {  	[dreg:$0x5] =	wrdreg $0x9  }
0xc1: {  	_ =	task.clear_ibuf [dreg:s22], $0x6FFFF;
	_ =	strace $0x9000004F  }
0xc2: {  	s29 =	simm.s32 $0x9;
	_ =	strace $0x80000051  }
0xc3: {  	_ =	swait.ge [sflag:s29], $0x1  }
0xc4: {  	[sflag:s29] =	ssyncadd.s32 $0xFFFFFFFF  }
0xc5: {  	_ =	strace $0x90000051  }
0xc6: {  	_ =	sfence  }
0xc7: {  	s30 =	sld [smem:$0x0];
	_ =	sdelay $0x2  }
0xc8: {  	s31 =	sshll.u32 s1, $0xD;
	s1 =	sshrl.u32 s1, $0x2  }
0xc9: {  	s4 =	sand.u32 $0x4000, s31;
	s1 =	sadd.s32 s1, s30  }
0xca: {  	s0 =	sor.u32 s4, s0;
	s1 =	sshll.u32 s1, $0x11  }
0xcb: {  	s0 =	sor.u32 s1, s0  }
0xcc: {  	s0 =	sadd.s32 $0x8F2B, s0  }
0xcd: {  	[sflag:s0] =	ssyncadd.remote.s32 $0x1  }
0xce: {  	_ =	sfence.sel $0xFFFF  }
0xcf: {  	[dreg:$0x0] =	wrdreg $0xFFFFFFFF;
	(pc) =	sbr.abs _section_cstart, $3  }
0xd0: {  	[dreg:$0x1] =	wrdreg $0xFFFFFFFF  }
0xd1: {  	_ =	task.clear_ibuf [dreg:s22], $0x2FFFF;
	_ =	strace $0x9FFFFFFF  }
0xd2: {  	(tm) =	ssettm $0x7FFFFFFF  }
0xd3: {  	_ =	shalt  }
tec
execute0_lowered:
.L_overlay_start_1:
0x0: {  	(tag) =	ssettag $0x1  }
0x1: {  	s7 =	rddreg [dreg:$0x0]  }
0x2: {  	s1 =	rddreg [dreg:$0x1]  }
0x3: {  	s0 =	stileid.u32;
	s2 =	srdreg.scid  }
0x4: {  	s3 =	rddreg [dreg:$0x2];
	s4 =	simm.s32 $0x0;
	s20 =	simm.s32 $0x80  }
0x5: {  	s21 =	simm.s32 $0x1400;
	s22 =	simm.s32 $0x10;
	s5 =	smul.u32 $0x28000, s0  }
0x6: {  	s23 =	simm.s32 $0x4;
	s24 =	simm.s32 $0x0;
	s9 =	smul.u32 $0x4E20, s0  }
0x7: {  	s10 =	sand.u32 $0x1, s2;
	s2 =	rddreg [dreg:$0x3];
	s8 =	smul.u32 $0x13880, s0  }
0x8: {  	[smem:$0x7FF] =	sst s4;
	s28 =	sshll.u32 s0, $0x1;
	s19 =	smul.u32 $0x2800, s0  }
0x9: {  	s29 =	sshll.u32 s0, $0x6;
	s6 =	smul.u32 $0x138800, s10;
	_ =	strace $0x80000050  }
0xa: {  	s12 =	ssub.s32 $0x2, s10;
	s15 =	sor.u32 s10, s28;
	s17 =	smul.u32 $0x14000, s10  }
0xb: {  	s30 =	smul.u32 $0x1400, s10;
	s13 =	sadd.s32 s5, s7;
	s11 =	sshrl.u32 s9, $0x3  }
0xc: {  	s5 =	sadd.s32 $0x6400, s7;
	s26 =	sshrl.u32 s12, $0x1;
	s16 =	sadd.s32 s9, s1  }
0xd: {  	s18 =	sadd.s32 s9, s3;
	p0 =	seq.s32 s15, $0x1F;
	s9 =	simm.s32 $0xA  }
0xe: {  	s11 =	sadd.s32 s11, s7;
	s8 =	sadd.s32 s8, s6;
	s6 =	sadd.s32 $0x539800, s7  }
0xf: {  	s12 =	ssub.s32 s12, s26;
	s9 =	simm.s32 @!p0 $0x14;
	s13 =	sadd.s32 s17, s13  }
0x10: {  	s31 =	sadd.s32 s30, s19;
	s15 =	sshrl.u32 s16, $0x3;
	s16 =	simm.s32 $0x1  }
0x11: {  	s17 =	sshrl.u32 s18, $0x3;
	s18 =	simm.s32 $0x2400;
	s8 =	sshrl.u32 s8, $0x3  }
0x12: {  	s19 =	simm.s32 $0x20;
	s13 =	sadd.s32 $0x37400, s13;
	s14 =	sadd.s32 s8, s7  }
0x13: {  	s12 =	smax.u32 s12, $0x1;
	s7 =	sadd.s32 $0x539A00, s11;
	s10 =	sadd.s32 $0x591A00, s14  }
0x14: {  	s8 =	sor.u32 $0x1C01, s29;
	s11 =	sadd.s32 $0x591A04, s14;
	s14 =	sadd.s32 $0x27100, s31  }
.LBB2_1:
0x15: {  	[spmem:s15], [sflag:s8] =	dma.local [hbm:s7], $0x9C4  }
0x16: {  	_ =	swait.ge [sflag:s16], $0x9C4  }
0x17: {  	[sflag:s16] =	ssyncset.done $0x0  }
0x18: {  	[sflag:s16] =	ssyncadd.s32 $0xFFFFF63C  }
0x19: {  	[spmem:s17], [sflag:s8] =	dma.local [hbm:s7], $0x9C4  }
0x1a: {  	_ =	swait.ge [sflag:s16], $0x9C4  }
0x1b: {  	[sflag:s16] =	ssyncset.done $0x0  }
0x1c: {  	p1 =	sne.s32 s9, $0x1;
	[sflag:s16] =	ssyncadd.s32 $0xFFFFF63C  }
0x1d: {  	[tilespmem:s18], [sflag:$0x1] =	stream.linear.gather [hbm4b:s6+s4], $0x1000, $0x38;
	[tilespmem:$0xD040] =	vst v63  }
.Ltmp0:
0x1e: {  	_ =	swait.ge [sflag:s16], $0x1000;
	(pc) =	sbr.rel @!p1 .LBB2_2-.Ltmp0, $4  }
0x1f: {  	[sflag:s16] =	ssyncset.done $0x0  }
0x20: {  	[sflag:s16] =	ssyncadd.s32 $0xFFFFF000  }
0x21: {  	[bflag:$0x0] =	sbarrier.arrive $0xFFFF  }
0x22: {  	s25 =	sadd.s32 $0xFFFFFFFF, s9;
	s30 =	sshrl.u32 s14, $0x3;
	p0 =	por $0x0, $0x0  }
0x23: {  	s26 =	sadd.s32 s5, s30  }
0x24: {  	[tilespmem:s4], [sflag:$0x1] =	stream.linear.gather [hbm4b:s26+s4], $0x80, $0x38;
	[tilespmem:$0xD040] =	vst v63  }
0x25: {  	_ =	swait.ge [sflag:s16], $0x80  }
0x26: {  	[sflag:s16] =	ssyncset.done $0x0  }
0x27: {  	[sflag:s16] =	ssyncadd.s32 $0xFFFFFF80  }
0x28: {  	[tilespmem:s21], [sflag:$0x1] =	stream.strided.gather [hbm4b:s13+s19], $0x1000, s20, s19, $0x38;
	[tilespmem:$0xD040] =	vst v63  }
0x29: {  	_ =	swait.ge [sflag:s16], $0x1000  }
0x2a: {  	[sflag:s16] =	ssyncset.done $0x0  }
0x2b: {  	[sflag:s16] =	ssyncadd.s32 $0xFFFFF000  }
0x2c: {  	[spmem:s1] =	stream.indirect.scatter.add.f32 [tilespmem:s21], [sflag:$0x1], $0x20, s4, s20, $0xb8;
	[tilespmem:$0xD040] =	vst v63  }
0x2d: {  	p1 =	sne.s32 s25, $0x1;
	_ =	swait.ge [sflag:s16], $0x1000  }
.Ltmp1:
0x2e: {  	[sflag:s16] =	ssyncset.done $0x0;
	(pc) =	sbr.rel @!p1 .LBB2_4-.Ltmp1, $4  }
0x2f: {  	s28 =	sadd.s32 $0x80, s14;
	s29 =	sadd.s32 $0xFFFFFFFF, s25;
	[sflag:s16] =	ssyncadd.s32 $0xFFFFF000  }
0x30: {  	[spmem:s3] =	stream.indirect.scatter.add.f32 [tilespmem:s18], [sflag:$0x1], $0x20, s4, s20, $0xb8;
	[tilespmem:$0xD040] =	vst v63  }
0x31: {  	s25 =	simm.s32 $0x80;
	p0 =	por $0x1, $0x1;
	_ =	swait.ge [sflag:s16], $0x1000  }
0x32: {  	s30 =	sshrl.u32 s28, $0x3;
	s26 =	smov.u32 s13;
	[sflag:s16] =	ssyncset.done $0x0  }
.LBB2_5:
0x33: {  	s30 =	sadd.s32 s5, s30;
	[sflag:s16] =	ssyncadd.s32 $0xFFFFF000;
	s26 =	sadd.s32 $0x800, s26  }
0x34: {  	[tilespmem:s25], [sflag:$0x1] =	stream.linear.gather [hbm4b:s30+s4], $0x80, $0x38;
	[tilespmem:$0xD040] =	vst v63  }
0x35: {  	p1 =	sne.s32 s29, $0x1;
	s29 =	sadd.s32 $0xFFFFFFFF, s29;
	_ =	swait.ge [sflag:s16], $0x80  }
0x36: {  	[sflag:s16] =	ssyncset.done $0x0  }
0x37: {  	[sflag:s16] =	ssyncadd.s32 $0xFFFFFF80  }
0x38: {  	[tilespmem:s21], [sflag:$0x1] =	stream.strided.gather [hbm4b:s26+s19], $0x1000, s20, s19, $0x38;
	[tilespmem:$0xD040] =	vst v63  }
0x39: {  	_ =	swait.ge [sflag:s16], $0x1000  }
0x3a: {  	[sflag:s16] =	ssyncset.done $0x0  }
0x3b: {  	[sflag:s16] =	ssyncadd.s32 $0xFFFFF000  }
0x3c: {  	[spmem:s1] =	stream.indirect.scatter.add.f32 [tilespmem:s21], [sflag:$0x1], $0x20, s25, s20, $0xb8;
	[tilespmem:$0xD040] =	vst v63  }
0x3d: {  	_ =	swait.ge [sflag:s16], $0x1000  }
.Ltmp2:
0x3e: {  	[sflag:s16] =	ssyncset.done $0x0;
	(pc) =	sbr.rel @p1 .LBB2_5-.Ltmp2, $4  }
0x3f: {  	[sflag:s16] =	ssyncadd.s32 $0xFFFFF000  }
0x40: {  	[spmem:s3] =	stream.indirect.scatter.add.f32 [tilespmem:s18], [sflag:$0x1], $0x20, s25, s20, $0xb8;
	[tilespmem:$0xD040] =	vst v63  }
0x41: {  	s28 =	sadd.s32 $0x80, s28;
	_ =	swait.ge [sflag:s16], $0x1000  }
0x42: {  	s30 =	sshrl.u32 s28, $0x3;
	s25 =	sadd.s32 $0x80, s25;
	[sflag:s16] =	ssyncset.done $0x0  }
.LBB2_6:
0x43: {  	s28 =	sadd.s32 s5, s30;
	[sflag:s16] =	ssyncadd.s32 @p0 $0xFFFFF000  }
0x44: {  	[tilespmem:s25], [sflag:$0x1] =	stream.linear.gather [hbm4b:s28+s4], $0x80, $0x38;
	[tilespmem:$0xD040] =	vst v63  }
0x45: {  	_ =	swait.ge [sflag:s16], $0x80  }
0x46: {  	s26 =	sadd.s32 @p0 $0x800, s26;
	s28 =	smov.u32 s13;
	[sflag:s16] =	ssyncset.done $0x0  }
0x47: {  	s28 =	smov.u32 @p0 s26;
	[sflag:s16] =	ssyncadd.s32 $0xFFFFFF80  }
0x48: {  	[tilespmem:s21], [sflag:$0x1] =	stream.strided.gather [hbm4b:s28+s19], $0x1000, s20, s19, $0x38;
	[tilespmem:$0xD040] =	vst v63  }
0x49: {  	_ =	swait.ge [sflag:s16], $0x1000  }
0x4a: {  	[sflag:s16] =	ssyncset.done $0x0  }
0x4b: {  	[sflag:s16] =	ssyncadd.s32 $0xFFFFF000  }
0x4c: {  	[spmem:s1] =	stream.indirect.scatter.add.f32 [tilespmem:s21], [sflag:$0x1], $0x20, s25, s20, $0xb8;
	[tilespmem:$0xD040] =	vst v63  }
0x4d: {  	_ =	swait.ge [sflag:s16], $0x1000  }
0x4e: {  	[sflag:s16] =	ssyncset.done $0x0  }
0x4f: {  	[sflag:s16] =	ssyncadd.s32 $0xFFFFF000  }
0x50: {  	[spmem:s3] =	stream.indirect.scatter.add.f32 [tilespmem:s18], [sflag:$0x1], $0x20, s25, s20, $0xb8;
	[tilespmem:$0xD040] =	vst v63  }
0x51: {  	_ =	swait.ge [sflag:s16], $0x1000  }
0x52: {  	[sflag:s16] =	ssyncset.done $0x0  }
0x53: {  	[sflag:s16] =	ssyncadd.s32 $0xFFFFF000  }
0x54: {  	[bflag:$0x0] =	sbarrier.arrive $0xFFFF  }
0x55: {  	[hbm:s10@s22], [sflag:s8] =	dma.strided [spmem:s15@s23], $0x9C4, s16, $0x4   }
0x56: {  	_ =	swait.ge [sflag:s16], $0x9C4  }
0x57: {  	s24 =	sadd.s32 $0x1, s24;
	[sflag:s16] =	ssyncset.done $0x0  }
0x58: {  	p0 =	sne.s32 s24, s12;
	[sflag:s16] =	ssyncadd.s32 $0xFFFFF63C  }
0x59: {  	[hbm:s11@s22], [sflag:s8] =	dma.strided [spmem:s17@s23], $0x9C4, s16, $0x4   }
.Ltmp3:
0x5a: {  	_ = 	snop;
	(pc) =	sbr.rel @p0 .LBB2_1-.Ltmp3, $4  }
.Ltmp4:
0x5b: {  	_ = 	snop;
	(pc) =	sbr.rel @!p0 .LBB2_7-.Ltmp4, $4  }
0x5c: {  	_ =	swait.ge [sflag:s16], $0x9C4  }
0x5d: {  	[sflag:s16] =	ssyncset.done $0x0  }
0x5e: {  	[sflag:s16] =	ssyncadd.s32 $0xFFFFF63C  }
0x5f: {  	_ = 	snop  }
.LBB2_2:
.Ltmp5:
0x60: {  	(pc) =	sbr.rel .LBB2_6-.Ltmp5, $2  }
0x61: {  	_ =	sdelay $0x2  }
0x62: {  	s26 =	smov.u32 s13;
	s25 =	simm.s32 $0x0  }
.LBB2_4:
.Ltmp6:
0x63: {  	(pc) =	sbr.rel .LBB2_6-.Ltmp6, $2  }
0x64: {  	_ =	sdelay $0x2  }
0x65: {  	s26 =	smov.u32 s13  }
.LBB2_7:
0x66: {  	_ =	sfence.sel $0x180000  }
0x67: {  	[bflag:$0x0] =	sbarrier.arrive $0xFFFF  }
0x68: {  	p0 =	sne.s32 s0, $0x0;
	_ =	strace $0x90000050  }
0x69: {  	s0 =	sadd.s32 @!p0 $0x100000, s2;
	[bflag:$0x2] =	sbarrier.arrive $0xFFFF  }
0x6a: {  	[sflag:s0] =	ssyncadd.tile.s32 @!p0 $0x1;
	_ =	shalt  }
.Lfunc_end2:
_tile_overlayer_lowered:
.L_overlay_start_2:
0x6b: {  	(tag) =	ssettag $0x2  }
0x6c: {  	s0 =	rddreg [dreg:$0x0];
	s2 =	stileid.u32  }
0x6d: {  	s1 =	rddreg [dreg:$0x1];
	p0 =	sne.s32 s2, $0x0  }
0x6e: {  	s3 =	rddreg [dreg:$0x2];
	[bflag:$0x3] =	sbarrier.arrive $0xFFFF;
	s2 =	simm.s32 @!p0 $0x1C01  }
0x6f: {  	[timem:s3], [sflag:s2] =	dma.local @!p0 [hbm:s0], s1  }
0x70: {  	s0 =	simm.s32 @!p0 $0x1  }
0x71: {  	_ =	swait.ge @!p0 [sflag:s0], s1  }
0x72: {  	s1 =	ssub.s32 @!p0 $0x0, s1;
	[sflag:s0] =	ssyncset.done @!p0 $0x0  }
0x73: {  	[sflag:s0] =	ssyncadd.s32 @!p0 s1  }
0x74: {  	[bflag:$0x3] =	sbarrier.arrive $0xFFFF  }
0x75: {  	_ =	shalt  }

// kernel: kernel.27.cloned.1.call-start
scs
__scs_entry_jumppad:
0x0: {  	(pc) =	sbr.rel $0x88, $3  }
0x1: {  	(tag) =	ssettag $0x0;
	lr =	simm.s32 $0x1  }
0x2: {  	[smem:$0x3F92] =	sst lr;
	_ =	strace $0xD0000000  }
0x3: {  	_ = 	snop  }
0x4: {  	_ = 	snop  }
0x5: {  	_ = 	snop  }
0x6: {  	_ = 	snop  }
0x7: {  	_ = 	snop  }
__scs_overlays_trampoline_lowered:
0x8: {  	[smem:$0x3FA1] =	sst s0  }
0x9: {  	[smem:$0x3FA2] =	sst s1  }
0xa: {  	[smem:$0x3FA3] =	sst s2  }
0xb: {  	[smem:$0x3FA4] =	sst s3  }
0xc: {  	[smem:$0x3FA5] =	sst s4  }
0xd: {  	[smem:$0x3FA6] =	sst s5  }
0xe: {  	[smem:$0x3FA7] =	sst s6  }
0xf: {  	[smem:$0x3FA8] =	sst s7  }
0x10: {  	[smem:$0x3FA9] =	sst s8  }
0x11: {  	[smem:$0x3FAA] =	sst s9;
	s0 =	simm.s32 @!p0 $0x0  }
0x12: {  	s1 =	sld [smem:$0x3F90];
	s0 =	simm.s32 @p0 $0x1  }
0x13: {  	[smem:$0x3FAB] =	sst s0;
	s0 =	simm.s32 @!p1 $0x0  }
0x14: {  	s2 =	sld [smem:$0x3F8F];
	s0 =	simm.s32 @p1 $0x1  }
0x15: {  	[smem:$0x3FAC] =	sst s0;
	s0 =	simm.s32 @!p2 $0x0  }
0x16: {  	s3 =	sld [smem:$0x3FDB];
	s0 =	simm.s32 @p2 $0x1  }
0x17: {  	s4 =	simm.s32 $0x1BF5;
	[smem:$0x3FAE] =	sst s0  }
0x18: {  	s0 =	sld [smem:$0x3F91];
	_ =	swait.ge [sflag:s4], $0x0  }
0x19: {  	s7 =	sld [smem:$0x3F92]  }
0x1a: {  	s8 =	sadd.s32 $0xFFFFE003, lr  }
0x1b: {  	s9 =	sadd.s32 $0xFFFFFEF7, lr;
	s5 =	simm.s32 $0xFFFFFFFF;
	p2 =	slt.u32 s8, $0xFFFFF086  }
0x1c: {  	p1 =	slt.u32 s9, $0xF7A;
	s5 =	simm.s32 @!p2 $0x0  }
0x1d: {  	s5 =	simm.s32 @p1 $0x1;
	p0 =	seq.s32 s7, s2  }
0x1e: {  	s7 =	smul.u32 @!p0 $0xF7A, s2;
	p2 =	seq.s32 @!p0 s5, $0x0  }
0x1f: {  	s9 =	smul.u32 $0xF7A, s1;
	s8 =	simm.s32 @!p0 $0x1BF5;
	p2 =	por !p2, p0  }
0x20: {  	[sflag:s8] =	ssyncset.s32 @!p0 $0xFFFFF086;
	s6 =	sadd.s32 @!p0 s3, s7;
	s7 =	simm.s32 @!p0 $0x108  }
0x21: {  	s3 =	sadd.s32 s3, s9;
	s6 =	sadd.s32 @!p0 $0x88, s6;
	s7 =	simm.s32 @p2 $0x1082  }
0x22: {  	[simem:s7], [sflag:s8] =	dma.local @!p0 [hbm:s6], $0xF7A  }
0x23: {  	s9 =	sor.u32 $0xD0000000, s2;
	s6 =	simm.s32 $0x108;
	_ =	swait.ge @!p0 [sflag:s8], $0x0  }
0x24: {  	s3 =	sadd.s32 $0x88, s3;
	s6 =	simm.s32 @!p1 $0x1082;
	[sflag:s4] =	ssyncset.s32 $0xFFFFF086  }
0x25: {  	[simem:s6], [sflag:s4] =	dma.local [hbm:s3], $0xF7A  }
0x26: {  	[smem:$0x3F92] =	sst s1;
	(tag) =	ssettag s2;
	_ =	strace s9  }
0x27: {  	s1 =	sld [smem:$0x3FA2]  }
0x28: {  	s2 =	sld [smem:$0x3FA3]  }
0x29: {  	s4 =	sld [smem:$0x3FA5]  }
0x2a: {  	p0 =	seq.s32 s5, $0x0;
	s5 =	sld [smem:$0x3FA6]  }
0x2b: {  	s6 =	sld [smem:$0x3FA7]  }
0x2c: {  	s7 =	sld [smem:$0x3FA8]  }
0x2d: {  	s3 =	simm.s32 $0x108;
	s8 =	sld [smem:$0x3FA9]  }
0x2e: {  	s3 =	simm.s32 @!p0 $0x1082;
	s9 =	sld [smem:$0x3FAA]  }
0x2f: {  	lr =	sadd.s32 s0, s3;
	s0 =	sld [smem:$0x3FA1]  }
0x30: {  	s3 =	sld [smem:$0x3FA4]  }
0x31: {  	[smem:$0x3FAD] =	sst s10  }
0x32: {  	s10 =	sld [smem:$0x3FAB];
	_ =	sdelay $0x3  }
0x33: {  	p0 =	seq.s32 s10, $0x1;
	s10 =	sld [smem:$0x3FAD];
	_ =	sdelay $0x3  }
0x34: {  	[smem:$0x3FAD] =	sst s10  }
0x35: {  	s10 =	sld [smem:$0x3FAC];
	_ =	sdelay $0x3  }
0x36: {  	p1 =	seq.s32 s10, $0x1;
	s10 =	sld [smem:$0x3FAD];
	_ =	sdelay $0x3  }
0x37: {  	[smem:$0x3FAD] =	sst s10  }
0x38: {  	s10 =	sld [smem:$0x3FAE]  }
0x39: {  	_ = 	snop;
	(pc) =	sbr.ind lr, $3  }
0x3a: {  	_ = 	snop  }
0x3b: {  	_ = 	snop  }
0x3c: {  	p2 =	seq.s32 s10, $0x1;
	s10 =	sld [smem:$0x3FAD]  }
0x3d: {  	_ =	shalt  }
0x3e: {  	_ =	shalt  }
0x3f: {  	_ =	shalt  }
0x40: {  	_ =	shalt  }
0x41: {  	_ =	shalt  }
0x42: {  	_ =	shalt  }
0x43: {  	_ =	shalt  }
0x44: {  	_ =	shalt  }
0x45: {  	_ =	shalt  }
0x46: {  	_ =	shalt  }
0x47: {  	_ =	shalt  }
0x48: {  	_ =	shalt  }
0x49: {  	_ =	shalt  }
0x4a: {  	_ =	shalt  }
0x4b: {  	_ =	shalt  }
0x4c: {  	_ =	shalt  }
0x4d: {  	_ =	shalt  }
0x4e: {  	_ =	shalt  }
0x4f: {  	_ =	shalt  }
0x50: {  	_ =	shalt  }
0x51: {  	_ =	shalt  }
0x52: {  	_ =	shalt  }
0x53: {  	_ =	shalt  }
0x54: {  	_ =	shalt  }
0x55: {  	_ =	shalt  }
0x56: {  	_ =	shalt  }
0x57: {  	_ =	shalt  }
0x58: {  	_ =	shalt  }
0x59: {  	_ =	shalt  }
0x5a: {  	_ =	shalt  }
0x5b: {  	_ =	shalt  }
0x5c: {  	_ =	shalt  }
0x5d: {  	_ =	shalt  }
0x5e: {  	_ =	shalt  }
0x5f: {  	_ =	shalt  }
0x60: {  	_ =	shalt  }
0x61: {  	_ =	shalt  }
0x62: {  	_ =	shalt  }
0x63: {  	_ =	shalt  }
0x64: {  	_ =	shalt  }
0x65: {  	_ =	shalt  }
0x66: {  	_ =	shalt  }
0x67: {  	_ =	shalt  }
0x68: {  	_ =	shalt  }
0x69: {  	_ =	shalt  }
0x6a: {  	_ =	shalt  }
0x6b: {  	_ =	shalt  }
0x6c: {  	_ =	shalt  }
0x6d: {  	_ =	shalt  }
0x6e: {  	_ =	shalt  }
0x6f: {  	_ =	shalt  }
0x70: {  	_ =	shalt  }
0x71: {  	_ =	shalt  }
0x72: {  	_ =	shalt  }
0x73: {  	_ =	shalt  }
0x74: {  	_ =	shalt  }
0x75: {  	_ =	shalt  }
0x76: {  	_ =	shalt  }
0x77: {  	_ =	shalt  }
0x78: {  	_ =	shalt  }
0x79: {  	_ =	shalt  }
0x7a: {  	_ =	shalt  }
0x7b: {  	_ =	shalt  }
0x7c: {  	_ =	shalt  }
0x7d: {  	_ =	shalt  }
0x7e: {  	_ =	shalt  }
0x7f: {  	_ =	shalt  }
0x80: {  	_ =	shalt  }
0x81: {  	_ =	shalt  }
0x82: {  	_ =	shalt  }
0x83: {  	_ =	shalt  }
0x84: {  	_ =	shalt  }
0x85: {  	_ =	shalt  }
0x86: {  	_ =	shalt  }
0x87: {  	_ =	shalt  }
.Lfunc_end0:
.L_simem_size_0:
called_computation.3_lowered:
.L_overlay_start_0:
0x88: {  	s2 =	sld [smem:$0x3FD9]  }
0x89: {  	s3 =	sld [smem:$0x3FFE];
	_ =	sdelay $0x1  }
0x8a: {  	s1 =	srdreg.scid  }
0x8b: {  	s0 =	sand.u32 $0x1, s1  }
0x8c: {  	s17 =	sshll.u32 s0, $0xA;
	s2 =	sadd.s32 s3, s2  }
0x8d: {  	s2 =	sadd.s32 s2, s17  }
0x8e: {  	[smem:$0x3FB9] =	sst s2  }
0x8f: {  	_ = 	snop  }
0x90: {  	(tm) =	ssettm $0x1  }
0x91: {  	s18 =	sld [smem:$0x3FFB];
	_ =	sdelay $0x3  }
0x92: {  	_ =	strace s18  }
0x93: {  	s2 =	sld [smem:$0x3FFC];
	_ =	sdelay $0x3  }
0x94: {  	_ =	strace s2  }
0x95: {  	s2 =	sld [smem:$0x3FFD];
	_ =	sdelay $0x3  }
0x96: {  	_ =	strace s2  }
0x97: {  	_ =	strace $0x8FFFFFFF  }
0x98: {  	s19 =	sld [smem:$0x3FDB];
	_ =	sdelay $0x1  }
0x99: {  	s20 =	simm.s32 $_scs_section_size  }
0x9a: {  	s4 =	simm.s32 $_size__tile_overlayer_lowered;
	s5 =	simm.s32 $_tile_overlayer_lowered  }
0x9b: {  	s6 =	simm.s32 $0x1BFF;
	s21 =	sshll.u32 s5, $0x1;
	s3 =	sadd.s32 s20, s19  }
0x9c: {  	s22 =	simm.s32 $0x0;
	s4 =	sshll.u32 s4, $0x1;
	s5 =	sadd.s32 s21, s3  }
0x9d: {  	[timem:s22], [sflag:s6] =	dma.local [hbm:s5], s4  }
0x9e: {  	_ =	swait.ge [sflag:s6], s4  }
0x9f: {  	s4 =	ssub.s32 $0x0, s4;
	[sflag:s6] =	ssyncset.done $0x0  }
0xa0: {  	[sflag:s6] =	ssyncadd.s32 s4;
	_ =	sdelay $0x1  }
0xa1: {  	s23 =	simm.s32 $0x1B8B  }
0xa2: {  	_ =	swait.ge [sflag:s23], $0x1  }
0xa3: {  	[sflag:s23] =	ssyncset.done $0x0  }
0xa4: {  	[sflag:s23] =	ssyncadd.s32 $0xFFFFFFFF  }
0xa5: {  	s4 =	sld [smem:$0x0]  }
0xa6: {  	s5 =	sand.u32 $0xFFFFFFFE, s1  }
0xa7: {  	p0 =	sne.s32 s1, s5  }
0xa8: {  	s5 =	sshll.u32 @p0 s5, $0xE  }
0xa9: {  	s5 =	sadd.s32 @p0 $0x11B8D, s5;
	s6 =	sshll.u32 @p0 s4, $0x11  }
0xaa: {  	s5 =	sor.u32 @p0 s6, s5  }
0xab: {  	[sflag:s5] =	ssyncadd.remote.s32 @p0 $0x1;
	_ =	sdelay $0x1  }
0xac: {  	s5 =	simm.s32 @p0 $0x1B8D  }
0xad: {  	_ =	swait.eq @p0 [sflag:s5], $0x1  }
0xae: {  	[sflag:s5] =	ssyncadd.s32 @p0 $0xFFFFFFFF  }
0xaf: {  	s6 =	sshll.u32 @!p0 s1, $0xE  }
0xb0: {  	s6 =	sor.u32 @!p0 $0x4000, s6;
	s5 =	simm.s32 @!p0 $0x1B8D  }
0xb1: {  	s4 =	sshll.u32 @!p0 s4, $0x11;
	s6 =	sadd.s32 @!p0 $0x11B8D, s6;
	_ =	swait.eq @!p0 [sflag:s5], $0x1  }
0xb2: {  	s4 =	sor.u32 @!p0 s4, s6;
	[sflag:s5] =	ssyncadd.s32 @!p0 $0xFFFFFFFF  }
0xb3: {  	s25 =	simm.s32 $0x1B8E;
	s24 =	sld [smem:$0x3FFE];
	[sflag:s4] =	ssyncadd.remote.s32 @!p0 $0x1  }
0xb4: {  	s26 =	simm.s32 $execute0_lowered;
	[smem:$0x3FD2] =	sst s25  }
0xb5: {  	s5 =	sshll.u32 s26, $0x1;
	_ =	strace $0x8000004C;
	[dreg:$0x1] =	wrdreg $0xFFFFFFFF  }
0xb6: {  	s28 =	simm.s32 $_size_execute0_lowered;
	s3 =	sadd.s32 s3, s5;
	[dreg:$0x0] =	wrdreg $0x0  }
0xb7: {  	s5 =	sshll.u32 s28, $0x1;
	[dreg:$0x2] =	wrdreg s3  }
0xb8: {  	[dreg:$0x3] =	wrdreg s5  }
0xb9: {  	[dreg:$0x4] =	wrdreg $0xC0  }
0xba: {  	_ =	task [dreg:s22], $0x5FFFF  }
0xbb: {  	[dreg:$0x1] =	wrdreg $0xFFFFFFFF  }
0xbc: {  	[dreg:$0x0] =	wrdreg $0x60  }
0xbd: {  	[dreg:$0x2] =	wrdreg s24  }
0xbe: {  	[dreg:$0x3] =	wrdreg $0x34000  }
0xbf: {  	[dreg:$0x4] =	wrdreg $0x82200  }
0xc0: {  	[dreg:$0x5] =	wrdreg $0xA  }
0xc1: {  	_ =	task.clear_ibuf [dreg:s22], $0x6FFFF;
	_ =	strace $0x9000004C  }
0xc2: {  	s29 =	simm.s32 $0xA;
	_ =	strace $0x8000004E  }
0xc3: {  	_ =	swait.ge [sflag:s29], $0x1  }
0xc4: {  	[sflag:s29] =	ssyncadd.s32 $0xFFFFFFFF  }
0xc5: {  	_ =	strace $0x9000004E  }
0xc6: {  	_ =	sfence  }
0xc7: {  	s30 =	sld [smem:$0x0];
	_ =	sdelay $0x2  }
0xc8: {  	s31 =	sshll.u32 s1, $0xD;
	s1 =	sshrl.u32 s1, $0x2  }
0xc9: {  	s4 =	sand.u32 $0x4000, s31;
	s1 =	sadd.s32 s1, s30  }
0xca: {  	s0 =	sor.u32 s4, s0;
	s1 =	sshll.u32 s1, $0x11  }
0xcb: {  	s0 =	sor.u32 s1, s0  }
0xcc: {  	s0 =	sadd.s32 $0x8F2B, s0  }
0xcd: {  	[sflag:s0] =	ssyncadd.remote.s32 $0x1  }
0xce: {  	_ =	sfence.sel $0xFFFF  }
0xcf: {  	[dreg:$0x0] =	wrdreg $0xFFFFFFFF;
	(pc) =	sbr.abs _section_cstart, $3  }
0xd0: {  	[dreg:$0x1] =	wrdreg $0xFFFFFFFF  }
0xd1: {  	_ =	task.clear_ibuf [dreg:s22], $0x2FFFF;
	_ =	strace $0x9FFFFFFF  }
0xd2: {  	(tm) =	ssettm $0x7FFFFFFF  }
0xd3: {  	_ =	shalt  }
tec
execute0_lowered:
.L_overlay_start_1:
0x0: {  	(tag) =	ssettag $0x1  }
0x1: {  	s9 =	rddreg [dreg:$0x0]  }
0x2: {  	s1 =	srdreg.scid;
	s2 =	rddreg [dreg:$0x1]  }
0x3: {  	s0 =	stileid.u32;
	s3 =	rddreg [dreg:$0x2];
	s18 =	simm.s32 $0x4  }
0x4: {  	s19 =	simm.s32 $0x20;
	s20 =	simm.s32 $0x80;
	s4 =	smul.u32 $0x2800, s0  }
0x5: {  	s21 =	simm.s32 $0x1400;
	s22 =	simm.s32 $0x0;
	s10 =	smul.u32 $0x4E20, s0  }
0x6: {  	s6 =	sand.u32 $0x1, s1;
	s1 =	rddreg [dreg:$0x3];
	s11 =	smul.u32 $0x13880, s0  }
0x7: {  	s28 =	sshll.u32 s0, $0x1;
	s30 =	sshll.u32 s0, $0x6;
	s5 =	smul.u32 $0x1400, s6  }
0x8: {  	s7 =	smul.u32 $0x138800, s6;
	s26 =	ssub.s32 $0x2, s6;
	s29 =	sor.u32 s6, s28  }
0x9: {  	s25 =	sshrl.u32 s10, $0x3;
	s14 =	sshrl.u32 s26, $0x1;
	s16 =	sadd.s32 s10, s2  }
0xa: {  	s17 =	sadd.s32 s10, s3;
	p0 =	seq.s32 s29, $0x1F;
	s8 =	sadd.s32 s5, s4  }
0xb: {  	s4 =	simm.s32 $0x0;
	s13 =	sadd.s32 s25, s9;
	s7 =	sadd.s32 s11, s7  }
0xc: {  	s11 =	ssub.s32 s26, s14;
	s14 =	simm.s32 $0x1;
	s5 =	sadd.s32 $0x27B00, s8  }
0xd: {  	[smem:$0x7FF] =	sst s4;
	s7 =	sshrl.u32 s7, $0x3;
	s6 =	sadd.s32 $0x539A00, s13  }
0xe: {  	s31 =	sshll.u32 s8, $0x4;
	s10 =	smax.u32 s11, $0x1;
	s5 =	sshrl.u32 s5, $0x3  }
.Ltmp0:
0xf: {  	_ =	strace $0x8000004D;
	s15 =	sadd.s32 s7, s9;
	(pc) =	sbr.rel .LBB2_1-.Ltmp0, $4  }
0x10: {  	s7 =	sor.u32 $0x1C01, s30;
	s12 =	sadd.s32 s5, s9;
	s5 =	sadd.s32 $0x539800, s9  }
0x11: {  	s13 =	sadd.s32 s9, s31;
	s8 =	sadd.s32 $0x543800, s15;
	s9 =	sadd.s32 $0x543804, s15  }
0x12: {  	s11 =	sadd.s32 $0x8F2600, s13;
	s13 =	sshrl.u32 s16, $0x3;
	s15 =	sshrl.u32 s17, $0x3  }
0x13: {  	s16 =	simm.s32 $0x2400;
	s17 =	simm.s32 $0x10;
	s12 =	sadd.s32 $0x6400, s12  }
.LBB2_4:
0x14: {  	s25 =	sadd.s32 s25, s12;
	[sflag:s14] =	ssyncadd.s32 $0xFFFFF000  }
0x15: {  	[tilespmem:s23], [sflag:$0x1] =	stream.linear.gather [hbm4b:s25+s4], $0x80, $0x38;
	[tilespmem:$0xD040] =	vst v63  }
0x16: {  	_ =	swait.ge [sflag:s14], $0x80  }
0x17: {  	[sflag:s14] =	ssyncset.done $0x0  }
0x18: {  	[sflag:s14] =	ssyncadd.s32 $0xFFFFFF80  }
0x19: {  	[tilespmem:s21], [sflag:$0x1] =	stream.strided.gather [hbm4b:s24+s19], $0x1000, s20, s19, $0x38;
	[tilespmem:$0xD040] =	vst v63  }
0x1a: {  	_ =	swait.ge [sflag:s14], $0x1000  }
0x1b: {  	[sflag:s14] =	ssyncset.done $0x0  }
0x1c: {  	[sflag:s14] =	ssyncadd.s32 $0xFFFFF000  }
0x1d: {  	[spmem:s2] =	stream.indirect.scatter.add.f32 [tilespmem:s21], [sflag:$0x1], $0x20, s23, s20, $0xb8;
	[tilespmem:$0xD040] =	vst v63  }
0x1e: {  	_ =	swait.ge [sflag:s14], $0x1000  }
0x1f: {  	[sflag:s14] =	ssyncset.done $0x0  }
0x20: {  	[sflag:s14] =	ssyncadd.s32 $0xFFFFF000  }
0x21: {  	[spmem:s3] =	stream.indirect.scatter.add.f32 [tilespmem:s16], [sflag:$0x1], $0x20, s23, s20, $0xb8;
	[tilespmem:$0xD040] =	vst v63  }
0x22: {  	_ =	swait.ge [sflag:s14], $0x1000  }
0x23: {  	[sflag:s14] =	ssyncset.done $0x0  }
0x24: {  	[sflag:s14] =	ssyncadd.s32 $0xFFFFF000  }
.LBB2_5:
0x25: {  	[bflag:$0x0] =	sbarrier.arrive $0xFFFF  }
0x26: {  	[hbm:s8@s17], [sflag:s7] =	dma.strided [spmem:s13@s18], $0x9C4, s14, $0x4   }
0x27: {  	s22 =	sadd.s32 $0x1, s22;
	_ =	swait.ge [sflag:s14], $0x9C4  }
0x28: {  	p1 =	sne.s32 s22, s10;
	[sflag:s14] =	ssyncset.done $0x0  }
.Ltmp1:
0x29: {  	[sflag:s14] =	ssyncadd.s32 $0xFFFFF63C;
	(pc) =	sbr.rel @!p1 .LBB2_6-.Ltmp1, $4  }
0x2a: {  	[hbm:s9@s17], [sflag:s7] =	dma.strided [spmem:s15@s18], $0x9C4, s14, $0x4   }
0x2b: {  	_ =	swait.ge [sflag:s14], $0x9C4  }
0x2c: {  	[sflag:s14] =	ssyncset.done $0x0  }
0x2d: {  	[sflag:s14] =	ssyncadd.s32 $0xFFFFF63C  }
.LBB2_1:
0x2e: {  	[spmem:s13], [sflag:s7] =	dma.local [hbm:s6], $0x9C4  }
0x2f: {  	_ =	swait.ge [sflag:s14], $0x9C4  }
0x30: {  	[sflag:s14] =	ssyncset.done $0x0  }
0x31: {  	[sflag:s14] =	ssyncadd.s32 $0xFFFFF63C  }
0x32: {  	[spmem:s15], [sflag:s7] =	dma.local [hbm:s6], $0x9C4  }
0x33: {  	_ =	swait.ge [sflag:s14], $0x9C4  }
0x34: {  	[sflag:s14] =	ssyncset.done $0x0  }
0x35: {  	[sflag:s14] =	ssyncadd.s32 $0xFFFFF63C  }
0x36: {  	[tilespmem:s16], [sflag:$0x1] =	stream.linear.gather [hbm4b:s5+s4], $0x1000, $0x38;
	[tilespmem:$0xD040] =	vst v63  }
.Ltmp2:
0x37: {  	_ =	swait.ge [sflag:s14], $0x1000;
	(pc) =	sbr.rel @p0 .LBB2_5-.Ltmp2, $4  }
0x38: {  	[sflag:s14] =	ssyncset.done $0x0  }
0x39: {  	[sflag:s14] =	ssyncadd.s32 $0xFFFFF000  }
0x3a: {  	[bflag:$0x0] =	sbarrier.arrive $0xFFFF  }
0x3b: {  	s23 =	simm.s32 $0xA00  }
0x3c: {  	s24 =	sadd.s32 $0x0, s12  }
0x3d: {  	[tilespmem:s23], [sflag:$0x1] =	stream.linear.gather [hbm4b:s24+s4], $0x80, $0x38;
	[tilespmem:$0xD040] =	vst v63  }
0x3e: {  	_ =	swait.ge [sflag:s14], $0x80  }
0x3f: {  	[sflag:s14] =	ssyncset.done $0x0  }
0x40: {  	[sflag:s14] =	ssyncadd.s32 $0xFFFFFF80  }
0x41: {  	[tilespmem:s21], [sflag:$0x1] =	stream.strided.gather [hbm4b:s11+s19], $0x1000, s20, s19, $0x38;
	[tilespmem:$0xD040] =	vst v63  }
0x42: {  	_ =	swait.ge [sflag:s14], $0x1000  }
0x43: {  	[sflag:s14] =	ssyncset.done $0x0  }
0x44: {  	[sflag:s14] =	ssyncadd.s32 $0xFFFFF000  }
0x45: {  	[spmem:s2] =	stream.indirect.scatter.add.f32 [tilespmem:s21], [sflag:$0x1], $0x20, s23, s20, $0xb8;
	[tilespmem:$0xD040] =	vst v63  }
0x46: {  	_ =	swait.ge [sflag:s14], $0x1000  }
0x47: {  	[sflag:s14] =	ssyncset.done $0x0  }
0x48: {  	[sflag:s14] =	ssyncadd.s32 $0xFFFFF000  }
0x49: {  	[spmem:s3] =	stream.indirect.scatter.add.f32 [tilespmem:s16], [sflag:$0x1], $0x20, s23, s20, $0xb8;
	[tilespmem:$0xD040] =	vst v63  }
0x4a: {  	s25 =	simm.s32 $0x10;
	s26 =	simm.s32 $0x20;
	_ =	swait.ge [sflag:s14], $0x1000  }
0x4b: {  	s24 =	sadd.s32 $0x800, s11;
	s23 =	simm.s32 $0xA80;
	[sflag:s14] =	ssyncset.done $0x0  }
.LBB2_3:
0x4c: {  	s28 =	sadd.s32 s25, s12  }
0x4d: {  	[sflag:s14] =	ssyncadd.s32 $0xFFFFF000;
	s25 =	smov.u32 s26;
	s29 =	sadd.s32 $0x10, s26  }
0x4e: {  	[tilespmem:s23], [sflag:$0x1] =	stream.linear.gather [hbm4b:s28+s4], $0x80, $0x38;
	[tilespmem:$0xD040] =	vst v63  }
0x4f: {  	p1 =	sne.s32 s26, $0x130;
	_ =	swait.ge [sflag:s14], $0x80  }
0x50: {  	[sflag:s14] =	ssyncset.done $0x0  }
0x51: {  	[sflag:s14] =	ssyncadd.s32 $0xFFFFFF80  }
0x52: {  	[tilespmem:s21], [sflag:$0x1] =	stream.strided.gather [hbm4b:s24+s19], $0x1000, s20, s19, $0x38;
	[tilespmem:$0xD040] =	vst v63  }
0x53: {  	_ =	swait.ge [sflag:s14], $0x1000  }
0x54: {  	[sflag:s14] =	ssyncset.done $0x0  }
0x55: {  	[sflag:s14] =	ssyncadd.s32 $0xFFFFF000  }
0x56: {  	[spmem:s2] =	stream.indirect.scatter.add.f32 [tilespmem:s21], [sflag:$0x1], $0x20, s23, s20, $0xb8;
	[tilespmem:$0xD040] =	vst v63  }
0x57: {  	_ =	swait.ge [sflag:s14], $0x1000  }
.Ltmp3:
0x58: {  	[sflag:s14] =	ssyncset.done $0x0;
	(pc) =	sbr.rel @p1 .LBB2_3-.Ltmp3, $4  }
0x59: {  	[sflag:s14] =	ssyncadd.s32 $0xFFFFF000  }
0x5a: {  	[spmem:s3] =	stream.indirect.scatter.add.f32 [tilespmem:s16], [sflag:$0x1], $0x20, s23, s20, $0xb8;
	[tilespmem:$0xD040] =	vst v63  }
0x5b: {  	s26 =	smov.u32 s29;
	_ =	swait.ge [sflag:s14], $0x1000  }
0x5c: {  	s24 =	sadd.s32 $0x800, s24;
	s23 =	sadd.s32 $0x80, s23;
	[sflag:s14] =	ssyncset.done $0x0  }
.Ltmp4:
0x5d: {  	_ = 	snop;
	(pc) =	sbr.rel .LBB2_4-.Ltmp4, $1  }
0x5e: {  	_ =	sdelay $0x3  }
.LBB2_6:
0x5f: {  	_ =	sfence.sel $0x180000  }
0x60: {  	[bflag:$0x0] =	sbarrier.arrive $0xFFFF  }
0x61: {  	p0 =	sne.s32 s0, $0x0;
	_ =	strace $0x9000004D  }
0x62: {  	s0 =	sadd.s32 @!p0 $0x100000, s1;
	[bflag:$0x2] =	sbarrier.arrive $0xFFFF  }
0x63: {  	[sflag:s0] =	ssyncadd.tile.s32 @!p0 $0x1;
	_ =	shalt  }
.Lfunc_end2:
_tile_overlayer_lowered:
.L_overlay_start_2:
0x64: {  	(tag) =	ssettag $0x2  }
0x65: {  	s0 =	rddreg [dreg:$0x0];
	s2 =	stileid.u32  }
0x66: {  	s1 =	rddreg [dreg:$0x1];
	p0 =	sne.s32 s2, $0x0  }
0x67: {  	s3 =	rddreg [dreg:$0x2];
	[bflag:$0x3] =	sbarrier.arrive $0xFFFF;
	s2 =	simm.s32 @!p0 $0x1C01  }
0x68: {  	[timem:s3], [sflag:s2] =	dma.local @!p0 [hbm:s0], s1  }
0x69: {  	s0 =	simm.s32 @!p0 $0x1  }
0x6a: {  	_ =	swait.ge @!p0 [sflag:s0], s1  }
0x6b: {  	s1 =	ssub.s32 @!p0 $0x0, s1;
	[sflag:s0] =	ssyncset.done @!p0 $0x0  }
0x6c: {  	[sflag:s0] =	ssyncadd.s32 @!p0 s1  }
0x6d: {  	[bflag:$0x3] =	sbarrier.arrive $0xFFFF  }
0x6e: {  	_ =	shalt  }

// kernel: kernel.30.cloned.1.call-start
scs
__scs_entry_jumppad:
0x0: {  	(pc) =	sbr.rel $0x88, $3  }
0x1: {  	(tag) =	ssettag $0x0;
	lr =	simm.s32 $0x1  }
0x2: {  	[smem:$0x3F92] =	sst lr;
	_ =	strace $0xD0000000  }
0x3: {  	_ = 	snop  }
0x4: {  	_ = 	snop  }
0x5: {  	_ = 	snop  }
0x6: {  	_ = 	snop  }
0x7: {  	_ = 	snop  }
__scs_overlays_trampoline_lowered:
0x8: {  	[smem:$0x3FA1] =	sst s0  }
0x9: {  	[smem:$0x3FA2] =	sst s1  }
0xa: {  	[smem:$0x3FA3] =	sst s2  }
0xb: {  	[smem:$0x3FA4] =	sst s3  }
0xc: {  	[smem:$0x3FA5] =	sst s4  }
0xd: {  	[smem:$0x3FA6] =	sst s5  }
0xe: {  	[smem:$0x3FA7] =	sst s6  }
0xf: {  	[smem:$0x3FA8] =	sst s7  }
0x10: {  	[smem:$0x3FA9] =	sst s8  }
0x11: {  	[smem:$0x3FAA] =	sst s9;
	s0 =	simm.s32 @!p0 $0x0  }
0x12: {  	s1 =	sld [smem:$0x3F90];
	s0 =	simm.s32 @p0 $0x1  }
0x13: {  	[smem:$0x3FAB] =	sst s0;
	s0 =	simm.s32 @!p1 $0x0  }
0x14: {  	s2 =	sld [smem:$0x3F8F];
	s0 =	simm.s32 @p1 $0x1  }
0x15: {  	[smem:$0x3FAC] =	sst s0;
	s0 =	simm.s32 @!p2 $0x0  }
0x16: {  	s3 =	sld [smem:$0x3FDB];
	s0 =	simm.s32 @p2 $0x1  }
0x17: {  	s4 =	simm.s32 $0x1BF5;
	[smem:$0x3FAE] =	sst s0  }
0x18: {  	s0 =	sld [smem:$0x3F91];
	_ =	swait.ge [sflag:s4], $0x0  }
0x19: {  	s7 =	sld [smem:$0x3F92]  }
0x1a: {  	s8 =	sadd.s32 $0xFFFFE003, lr  }
0x1b: {  	s9 =	sadd.s32 $0xFFFFFEF7, lr;
	s5 =	simm.s32 $0xFFFFFFFF;
	p2 =	slt.u32 s8, $0xFFFFF086  }
0x1c: {  	p1 =	slt.u32 s9, $0xF7A;
	s5 =	simm.s32 @!p2 $0x0  }
0x1d: {  	s5 =	simm.s32 @p1 $0x1;
	p0 =	seq.s32 s7, s2  }
0x1e: {  	s7 =	smul.u32 @!p0 $0xF7A, s2;
	p2 =	seq.s32 @!p0 s5, $0x0  }
0x1f: {  	s9 =	smul.u32 $0xF7A, s1;
	s8 =	simm.s32 @!p0 $0x1BF5;
	p2 =	por !p2, p0  }
0x20: {  	[sflag:s8] =	ssyncset.s32 @!p0 $0xFFFFF086;
	s6 =	sadd.s32 @!p0 s3, s7;
	s7 =	simm.s32 @!p0 $0x108  }
0x21: {  	s3 =	sadd.s32 s3, s9;
	s6 =	sadd.s32 @!p0 $0x88, s6;
	s7 =	simm.s32 @p2 $0x1082  }
0x22: {  	[simem:s7], [sflag:s8] =	dma.local @!p0 [hbm:s6], $0xF7A  }
0x23: {  	s9 =	sor.u32 $0xD0000000, s2;
	s6 =	simm.s32 $0x108;
	_ =	swait.ge @!p0 [sflag:s8], $0x0  }
0x24: {  	s3 =	sadd.s32 $0x88, s3;
	s6 =	simm.s32 @!p1 $0x1082;
	[sflag:s4] =	ssyncset.s32 $0xFFFFF086  }
0x25: {  	[simem:s6], [sflag:s4] =	dma.local [hbm:s3], $0xF7A  }
0x26: {  	[smem:$0x3F92] =	sst s1;
	(tag) =	ssettag s2;
	_ =	strace s9  }
0x27: {  	s1 =	sld [smem:$0x3FA2]  }
0x28: {  	s2 =	sld [smem:$0x3FA3]  }
0x29: {  	s4 =	sld [smem:$0x3FA5]  }
0x2a: {  	p0 =	seq.s32 s5, $0x0;
	s5 =	sld [smem:$0x3FA6]  }
0x2b: {  	s6 =	sld [smem:$0x3FA7]  }
0x2c: {  	s7 =	sld [smem:$0x3FA8]  }
0x2d: {  	s3 =	simm.s32 $0x108;
	s8 =	sld [smem:$0x3FA9]  }
0x2e: {  	s3 =	simm.s32 @!p0 $0x1082;
	s9 =	sld [smem:$0x3FAA]  }
0x2f: {  	lr =	sadd.s32 s0, s3;
	s0 =	sld [smem:$0x3FA1]  }
0x30: {  	s3 =	sld [smem:$0x3FA4]  }
0x31: {  	[smem:$0x3FAD] =	sst s10  }
0x32: {  	s10 =	sld [smem:$0x3FAB];
	_ =	sdelay $0x3  }
0x33: {  	p0 =	seq.s32 s10, $0x1;
	s10 =	sld [smem:$0x3FAD];
	_ =	sdelay $0x3  }
0x34: {  	[smem:$0x3FAD] =	sst s10  }
0x35: {  	s10 =	sld [smem:$0x3FAC];
	_ =	sdelay $0x3  }
0x36: {  	p1 =	seq.s32 s10, $0x1;
	s10 =	sld [smem:$0x3FAD];
	_ =	sdelay $0x3  }
0x37: {  	[smem:$0x3FAD] =	sst s10  }
0x38: {  	s10 =	sld [smem:$0x3FAE]  }
0x39: {  	_ = 	snop;
	(pc) =	sbr.ind lr, $3  }
0x3a: {  	_ = 	snop  }
0x3b: {  	_ = 	snop  }
0x3c: {  	p2 =	seq.s32 s10, $0x1;
	s10 =	sld [smem:$0x3FAD]  }
0x3d: {  	_ =	shalt  }
0x3e: {  	_ =	shalt  }
0x3f: {  	_ =	shalt  }
0x40: {  	_ =	shalt  }
0x41: {  	_ =	shalt  }
0x42: {  	_ =	shalt  }
0x43: {  	_ =	shalt  }
0x44: {  	_ =	shalt  }
0x45: {  	_ =	shalt  }
0x46: {  	_ =	shalt  }
0x47: {  	_ =	shalt  }
0x48: {  	_ =	shalt  }
0x49: {  	_ =	shalt  }
0x4a: {  	_ =	shalt  }
0x4b: {  	_ =	shalt  }
0x4c: {  	_ =	shalt  }
0x4d: {  	_ =	shalt  }
0x4e: {  	_ =	shalt  }
0x4f: {  	_ =	shalt  }
0x50: {  	_ =	shalt  }
0x51: {  	_ =	shalt  }
0x52: {  	_ =	shalt  }
0x53: {  	_ =	shalt  }
0x54: {  	_ =	shalt  }
0x55: {  	_ =	shalt  }
0x56: {  	_ =	shalt  }
0x57: {  	_ =	shalt  }
0x58: {  	_ =	shalt  }
0x59: {  	_ =	shalt  }
0x5a: {  	_ =	shalt  }
0x5b: {  	_ =	shalt  }
0x5c: {  	_ =	shalt  }
0x5d: {  	_ =	shalt  }
0x5e: {  	_ =	shalt  }
0x5f: {  	_ =	shalt  }
0x60: {  	_ =	shalt  }
0x61: {  	_ =	shalt  }
0x62: {  	_ =	shalt  }
0x63: {  	_ =	shalt  }
0x64: {  	_ =	shalt  }
0x65: {  	_ =	shalt  }
0x66: {  	_ =	shalt  }
0x67: {  	_ =	shalt  }
0x68: {  	_ =	shalt  }
0x69: {  	_ =	shalt  }
0x6a: {  	_ =	shalt  }
0x6b: {  	_ =	shalt  }
0x6c: {  	_ =	shalt  }
0x6d: {  	_ =	shalt  }
0x6e: {  	_ =	shalt  }
0x6f: {  	_ =	shalt  }
0x70: {  	_ =	shalt  }
0x71: {  	_ =	shalt  }
0x72: {  	_ =	shalt  }
0x73: {  	_ =	shalt  }
0x74: {  	_ =	shalt  }
0x75: {  	_ =	shalt  }
0x76: {  	_ =	shalt  }
0x77: {  	_ =	shalt  }
0x78: {  	_ =	shalt  }
0x79: {  	_ =	shalt  }
0x7a: {  	_ =	shalt  }
0x7b: {  	_ =	shalt  }
0x7c: {  	_ =	shalt  }
0x7d: {  	_ =	shalt  }
0x7e: {  	_ =	shalt  }
0x7f: {  	_ =	shalt  }
0x80: {  	_ =	shalt  }
0x81: {  	_ =	shalt  }
0x82: {  	_ =	shalt  }
0x83: {  	_ =	shalt  }
0x84: {  	_ =	shalt  }
0x85: {  	_ =	shalt  }
0x86: {  	_ =	shalt  }
0x87: {  	_ =	shalt  }
.Lfunc_end0:
.L_simem_size_0:
called_computation.4_lowered:
.L_overlay_start_0:
0x88: {  	s2 =	sld [smem:$0x3FD9]  }
0x89: {  	s3 =	sld [smem:$0x3FFE];
	_ =	sdelay $0x1  }
0x8a: {  	s1 =	srdreg.scid  }
0x8b: {  	s0 =	sand.u32 $0x1, s1  }
0x8c: {  	s17 =	sshll.u32 s0, $0xA;
	s2 =	sadd.s32 s3, s2  }
0x8d: {  	s2 =	sadd.s32 s2, s17  }
0x8e: {  	[smem:$0x3FB9] =	sst s2  }
0x8f: {  	_ = 	snop  }
0x90: {  	s18 =	sld [smem:$0x3FD0];
	(tm) =	ssettm $0x1  }
0x91: {  	s19 =	sld [smem:$0x3FFB];
	_ =	sdelay $0x3  }
0x92: {  	_ =	strace s19  }
0x93: {  	s2 =	sld [smem:$0x3FFC];
	_ =	sdelay $0x3  }
0x94: {  	_ =	strace s2  }
0x95: {  	s2 =	sld [smem:$0x3FFD];
	_ =	sdelay $0x3  }
0x96: {  	_ =	strace s2  }
0x97: {  	_ =	strace $0x8FFFFFFF  }
0x98: {  	s20 =	sld [smem:$0x3FDB];
	_ =	sdelay $0x1  }
0x99: {  	s4 =	simm.s32 $_scs_section_size  }
0x9a: {  	s5 =	simm.s32 $_size__tile_overlayer_lowered;
	s6 =	simm.s32 $_tile_overlayer_lowered  }
0x9b: {  	s7 =	simm.s32 $0x1BFF;
	s21 =	sshll.u32 s6, $0x1;
	s4 =	sadd.s32 s4, s20  }
0x9c: {  	s22 =	simm.s32 $0x0;
	s5 =	sshll.u32 s5, $0x1;
	s6 =	sadd.s32 s21, s4  }
0x9d: {  	[timem:s22], [sflag:s7] =	dma.local [hbm:s6], s5  }
0x9e: {  	_ =	swait.ge [sflag:s7], s5  }
0x9f: {  	s5 =	ssub.s32 $0x0, s5;
	[sflag:s7] =	ssyncset.done $0x0  }
0xa0: {  	[sflag:s7] =	ssyncadd.s32 s5;
	_ =	sdelay $0x1  }
0xa1: {  	s23 =	simm.s32 $0x1B8B  }
0xa2: {  	_ =	swait.ge [sflag:s23], $0x1  }
0xa3: {  	[sflag:s23] =	ssyncset.done $0x0  }
0xa4: {  	[sflag:s23] =	ssyncadd.s32 $0xFFFFFFFF  }
0xa5: {  	s5 =	sld [smem:$0x0]  }
0xa6: {  	s6 =	sand.u32 $0xFFFFFFFE, s1  }
0xa7: {  	p0 =	sne.s32 s1, s6  }
0xa8: {  	s6 =	sshll.u32 @p0 s6, $0xE  }
0xa9: {  	s6 =	sadd.s32 @p0 $0x11B8D, s6;
	s7 =	sshll.u32 @p0 s5, $0x11  }
0xaa: {  	s6 =	sor.u32 @p0 s7, s6  }
0xab: {  	[sflag:s6] =	ssyncadd.remote.s32 @p0 $0x1;
	_ =	sdelay $0x1  }
0xac: {  	s6 =	simm.s32 @p0 $0x1B8D  }
0xad: {  	_ =	swait.eq @p0 [sflag:s6], $0x1  }
0xae: {  	[sflag:s6] =	ssyncadd.s32 @p0 $0xFFFFFFFF  }
0xaf: {  	s7 =	sshll.u32 @!p0 s1, $0xE  }
0xb0: {  	s7 =	sor.u32 @!p0 $0x4000, s7;
	s6 =	simm.s32 @!p0 $0x1B8D  }
0xb1: {  	s5 =	sshll.u32 @!p0 s5, $0x11;
	s7 =	sadd.s32 @!p0 $0x11B8D, s7;
	_ =	swait.eq @!p0 [sflag:s6], $0x1  }
0xb2: {  	s5 =	sor.u32 @!p0 s5, s7;
	[sflag:s6] =	ssyncadd.s32 @!p0 $0xFFFFFFFF  }
0xb3: {  	s25 =	simm.s32 $0x1B8E;
	s24 =	sld [smem:$0x3FFE];
	[sflag:s5] =	ssyncadd.remote.s32 @!p0 $0x1  }
0xb4: {  	s26 =	simm.s32 $execute0_lowered;
	[smem:$0x3FD2] =	sst s25  }
0xb5: {  	s6 =	sshll.u32 s26, $0x1;
	_ =	strace $0x80000055;
	[dreg:$0x1] =	wrdreg $0xFFFFFFFF  }
0xb6: {  	s28 =	simm.s32 $_size_execute0_lowered;
	s4 =	sadd.s32 s4, s6;
	[dreg:$0x0] =	wrdreg $0x0  }
0xb7: {  	s6 =	sshll.u32 s28, $0x1;
	[dreg:$0x2] =	wrdreg s4  }
0xb8: {  	[dreg:$0x3] =	wrdreg s6  }
0xb9: {  	[dreg:$0x4] =	wrdreg $0xC0  }
0xba: {  	_ =	task [dreg:s22], $0x5FFFF  }
0xbb: {  	[dreg:$0x1] =	wrdreg $0xFFFFFFFF  }
0xbc: {  	[dreg:$0x0] =	wrdreg $0x60  }
0xbd: {  	[dreg:$0x2] =	wrdreg s18  }
0xbe: {  	[dreg:$0x3] =	wrdreg s24  }
0xbf: {  	[dreg:$0x4] =	wrdreg $0x9  }
0xc0: {  	_ =	task.clear_ibuf [dreg:s22], $0x5FFFF;
	_ =	strace $0x90000055  }
0xc1: {  	s29 =	simm.s32 $0x9;
	_ =	strace $0x80000057  }
0xc2: {  	_ =	swait.ge [sflag:s29], $0x1  }
0xc3: {  	[sflag:s29] =	ssyncadd.s32 $0xFFFFFFFF  }
0xc4: {  	_ =	strace $0x90000057  }
0xc5: {  	_ =	sfence  }
0xc6: {  	s30 =	sld [smem:$0x0];
	_ =	sdelay $0x2  }
0xc7: {  	s31 =	sshll.u32 s1, $0xD;
	s1 =	sshrl.u32 s1, $0x2  }
0xc8: {  	s4 =	sand.u32 $0x4000, s31;
	s1 =	sadd.s32 s1, s30  }
0xc9: {  	s0 =	sor.u32 s4, s0;
	s1 =	sshll.u32 s1, $0x11  }
0xca: {  	s0 =	sor.u32 s1, s0  }
0xcb: {  	s0 =	sadd.s32 $0x8F2B, s0  }
0xcc: {  	[sflag:s0] =	ssyncadd.remote.s32 $0x1  }
0xcd: {  	_ =	sfence.sel $0xFFFF  }
0xce: {  	[dreg:$0x0] =	wrdreg $0xFFFFFFFF;
	(pc) =	sbr.abs _section_cstart, $3  }
0xcf: {  	[dreg:$0x1] =	wrdreg $0xFFFFFFFF  }
0xd0: {  	_ =	task.clear_ibuf [dreg:s22], $0x2FFFF;
	_ =	strace $0x9FFFFFFF  }
0xd1: {  	(tm) =	ssettm $0x7FFFFFFF  }
tec
execute0_lowered:
.L_overlay_start_1:
0x0: {  	(tag) =	ssettag $0x1  }
0x1: {  	s2 =	rddreg [dreg:$0x0]  }
0x2: {  	s5 =	rddreg [dreg:$0x1]  }
0x3: {  	s0 =	rddreg [dreg:$0x2]  }
0x4: {  	s3 =	simm.s32 $0x0;
	s1 =	stileid.u32;
	s7 =	srdreg.scid  }
0x5: {  	s13 =	simm.s32 $0x20;
	s14 =	simm.s32 $0x0;
	s6 =	smul.u32 $0x28000, s1  }
0x6: {  	[smem:$0x7FF] =	sst s3;
	s7 =	sand.u32 $0x1, s7;
	s11 =	smul.u32 $0x2800, s1  }
0x7: {  	s4 =	sadd.s32 $0x6400, s5;
	s29 =	sshll.u32 s1, $0x1;
	s9 =	smul.u32 $0x14000, s7  }
0x8: {  	_ =	strace $0x80000056;
	s8 =	ssub.s32 $0x2, s7;
	s12 =	smul.u32 $0x1400, s7  }
0x9: {  	s6 =	sadd.s32 s6, s5;
	s10 =	sshrl.u32 s8, $0x1;
	s5 =	sor.u32 s7, s29  }
0xa: {  	p0 =	seq.s32 s5, $0x1F;
	s5 =	simm.s32 $0xA;
	s30 =	ssub.s32 s8, s10  }
0xb: {  	s31 =	sadd.s32 s9, s6;
	s8 =	sadd.s32 s12, s11;
	s9 =	simm.s32 $0x2  }
0xc: {  	s10 =	simm.s32 $0x80;
	s11 =	simm.s32 $0x1400;
	s12 =	simm.s32 $0x1  }
0xd: {  	s5 =	simm.s32 @!p0 $0x14;
	s6 =	smax.u32 s30, $0x1;
	s7 =	sadd.s32 $0x290200, s31  }
.LBB2_1:
0xe: {  	p1 =	sne.s32 s5, $0x1  }
.Ltmp0:
0xf: {  	_ = 	snop;
	(pc) =	sbr.rel @!p1 .LBB2_2-.Ltmp0, $2  }
0x10: {  	_ =	sdelay $0x2  }
0x11: {  	s15 =	sadd.s32 $0xFFFFFFFF, s5;
	s19 =	sshrl.u32 s8, $0x3;
	p0 =	por $0x0, $0x0  }
0x12: {  	s16 =	sadd.s32 s4, s19  }
0x13: {  	[tilespmem:s3], [sflag:$0x2] =	stream.linear.gather [hbm4b:s16+s3], $0x80, $0x38;
	[tilespmem:$0x2400] =	vst v63  }
0x14: {  	_ =	swait.ge [sflag:s9], $0x80  }
0x15: {  	[sflag:s9] =	ssyncset.done $0x0  }
0x16: {  	[sflag:s9] =	ssyncadd.s32 $0xFFFFFF80  }
0x17: {  	[tilespmem:s11], [sflag:$0x1] =	stream.indirect.gather [hbm4b:s2+s10], $0x20, s3, s10, $0xb8;
	[tilespmem:$0x2400] =	vst v63  }
0x18: {  	p1 =	sne.s32 s15, $0x1;
	_ =	swait.ge [sflag:s12], $0x1000  }
.Ltmp1:
0x19: {  	[sflag:s12] =	ssyncset.done $0x0;
	(pc) =	sbr.rel @!p1 .LBB2_4-.Ltmp1, $4  }
0x1a: {  	s17 =	sadd.s32 $0x80, s8;
	s18 =	sadd.s32 $0xFFFFFFFF, s15;
	[sflag:s12] =	ssyncadd.s32 $0xFFFFF000  }
0x1b: {  	[hbm4b:s7+s13] =	stream.strided.scatter [tilespmem:s11], [sflag:$0x2], $0x1000, s10, s13, $0x38;
	[tilespmem:$0x2400] =	vst v63  }
0x1c: {  	s15 =	simm.s32 $0x80;
	p0 =	por $0x1, $0x1;
	_ =	swait.ge [sflag:s9], $0x1000  }
0x1d: {  	s19 =	sshrl.u32 s17, $0x3;
	s16 =	smov.u32 s7;
	[sflag:s9] =	ssyncset.done $0x0  }
.LBB2_5:
0x1e: {  	s19 =	sadd.s32 s4, s19;
	[sflag:s9] =	ssyncadd.s32 $0xFFFFF000;
	s16 =	sadd.s32 $0x800, s16  }
0x1f: {  	[tilespmem:s15], [sflag:$0x2] =	stream.linear.gather [hbm4b:s19+s3], $0x80, $0x38;
	[tilespmem:$0x2400] =	vst v63  }
0x20: {  	p1 =	sne.s32 s18, $0x1;
	s18 =	sadd.s32 $0xFFFFFFFF, s18;
	_ =	swait.ge [sflag:s9], $0x80  }
0x21: {  	[sflag:s9] =	ssyncset.done $0x0  }
0x22: {  	[sflag:s9] =	ssyncadd.s32 $0xFFFFFF80  }
0x23: {  	[tilespmem:s11], [sflag:$0x1] =	stream.indirect.gather [hbm4b:s2+s10], $0x20, s15, s10, $0xb8;
	[tilespmem:$0x2400] =	vst v63  }
0x24: {  	_ =	swait.ge [sflag:s12], $0x1000  }
.Ltmp2:
0x25: {  	[sflag:s12] =	ssyncset.done $0x0;
	(pc) =	sbr.rel @p1 .LBB2_5-.Ltmp2, $4  }
0x26: {  	[sflag:s12] =	ssyncadd.s32 $0xFFFFF000  }
0x27: {  	[hbm4b:s16+s13] =	stream.strided.scatter [tilespmem:s11], [sflag:$0x2], $0x1000, s10, s13, $0x38;
	[tilespmem:$0x2400] =	vst v63  }
0x28: {  	s17 =	sadd.s32 $0x80, s17;
	_ =	swait.ge [sflag:s9], $0x1000  }
0x29: {  	s19 =	sshrl.u32 s17, $0x3;
	s15 =	sadd.s32 $0x80, s15;
	[sflag:s9] =	ssyncset.done $0x0  }
.LBB2_6:
0x2a: {  	s17 =	sadd.s32 s4, s19;
	[sflag:s9] =	ssyncadd.s32 @p0 $0xFFFFF000  }
0x2b: {  	[tilespmem:s15], [sflag:$0x2] =	stream.linear.gather [hbm4b:s17+s3], $0x80, $0x38;
	[tilespmem:$0x2400] =	vst v63  }
0x2c: {  	_ =	swait.ge [sflag:s9], $0x80  }
0x2d: {  	[sflag:s9] =	ssyncset.done $0x0  }
0x2e: {  	[sflag:s9] =	ssyncadd.s32 $0xFFFFFF80  }
0x2f: {  	[tilespmem:s11], [sflag:$0x1] =	stream.indirect.gather [hbm4b:s2+s10], $0x20, s15, s10, $0xb8;
	[tilespmem:$0x2400] =	vst v63  }
0x30: {  	s14 =	sadd.s32 $0x1, s14;
	_ =	swait.ge [sflag:s12], $0x1000  }
0x31: {  	s15 =	sadd.s32 @p0 $0x800, s16;
	s16 =	smov.u32 s7;
	[sflag:s12] =	ssyncset.done $0x0  }
0x32: {  	s16 =	smov.u32 @p0 s15;
	p0 =	sne.s32 s14, s6;
	[sflag:s12] =	ssyncadd.s32 $0xFFFFF000  }
0x33: {  	[hbm4b:s16+s13] =	stream.strided.scatter [tilespmem:s11], [sflag:$0x2], $0x1000, s10, s13, $0x38;
	[tilespmem:$0x2400] =	vst v63  }
.Ltmp3:
0x34: {  	_ = 	snop;
	(pc) =	sbr.rel @p0 .LBB2_1-.Ltmp3, $4  }
.Ltmp4:
0x35: {  	_ = 	snop;
	(pc) =	sbr.rel @!p0 .LBB2_7-.Ltmp4, $4  }
0x36: {  	_ =	swait.ge [sflag:s9], $0x1000  }
0x37: {  	[sflag:s9] =	ssyncset.done $0x0  }
0x38: {  	[sflag:s9] =	ssyncadd.s32 $0xFFFFF000  }
0x39: {  	_ = 	snop  }
.LBB2_2:
.Ltmp5:
0x3a: {  	(pc) =	sbr.rel .LBB2_6-.Ltmp5, $2  }
0x3b: {  	_ =	sdelay $0x2  }
0x3c: {  	s16 =	smov.u32 s7;
	s15 =	simm.s32 $0x0  }
.LBB2_4:
.Ltmp6:
0x3d: {  	(pc) =	sbr.rel .LBB2_6-.Ltmp6, $2  }
0x3e: {  	_ =	sdelay $0x2  }
0x3f: {  	s16 =	smov.u32 s7  }
.LBB2_7:
0x40: {  	_ =	sfence.sel $0x180000  }
0x41: {  	[bflag:$0x0] =	sbarrier.arrive $0xFFFF  }
0x42: {  	p0 =	sne.s32 s1, $0x0;
	_ =	strace $0x90000056  }
0x43: {  	s0 =	sadd.s32 @!p0 $0x100000, s0;
	[bflag:$0x2] =	sbarrier.arrive $0xFFFF  }
0x44: {  	[sflag:s0] =	ssyncadd.tile.s32 @!p0 $0x1;
	_ =	shalt  }
.Lfunc_end2:
_tile_overlayer_lowered:
.L_overlay_start_2:
0x45: {  	(tag) =	ssettag $0x2  }
0x46: {  	s0 =	rddreg [dreg:$0x0];
	s2 =	stileid.u32  }
0x47: {  	s1 =	rddreg [dreg:$0x1];
	p0 =	sne.s32 s2, $0x0  }
0x48: {  	s3 =	rddreg [dreg:$0x2];
	[bflag:$0x3] =	sbarrier.arrive $0xFFFF;
	s2 =	simm.s32 @!p0 $0x1C02  }
0x49: {  	[timem:s3], [sflag:s2] =	dma.local @!p0 [hbm:s0], s1  }
0x4a: {  	s0 =	simm.s32 @!p0 $0x2  }
0x4b: {  	_ =	swait.ge @!p0 [sflag:s0], s1  }
0x4c: {  	s1 =	ssub.s32 @!p0 $0x0, s1;
	[sflag:s0] =	ssyncset.done @!p0 $0x0  }
0x4d: {  	[sflag:s0] =	ssyncadd.s32 @!p0 s1  }
0x4e: {  	[bflag:$0x3] =	sbarrier.arrive $0xFFFF  }
0x4f: {  	_ =	shalt  }

// kernel: kernel.33.cloned.1.call-start
scs
__scs_entry_jumppad:
0x0: {  	(pc) =	sbr.rel $0x88, $3  }
0x1: {  	(tag) =	ssettag $0x0;
	lr =	simm.s32 $0x1  }
0x2: {  	[smem:$0x3F92] =	sst lr;
	_ =	strace $0xD0000000  }
0x3: {  	_ = 	snop  }
0x4: {  	_ = 	snop  }
0x5: {  	_ = 	snop  }
0x6: {  	_ = 	snop  }
0x7: {  	_ = 	snop  }
__scs_overlays_trampoline_lowered:
0x8: {  	[smem:$0x3FA1] =	sst s0  }
0x9: {  	[smem:$0x3FA2] =	sst s1  }
0xa: {  	[smem:$0x3FA3] =	sst s2  }
0xb: {  	[smem:$0x3FA4] =	sst s3  }
0xc: {  	[smem:$0x3FA5] =	sst s4  }
0xd: {  	[smem:$0x3FA6] =	sst s5  }
0xe: {  	[smem:$0x3FA7] =	sst s6  }
0xf: {  	[smem:$0x3FA8] =	sst s7  }
0x10: {  	[smem:$0x3FA9] =	sst s8  }
0x11: {  	[smem:$0x3FAA] =	sst s9;
	s0 =	simm.s32 @!p0 $0x0  }
0x12: {  	s1 =	sld [smem:$0x3F90];
	s0 =	simm.s32 @p0 $0x1  }
0x13: {  	[smem:$0x3FAB] =	sst s0;
	s0 =	simm.s32 @!p1 $0x0  }
0x14: {  	s2 =	sld [smem:$0x3F8F];
	s0 =	simm.s32 @p1 $0x1  }
0x15: {  	[smem:$0x3FAC] =	sst s0;
	s0 =	simm.s32 @!p2 $0x0  }
0x16: {  	s3 =	sld [smem:$0x3FDB];
	s0 =	simm.s32 @p2 $0x1  }
0x17: {  	s4 =	simm.s32 $0x1BF5;
	[smem:$0x3FAE] =	sst s0  }
0x18: {  	s0 =	sld [smem:$0x3F91];
	_ =	swait.ge [sflag:s4], $0x0  }
0x19: {  	s7 =	sld [smem:$0x3F92]  }
0x1a: {  	s8 =	sadd.s32 $0xFFFFE003, lr  }
0x1b: {  	s9 =	sadd.s32 $0xFFFFFEF7, lr;
	s5 =	simm.s32 $0xFFFFFFFF;
	p2 =	slt.u32 s8, $0xFFFFF086  }
0x1c: {  	p1 =	slt.u32 s9, $0xF7A;
	s5 =	simm.s32 @!p2 $0x0  }
0x1d: {  	s5 =	simm.s32 @p1 $0x1;
	p0 =	seq.s32 s7, s2  }
0x1e: {  	s7 =	smul.u32 @!p0 $0xF7A, s2;
	p2 =	seq.s32 @!p0 s5, $0x0  }
0x1f: {  	s9 =	smul.u32 $0xF7A, s1;
	s8 =	simm.s32 @!p0 $0x1BF5;
	p2 =	por !p2, p0  }
0x20: {  	[sflag:s8] =	ssyncset.s32 @!p0 $0xFFFFF086;
	s6 =	sadd.s32 @!p0 s3, s7;
	s7 =	simm.s32 @!p0 $0x108  }
0x21: {  	s3 =	sadd.s32 s3, s9;
	s6 =	sadd.s32 @!p0 $0x88, s6;
	s7 =	simm.s32 @p2 $0x1082  }
0x22: {  	[simem:s7], [sflag:s8] =	dma.local @!p0 [hbm:s6], $0xF7A  }
0x23: {  	s9 =	sor.u32 $0xD0000000, s2;
	s6 =	simm.s32 $0x108;
	_ =	swait.ge @!p0 [sflag:s8], $0x0  }
0x24: {  	s3 =	sadd.s32 $0x88, s3;
	s6 =	simm.s32 @!p1 $0x1082;
	[sflag:s4] =	ssyncset.s32 $0xFFFFF086  }
0x25: {  	[simem:s6], [sflag:s4] =	dma.local [hbm:s3], $0xF7A  }
0x26: {  	[smem:$0x3F92] =	sst s1;
	(tag) =	ssettag s2;
	_ =	strace s9  }
0x27: {  	s1 =	sld [smem:$0x3FA2]  }
0x28: {  	s2 =	sld [smem:$0x3FA3]  }
0x29: {  	s4 =	sld [smem:$0x3FA5]  }
0x2a: {  	p0 =	seq.s32 s5, $0x0;
	s5 =	sld [smem:$0x3FA6]  }
0x2b: {  	s6 =	sld [smem:$0x3FA7]  }
0x2c: {  	s7 =	sld [smem:$0x3FA8]  }
0x2d: {  	s3 =	simm.s32 $0x108;
	s8 =	sld [smem:$0x3FA9]  }
0x2e: {  	s3 =	simm.s32 @!p0 $0x1082;
	s9 =	sld [smem:$0x3FAA]  }
0x2f: {  	lr =	sadd.s32 s0, s3;
	s0 =	sld [smem:$0x3FA1]  }
0x30: {  	s3 =	sld [smem:$0x3FA4]  }
0x31: {  	[smem:$0x3FAD] =	sst s10  }
0x32: {  	s10 =	sld [smem:$0x3FAB];
	_ =	sdelay $0x3  }
0x33: {  	p0 =	seq.s32 s10, $0x1;
	s10 =	sld [smem:$0x3FAD];
	_ =	sdelay $0x3  }
0x34: {  	[smem:$0x3FAD] =	sst s10  }
0x35: {  	s10 =	sld [smem:$0x3FAC];
	_ =	sdelay $0x3  }
0x36: {  	p1 =	seq.s32 s10, $0x1;
	s10 =	sld [smem:$0x3FAD];
	_ =	sdelay $0x3  }
0x37: {  	[smem:$0x3FAD] =	sst s10  }
0x38: {  	s10 =	sld [smem:$0x3FAE]  }
0x39: {  	_ = 	snop;
	(pc) =	sbr.ind lr, $3  }
0x3a: {  	_ = 	snop  }
0x3b: {  	_ = 	snop  }
0x3c: {  	p2 =	seq.s32 s10, $0x1;
	s10 =	sld [smem:$0x3FAD]  }
0x3d: {  	_ =	shalt  }
0x3e: {  	_ =	shalt  }
0x3f: {  	_ =	shalt  }
0x40: {  	_ =	shalt  }
0x41: {  	_ =	shalt  }
0x42: {  	_ =	shalt  }
0x43: {  	_ =	shalt  }
0x44: {  	_ =	shalt  }
0x45: {  	_ =	shalt  }
0x46: {  	_ =	shalt  }
0x47: {  	_ =	shalt  }
0x48: {  	_ =	shalt  }
0x49: {  	_ =	shalt  }
0x4a: {  	_ =	shalt  }
0x4b: {  	_ =	shalt  }
0x4c: {  	_ =	shalt  }
0x4d: {  	_ =	shalt  }
0x4e: {  	_ =	shalt  }
0x4f: {  	_ =	shalt  }
0x50: {  	_ =	shalt  }
0x51: {  	_ =	shalt  }
0x52: {  	_ =	shalt  }
0x53: {  	_ =	shalt  }
0x54: {  	_ =	shalt  }
0x55: {  	_ =	shalt  }
0x56: {  	_ =	shalt  }
0x57: {  	_ =	shalt  }
0x58: {  	_ =	shalt  }
0x59: {  	_ =	shalt  }
0x5a: {  	_ =	shalt  }
0x5b: {  	_ =	shalt  }
0x5c: {  	_ =	shalt  }
0x5d: {  	_ =	shalt  }
0x5e: {  	_ =	shalt  }
0x5f: {  	_ =	shalt  }
0x60: {  	_ =	shalt  }
0x61: {  	_ =	shalt  }
0x62: {  	_ =	shalt  }
0x63: {  	_ =	shalt  }
0x64: {  	_ =	shalt  }
0x65: {  	_ =	shalt  }
0x66: {  	_ =	shalt  }
0x67: {  	_ =	shalt  }
0x68: {  	_ =	shalt  }
0x69: {  	_ =	shalt  }
0x6a: {  	_ =	shalt  }
0x6b: {  	_ =	shalt  }
0x6c: {  	_ =	shalt  }
0x6d: {  	_ =	shalt  }
0x6e: {  	_ =	shalt  }
0x6f: {  	_ =	shalt  }
0x70: {  	_ =	shalt  }
0x71: {  	_ =	shalt  }
0x72: {  	_ =	shalt  }
0x73: {  	_ =	shalt  }
0x74: {  	_ =	shalt  }
0x75: {  	_ =	shalt  }
0x76: {  	_ =	shalt  }
0x77: {  	_ =	shalt  }
0x78: {  	_ =	shalt  }
0x79: {  	_ =	shalt  }
0x7a: {  	_ =	shalt  }
0x7b: {  	_ =	shalt  }
0x7c: {  	_ =	shalt  }
0x7d: {  	_ =	shalt  }
0x7e: {  	_ =	shalt  }
0x7f: {  	_ =	shalt  }
0x80: {  	_ =	shalt  }
0x81: {  	_ =	shalt  }
0x82: {  	_ =	shalt  }
0x83: {  	_ =	shalt  }
0x84: {  	_ =	shalt  }
0x85: {  	_ =	shalt  }
0x86: {  	_ =	shalt  }
0x87: {  	_ =	shalt  }
.Lfunc_end0:
.L_simem_size_0:
called_computation.5_lowered:
.L_overlay_start_0:
0x88: {  	s2 =	sld [smem:$0x3FD9]  }
0x89: {  	s3 =	sld [smem:$0x3FFE];
	_ =	sdelay $0x1  }
0x8a: {  	s1 =	srdreg.scid  }
0x8b: {  	s0 =	sand.u32 $0x1, s1  }
0x8c: {  	s17 =	sshll.u32 s0, $0xA;
	s2 =	sadd.s32 s3, s2  }
0x8d: {  	s2 =	sadd.s32 s2, s17  }
0x8e: {  	[smem:$0x3FB9] =	sst s2  }
0x8f: {  	_ = 	snop  }
0x90: {  	s2 =	sld [smem:$0x3FD0];
	(tm) =	ssettm $0x1  }
0x91: {  	s18 =	sld [smem:$0x3FFB];
	_ =	sdelay $0x3  }
0x92: {  	_ =	strace s18  }
0x93: {  	s3 =	sld [smem:$0x3FFC];
	_ =	sdelay $0x3  }
0x94: {  	_ =	strace s3  }
0x95: {  	s3 =	sld [smem:$0x3FFD];
	_ =	sdelay $0x3  }
0x96: {  	_ =	strace s3  }
0x97: {  	_ =	strace $0x8FFFFFFF  }
0x98: {  	s19 =	sld [smem:$0x3FDB];
	_ =	sdelay $0x1  }
0x99: {  	s4 =	simm.s32 $_scs_section_size  }
0x9a: {  	s5 =	simm.s32 $_size__tile_overlayer_lowered;
	s6 =	simm.s32 $_tile_overlayer_lowered  }
0x9b: {  	s22 =	simm.s32 $0x1BFF;
	s21 =	sshll.u32 s6, $0x1;
	s3 =	sadd.s32 s4, s19  }
0x9c: {  	s7 =	simm.s32 $0x0;
	s20 =	sshll.u32 s5, $0x1;
	s5 =	sadd.s32 s21, s3  }
0x9d: {  	[timem:s7], [sflag:s22] =	dma.local [hbm:s5], s20  }
0x9e: {  	_ =	swait.ge [sflag:s22], s20  }
0x9f: {  	s4 =	ssub.s32 $0x0, s20;
	[sflag:s22] =	ssyncset.done $0x0  }
0xa0: {  	[sflag:s22] =	ssyncadd.s32 s4;
	_ =	sdelay $0x1  }
0xa1: {  	s23 =	simm.s32 $0x1B8B  }
0xa2: {  	_ =	swait.ge [sflag:s23], $0x1  }
0xa3: {  	[sflag:s23] =	ssyncset.done $0x0  }
0xa4: {  	s25 =	simm.s32 $0x1B8E;
	s24 =	sld [smem:$0x3FFE];
	[sflag:s23] =	ssyncadd.s32 $0xFFFFFFFF  }
0xa5: {  	s26 =	simm.s32 $execute0_lowered;
	[smem:$0x3FD2] =	sst s25  }
0xa6: {  	s5 =	sshll.u32 s26, $0x1;
	_ =	strace $0x80000052;
	[dreg:$0x1] =	wrdreg $0xFFFFFFFF  }
0xa7: {  	s28 =	simm.s32 $_size_execute0_lowered;
	s3 =	sadd.s32 s3, s5;
	[dreg:$0x0] =	wrdreg $0x0  }
0xa8: {  	s5 =	sshll.u32 s28, $0x1;
	[dreg:$0x2] =	wrdreg s3  }
0xa9: {  	[dreg:$0x3] =	wrdreg s5  }
0xaa: {  	[dreg:$0x4] =	wrdreg $0xC0  }
0xab: {  	_ =	task [dreg:s7], $0x5FFFF  }
0xac: {  	[dreg:$0x1] =	wrdreg $0xFFFFFFFF  }
0xad: {  	[dreg:$0x0] =	wrdreg $0x60  }
0xae: {  	[dreg:$0x2] =	wrdreg s2  }
0xaf: {  	[dreg:$0x3] =	wrdreg s24  }
0xb0: {  	[dreg:$0x4] =	wrdreg $0xA  }
0xb1: {  	_ =	task.clear_ibuf [dreg:s7], $0x5FFFF;
	_ =	strace $0x90000052  }
0xb2: {  	s29 =	simm.s32 $0xA;
	_ =	strace $0x80000054  }
0xb3: {  	_ =	swait.ge [sflag:s29], $0x1  }
0xb4: {  	[sflag:s29] =	ssyncadd.s32 $0xFFFFFFFF  }
0xb5: {  	_ =	strace $0x90000054  }
0xb6: {  	_ =	sfence  }
0xb7: {  	s30 =	sld [smem:$0x0];
	_ =	sdelay $0x2  }
0xb8: {  	s31 =	sshll.u32 s1, $0xD;
	s1 =	sshrl.u32 s1, $0x2  }
0xb9: {  	s3 =	sand.u32 $0x4000, s31;
	s1 =	sadd.s32 s1, s30  }
0xba: {  	s0 =	sor.u32 s3, s0;
	s1 =	sshll.u32 s1, $0x11  }
0xbb: {  	s0 =	sor.u32 s1, s0  }
0xbc: {  	s0 =	sadd.s32 $0x8F2B, s0  }
0xbd: {  	[sflag:s0] =	ssyncadd.remote.s32 $0x1  }
0xbe: {  	_ =	sfence.sel $0xFFFF  }
0xbf: {  	[dreg:$0x0] =	wrdreg $0xFFFFFFFF;
	(pc) =	sbr.abs _section_cstart, $3  }
0xc0: {  	[dreg:$0x1] =	wrdreg $0xFFFFFFFF  }
0xc1: {  	_ =	task.clear_ibuf [dreg:s7], $0x2FFFF;
	_ =	strace $0x9FFFFFFF  }
0xc2: {  	(tm) =	ssettm $0x7FFFFFFF  }
0xc3: {  	_ =	shalt  }
tec
execute0_lowered:
.L_overlay_start_1:
0x0: {  	(tag) =	ssettag $0x1  }
0x1: {  	s1 =	srdreg.scid;
	s0 =	stileid.u32  }
0x2: {  	s5 =	sand.u32 $0x1, s1;
	s6 =	sshll.u32 s0, $0x1  }
0x3: {  	s6 =	sor.u32 s5, s6  }
0x4: {  	p0 =	seq.s32 s6, $0x1F  }
.Ltmp0:
0x5: {  	_ = 	snop;
	(pc) =	sbr.rel @p0 .LBB2_5-.Ltmp0, $4  }
0x6: {  	s2 =	rddreg [dreg:$0x0]  }
0x7: {  	s4 =	rddreg [dreg:$0x1];
	s3 =	simm.s32 $0x0  }
0x8: {  	[smem:$0x7FF] =	sst s3  }
0x9: {  	s1 =	rddreg [dreg:$0x2];
	_ =	strace $0x80000053  }
0xa: {  	s6 =	smul.u32 $0x2800, s0  }
0xb: {  	s7 =	smul.u32 $0x1400, s5  }
0xc: {  	s8 =	sadd.s32 $0x6400, s4;
	s28 =	ssub.s32 $0x2, s5;
	s29 =	sadd.s32 $0x10200, s4  }
0xd: {  	s9 =	simm.s32 $0x1400;
	s10 =	simm.s32 $0x1;
	s11 =	simm.s32 $0x20  }
0xe: {  	s12 =	simm.s32 $0x0;
	s30 =	sshrl.u32 s28, $0x1;
	s6 =	sadd.s32 s7, s6  }
0xf: {  	s4 =	ssub.s32 s28, s30;
	s7 =	simm.s32 $0x2;
	s6 =	sadd.s32 $0xA00, s6  }
0x10: {  	s4 =	smax.u32 s4, $0x1;
	s31 =	sshll.u32 s6, $0x4;
	s6 =	sshrl.u32 s6, $0x3  }
0x11: {  	s5 =	sadd.s32 s31, s29;
	s6 =	sadd.s32 s6, s8;
	s8 =	simm.s32 $0x80  }
.LBB2_2:
0x12: {  	s13 =	simm.s32 $0xA00;
	s14 =	sadd.s32 $0x0, s6  }
0x13: {  	[tilespmem:s13], [sflag:$0x2] =	stream.linear.gather [hbm4b:s14+s3], $0x80, $0x38;
	[tilespmem:$0x2400] =	vst v63  }
0x14: {  	_ =	swait.ge [sflag:s7], $0x80  }
0x15: {  	[sflag:s7] =	ssyncset.done $0x0  }
0x16: {  	[sflag:s7] =	ssyncadd.s32 $0xFFFFFF80  }
0x17: {  	[tilespmem:s9], [sflag:$0x1] =	stream.indirect.gather [hbm4b:s2+s8], $0x20, s13, s8, $0xb8;
	[tilespmem:$0x2400] =	vst v63  }
0x18: {  	_ =	swait.ge [sflag:s10], $0x1000  }
0x19: {  	[sflag:s10] =	ssyncset.done $0x0  }
0x1a: {  	[sflag:s10] =	ssyncadd.s32 $0xFFFFF000  }
0x1b: {  	[hbm4b:s5+s11] =	stream.strided.scatter [tilespmem:s9], [sflag:$0x2], $0x1000, s8, s11, $0x38;
	[tilespmem:$0x2400] =	vst v63  }
0x1c: {  	s15 =	simm.s32 $0x10;
	s16 =	simm.s32 $0x20;
	_ =	swait.ge [sflag:s7], $0x1000  }
0x1d: {  	s14 =	simm.s32 $0xA80;
	s13 =	sadd.s32 $0x800, s5;
	[sflag:s7] =	ssyncset.done $0x0  }
.LBB2_3:
0x1e: {  	s17 =	sadd.s32 s15, s6  }
0x1f: {  	[sflag:s7] =	ssyncadd.s32 $0xFFFFF000;
	s15 =	smov.u32 s16;
	s18 =	sadd.s32 $0x10, s16  }
0x20: {  	[tilespmem:s14], [sflag:$0x2] =	stream.linear.gather [hbm4b:s17+s3], $0x80, $0x38;
	[tilespmem:$0x2400] =	vst v63  }
0x21: {  	p0 =	sne.s32 s16, $0x130;
	_ =	swait.ge [sflag:s7], $0x80  }
0x22: {  	[sflag:s7] =	ssyncset.done $0x0  }
0x23: {  	[sflag:s7] =	ssyncadd.s32 $0xFFFFFF80  }
0x24: {  	[tilespmem:s9], [sflag:$0x1] =	stream.indirect.gather [hbm4b:s2+s8], $0x20, s14, s8, $0xb8;
	[tilespmem:$0x2400] =	vst v63  }
0x25: {  	_ =	swait.ge [sflag:s10], $0x1000  }
.Ltmp1:
0x26: {  	[sflag:s10] =	ssyncset.done $0x0;
	(pc) =	sbr.rel @p0 .LBB2_3-.Ltmp1, $4  }
0x27: {  	[sflag:s10] =	ssyncadd.s32 $0xFFFFF000  }
0x28: {  	[hbm4b:s13+s11] =	stream.strided.scatter [tilespmem:s9], [sflag:$0x2], $0x1000, s8, s11, $0x38;
	[tilespmem:$0x2400] =	vst v63  }
0x29: {  	s16 =	smov.u32 s18;
	_ =	swait.ge [sflag:s7], $0x1000  }
0x2a: {  	s14 =	sadd.s32 $0x80, s14;
	s13 =	sadd.s32 $0x800, s13;
	[sflag:s7] =	ssyncset.done $0x0  }
0x2b: {  	s15 =	sadd.s32 s15, s6;
	[sflag:s7] =	ssyncadd.s32 $0xFFFFF000  }
0x2c: {  	[tilespmem:s14], [sflag:$0x2] =	stream.linear.gather [hbm4b:s15+s3], $0x80, $0x38;
	[tilespmem:$0x2400] =	vst v63  }
0x2d: {  	_ =	swait.ge [sflag:s7], $0x80  }
0x2e: {  	[sflag:s7] =	ssyncset.done $0x0  }
0x2f: {  	[sflag:s7] =	ssyncadd.s32 $0xFFFFFF80  }
0x30: {  	[tilespmem:s9], [sflag:$0x1] =	stream.indirect.gather [hbm4b:s2+s8], $0x20, s14, s8, $0xb8;
	[tilespmem:$0x2400] =	vst v63  }
0x31: {  	s12 =	sadd.s32 $0x1, s12;
	_ =	swait.ge [sflag:s10], $0x1000  }
0x32: {  	p0 =	sne.s32 s12, s4;
	[sflag:s10] =	ssyncset.done $0x0  }
.Ltmp2:
0x33: {  	[sflag:s10] =	ssyncadd.s32 $0xFFFFF000;
	(pc) =	sbr.rel @p0 .LBB2_2-.Ltmp2, $4  }
0x34: {  	[hbm4b:s13+s11] =	stream.strided.scatter [tilespmem:s9], [sflag:$0x2], $0x1000, s8, s11, $0x38;
	[tilespmem:$0x2400] =	vst v63  }
0x35: {  	_ =	swait.ge [sflag:s7], $0x1000  }
0x36: {  	[sflag:s7] =	ssyncset.done $0x0  }
0x37: {  	[sflag:s7] =	ssyncadd.s32 $0xFFFFF000  }
.LBB2_5:
0x38: {  	_ =	sfence.sel $0x180000  }
0x39: {  	[bflag:$0x0] =	sbarrier.arrive $0xFFFF  }
0x3a: {  	p0 =	sne.s32 s0, $0x0;
	_ =	strace $0x90000053  }
0x3b: {  	s0 =	sadd.s32 @!p0 $0x100000, s1;
	[bflag:$0x2] =	sbarrier.arrive $0xFFFF  }
0x3c: {  	[sflag:s0] =	ssyncadd.tile.s32 @!p0 $0x1;
	_ =	shalt  }
.Lfunc_end2:
_tile_overlayer_lowered:
.L_overlay_start_2:
0x3d: {  	(tag) =	ssettag $0x2  }
0x3e: {  	s0 =	rddreg [dreg:$0x0];
	s2 =	stileid.u32  }
0x3f: {  	s1 =	rddreg [dreg:$0x1];
	p0 =	sne.s32 s2, $0x0  }
0x40: {  	s3 =	rddreg [dreg:$0x2];
	[bflag:$0x3] =	sbarrier.arrive $0xFFFF;
	s2 =	simm.s32 @!p0 $0x1C02  }
0x41: {  	[timem:s3], [sflag:s2] =	dma.local @!p0 [hbm:s0], s1  }
0x42: {  	s0 =	simm.s32 @!p0 $0x2  }
0x43: {  	_ =	swait.ge @!p0 [sflag:s0], s1  }
0x44: {  	s1 =	ssub.s32 @!p0 $0x0, s1;
	[sflag:s0] =	ssyncset.done @!p0 $0x0  }
0x45: {  	[sflag:s0] =	ssyncadd.s32 @!p0 s1  }
0x46: {  	[bflag:$0x3] =	sbarrier.arrive $0xFFFF  }
0x47: {  	_ =	shalt  }

// kernel: kernel.36.cloned.1.call-start
scs
__scs_entry_jumppad:
0x0: {  	(pc) =	sbr.rel $0x88, $3  }
0x1: {  	(tag) =	ssettag $0x0;
	lr =	simm.s32 $0x1  }
0x2: {  	[smem:$0x3F92] =	sst lr;
	_ =	strace $0xD0000000  }
0x3: {  	_ = 	snop  }
0x4: {  	_ = 	snop  }
0x5: {  	_ = 	snop  }
0x6: {  	_ = 	snop  }
0x7: {  	_ = 	snop  }
__scs_overlays_trampoline_lowered:
0x8: {  	[smem:$0x3FA1] =	sst s0  }
0x9: {  	[smem:$0x3FA2] =	sst s1  }
0xa: {  	[smem:$0x3FA3] =	sst s2  }
0xb: {  	[smem:$0x3FA4] =	sst s3  }
0xc: {  	[smem:$0x3FA5] =	sst s4  }
0xd: {  	[smem:$0x3FA6] =	sst s5  }
0xe: {  	[smem:$0x3FA7] =	sst s6  }
0xf: {  	[smem:$0x3FA8] =	sst s7  }
0x10: {  	[smem:$0x3FA9] =	sst s8  }
0x11: {  	[smem:$0x3FAA] =	sst s9;
	s0 =	simm.s32 @!p0 $0x0  }
0x12: {  	s1 =	sld [smem:$0x3F90];
	s0 =	simm.s32 @p0 $0x1  }
0x13: {  	[smem:$0x3FAB] =	sst s0;
	s0 =	simm.s32 @!p1 $0x0  }
0x14: {  	s2 =	sld [smem:$0x3F8F];
	s0 =	simm.s32 @p1 $0x1  }
0x15: {  	[smem:$0x3FAC] =	sst s0;
	s0 =	simm.s32 @!p2 $0x0  }
0x16: {  	s3 =	sld [smem:$0x3FDB];
	s0 =	simm.s32 @p2 $0x1  }
0x17: {  	s4 =	simm.s32 $0x1BF5;
	[smem:$0x3FAE] =	sst s0  }
0x18: {  	s0 =	sld [smem:$0x3F91];
	_ =	swait.ge [sflag:s4], $0x0  }
0x19: {  	s7 =	sld [smem:$0x3F92]  }
0x1a: {  	s8 =	sadd.s32 $0xFFFFE003, lr  }
0x1b: {  	s9 =	sadd.s32 $0xFFFFFEF7, lr;
	s5 =	simm.s32 $0xFFFFFFFF;
	p2 =	slt.u32 s8, $0xFFFFF086  }
0x1c: {  	p1 =	slt.u32 s9, $0xF7A;
	s5 =	simm.s32 @!p2 $0x0  }
0x1d: {  	s5 =	simm.s32 @p1 $0x1;
	p0 =	seq.s32 s7, s2  }
0x1e: {  	s7 =	smul.u32 @!p0 $0xF7A, s2;
	p2 =	seq.s32 @!p0 s5, $0x0  }
0x1f: {  	s9 =	smul.u32 $0xF7A, s1;
	s8 =	simm.s32 @!p0 $0x1BF5;
	p2 =	por !p2, p0  }
0x20: {  	[sflag:s8] =	ssyncset.s32 @!p0 $0xFFFFF086;
	s6 =	sadd.s32 @!p0 s3, s7;
	s7 =	simm.s32 @!p0 $0x108  }
0x21: {  	s3 =	sadd.s32 s3, s9;
	s6 =	sadd.s32 @!p0 $0x88, s6;
	s7 =	simm.s32 @p2 $0x1082  }
0x22: {  	[simem:s7], [sflag:s8] =	dma.local @!p0 [hbm:s6], $0xF7A  }
0x23: {  	s9 =	sor.u32 $0xD0000000, s2;
	s6 =	simm.s32 $0x108;
	_ =	swait.ge @!p0 [sflag:s8], $0x0  }
0x24: {  	s3 =	sadd.s32 $0x88, s3;
	s6 =	simm.s32 @!p1 $0x1082;
	[sflag:s4] =	ssyncset.s32 $0xFFFFF086  }
0x25: {  	[simem:s6], [sflag:s4] =	dma.local [hbm:s3], $0xF7A  }
0x26: {  	[smem:$0x3F92] =	sst s1;
	(tag) =	ssettag s2;
	_ =	strace s9  }
0x27: {  	s1 =	sld [smem:$0x3FA2]  }
0x28: {  	s2 =	sld [smem:$0x3FA3]  }
0x29: {  	s4 =	sld [smem:$0x3FA5]  }
0x2a: {  	p0 =	seq.s32 s5, $0x0;
	s5 =	sld [smem:$0x3FA6]  }
0x2b: {  	s6 =	sld [smem:$0x3FA7]  }
0x2c: {  	s7 =	sld [smem:$0x3FA8]  }
0x2d: {  	s3 =	simm.s32 $0x108;
	s8 =	sld [smem:$0x3FA9]  }
0x2e: {  	s3 =	simm.s32 @!p0 $0x1082;
	s9 =	sld [smem:$0x3FAA]  }
0x2f: {  	lr =	sadd.s32 s0, s3;
	s0 =	sld [smem:$0x3FA1]  }
0x30: {  	s3 =	sld [smem:$0x3FA4]  }
0x31: {  	[smem:$0x3FAD] =	sst s10  }
0x32: {  	s10 =	sld [smem:$0x3FAB];
	_ =	sdelay $0x3  }
0x33: {  	p0 =	seq.s32 s10, $0x1;
	s10 =	sld [smem:$0x3FAD];
	_ =	sdelay $0x3  }
0x34: {  	[smem:$0x3FAD] =	sst s10  }
0x35: {  	s10 =	sld [smem:$0x3FAC];
	_ =	sdelay $0x3  }
0x36: {  	p1 =	seq.s32 s10, $0x1;
	s10 =	sld [smem:$0x3FAD];
	_ =	sdelay $0x3  }
0x37: {  	[smem:$0x3FAD] =	sst s10  }
0x38: {  	s10 =	sld [smem:$0x3FAE]  }
0x39: {  	_ = 	snop;
	(pc) =	sbr.ind lr, $3  }
0x3a: {  	_ = 	snop  }
0x3b: {  	_ = 	snop  }
0x3c: {  	p2 =	seq.s32 s10, $0x1;
	s10 =	sld [smem:$0x3FAD]  }
0x3d: {  	_ =	shalt  }
0x3e: {  	_ =	shalt  }
0x3f: {  	_ =	shalt  }
0x40: {  	_ =	shalt  }
0x41: {  	_ =	shalt  }
0x42: {  	_ =	shalt  }
0x43: {  	_ =	shalt  }
0x44: {  	_ =	shalt  }
0x45: {  	_ =	shalt  }
0x46: {  	_ =	shalt  }
0x47: {  	_ =	shalt  }
0x48: {  	_ =	shalt  }
0x49: {  	_ =	shalt  }
0x4a: {  	_ =	shalt  }
0x4b: {  	_ =	shalt  }
0x4c: {  	_ =	shalt  }
0x4d: {  	_ =	shalt  }
0x4e: {  	_ =	shalt  }
0x4f: {  	_ =	shalt  }
0x50: {  	_ =	shalt  }
0x51: {  	_ =	shalt  }
0x52: {  	_ =	shalt  }
0x53: {  	_ =	shalt  }
0x54: {  	_ =	shalt  }
0x55: {  	_ =	shalt  }
0x56: {  	_ =	shalt  }
0x57: {  	_ =	shalt  }
0x58: {  	_ =	shalt  }
0x59: {  	_ =	shalt  }
0x5a: {  	_ =	shalt  }
0x5b: {  	_ =	shalt  }
0x5c: {  	_ =	shalt  }
0x5d: {  	_ =	shalt  }
0x5e: {  	_ =	shalt  }
0x5f: {  	_ =	shalt  }
0x60: {  	_ =	shalt  }
0x61: {  	_ =	shalt  }
0x62: {  	_ =	shalt  }
0x63: {  	_ =	shalt  }
0x64: {  	_ =	shalt  }
0x65: {  	_ =	shalt  }
0x66: {  	_ =	shalt  }
0x67: {  	_ =	shalt  }
0x68: {  	_ =	shalt  }
0x69: {  	_ =	shalt  }
0x6a: {  	_ =	shalt  }
0x6b: {  	_ =	shalt  }
0x6c: {  	_ =	shalt  }
0x6d: {  	_ =	shalt  }
0x6e: {  	_ =	shalt  }
0x6f: {  	_ =	shalt  }
0x70: {  	_ =	shalt  }
0x71: {  	_ =	shalt  }
0x72: {  	_ =	shalt  }
0x73: {  	_ =	shalt  }
0x74: {  	_ =	shalt  }
0x75: {  	_ =	shalt  }
0x76: {  	_ =	shalt  }
0x77: {  	_ =	shalt  }
0x78: {  	_ =	shalt  }
0x79: {  	_ =	shalt  }
0x7a: {  	_ =	shalt  }
0x7b: {  	_ =	shalt  }
0x7c: {  	_ =	shalt  }
0x7d: {  	_ =	shalt  }
0x7e: {  	_ =	shalt  }
0x7f: {  	_ =	shalt  }
0x80: {  	_ =	shalt  }
0x81: {  	_ =	shalt  }
0x82: {  	_ =	shalt  }
0x83: {  	_ =	shalt  }
0x84: {  	_ =	shalt  }
0x85: {  	_ =	shalt  }
0x86: {  	_ =	shalt  }
0x87: {  	_ =	shalt  }
.Lfunc_end0:
.L_simem_size_0:
called_computation.6_lowered:
.L_overlay_start_0:
0x88: {  	s2 =	sld [smem:$0x3FD9]  }
0x89: {  	s3 =	sld [smem:$0x3FFE];
	_ =	sdelay $0x1  }
0x8a: {  	s1 =	srdreg.scid  }
0x8b: {  	s0 =	sand.u32 $0x1, s1  }
0x8c: {  	s17 =	sshll.u32 s0, $0xA;
	s2 =	sadd.s32 s3, s2  }
0x8d: {  	s2 =	sadd.s32 s2, s17  }
0x8e: {  	[smem:$0x3FB9] =	sst s2  }
0x8f: {  	_ = 	snop  }
0x90: {  	(tm) =	ssettm $0x1  }
0x91: {  	s18 =	sld [smem:$0x3FFB];
	_ =	sdelay $0x3  }
0x92: {  	_ =	strace s18  }
0x93: {  	s2 =	sld [smem:$0x3FFC];
	_ =	sdelay $0x3  }
0x94: {  	_ =	strace s2  }
0x95: {  	s2 =	sld [smem:$0x3FFD];
	_ =	sdelay $0x3  }
0x96: {  	_ =	strace s2  }
0x97: {  	_ =	strace $0x8FFFFFFF  }
0x98: {  	s19 =	sld [smem:$0x3FDB];
	_ =	sdelay $0x1  }
0x99: {  	s20 =	simm.s32 $_scs_section_size  }
0x9a: {  	s4 =	simm.s32 $_size__tile_overlayer_lowered;
	s5 =	simm.s32 $_tile_overlayer_lowered  }
0x9b: {  	s6 =	simm.s32 $0x1BFF;
	s21 =	sshll.u32 s5, $0x1;
	s3 =	sadd.s32 s20, s19  }
0x9c: {  	s22 =	simm.s32 $0x0;
	s4 =	sshll.u32 s4, $0x1;
	s5 =	sadd.s32 s21, s3  }
0x9d: {  	[timem:s22], [sflag:s6] =	dma.local [hbm:s5], s4  }
0x9e: {  	_ =	swait.ge [sflag:s6], s4  }
0x9f: {  	s4 =	ssub.s32 $0x0, s4;
	[sflag:s6] =	ssyncset.done $0x0  }
0xa0: {  	[sflag:s6] =	ssyncadd.s32 s4;
	_ =	sdelay $0x1  }
0xa1: {  	s23 =	simm.s32 $0x1B8B  }
0xa2: {  	_ =	swait.ge [sflag:s23], $0x1  }
0xa3: {  	[sflag:s23] =	ssyncset.done $0x0  }
0xa4: {  	[sflag:s23] =	ssyncadd.s32 $0xFFFFFFFF  }
0xa5: {  	s4 =	sld [smem:$0x0]  }
0xa6: {  	s5 =	sand.u32 $0xFFFFFFFE, s1  }
0xa7: {  	p0 =	sne.s32 s1, s5  }
0xa8: {  	s5 =	sshll.u32 @p0 s5, $0xE  }
0xa9: {  	s5 =	sadd.s32 @p0 $0x11B8D, s5;
	s6 =	sshll.u32 @p0 s4, $0x11  }
0xaa: {  	s5 =	sor.u32 @p0 s6, s5  }
0xab: {  	[sflag:s5] =	ssyncadd.remote.s32 @p0 $0x1;
	_ =	sdelay $0x1  }
0xac: {  	s5 =	simm.s32 @p0 $0x1B8D  }
0xad: {  	_ =	swait.eq @p0 [sflag:s5], $0x1  }
0xae: {  	[sflag:s5] =	ssyncadd.s32 @p0 $0xFFFFFFFF  }
0xaf: {  	s6 =	sshll.u32 @!p0 s1, $0xE  }
0xb0: {  	s6 =	sor.u32 @!p0 $0x4000, s6;
	s5 =	simm.s32 @!p0 $0x1B8D  }
0xb1: {  	s4 =	sshll.u32 @!p0 s4, $0x11;
	s6 =	sadd.s32 @!p0 $0x11B8D, s6;
	_ =	swait.eq @!p0 [sflag:s5], $0x1  }
0xb2: {  	s4 =	sor.u32 @!p0 s4, s6;
	[sflag:s5] =	ssyncadd.s32 @!p0 $0xFFFFFFFF  }
0xb3: {  	s25 =	simm.s32 $0x1B8E;
	s24 =	sld [smem:$0x3FFE];
	[sflag:s4] =	ssyncadd.remote.s32 @!p0 $0x1  }
0xb4: {  	s26 =	simm.s32 $execute0_lowered;
	[smem:$0x3FD2] =	sst s25  }
0xb5: {  	s5 =	sshll.u32 s26, $0x1;
	_ =	strace $0x8000005B;
	[dreg:$0x1] =	wrdreg $0xFFFFFFFF  }
0xb6: {  	s28 =	simm.s32 $_size_execute0_lowered;
	s3 =	sadd.s32 s3, s5;
	[dreg:$0x0] =	wrdreg $0x0  }
0xb7: {  	s5 =	sshll.u32 s28, $0x1;
	[dreg:$0x2] =	wrdreg s3  }
0xb8: {  	[dreg:$0x3] =	wrdreg s5  }
0xb9: {  	[dreg:$0x4] =	wrdreg $0xC0  }
0xba: {  	_ =	task [dreg:s22], $0x5FFFF  }
0xbb: {  	[dreg:$0x1] =	wrdreg $0xFFFFFFFF  }
0xbc: {  	[dreg:$0x0] =	wrdreg $0x60  }
0xbd: {  	[dreg:$0x2] =	wrdreg s24  }
0xbe: {  	[dreg:$0x3] =	wrdreg $0x24000  }
0xbf: {  	[dreg:$0x4] =	wrdreg $0x9  }
0xc0: {  	_ =	task.clear_ibuf [dreg:s22], $0x5FFFF;
	_ =	strace $0x9000005B  }
0xc1: {  	s29 =	simm.s32 $0x9;
	_ =	strace $0x8000005D  }
0xc2: {  	_ =	swait.ge [sflag:s29], $0x1  }
0xc3: {  	[sflag:s29] =	ssyncadd.s32 $0xFFFFFFFF  }
0xc4: {  	_ =	strace $0x9000005D  }
0xc5: {  	_ =	sfence  }
0xc6: {  	s30 =	sld [smem:$0x0];
	_ =	sdelay $0x2  }
0xc7: {  	s31 =	sshll.u32 s1, $0xD;
	s1 =	sshrl.u32 s1, $0x2  }
0xc8: {  	s4 =	sand.u32 $0x4000, s31;
	s1 =	sadd.s32 s1, s30  }
0xc9: {  	s0 =	sor.u32 s4, s0;
	s1 =	sshll.u32 s1, $0x11  }
0xca: {  	s0 =	sor.u32 s1, s0  }
0xcb: {  	s0 =	sadd.s32 $0x8F2B, s0  }
0xcc: {  	[sflag:s0] =	ssyncadd.remote.s32 $0x1  }
0xcd: {  	_ =	sfence.sel $0xFFFF  }
0xce: {  	[dreg:$0x0] =	wrdreg $0xFFFFFFFF;
	(pc) =	sbr.abs _section_cstart, $3  }
0xcf: {  	[dreg:$0x1] =	wrdreg $0xFFFFFFFF  }
0xd0: {  	_ =	task.clear_ibuf [dreg:s22], $0x2FFFF;
	_ =	strace $0x9FFFFFFF  }
0xd1: {  	(tm) =	ssettm $0x7FFFFFFF  }
tec
execute0_lowered:
.L_overlay_start_1:
0x0: {  	(tag) =	ssettag $0x1  }
0x1: {  	s5 =	rddreg [dreg:$0x0];
	s0 =	stileid.u32  }
0x2: {  	s1 =	srdreg.scid;
	s2 =	rddreg [dreg:$0x1]  }
0x3: {  	s3 =	simm.s32 $0x0;
	s17 =	simm.s32 $0x10;
	s4 =	smul.u32 $0x28000, s0  }
0x4: {  	s18 =	simm.s32 $0x4;
	s19 =	simm.s32 $0x0;
	s7 =	smul.u32 $0x13880, s0  }
0x5: {  	s8 =	sand.u32 $0x1, s1;
	s1 =	rddreg [dreg:$0x2];
	s9 =	smul.u32 $0x4E20, s0  }
0x6: {  	[smem:$0x7FF] =	sst s3;
	s28 =	sshll.u32 s0, $0x1;
	s15 =	smul.u32 $0x2800, s0  }
0x7: {  	s30 =	sshll.u32 s0, $0x6;
	s6 =	smul.u32 $0x138800, s8;
	_ =	strace $0x8000005C  }
0x8: {  	s11 =	ssub.s32 $0x2, s8;
	s29 =	sor.u32 s8, s28;
	s14 =	smul.u32 $0x14000, s8  }
0x9: {  	s16 =	smul.u32 $0x1400, s8;
	s10 =	sadd.s32 s4, s5;
	s4 =	sadd.s32 $0x6400, s5  }
0xa: {  	s25 =	sshrl.u32 s9, $0x3;
	s26 =	sshrl.u32 s11, $0x1;
	s13 =	sadd.s32 s9, s2  }
0xb: {  	p0 =	seq.s32 s29, $0x1F;
	s6 =	sadd.s32 s7, s6;
	s7 =	sadd.s32 s25, s5  }
0xc: {  	s11 =	ssub.s32 s11, s26;
	s10 =	sadd.s32 s14, s10;
	s31 =	sadd.s32 s16, s15  }
0xd: {  	s14 =	simm.s32 $0x20;
	s15 =	simm.s32 $0x80;
	s16 =	simm.s32 $0x1400  }
0xe: {  	s6 =	sshrl.u32 s6, $0x3;
	s9 =	smax.u32 s11, $0x1;
	s10 =	sadd.s32 $0x10200, s10  }
0xf: {  	s12 =	sadd.s32 s6, s5;
	s5 =	sadd.s32 $0x539A00, s7;
	s7 =	simm.s32 $0xA  }
0x10: {  	s11 =	sadd.s32 $0x27100, s31;
	s6 =	sor.u32 $0x1C01, s30;
	s7 =	simm.s32 @!p0 $0x14  }
0x11: {  	s8 =	sadd.s32 $0x290200, s12;
	s12 =	sshrl.u32 s13, $0x3;
	s13 =	simm.s32 $0x1  }
.LBB2_1:
0x12: {  	[spmem:s12], [sflag:s6] =	dma.local [hbm:s5], $0x9C4  }
0x13: {  	p1 =	sne.s32 s7, $0x1  }
.Ltmp0:
0x14: {  	_ =	swait.ge [sflag:s13], $0x9C4;
	(pc) =	sbr.rel @!p1 .LBB2_2-.Ltmp0, $4  }
0x15: {  	[sflag:s13] =	ssyncset.done $0x0  }
0x16: {  	[sflag:s13] =	ssyncadd.s32 $0xFFFFF63C  }
0x17: {  	[bflag:$0x0] =	sbarrier.arrive $0xFFFF  }
0x18: {  	s20 =	sadd.s32 $0xFFFFFFFF, s7;
	s24 =	sshrl.u32 s11, $0x3;
	p0 =	por $0x0, $0x0  }
0x19: {  	s21 =	sadd.s32 s4, s24  }
0x1a: {  	[tilespmem:s3], [sflag:$0x1] =	stream.linear.gather [hbm4b:s21+s3], $0x80, $0x38;
	[tilespmem:$0x7220] =	vst v63  }
0x1b: {  	_ =	swait.ge [sflag:s13], $0x80  }
0x1c: {  	[sflag:s13] =	ssyncset.done $0x0  }
0x1d: {  	[sflag:s13] =	ssyncadd.s32 $0xFFFFFF80  }
0x1e: {  	[tilespmem:s16], [sflag:$0x1] =	stream.strided.gather [hbm4b:s10+s14], $0x1000, s15, s14, $0x38;
	[tilespmem:$0x7220] =	vst v63  }
0x1f: {  	p1 =	sne.s32 s20, $0x1;
	_ =	swait.ge [sflag:s13], $0x1000  }
.Ltmp1:
0x20: {  	[sflag:s13] =	ssyncset.done $0x0;
	(pc) =	sbr.rel @!p1 .LBB2_4-.Ltmp1, $4  }
0x21: {  	s22 =	sadd.s32 $0x80, s11;
	s23 =	sadd.s32 $0xFFFFFFFF, s20;
	[sflag:s13] =	ssyncadd.s32 $0xFFFFF000  }
0x22: {  	[spmem:s2] =	stream.indirect.scatter.add.f32 [tilespmem:s16], [sflag:$0x1], $0x20, s3, s15, $0xb8;
	[tilespmem:$0x7220] =	vst v63  }
0x23: {  	s20 =	simm.s32 $0x80;
	p0 =	por $0x1, $0x1;
	_ =	swait.ge [sflag:s13], $0x1000  }
0x24: {  	s24 =	sshrl.u32 s22, $0x3;
	s21 =	smov.u32 s10;
	[sflag:s13] =	ssyncset.done $0x0  }
.LBB2_5:
0x25: {  	s24 =	sadd.s32 s4, s24;
	[sflag:s13] =	ssyncadd.s32 $0xFFFFF000;
	s21 =	sadd.s32 $0x800, s21  }
0x26: {  	[tilespmem:s20], [sflag:$0x1] =	stream.linear.gather [hbm4b:s24+s3], $0x80, $0x38;
	[tilespmem:$0x7220] =	vst v63  }
0x27: {  	p1 =	sne.s32 s23, $0x1;
	s23 =	sadd.s32 $0xFFFFFFFF, s23;
	_ =	swait.ge [sflag:s13], $0x80  }
0x28: {  	[sflag:s13] =	ssyncset.done $0x0  }
0x29: {  	[sflag:s13] =	ssyncadd.s32 $0xFFFFFF80  }
0x2a: {  	[tilespmem:s16], [sflag:$0x1] =	stream.strided.gather [hbm4b:s21+s14], $0x1000, s15, s14, $0x38;
	[tilespmem:$0x7220] =	vst v63  }
0x2b: {  	_ =	swait.ge [sflag:s13], $0x1000  }
.Ltmp2:
0x2c: {  	[sflag:s13] =	ssyncset.done $0x0;
	(pc) =	sbr.rel @p1 .LBB2_5-.Ltmp2, $4  }
0x2d: {  	[sflag:s13] =	ssyncadd.s32 $0xFFFFF000  }
0x2e: {  	[spmem:s2] =	stream.indirect.scatter.add.f32 [tilespmem:s16], [sflag:$0x1], $0x20, s20, s15, $0xb8;
	[tilespmem:$0x7220] =	vst v63  }
0x2f: {  	s22 =	sadd.s32 $0x80, s22;
	_ =	swait.ge [sflag:s13], $0x1000  }
0x30: {  	s24 =	sshrl.u32 s22, $0x3;
	s20 =	sadd.s32 $0x80, s20;
	[sflag:s13] =	ssyncset.done $0x0  }
.LBB2_6:
0x31: {  	s22 =	sadd.s32 s4, s24;
	[sflag:s13] =	ssyncadd.s32 @p0 $0xFFFFF000  }
0x32: {  	[tilespmem:s20], [sflag:$0x1] =	stream.linear.gather [hbm4b:s22+s3], $0x80, $0x38;
	[tilespmem:$0x7220] =	vst v63  }
0x33: {  	_ =	swait.ge [sflag:s13], $0x80  }
0x34: {  	s21 =	sadd.s32 @p0 $0x800, s21;
	s22 =	smov.u32 s10;
	[sflag:s13] =	ssyncset.done $0x0  }
0x35: {  	s22 =	smov.u32 @p0 s21;
	[sflag:s13] =	ssyncadd.s32 $0xFFFFFF80  }
0x36: {  	[tilespmem:s16], [sflag:$0x1] =	stream.strided.gather [hbm4b:s22+s14], $0x1000, s15, s14, $0x38;
	[tilespmem:$0x7220] =	vst v63  }
0x37: {  	_ =	swait.ge [sflag:s13], $0x1000  }
0x38: {  	[sflag:s13] =	ssyncset.done $0x0  }
0x39: {  	[sflag:s13] =	ssyncadd.s32 $0xFFFFF000  }
0x3a: {  	[spmem:s2] =	stream.indirect.scatter.add.f32 [tilespmem:s16], [sflag:$0x1], $0x20, s20, s15, $0xb8;
	[tilespmem:$0x7220] =	vst v63  }
0x3b: {  	_ =	swait.ge [sflag:s13], $0x1000  }
0x3c: {  	[sflag:s13] =	ssyncset.done $0x0  }
0x3d: {  	s19 =	sadd.s32 $0x1, s19;
	[sflag:s13] =	ssyncadd.s32 $0xFFFFF000  }
0x3e: {  	p0 =	sne.s32 s19, s9;
	[bflag:$0x0] =	sbarrier.arrive $0xFFFF  }
0x3f: {  	[hbm:s8@s17], [sflag:s6] =	dma.strided [spmem:s12@s18], $0x9C4, s13, $0x4   }
.Ltmp3:
0x40: {  	_ = 	snop;
	(pc) =	sbr.rel @p0 .LBB2_1-.Ltmp3, $4  }
.Ltmp4:
0x41: {  	_ = 	snop;
	(pc) =	sbr.rel @!p0 .LBB2_7-.Ltmp4, $4  }
0x42: {  	_ =	swait.ge [sflag:s13], $0x9C4  }
0x43: {  	[sflag:s13] =	ssyncset.done $0x0  }
0x44: {  	[sflag:s13] =	ssyncadd.s32 $0xFFFFF63C  }
0x45: {  	_ = 	snop  }
.LBB2_2:
.Ltmp5:
0x46: {  	(pc) =	sbr.rel .LBB2_6-.Ltmp5, $2  }
0x47: {  	_ =	sdelay $0x2  }
0x48: {  	s21 =	smov.u32 s10;
	s20 =	simm.s32 $0x0  }
.LBB2_4:
.Ltmp6:
0x49: {  	(pc) =	sbr.rel .LBB2_6-.Ltmp6, $2  }
0x4a: {  	_ =	sdelay $0x2  }
0x4b: {  	s21 =	smov.u32 s10  }
.LBB2_7:
0x4c: {  	_ =	sfence.sel $0x180000  }
0x4d: {  	[bflag:$0x0] =	sbarrier.arrive $0xFFFF  }
0x4e: {  	p0 =	sne.s32 s0, $0x0;
	_ =	strace $0x9000005C  }
0x4f: {  	s0 =	sadd.s32 @!p0 $0x100000, s1;
	[bflag:$0x2] =	sbarrier.arrive $0xFFFF  }
0x50: {  	[sflag:s0] =	ssyncadd.tile.s32 @!p0 $0x1;
	_ =	shalt  }
.Lfunc_end2:
_tile_overlayer_lowered:
.L_overlay_start_2:
0x51: {  	(tag) =	ssettag $0x2  }
0x52: {  	s0 =	rddreg [dreg:$0x0];
	s2 =	stileid.u32  }
0x53: {  	s1 =	rddreg [dreg:$0x1];
	p0 =	sne.s32 s2, $0x0  }
0x54: {  	s3 =	rddreg [dreg:$0x2];
	[bflag:$0x3] =	sbarrier.arrive $0xFFFF;
	s2 =	simm.s32 @!p0 $0x1C01  }
0x55: {  	[timem:s3], [sflag:s2] =	dma.local @!p0 [hbm:s0], s1  }
0x56: {  	s0 =	simm.s32 @!p0 $0x1  }
0x57: {  	_ =	swait.ge @!p0 [sflag:s0], s1  }
0x58: {  	s1 =	ssub.s32 @!p0 $0x0, s1;
	[sflag:s0] =	ssyncset.done @!p0 $0x0  }
0x59: {  	[sflag:s0] =	ssyncadd.s32 @!p0 s1  }
0x5a: {  	[bflag:$0x3] =	sbarrier.arrive $0xFFFF  }
0x5b: {  	_ =	shalt  }

// kernel: kernel.39.cloned.1.call-start
scs
__scs_entry_jumppad:
0x0: {  	(pc) =	sbr.rel $0x88, $3  }
0x1: {  	(tag) =	ssettag $0x0;
	lr =	simm.s32 $0x1  }
0x2: {  	[smem:$0x3F92] =	sst lr;
	_ =	strace $0xD0000000  }
0x3: {  	_ = 	snop  }
0x4: {  	_ = 	snop  }
0x5: {  	_ = 	snop  }
0x6: {  	_ = 	snop  }
0x7: {  	_ = 	snop  }
__scs_overlays_trampoline_lowered:
0x8: {  	[smem:$0x3FA1] =	sst s0  }
0x9: {  	[smem:$0x3FA2] =	sst s1  }
0xa: {  	[smem:$0x3FA3] =	sst s2  }
0xb: {  	[smem:$0x3FA4] =	sst s3  }
0xc: {  	[smem:$0x3FA5] =	sst s4  }
0xd: {  	[smem:$0x3FA6] =	sst s5  }
0xe: {  	[smem:$0x3FA7] =	sst s6  }
0xf: {  	[smem:$0x3FA8] =	sst s7  }
0x10: {  	[smem:$0x3FA9] =	sst s8  }
0x11: {  	[smem:$0x3FAA] =	sst s9;
	s0 =	simm.s32 @!p0 $0x0  }
0x12: {  	s1 =	sld [smem:$0x3F90];
	s0 =	simm.s32 @p0 $0x1  }
0x13: {  	[smem:$0x3FAB] =	sst s0;
	s0 =	simm.s32 @!p1 $0x0  }
0x14: {  	s2 =	sld [smem:$0x3F8F];
	s0 =	simm.s32 @p1 $0x1  }
0x15: {  	[smem:$0x3FAC] =	sst s0;
	s0 =	simm.s32 @!p2 $0x0  }
0x16: {  	s3 =	sld [smem:$0x3FDB];
	s0 =	simm.s32 @p2 $0x1  }
0x17: {  	s4 =	simm.s32 $0x1BF5;
	[smem:$0x3FAE] =	sst s0  }
0x18: {  	s0 =	sld [smem:$0x3F91];
	_ =	swait.ge [sflag:s4], $0x0  }
0x19: {  	s7 =	sld [smem:$0x3F92]  }
0x1a: {  	s8 =	sadd.s32 $0xFFFFE003, lr  }
0x1b: {  	s9 =	sadd.s32 $0xFFFFFEF7, lr;
	s5 =	simm.s32 $0xFFFFFFFF;
	p2 =	slt.u32 s8, $0xFFFFF086  }
0x1c: {  	p1 =	slt.u32 s9, $0xF7A;
	s5 =	simm.s32 @!p2 $0x0  }
0x1d: {  	s5 =	simm.s32 @p1 $0x1;
	p0 =	seq.s32 s7, s2  }
0x1e: {  	s7 =	smul.u32 @!p0 $0xF7A, s2;
	p2 =	seq.s32 @!p0 s5, $0x0  }
0x1f: {  	s9 =	smul.u32 $0xF7A, s1;
	s8 =	simm.s32 @!p0 $0x1BF5;
	p2 =	por !p2, p0  }
0x20: {  	[sflag:s8] =	ssyncset.s32 @!p0 $0xFFFFF086;
	s6 =	sadd.s32 @!p0 s3, s7;
	s7 =	simm.s32 @!p0 $0x108  }
0x21: {  	s3 =	sadd.s32 s3, s9;
	s6 =	sadd.s32 @!p0 $0x88, s6;
	s7 =	simm.s32 @p2 $0x1082  }
0x22: {  	[simem:s7], [sflag:s8] =	dma.local @!p0 [hbm:s6], $0xF7A  }
0x23: {  	s9 =	sor.u32 $0xD0000000, s2;
	s6 =	simm.s32 $0x108;
	_ =	swait.ge @!p0 [sflag:s8], $0x0  }
0x24: {  	s3 =	sadd.s32 $0x88, s3;
	s6 =	simm.s32 @!p1 $0x1082;
	[sflag:s4] =	ssyncset.s32 $0xFFFFF086  }
0x25: {  	[simem:s6], [sflag:s4] =	dma.local [hbm:s3], $0xF7A  }
0x26: {  	[smem:$0x3F92] =	sst s1;
	(tag) =	ssettag s2;
	_ =	strace s9  }
0x27: {  	s1 =	sld [smem:$0x3FA2]  }
0x28: {  	s2 =	sld [smem:$0x3FA3]  }
0x29: {  	s4 =	sld [smem:$0x3FA5]  }
0x2a: {  	p0 =	seq.s32 s5, $0x0;
	s5 =	sld [smem:$0x3FA6]  }
0x2b: {  	s6 =	sld [smem:$0x3FA7]  }
0x2c: {  	s7 =	sld [smem:$0x3FA8]  }
0x2d: {  	s3 =	simm.s32 $0x108;
	s8 =	sld [smem:$0x3FA9]  }
0x2e: {  	s3 =	simm.s32 @!p0 $0x1082;
	s9 =	sld [smem:$0x3FAA]  }
0x2f: {  	lr =	sadd.s32 s0, s3;
	s0 =	sld [smem:$0x3FA1]  }
0x30: {  	s3 =	sld [smem:$0x3FA4]  }
0x31: {  	[smem:$0x3FAD] =	sst s10  }
0x32: {  	s10 =	sld [smem:$0x3FAB];
	_ =	sdelay $0x3  }
0x33: {  	p0 =	seq.s32 s10, $0x1;
	s10 =	sld [smem:$0x3FAD];
	_ =	sdelay $0x3  }
0x34: {  	[smem:$0x3FAD] =	sst s10  }
0x35: {  	s10 =	sld [smem:$0x3FAC];
	_ =	sdelay $0x3  }
0x36: {  	p1 =	seq.s32 s10, $0x1;
	s10 =	sld [smem:$0x3FAD];
	_ =	sdelay $0x3  }
0x37: {  	[smem:$0x3FAD] =	sst s10  }
0x38: {  	s10 =	sld [smem:$0x3FAE]  }
0x39: {  	_ = 	snop;
	(pc) =	sbr.ind lr, $3  }
0x3a: {  	_ = 	snop  }
0x3b: {  	_ = 	snop  }
0x3c: {  	p2 =	seq.s32 s10, $0x1;
	s10 =	sld [smem:$0x3FAD]  }
0x3d: {  	_ =	shalt  }
0x3e: {  	_ =	shalt  }
0x3f: {  	_ =	shalt  }
0x40: {  	_ =	shalt  }
0x41: {  	_ =	shalt  }
0x42: {  	_ =	shalt  }
0x43: {  	_ =	shalt  }
0x44: {  	_ =	shalt  }
0x45: {  	_ =	shalt  }
0x46: {  	_ =	shalt  }
0x47: {  	_ =	shalt  }
0x48: {  	_ =	shalt  }
0x49: {  	_ =	shalt  }
0x4a: {  	_ =	shalt  }
0x4b: {  	_ =	shalt  }
0x4c: {  	_ =	shalt  }
0x4d: {  	_ =	shalt  }
0x4e: {  	_ =	shalt  }
0x4f: {  	_ =	shalt  }
0x50: {  	_ =	shalt  }
0x51: {  	_ =	shalt  }
0x52: {  	_ =	shalt  }
0x53: {  	_ =	shalt  }
0x54: {  	_ =	shalt  }
0x55: {  	_ =	shalt  }
0x56: {  	_ =	shalt  }
0x57: {  	_ =	shalt  }
0x58: {  	_ =	shalt  }
0x59: {  	_ =	shalt  }
0x5a: {  	_ =	shalt  }
0x5b: {  	_ =	shalt  }
0x5c: {  	_ =	shalt  }
0x5d: {  	_ =	shalt  }
0x5e: {  	_ =	shalt  }
0x5f: {  	_ =	shalt  }
0x60: {  	_ =	shalt  }
0x61: {  	_ =	shalt  }
0x62: {  	_ =	shalt  }
0x63: {  	_ =	shalt  }
0x64: {  	_ =	shalt  }
0x65: {  	_ =	shalt  }
0x66: {  	_ =	shalt  }
0x67: {  	_ =	shalt  }
0x68: {  	_ =	shalt  }
0x69: {  	_ =	shalt  }
0x6a: {  	_ =	shalt  }
0x6b: {  	_ =	shalt  }
0x6c: {  	_ =	shalt  }
0x6d: {  	_ =	shalt  }
0x6e: {  	_ =	shalt  }
0x6f: {  	_ =	shalt  }
0x70: {  	_ =	shalt  }
0x71: {  	_ =	shalt  }
0x72: {  	_ =	shalt  }
0x73: {  	_ =	shalt  }
0x74: {  	_ =	shalt  }
0x75: {  	_ =	shalt  }
0x76: {  	_ =	shalt  }
0x77: {  	_ =	shalt  }
0x78: {  	_ =	shalt  }
0x79: {  	_ =	shalt  }
0x7a: {  	_ =	shalt  }
0x7b: {  	_ =	shalt  }
0x7c: {  	_ =	shalt  }
0x7d: {  	_ =	shalt  }
0x7e: {  	_ =	shalt  }
0x7f: {  	_ =	shalt  }
0x80: {  	_ =	shalt  }
0x81: {  	_ =	shalt  }
0x82: {  	_ =	shalt  }
0x83: {  	_ =	shalt  }
0x84: {  	_ =	shalt  }
0x85: {  	_ =	shalt  }
0x86: {  	_ =	shalt  }
0x87: {  	_ =	shalt  }
.Lfunc_end0:
.L_simem_size_0:
called_computation.7_lowered:
.L_overlay_start_0:
0x88: {  	s2 =	sld [smem:$0x3FD9]  }
0x89: {  	s3 =	sld [smem:$0x3FFE];
	_ =	sdelay $0x1  }
0x8a: {  	s1 =	srdreg.scid  }
0x8b: {  	s0 =	sand.u32 $0x1, s1  }
0x8c: {  	s17 =	sshll.u32 s0, $0xA;
	s2 =	sadd.s32 s3, s2  }
0x8d: {  	s2 =	sadd.s32 s2, s17  }
0x8e: {  	[smem:$0x3FB9] =	sst s2  }
0x8f: {  	_ = 	snop  }
0x90: {  	(tm) =	ssettm $0x1  }
0x91: {  	s18 =	sld [smem:$0x3FFB];
	_ =	sdelay $0x3  }
0x92: {  	_ =	strace s18  }
0x93: {  	s2 =	sld [smem:$0x3FFC];
	_ =	sdelay $0x3  }
0x94: {  	_ =	strace s2  }
0x95: {  	s2 =	sld [smem:$0x3FFD];
	_ =	sdelay $0x3  }
0x96: {  	_ =	strace s2  }
0x97: {  	_ =	strace $0x8FFFFFFF  }
0x98: {  	s19 =	sld [smem:$0x3FDB];
	_ =	sdelay $0x1  }
0x99: {  	s20 =	simm.s32 $_scs_section_size  }
0x9a: {  	s4 =	simm.s32 $_size__tile_overlayer_lowered;
	s5 =	simm.s32 $_tile_overlayer_lowered  }
0x9b: {  	s6 =	simm.s32 $0x1BFF;
	s21 =	sshll.u32 s5, $0x1;
	s3 =	sadd.s32 s20, s19  }
0x9c: {  	s22 =	simm.s32 $0x0;
	s4 =	sshll.u32 s4, $0x1;
	s5 =	sadd.s32 s21, s3  }
0x9d: {  	[timem:s22], [sflag:s6] =	dma.local [hbm:s5], s4  }
0x9e: {  	_ =	swait.ge [sflag:s6], s4  }
0x9f: {  	s4 =	ssub.s32 $0x0, s4;
	[sflag:s6] =	ssyncset.done $0x0  }
0xa0: {  	[sflag:s6] =	ssyncadd.s32 s4;
	_ =	sdelay $0x1  }
0xa1: {  	s23 =	simm.s32 $0x1B8B  }
0xa2: {  	_ =	swait.ge [sflag:s23], $0x1  }
0xa3: {  	[sflag:s23] =	ssyncset.done $0x0  }
0xa4: {  	[sflag:s23] =	ssyncadd.s32 $0xFFFFFFFF  }
0xa5: {  	s4 =	sld [smem:$0x0]  }
0xa6: {  	s5 =	sand.u32 $0xFFFFFFFE, s1  }
0xa7: {  	p0 =	sne.s32 s1, s5  }
0xa8: {  	s5 =	sshll.u32 @p0 s5, $0xE  }
0xa9: {  	s5 =	sadd.s32 @p0 $0x11B8D, s5;
	s6 =	sshll.u32 @p0 s4, $0x11  }
0xaa: {  	s5 =	sor.u32 @p0 s6, s5  }
0xab: {  	[sflag:s5] =	ssyncadd.remote.s32 @p0 $0x1;
	_ =	sdelay $0x1  }
0xac: {  	s5 =	simm.s32 @p0 $0x1B8D  }
0xad: {  	_ =	swait.eq @p0 [sflag:s5], $0x1  }
0xae: {  	[sflag:s5] =	ssyncadd.s32 @p0 $0xFFFFFFFF  }
0xaf: {  	s6 =	sshll.u32 @!p0 s1, $0xE  }
0xb0: {  	s6 =	sor.u32 @!p0 $0x4000, s6;
	s5 =	simm.s32 @!p0 $0x1B8D  }
0xb1: {  	s4 =	sshll.u32 @!p0 s4, $0x11;
	s6 =	sadd.s32 @!p0 $0x11B8D, s6;
	_ =	swait.eq @!p0 [sflag:s5], $0x1  }
0xb2: {  	s4 =	sor.u32 @!p0 s4, s6;
	[sflag:s5] =	ssyncadd.s32 @!p0 $0xFFFFFFFF  }
0xb3: {  	s25 =	simm.s32 $0x1B8E;
	s24 =	sld [smem:$0x3FFE];
	[sflag:s4] =	ssyncadd.remote.s32 @!p0 $0x1  }
0xb4: {  	s26 =	simm.s32 $execute0_lowered;
	[smem:$0x3FD2] =	sst s25  }
0xb5: {  	s5 =	sshll.u32 s26, $0x1;
	_ =	strace $0x80000058;
	[dreg:$0x1] =	wrdreg $0xFFFFFFFF  }
0xb6: {  	s28 =	simm.s32 $_size_execute0_lowered;
	s3 =	sadd.s32 s3, s5;
	[dreg:$0x0] =	wrdreg $0x0  }
0xb7: {  	s5 =	sshll.u32 s28, $0x1;
	[dreg:$0x2] =	wrdreg s3  }
0xb8: {  	[dreg:$0x3] =	wrdreg s5  }
0xb9: {  	[dreg:$0x4] =	wrdreg $0xC0  }
0xba: {  	_ =	task [dreg:s22], $0x5FFFF  }
0xbb: {  	[dreg:$0x1] =	wrdreg $0xFFFFFFFF  }
0xbc: {  	[dreg:$0x0] =	wrdreg $0x60  }
0xbd: {  	[dreg:$0x2] =	wrdreg s24  }
0xbe: {  	[dreg:$0x3] =	wrdreg $0x24000  }
0xbf: {  	[dreg:$0x4] =	wrdreg $0xA  }
0xc0: {  	_ =	task.clear_ibuf [dreg:s22], $0x5FFFF;
	_ =	strace $0x90000058  }
0xc1: {  	s29 =	simm.s32 $0xA;
	_ =	strace $0x8000005A  }
0xc2: {  	_ =	swait.ge [sflag:s29], $0x1  }
0xc3: {  	[sflag:s29] =	ssyncadd.s32 $0xFFFFFFFF  }
0xc4: {  	_ =	strace $0x9000005A  }
0xc5: {  	_ =	sfence  }
0xc6: {  	s30 =	sld [smem:$0x0];
	_ =	sdelay $0x2  }
0xc7: {  	s31 =	sshll.u32 s1, $0xD;
	s1 =	sshrl.u32 s1, $0x2  }
0xc8: {  	s4 =	sand.u32 $0x4000, s31;
	s1 =	sadd.s32 s1, s30  }
0xc9: {  	s0 =	sor.u32 s4, s0;
	s1 =	sshll.u32 s1, $0x11  }
0xca: {  	s0 =	sor.u32 s1, s0  }
0xcb: {  	s0 =	sadd.s32 $0x8F2B, s0  }
0xcc: {  	[sflag:s0] =	ssyncadd.remote.s32 $0x1  }
0xcd: {  	_ =	sfence.sel $0xFFFF  }
0xce: {  	[dreg:$0x0] =	wrdreg $0xFFFFFFFF;
	(pc) =	sbr.abs _section_cstart, $3  }
0xcf: {  	[dreg:$0x1] =	wrdreg $0xFFFFFFFF  }
0xd0: {  	_ =	task.clear_ibuf [dreg:s22], $0x2FFFF;
	_ =	strace $0x9FFFFFFF  }
0xd1: {  	(tm) =	ssettm $0x7FFFFFFF  }
tec
execute0_lowered:
.L_overlay_start_1:
0x0: {  	(tag) =	ssettag $0x1  }
0x1: {  	s1 =	srdreg.scid  }
0x2: {  	s0 =	stileid.u32;
	s7 =	rddreg [dreg:$0x0]  }
0x3: {  	s2 =	rddreg [dreg:$0x1];
	s3 =	simm.s32 $0x0;
	s14 =	simm.s32 $0x20  }
0x4: {  	s15 =	simm.s32 $0x80;
	s16 =	simm.s32 $0x1400;
	s5 =	smul.u32 $0x2800, s0  }
0x5: {  	s4 =	sand.u32 $0x1, s1;
	s1 =	rddreg [dreg:$0x2];
	s8 =	smul.u32 $0x4E20, s0  }
0x6: {  	s17 =	simm.s32 $0x0;
	[smem:$0x7FF] =	sst s3;
	s10 =	smul.u32 $0x13880, s0  }
0x7: {  	s13 =	sshll.u32 s0, $0x1;
	s29 =	sshll.u32 s0, $0x6;
	s6 =	smul.u32 $0x1400, s4  }
0x8: {  	s24 =	smul.u32 $0x138800, s4;
	_ =	strace $0x80000059;
	s26 =	ssub.s32 $0x2, s4  }
0x9: {  	s13 =	sor.u32 s4, s13;
	s11 =	sshrl.u32 s8, $0x3;
	s12 =	sshrl.u32 s26, $0x1  }
0xa: {  	s28 =	sadd.s32 s8, s2;
	p0 =	seq.s32 s13, $0x1F;
	s13 =	simm.s32 $0x4  }
0xb: {  	s5 =	sadd.s32 s6, s5;
	s6 =	sadd.s32 s10, s24;
	s25 =	sadd.s32 s11, s7  }
0xc: {  	s11 =	ssub.s32 s26, s12;
	s10 =	sshrl.u32 s28, $0x3;
	s12 =	simm.s32 $0x10  }
.Ltmp0:
0xd: {  	s9 =	sadd.s32 $0x27B00, s5;
	s6 =	sshrl.u32 s6, $0x3;
	(pc) =	sbr.rel .LBB2_1-.Ltmp0, $4  }
0xe: {  	s4 =	sadd.s32 $0x539A00, s25;
	s30 =	sshll.u32 s5, $0x4;
	s5 =	sor.u32 $0x1C01, s29  }
0xf: {  	s9 =	sshrl.u32 s9, $0x3;
	s6 =	sadd.s32 s6, s7;
	s31 =	sadd.s32 s7, s30  }
0x10: {  	s9 =	sadd.s32 s9, s7;
	s6 =	sadd.s32 $0x591C00, s6;
	s7 =	smax.u32 s11, $0x1  }
0x11: {  	s8 =	sadd.s32 $0x8F2600, s31;
	s11 =	simm.s32 $0x1;
	s9 =	sadd.s32 $0x6400, s9  }
.LBB2_4:
0x12: {  	s20 =	sadd.s32 s20, s9;
	[sflag:s11] =	ssyncadd.s32 $0xFFFFF000  }
0x13: {  	[tilespmem:s18], [sflag:$0x1] =	stream.linear.gather [hbm4b:s20+s3], $0x80, $0x38;
	[tilespmem:$0x7220] =	vst v63  }
0x14: {  	_ =	swait.ge [sflag:s11], $0x80  }
0x15: {  	[sflag:s11] =	ssyncset.done $0x0  }
0x16: {  	[sflag:s11] =	ssyncadd.s32 $0xFFFFFF80  }
0x17: {  	[tilespmem:s16], [sflag:$0x1] =	stream.strided.gather [hbm4b:s19+s14], $0x1000, s15, s14, $0x38;
	[tilespmem:$0x7220] =	vst v63  }
0x18: {  	_ =	swait.ge [sflag:s11], $0x1000  }
0x19: {  	[sflag:s11] =	ssyncset.done $0x0  }
0x1a: {  	[sflag:s11] =	ssyncadd.s32 $0xFFFFF000  }
0x1b: {  	[spmem:s2] =	stream.indirect.scatter.add.f32 [tilespmem:s16], [sflag:$0x1], $0x20, s18, s15, $0xb8;
	[tilespmem:$0x7220] =	vst v63  }
0x1c: {  	_ =	swait.ge [sflag:s11], $0x1000  }
0x1d: {  	[sflag:s11] =	ssyncset.done $0x0  }
0x1e: {  	[sflag:s11] =	ssyncadd.s32 $0xFFFFF000  }
.LBB2_5:
0x1f: {  	s17 =	sadd.s32 $0x1, s17  }
0x20: {  	p1 =	sne.s32 s17, s7  }
.Ltmp1:
0x21: {  	[bflag:$0x0] =	sbarrier.arrive $0xFFFF;
	(pc) =	sbr.rel @!p1 .LBB2_6-.Ltmp1, $4  }
0x22: {  	[hbm:s6@s12], [sflag:s5] =	dma.strided [spmem:s10@s13], $0x9C4, s11, $0x4   }
0x23: {  	_ =	swait.ge [sflag:s11], $0x9C4  }
0x24: {  	[sflag:s11] =	ssyncset.done $0x0  }
0x25: {  	[sflag:s11] =	ssyncadd.s32 $0xFFFFF63C  }
.LBB2_1:
0x26: {  	[spmem:s10], [sflag:s5] =	dma.local [hbm:s4], $0x9C4  }
.Ltmp2:
0x27: {  	_ =	swait.ge [sflag:s11], $0x9C4;
	(pc) =	sbr.rel @p0 .LBB2_5-.Ltmp2, $4  }
0x28: {  	[sflag:s11] =	ssyncset.done $0x0  }
0x29: {  	[sflag:s11] =	ssyncadd.s32 $0xFFFFF63C  }
0x2a: {  	[bflag:$0x0] =	sbarrier.arrive $0xFFFF  }
0x2b: {  	s18 =	simm.s32 $0xA00  }
0x2c: {  	s19 =	sadd.s32 $0x0, s9  }
0x2d: {  	[tilespmem:s18], [sflag:$0x1] =	stream.linear.gather [hbm4b:s19+s3], $0x80, $0x38;
	[tilespmem:$0x7220] =	vst v63  }
0x2e: {  	_ =	swait.ge [sflag:s11], $0x80  }
0x2f: {  	[sflag:s11] =	ssyncset.done $0x0  }
0x30: {  	[sflag:s11] =	ssyncadd.s32 $0xFFFFFF80  }
0x31: {  	[tilespmem:s16], [sflag:$0x1] =	stream.strided.gather [hbm4b:s8+s14], $0x1000, s15, s14, $0x38;
	[tilespmem:$0x7220] =	vst v63  }
0x32: {  	_ =	swait.ge [sflag:s11], $0x1000  }
0x33: {  	[sflag:s11] =	ssyncset.done $0x0  }
0x34: {  	[sflag:s11] =	ssyncadd.s32 $0xFFFFF000  }
0x35: {  	[spmem:s2] =	stream.indirect.scatter.add.f32 [tilespmem:s16], [sflag:$0x1], $0x20, s18, s15, $0xb8;
	[tilespmem:$0x7220] =	vst v63  }
0x36: {  	s20 =	simm.s32 $0x10;
	s21 =	simm.s32 $0x20;
	_ =	swait.ge [sflag:s11], $0x1000  }
0x37: {  	s19 =	sadd.s32 $0x800, s8;
	s18 =	simm.s32 $0xA80;
	[sflag:s11] =	ssyncset.done $0x0  }
.LBB2_3:
0x38: {  	s22 =	sadd.s32 s20, s9  }
0x39: {  	[sflag:s11] =	ssyncadd.s32 $0xFFFFF000;
	s20 =	smov.u32 s21;
	s23 =	sadd.s32 $0x10, s21  }
0x3a: {  	[tilespmem:s18], [sflag:$0x1] =	stream.linear.gather [hbm4b:s22+s3], $0x80, $0x38;
	[tilespmem:$0x7220] =	vst v63  }
0x3b: {  	p1 =	sne.s32 s21, $0x130;
	_ =	swait.ge [sflag:s11], $0x80  }
0x3c: {  	[sflag:s11] =	ssyncset.done $0x0  }
0x3d: {  	[sflag:s11] =	ssyncadd.s32 $0xFFFFFF80  }
0x3e: {  	[tilespmem:s16], [sflag:$0x1] =	stream.strided.gather [hbm4b:s19+s14], $0x1000, s15, s14, $0x38;
	[tilespmem:$0x7220] =	vst v63  }
0x3f: {  	_ =	swait.ge [sflag:s11], $0x1000  }
.Ltmp3:
0x40: {  	[sflag:s11] =	ssyncset.done $0x0;
	(pc) =	sbr.rel @p1 .LBB2_3-.Ltmp3, $4  }
0x41: {  	[sflag:s11] =	ssyncadd.s32 $0xFFFFF000  }
0x42: {  	[spmem:s2] =	stream.indirect.scatter.add.f32 [tilespmem:s16], [sflag:$0x1], $0x20, s18, s15, $0xb8;
	[tilespmem:$0x7220] =	vst v63  }
0x43: {  	s21 =	smov.u32 s23;
	_ =	swait.ge [sflag:s11], $0x1000  }
0x44: {  	s19 =	sadd.s32 $0x800, s19;
	s18 =	sadd.s32 $0x80, s18;
	[sflag:s11] =	ssyncset.done $0x0  }
.Ltmp4:
0x45: {  	_ = 	snop;
	(pc) =	sbr.rel .LBB2_4-.Ltmp4, $1  }
0x46: {  	_ =	sdelay $0x3  }
.LBB2_6:
0x47: {  	_ =	sfence.sel $0x180000  }
0x48: {  	[bflag:$0x0] =	sbarrier.arrive $0xFFFF  }
0x49: {  	p0 =	sne.s32 s0, $0x0;
	_ =	strace $0x90000059  }
0x4a: {  	s0 =	sadd.s32 @!p0 $0x100000, s1;
	[bflag:$0x2] =	sbarrier.arrive $0xFFFF  }
0x4b: {  	[sflag:s0] =	ssyncadd.tile.s32 @!p0 $0x1;
	_ =	shalt  }
.Lfunc_end2:
_tile_overlayer_lowered:
.L_overlay_start_2:
0x4c: {  	(tag) =	ssettag $0x2  }
0x4d: {  	s0 =	rddreg [dreg:$0x0];
	s2 =	stileid.u32  }
0x4e: {  	s1 =	rddreg [dreg:$0x1];
	p0 =	sne.s32 s2, $0x0  }
0x4f: {  	s3 =	rddreg [dreg:$0x2];
	[bflag:$0x3] =	sbarrier.arrive $0xFFFF;
	s2 =	simm.s32 @!p0 $0x1C01  }
0x50: {  	[timem:s3], [sflag:s2] =	dma.local @!p0 [hbm:s0], s1  }
0x51: {  	s0 =	simm.s32 @!p0 $0x1  }
0x52: {  	_ =	swait.ge @!p0 [sflag:s0], s1  }
0x53: {  	s1 =	ssub.s32 @!p0 $0x0, s1;
	[sflag:s0] =	ssyncset.done @!p0 $0x0  }
0x54: {  	[sflag:s0] =	ssyncadd.s32 @!p0 s1  }
0x55: {  	[bflag:$0x3] =	sbarrier.arrive $0xFFFF  }
0x56: {  	_ =	shalt  }

</sc_bundles>
